<compile_context>
chip_gen: v7x
topology: tpu7x:2x2x1
jax: 0.10.2.dev20260603
libtpu: 0.0.44.dev20260713+nightly
codegen_flags: <defaults>
</compile_context>

<pallas_src>
import functools

import jax
import jax.numpy as jnp
from jax import lax
from jax.experimental import pallas as pl
from jax.experimental.pallas import tpu as pltpu
from jax.experimental.pallas import tpu_sc as plsc

N = 10000
E = 160000
D = 256
HALF = 128
EPS = 0.1
GAMMA = 0.1

NC = 2
NS = 16
RPT = 624
RPT_LAST = N - 15 * RPT
CH = 128
NCHUNK = E // CH
NCHUNK_P = 1256
N_PAD = N + 8
DEG_LANES = 128

_MESH = plsc.VectorSubcoreMesh(
    core_axis_name="c", subcore_axis_name="s", num_cores=NC, num_subcores=NS)

BN = 1000
GRID = N // BN


def _fill(ref, rows, value):
    cols = ref.shape[1] // 16

    def body(i, _):
        ref[i // cols, pl.ds((i % cols) * 16, 16)] = jnp.full((16,), value, jnp.float32)
        return 0

    lax.fori_loop(0, rows * cols, body, 0)


def _zero_acc(acc, zbuf, s):
    _fill(zbuf, 16, 0.0)
    nk = jnp.where(s == NS - 1, RPT_LAST // 16, RPT // 16)

    def body(k, _):
        pltpu.sync_copy(zbuf, acc.at[pl.ds(s * RPT + k * 16, 16)])
        return 0

    lax.fori_loop(0, nk, body, 0)


def _writeback(acc, out_hbm, s):
    @pl.when(s < NS - 1)
    def _():
        pltpu.sync_copy(acc.at[pl.ds(s * RPT, RPT)], out_hbm.at[pl.ds(s * RPT, RPT)])

    @pl.when(s == NS - 1)
    def _():
        sl = pl.ds(15 * RPT, RPT_LAST)
        pltpu.sync_copy(acc.at[sl], out_hbm.at[sl])


DCPW = 40
DCPW_LAST = NCHUNK_P - 31 * DCPW


def _deg_body(dst_hbm, d0_hbm, d1_hbm, didx, ones, zbuf, acc):
    c = lax.axis_index("c")
    s = lax.axis_index("s")
    w = s * NC + c
    _fill(ones, CH, 1.0)
    _zero_acc(acc, zbuf, s)
    base = w * DCPW
    nch = jnp.where(w == 31, DCPW_LAST, DCPW)

    @pl.when(w < 31)
    def _():
        pltpu.sync_copy(dst_hbm.at[pl.ds(base, DCPW)], didx)

    @pl.when(w == 31)
    def _():
        pltpu.sync_copy(dst_hbm.at[pl.ds(base, DCPW_LAST)],
                        didx.at[pl.ds(0, DCPW_LAST)])

    plsc.subcore_barrier()

    def chunk(k, _):
        pltpu.sync_copy(ones, acc.at[didx.at[k]], add=True)
        return 0

    lax.fori_loop(0, nch, chunk, 0)
    plsc.subcore_barrier()

    @pl.when(c == 0)
    def _():
        _writeback(acc, d0_hbm, s)

    @pl.when(c == 1)
    def _():
        _writeback(acc, d1_hbm, s)


_deg_call = pl.kernel(
    _deg_body,
    out_type=[jax.ShapeDtypeStruct((N, DEG_LANES), jnp.float32)] * 2,
    mesh=_MESH,
    scratch_types=[
        pltpu.VMEM((DCPW, CH), jnp.int32),
        pltpu.VMEM((CH, DEG_LANES), jnp.float32),
        pltpu.VMEM((16, DEG_LANES), jnp.float32),
        pltpu.VMEM_SHARED((N_PAD, DEG_LANES), jnp.float32),
    ],
)


CPT = 80
CPT_LAST = NCHUNK_P - (NS - 1) * CPT


SLAB = 8


def _seg_body(y0_hbm, y1_hbm, src_hbm, dst_hbm, s0_hbm, s1_hbm,
              sidx, didx, gbuf0, gbuf1, zbuf, acc, g0, g1):
    c = lax.axis_index("c")
    s = lax.axis_index("s")
    _zero_acc(acc, zbuf, s)

    base = s * CPT
    nch = jnp.where(s == NS - 1, CPT_LAST, CPT)

    plsc.subcore_barrier()

    pltpu.sync_copy(src_hbm.at[pl.ds(base, SLAB)], sidx)
    pltpu.sync_copy(dst_hbm.at[pl.ds(base, SLAB)], didx)

    def run(y_hbm):
        def gather_start(i, gbuf, gsem):
            pltpu.async_copy(y_hbm.at[sidx.at[i % SLAB]], gbuf, gsem)

        def gather_wait(i, gbuf, gsem):
            pltpu.make_async_copy(y_hbm.at[sidx.at[i % SLAB]], gbuf, gsem).wait()

        def step(i, gcur, scur, gnxt, snxt):
            boundary = ((i + 1) % SLAB == 0) & (i + 1 < nch)
            gather_wait(i, gcur, scur)

            @pl.when(boundary)
            def _():
                pltpu.sync_copy(
                    src_hbm.at[pl.ds(base + (i + 1) // SLAB * SLAB, SLAB)], sidx)

            @pl.when(i + 1 < nch)
            def _():
                gather_start(i + 1, gnxt, snxt)

            pltpu.sync_copy(gcur, acc.at[didx.at[i % SLAB]], add=True)

            @pl.when(boundary)
            def _():
                pltpu.sync_copy(
                    dst_hbm.at[pl.ds(base + (i + 1) // SLAB * SLAB, SLAB)], didx)

        gather_start(0, gbuf0, g0)

        def body(i, _):
            @pl.when(i % 2 == 0)
            def _():
                step(i, gbuf0, g0, gbuf1, g1)

            @pl.when(i % 2 == 1)
            def _():
                step(i, gbuf1, g1, gbuf0, g0)

            return 0

        lax.fori_loop(0, nch, body, 0)

    @pl.when(c == 0)
    def _():
        run(y0_hbm)

    @pl.when(c == 1)
    def _():
        run(y1_hbm)

    plsc.subcore_barrier()

    @pl.when(c == 0)
    def _():
        _writeback(acc, s0_hbm, s)

    @pl.when(c == 1)
    def _():
        _writeback(acc, s1_hbm, s)


_seg_call = pl.kernel(
    _seg_body,
    out_type=[jax.ShapeDtypeStruct((N, HALF), jnp.float32)] * 2,
    mesh=_MESH,
    scratch_types=[
        pltpu.VMEM((SLAB, CH), jnp.int32),
        pltpu.VMEM((SLAB, CH), jnp.int32),
        pltpu.VMEM((CH, HALF), jnp.float32),
        pltpu.VMEM((CH, HALF), jnp.float32),
        pltpu.VMEM((16, HALF), jnp.float32),
        pltpu.VMEM_SHARED((N_PAD, HALF), jnp.float32),
        pltpu.SemaphoreType.DMA,
        pltpu.SemaphoreType.DMA,
    ],
)


EPT = 5008

def _edge_body(pq_hbm, src_hbm, dst_hbm, out_hbm, pqv, sidxv, didxv, obuf):
    c = lax.axis_index("c")
    s = lax.axis_index("s")
    w = s * NC + c
    pltpu.sync_copy(pq_hbm, pqv)
    iota = lax.iota(jnp.int32, 16)

    def do(base_e, n_e, ngroups):
        pltpu.sync_copy(src_hbm.at[pl.ds(base_e, n_e)], sidxv.at[pl.ds(0, n_e)])
        pltpu.sync_copy(dst_hbm.at[pl.ds(base_e, n_e)], didxv.at[pl.ds(0, n_e)])

        def g(j, _):
            s4 = sidxv[pl.ds(j * 16, 16)] * 4
            d4 = didxv[pl.ds(j * 16, 16)] * 4
            p0 = plsc.load_gather(pqv, [s4])
            p1 = plsc.load_gather(pqv, [s4 + 1])
            q0 = plsc.load_gather(pqv, [d4 + 2])
            q1 = plsc.load_gather(pqv, [d4 + 3])
            r2 = (j * 16 + iota) * 2
            plsc.store_scatter(obuf, [r2], p0 + q0)
            plsc.store_scatter(obuf, [r2 + 1], p1 + q1)
            return 0

        lax.fori_loop(0, ngroups, g, 0)
        pltpu.sync_copy(obuf.at[pl.ds(0, 2 * n_e)],
                        out_hbm.at[pl.ds(2 * base_e, 2 * n_e)])

    @pl.when(w < 31)
    def _():
        do(w * EPT, EPT, EPT // 16)

    @pl.when(w == 31)
    def _():
        do(31 * EPT, E - 31 * EPT, (E - 31 * EPT) // 16)


_edge_call = pl.kernel(
    _edge_body,
    out_type=jax.ShapeDtypeStruct((2 * E,), jnp.float32),
    mesh=_MESH,
    scratch_types=[
        pltpu.VMEM((4 * N,), jnp.float32),
        pltpu.VMEM((EPT,), jnp.int32),
        pltpu.VMEM((EPT,), jnp.int32),
        pltpu.VMEM((2 * EPT,), jnp.float32),
    ],
    compiler_params=pltpu.CompilerParams(needs_layout_passes=False),
)


def _dis(d0_ref, d1_ref):
    return lax.rsqrt(d0_ref[:, 0:1] + d1_ref[:, 0:1] + 1.0)


def _mm1_body(x_ref, phiT_ref, d0_ref, d1_ref, y0_ref, y1_ref, dis_ref):
    dis = _dis(d0_ref, d1_ref)
    y = jnp.dot(x_ref[...], phiT_ref[...], preferred_element_type=jnp.float32) * dis
    y0_ref[...] = y[:, :HALF]
    y1_ref[...] = y[:, HALF:]
    dis_ref[...] = jnp.broadcast_to(dis, (BN, 16))


def _cmb1_body(x_ref, s0_ref, s1_ref, y0_ref, y1_ref, dis_ref,
               b_ref, aWT_ref, phi2T_ref, h1_ref, y20_ref, y21_ref):
    dis = dis_ref[:, 0:1]
    agg = jnp.concatenate(
        [s0_ref[...] + y0_ref[...], s1_ref[...] + y1_ref[...]], axis=1) * dis
    xa = jnp.dot(x_ref[...], aWT_ref[...], preferred_element_type=jnp.float32)
    h = jnp.tanh(xa + agg + b_ref[...])
    h1 = jnp.maximum(x_ref[...] + EPS * h, 0.0)
    h1_ref[...] = h1
    y2 = jnp.dot(h1, phi2T_ref[...], preferred_element_type=jnp.float32) * dis
    y20_ref[...] = y2[:, :HALF]
    y21_ref[...] = y2[:, HALF:]


def _cmb2_body(h1_ref, s0_ref, s1_ref, y0_ref, y1_ref, dis_ref,
               b_ref, aWT_ref, wl_ref, wr_ref, bc_ref, pq_ref):
    dis = dis_ref[:, 0:1]
    agg = jnp.concatenate(
        [s0_ref[...] + y0_ref[...], s1_ref[...] + y1_ref[...]], axis=1) * dis
    xa2 = jnp.dot(h1_ref[...], aWT_ref[...], preferred_element_type=jnp.float32)
    h2 = h1_ref[...] + EPS * jnp.tanh(xa2 + agg + b_ref[...])
    p = jnp.dot(h2, wl_ref[...], preferred_element_type=jnp.float32) + bc_ref[...]
    q = jnp.dot(h2, wr_ref[...], preferred_element_type=jnp.float32)
    pq_ref[...] = jnp.concatenate([p, q], axis=1)


def _row_spec(cols):
    return pl.BlockSpec((BN, cols), lambda i: (i, 0))


def _full_spec(shape):
    return pl.BlockSpec(shape, lambda i: tuple(0 for _ in shape))


_f32 = jnp.float32

_mm1_call = pl.pallas_call(
    _mm1_body,
    grid=(GRID,),
    in_specs=[_row_spec(D), _full_spec((D, D)),
              _row_spec(DEG_LANES), _row_spec(DEG_LANES)],
    out_specs=[_row_spec(HALF), _row_spec(HALF), _row_spec(16)],
    out_shape=[jax.ShapeDtypeStruct((N, HALF), _f32),
               jax.ShapeDtypeStruct((N, HALF), _f32),
               jax.ShapeDtypeStruct((N, 16), _f32)],
)

_cmb1_call = pl.pallas_call(
    _cmb1_body,
    grid=(GRID,),
    in_specs=[_row_spec(D), _row_spec(HALF), _row_spec(HALF),
              _row_spec(HALF), _row_spec(HALF), _row_spec(16),
              _full_spec((1, D)), _full_spec((D, D)), _full_spec((D, D))],
    out_specs=[_row_spec(D), _row_spec(HALF), _row_spec(HALF)],
    out_shape=[jax.ShapeDtypeStruct((N, D), _f32),
               jax.ShapeDtypeStruct((N, HALF), _f32),
               jax.ShapeDtypeStruct((N, HALF), _f32)],
)

_cmb2_call = pl.pallas_call(
    _cmb2_body,
    grid=(GRID,),
    in_specs=[_row_spec(D), _row_spec(HALF), _row_spec(HALF),
              _row_spec(HALF), _row_spec(HALF), _row_spec(16),
              _full_spec((1, D)), _full_spec((D, D)), _full_spec((D, 2)),
              _full_spec((D, 2)), _full_spec((1, 2))],
    out_specs=[_row_spec(4)],
    out_shape=[jax.ShapeDtypeStruct((N, 4), _f32)],
)


def kernel(x, edge_index, W1, phi1_w, b1, W2, phi2_w, b2, Wc, bc):
    src = edge_index[0]
    dst = edge_index[1]
    eye = GAMMA * jnp.eye(D, dtype=jnp.float32)
    phi1T = phi1_w.T
    aW1T = W1.T - W1 - eye
    phi2T = phi2_w.T
    aW2T = W2.T - W2 - eye
    wl = Wc[:, :D].T
    wr = Wc[:, D:].T
    b1r = b1[None, :]
    b2r = b2[None, :]
    bcr = bc[None, :]

    pad = NCHUNK_P - NCHUNK
    src2 = jnp.pad(src.reshape(NCHUNK, CH), ((0, pad), (0, 0)))
    dst2 = jnp.pad(dst.reshape(NCHUNK, CH), ((0, pad), (0, 0)),
                   constant_values=N)
    d0, d1 = _deg_call(dst2)
    y0, y1, disv = _mm1_call(x, phi1T, d0, d1)
    s0, s1 = _seg_call(y0, y1, src2, dst2)
    h1, y20, y21 = _cmb1_call(x, s0, s1, y0, y1, disv, b1r, aW1T, phi2T)
    s20, s21 = _seg_call(y20, y21, src2, dst2)
    (pq,) = _cmb2_call(h1, s20, s21, y20, y21, disv, b2r, aW2T, wl, wr, bcr)
    return _edge_call(pq.reshape(-1), src, dst).reshape(E, 2)

# --- scband reference (transcript-rebuilt; emitter-appended) ---
"""Pipeline reference for scband-anti-symmetric-conv-edge-classifier-86938728005821 (READ-ONLY COPY).

The authoritative reference and input builder live on the scoring server;
editing this copy changes nothing except your own understanding.
"""

import jax, jax.numpy as jnp
import numpy as np

N = 10000
E = 160000
D = 256
OUT = 2
EPS = 0.1
GAMMA = 0.1


def gcn_conv(x, weight, src, dst):
    # GCNConv (PyG defaults): self-loops + symmetric normalization, bias=False
    n = x.shape[0]
    xw = x @ weight.T
    loop = jnp.arange(n, dtype=src.dtype)
    s = jnp.concatenate([src, loop])
    d = jnp.concatenate([dst, loop])
    deg = jnp.zeros((n,), dtype=x.dtype).at[d].add(1.0)
    dis = jnp.where(deg > 0, deg ** -0.5, 0.0)
    norm = dis[s] * dis[d]
    msgs = xw[s] * norm[:, None]
    return jnp.zeros_like(xw).at[d].add(msgs)


def anti_conv(x, W, phi_w, bias, src, dst):
    # PyG AntiSymmetricConv, num_iters=1, act=tanh, epsilon=0.1, gamma=0.1
    aW = W - W.T - GAMMA * jnp.eye(W.shape[0], dtype=W.dtype)
    h = gcn_conv(x, phi_w, src, dst)
    h = x @ aW.T + h + bias
    h = jnp.tanh(h)
    return x + EPS * h


def setup_inputs(seed: int = 0) -> dict:
    key = jax.random.key(seed)
    ks = jax.random.split(key, 12)
    scale = 1.0 / np.sqrt(D)
    x = jax.random.normal(ks[0], (N, D), dtype=jnp.float32)
    edge_index = jax.random.randint(ks[1], (2, E), 0, N, dtype=jnp.int32)
    W1 = jax.random.normal(ks[2], (D, D), dtype=jnp.float32) * scale
    phi1_w = jax.random.normal(ks[3], (D, D), dtype=jnp.float32) * scale
    b1 = jnp.zeros((D,), dtype=jnp.float32)
    W2 = jax.random.normal(ks[4], (D, D), dtype=jnp.float32) * scale
    phi2_w = jax.random.normal(ks[5], (D, D), dtype=jnp.float32) * scale
    b2 = jnp.zeros((D,), dtype=jnp.float32)
    Wc = jax.random.normal(ks[6], (OUT, 2 * D), dtype=jnp.float32) * (1.0 / np.sqrt(2 * D))
    bc = jnp.zeros((OUT,), dtype=jnp.float32)
    return {"x": x, "edge_index": edge_index, "W1": W1, "phi1_w": phi1_w, "b1": b1,
            "W2": W2, "phi2_w": phi2_w, "b2": b2, "Wc": Wc, "bc": bc}


def reference(x, edge_index, W1, phi1_w, b1, W2, phi2_w, b2, Wc, bc):
    src, dst = edge_index[0], edge_index[1]
    h = anti_conv(x, W1, phi1_w, b1, src, dst)
    h = jax.nn.relu(h)
    h = anti_conv(h, W2, phi2_w, b2, src, dst)
    emb = jnp.concatenate([h[src], h[dst]], axis=-1)
    return emb @ Wc.T + bc

if __name__ == "__main__":
    import jax
    _d = setup_inputs()
    print(jax.jit(kernel)(*tuple(_d.values())))

</pallas_src>

<mosaic_0001>
#map = affine_map<(d0, d1) -> (0, 0)>
module attributes {stable_mosaic.version = 14 : i64} {
  func.func @_deg_body(%arg0: i32, %arg1: i32, %arg2: memref<1256x128xi32, #tpu.memory_space<hbm>>, %arg3: memref<10000x128xf32, #tpu.memory_space<hbm>>, %arg4: memref<10000x128xf32, #tpu.memory_space<hbm>>, %arg5: memref<40x128xi32, #tpu.memory_space<vmem>>, %arg6: memref<128x128xf32, #tpu.memory_space<vmem>>, %arg7: memref<16x128xf32, #tpu.memory_space<vmem>>, %arg8: memref<10008x128xf32, #tpu.memory_space<vmem_shared>>) attributes {dimension_semantics = [#tpu.dimension_semantics<core_parallel>, #tpu.dimension_semantics<subcore_parallel>], iteration_bounds = array<i64: 2, 16>, scalar_prefetch = 0 : i64, scratch_operands = 4 : i64, tpu.core_type = #tpu.core_type<sc_vector_subcore>, window_params = [{transform_indices = #map}, {transform_indices = #map}, {transform_indices = #map}]} {
    %mul3A = arith.constant 2 : i32
    %mul3A_0 = arith.muli %arg1, %mul3A : i32
    %add3A = arith.addi %mul3A_0, %arg0 : i32
    %scan3A = arith.constant 0 : i32
    %scan3A_1 = arith.constant 0 : i32
    %scan3A_2 = arith.constant 1024 : i32
    %scan3A_3 = arith.addi %scan3A_1, %scan3A_2 : i32
    %scan3A_4 = arith.constant 1 : i32
    %scan3A_5 = scf.for %scan3A_64 = %scan3A_1 to %scan3A_3 step %scan3A_4 iter_args(%scan3A_65 = %scan3A) -> (i32)  : i32 {
      %broadcast_in_dim3A = arith.constant 1.000000e+00 : f32
      %broadcast_in_dim3A_66 = vector.broadcast %broadcast_in_dim3A : f32 to vector<16xf32>
      %jit3A_67 = arith.constant 8 : i32
      %div3A = arith.divsi %scan3A_64, %jit3A_67 : i32
      %sign3A = arith.constant 0 : i32
      %sign3A_68 = arith.cmpi sgt, %scan3A_64, %sign3A : i32
      %sign3A_69 = arith.extui %sign3A_68 : i1 to i32
      %sign3A_70 = arith.constant 0 : i32
      %sign3A_71 = arith.cmpi slt, %scan3A_64, %sign3A_70 : i32
      %sign3A_72 = arith.extui %sign3A_71 : i1 to i32
      %sign3A_73 = arith.subi %sign3A_69, %sign3A_72 : i32
      %sign3A_74 = arith.constant 0 : i32
      %sign3A_75 = arith.cmpi sgt, %jit3A_67, %sign3A_74 : i32
      %sign3A_76 = arith.extui %sign3A_75 : i1 to i32
      %sign3A_77 = arith.constant 0 : i32
      %sign3A_78 = arith.cmpi slt, %jit3A_67, %sign3A_77 : i32
      %sign3A_79 = arith.extui %sign3A_78 : i1 to i32
      %sign3A_80 = arith.subi %sign3A_76, %sign3A_79 : i32
      %ne3A = arith.cmpi ne, %sign3A_73, %sign3A_80 : i32
      %rem3A = arith.remsi %scan3A_64, %jit3A_67 : i32
      %ne3A_81 = arith.constant 0 : i32
      %ne3A_82 = arith.cmpi ne, %rem3A, %ne3A_81 : i32
      %and3A = arith.andi %ne3A, %ne3A_82 : i1
      %sub3A = arith.constant 1 : i32
      %sub3A_83 = arith.subi %div3A, %sub3A : i32
      %select_n3A_84 = arith.select %and3A, %sub3A_83, %div3A : i32
      %jit3A_85 = arith.constant 8 : i32
      %eq3A_86 = arith.constant 0 : i32
      %eq3A_87 = arith.cmpi eq, %jit3A_85, %eq3A_86 : i32
      %jit3A_88 = arith.constant 1 : i32
      %select_n3A_89 = arith.select %eq3A_87, %jit3A_88, %jit3A_85 : i32
      %rem3A_90 = arith.remsi %scan3A_64, %select_n3A_89 : i32
      %ne3A_91 = arith.constant 0 : i32
      %ne3A_92 = arith.cmpi ne, %rem3A_90, %ne3A_91 : i32
      %lt3A_93 = arith.constant 0 : i32
      %lt3A_94 = arith.cmpi slt, %rem3A_90, %lt3A_93 : i32
      %lt3A_95 = arith.constant 0 : i32
      %lt3A_96 = arith.cmpi slt, %select_n3A_89, %lt3A_95 : i32
      %ne3A_97 = arith.xori %lt3A_94, %lt3A_96 : i1
      %and3A_98 = arith.andi %ne3A_97, %ne3A_92 : i1
      %add3A_99 = arith.addi %rem3A_90, %select_n3A_89 : i32
      %select_n3A_100 = arith.select %and3A_98, %add3A_99, %rem3A_90 : i32
      %mul3A_101 = arith.constant 16 : i32
      %mul3A_102 = arith.muli %select_n3A_100, %mul3A_101 : i32
      %swap3A = arith.index_cast %select_n3A_84 : i32 to index
      %swap3A_103 = arith.index_cast %mul3A_102 : i32 to index
      %swap3A_104 = tpu.vector_load %arg6[%swap3A, %swap3A_103] {strides = array<i32>} : memref<128x128xf32, #tpu.memory_space<vmem>>, vector<1x16xf32>,
      %swap3A_105 = vector.shape_cast %swap3A_104 : vector<1x16xf32> to vector<16xf32>
      %swap3A_106 = vector.shape_cast %broadcast_in_dim3A_66 : vector<16xf32> to vector<1x16xf32>
      tpu.vector_store %arg6[%swap3A, %swap3A_103], %swap3A_106 {strides = array<i32>} : memref<128x128xf32, #tpu.memory_space<vmem>>, vector<1x16xf32>,
      %scan3A_107 = arith.constant 0 : i32
      scf.yield %scan3A_107 : i32
    }
    %scan3A_6 = arith.constant 1024 : i32
    %scan3A_7 = arith.constant 0 : i32
    %scan3A_8 = arith.constant 0 : i32
    %scan3A_9 = arith.constant 128 : i32
    %scan3A_10 = arith.addi %scan3A_8, %scan3A_9 : i32
    %scan3A_11 = arith.constant 1 : i32
    %scan3A_12 = scf.for %scan3A_64 = %scan3A_8 to %scan3A_10 step %scan3A_11 iter_args(%scan3A_65 = %scan3A_7) -> (i32)  : i32 {
      %broadcast_in_dim3A = arith.constant 0.000000e+00 : f32
      %broadcast_in_dim3A_66 = vector.broadcast %broadcast_in_dim3A : f32 to vector<16xf32>
      %jit3A_67 = arith.constant 8 : i32
      %div3A = arith.divsi %scan3A_64, %jit3A_67 : i32
      %sign3A = arith.constant 0 : i32
      %sign3A_68 = arith.cmpi sgt, %scan3A_64, %sign3A : i32
      %sign3A_69 = arith.extui %sign3A_68 : i1 to i32
      %sign3A_70 = arith.constant 0 : i32
      %sign3A_71 = arith.cmpi slt, %scan3A_64, %sign3A_70 : i32
      %sign3A_72 = arith.extui %sign3A_71 : i1 to i32
      %sign3A_73 = arith.subi %sign3A_69, %sign3A_72 : i32
      %sign3A_74 = arith.constant 0 : i32
      %sign3A_75 = arith.cmpi sgt, %jit3A_67, %sign3A_74 : i32
      %sign3A_76 = arith.extui %sign3A_75 : i1 to i32
      %sign3A_77 = arith.constant 0 : i32
      %sign3A_78 = arith.cmpi slt, %jit3A_67, %sign3A_77 : i32
      %sign3A_79 = arith.extui %sign3A_78 : i1 to i32
      %sign3A_80 = arith.subi %sign3A_76, %sign3A_79 : i32
      %ne3A = arith.cmpi ne, %sign3A_73, %sign3A_80 : i32
      %rem3A = arith.remsi %scan3A_64, %jit3A_67 : i32
      %ne3A_81 = arith.constant 0 : i32
      %ne3A_82 = arith.cmpi ne, %rem3A, %ne3A_81 : i32
      %and3A = arith.andi %ne3A, %ne3A_82 : i1
      %sub3A = arith.constant 1 : i32
      %sub3A_83 = arith.subi %div3A, %sub3A : i32
      %select_n3A_84 = arith.select %and3A, %sub3A_83, %div3A : i32
      %jit3A_85 = arith.constant 8 : i32
      %eq3A_86 = arith.constant 0 : i32
      %eq3A_87 = arith.cmpi eq, %jit3A_85, %eq3A_86 : i32
      %jit3A_88 = arith.constant 1 : i32
      %select_n3A_89 = arith.select %eq3A_87, %jit3A_88, %jit3A_85 : i32
      %rem3A_90 = arith.remsi %scan3A_64, %select_n3A_89 : i32
      %ne3A_91 = arith.constant 0 : i32
      %ne3A_92 = arith.cmpi ne, %rem3A_90, %ne3A_91 : i32
      %lt3A_93 = arith.constant 0 : i32
      %lt3A_94 = arith.cmpi slt, %rem3A_90, %lt3A_93 : i32
      %lt3A_95 = arith.constant 0 : i32
      %lt3A_96 = arith.cmpi slt, %select_n3A_89, %lt3A_95 : i32
      %ne3A_97 = arith.xori %lt3A_94, %lt3A_96 : i1
      %and3A_98 = arith.andi %ne3A_97, %ne3A_92 : i1
      %add3A_99 = arith.addi %rem3A_90, %select_n3A_89 : i32
      %select_n3A_100 = arith.select %and3A_98, %add3A_99, %rem3A_90 : i32
      %mul3A_101 = arith.constant 16 : i32
      %mul3A_102 = arith.muli %select_n3A_100, %mul3A_101 : i32
      %swap3A = arith.index_cast %select_n3A_84 : i32 to index
      %swap3A_103 = arith.index_cast %mul3A_102 : i32 to index
      %swap3A_104 = tpu.vector_load %arg7[%swap3A, %swap3A_103] {strides = array<i32>} : memref<16x128xf32, #tpu.memory_space<vmem>>, vector<1x16xf32>,
      %swap3A_105 = vector.shape_cast %swap3A_104 : vector<1x16xf32> to vector<16xf32>
      %swap3A_106 = vector.shape_cast %broadcast_in_dim3A_66 : vector<16xf32> to vector<1x16xf32>
      tpu.vector_store %arg7[%swap3A, %swap3A_103], %swap3A_106 {strides = array<i32>} : memref<16x128xf32, #tpu.memory_space<vmem>>, vector<1x16xf32>,
      %scan3A_107 = arith.constant 0 : i32
      scf.yield %scan3A_107 : i32
    }
    %scan3A_13 = arith.constant 128 : i32
    %eq3A = arith.constant 15 : i32
    %eq3A_14 = arith.cmpi eq, %arg1, %eq3A : i32
    %jit3A = arith.constant 40 : i32
    %jit3A_15 = arith.constant 39 : i32
    %select_n3A = arith.select %eq3A_14, %jit3A, %jit3A_15 : i32
    %while3A = arith.constant 0 : i32
    %while3A_16 = arith.constant 0 : i32
    %while3A_17 = arith.subi %select_n3A, %while3A : i32
    %while3A_18 = arith.addi %while3A, %while3A_17 : i32
    %while3A_19 = arith.constant 1 : i32
    %while3A_20 = arith.divsi %while3A_17, %while3A_19 : i32
    %while3A_21 = arith.muli %while3A_20, %while3A_19 : i32
    %while3A_22 = arith.addi %while3A, %while3A_21 : i32
    %while3A_23 = arith.constant 1 : i32
    %while3A_24 = scf.for %while3A_64 = %while3A to %while3A_22 step %while3A_23 iter_args(%while3A_65 = %while3A_16) -> (i32)  : i32 {
      %mul3A_66 = arith.constant 624 : i32
      %mul3A_67 = arith.muli %arg1, %mul3A_66 : i32
      %mul3A_68 = arith.constant 16 : i32
      %mul3A_69 = arith.muli %while3A_64, %mul3A_68 : i32
      %add3A_70 = arith.addi %mul3A_67, %mul3A_69 : i32
      "tpu.region"() ({
        %run_scoped3A = tpu.sem_alloc : memref<!tpu.dma_semaphore, #tpu.memory_space<semaphore_mem>>
        %dma_start3A = arith.constant 0 : i32
        %dma_start3A_72 = tpu.memref_slice %arg8[%add3A_70, %dma_start3A] : memref<10008x128xf32, #tpu.memory_space<vmem_shared>> -> memref<16x128xf32, #tpu.memory_space<vmem_shared>>
        %dma_start3A_73 = arith.constant 0 : i32
        %dma_start3A_74 = tpu.memref_slice %arg8[%add3A_70, %dma_start3A_73] : memref<10008x128xf32, #tpu.memory_space<vmem_shared>> -> memref<16x128xf32, #tpu.memory_space<vmem_shared>>
        tpu.enqueue_dma source(%arg7 : memref<16x128xf32, #tpu.memory_space<vmem>>) target(%dma_start3A_74 : memref<16x128xf32, #tpu.memory_space<vmem_shared>>) target_semaphore(%run_scoped3A : memref<!tpu.dma_semaphore, #tpu.memory_space<semaphore_mem>>)
        %dma_wait3A = arith.constant 0 : i32
        %dma_wait3A_75 = tpu.memref_slice %arg8[%add3A_70, %dma_wait3A] : memref<10008x128xf32, #tpu.memory_space<vmem_shared>> -> memref<16x128xf32, #tpu.memory_space<vmem_shared>>
        %dma_wait3A_76 = arith.constant 0 : i32
        %dma_wait3A_77 = tpu.memref_slice %arg8[%add3A_70, %dma_wait3A_76] : memref<10008x128xf32, #tpu.memory_space<vmem_shared>> -> memref<16x128xf32, #tpu.memory_space<vmem_shared>>
        tpu.wait_dma2 semaphore(%run_scoped3A : memref<!tpu.dma_semaphore, #tpu.memory_space<semaphore_mem>>) src(%arg7 : memref<16x128xf32, #tpu.memory_space<vmem>>) dst(%dma_wait3A_77 : memref<16x128xf32, #tpu.memory_space<vmem_shared>>)
        tpu.yield
      }) : () -> ()
      %while3A_71 = arith.constant 0 : i32
      scf.yield %while3A_71 : i32
    }
    %while3A_25 = arith.constant 1 : i32
    %while3A_26 = scf.for %while3A_64 = %while3A_22 to %while3A_18 step %while3A_25 iter_args(%while3A_65 = %while3A_24) -> (i32)  : i32 {
      %mul3A_66 = arith.constant 624 : i32
      %mul3A_67 = arith.muli %arg1, %mul3A_66 : i32
      %mul3A_68 = arith.constant 16 : i32
      %mul3A_69 = arith.muli %while3A_64, %mul3A_68 : i32
      %add3A_70 = arith.addi %mul3A_67, %mul3A_69 : i32
      "tpu.region"() ({
        %run_scoped3A = tpu.sem_alloc : memref<!tpu.dma_semaphore, #tpu.memory_space<semaphore_mem>>
        %dma_start3A = arith.constant 0 : i32
        %dma_start3A_72 = tpu.memref_slice %arg8[%add3A_70, %dma_start3A] : memref<10008x128xf32, #tpu.memory_space<vmem_shared>> -> memref<16x128xf32, #tpu.memory_space<vmem_shared>>
        %dma_start3A_73 = arith.constant 0 : i32
        %dma_start3A_74 = tpu.memref_slice %arg8[%add3A_70, %dma_start3A_73] : memref<10008x128xf32, #tpu.memory_space<vmem_shared>> -> memref<16x128xf32, #tpu.memory_space<vmem_shared>>
        tpu.enqueue_dma source(%arg7 : memref<16x128xf32, #tpu.memory_space<vmem>>) target(%dma_start3A_74 : memref<16x128xf32, #tpu.memory_space<vmem_shared>>) target_semaphore(%run_scoped3A : memref<!tpu.dma_semaphore, #tpu.memory_space<semaphore_mem>>)
        %dma_wait3A = arith.constant 0 : i32
        %dma_wait3A_75 = tpu.memref_slice %arg8[%add3A_70, %dma_wait3A] : memref<10008x128xf32, #tpu.memory_space<vmem_shared>> -> memref<16x128xf32, #tpu.memory_space<vmem_shared>>
        %dma_wait3A_76 = arith.constant 0 : i32
        %dma_wait3A_77 = tpu.memref_slice %arg8[%add3A_70, %dma_wait3A_76] : memref<10008x128xf32, #tpu.memory_space<vmem_shared>> -> memref<16x128xf32, #tpu.memory_space<vmem_shared>>
        tpu.wait_dma2 semaphore(%run_scoped3A : memref<!tpu.dma_semaphore, #tpu.memory_space<semaphore_mem>>) src(%arg7 : memref<16x128xf32, #tpu.memory_space<vmem>>) dst(%dma_wait3A_77 : memref<16x128xf32, #tpu.memory_space<vmem_shared>>)
        tpu.yield
      }) : () -> ()
      %while3A_71 = arith.constant 0 : i32
      scf.yield %while3A_71 : i32
    }
    %mul3A_27 = arith.constant 40 : i32
    %mul3A_28 = arith.muli %add3A, %mul3A_27 : i32
    %eq3A_29 = arith.constant 31 : i32
    %eq3A_30 = arith.cmpi eq, %add3A, %eq3A_29 : i32
    %jit3A_31 = arith.constant 16 : i32
    %jit3A_32 = arith.constant 40 : i32
    %select_n3A_33 = arith.select %eq3A_30, %jit3A_31, %jit3A_32 : i32
    %lt3A = arith.constant 31 : i32
    %lt3A_34 = arith.cmpi slt, %add3A, %lt3A : i32
    %convert_element_type3A = arith.extui %lt3A_34 : i1 to i32
    %cond3A = arith.constant 0 : i32
    %cond3A_35 = arith.cmpi ne, %convert_element_type3A, %cond3A : i32
    scf.if %cond3A_35 {
      "tpu.region"() ({
        %run_scoped3A = tpu.sem_alloc : memref<!tpu.dma_semaphore, #tpu.memory_space<semaphore_mem>>
        %dma_start3A = arith.constant 0 : i32
        %dma_start3A_64 = tpu.memref_slice %arg2[%mul3A_28, %dma_start3A] : memref<1256x128xi32, #tpu.memory_space<hbm>> -> memref<40x128xi32, #tpu.memory_space<hbm>>
        %dma_start3A_65 = arith.constant 0 : i32
        %dma_start3A_66 = tpu.memref_slice %arg2[%mul3A_28, %dma_start3A_65] : memref<1256x128xi32, #tpu.memory_space<hbm>> -> memref<40x128xi32, #tpu.memory_space<hbm>>
        tpu.enqueue_dma source(%dma_start3A_66 : memref<40x128xi32, #tpu.memory_space<hbm>>) target(%arg5 : memref<40x128xi32, #tpu.memory_space<vmem>>) target_semaphore(%run_scoped3A : memref<!tpu.dma_semaphore, #tpu.memory_space<semaphore_mem>>)
        %dma_wait3A = arith.constant 0 : i32
        %dma_wait3A_67 = tpu.memref_slice %arg2[%mul3A_28, %dma_wait3A] : memref<1256x128xi32, #tpu.memory_space<hbm>> -> memref<40x128xi32, #tpu.memory_space<hbm>>
        %dma_wait3A_68 = arith.constant 0 : i32
        %dma_wait3A_69 = tpu.memref_slice %arg2[%mul3A_28, %dma_wait3A_68] : memref<1256x128xi32, #tpu.memory_space<hbm>> -> memref<40x128xi32, #tpu.memory_space<hbm>>
        tpu.wait_dma2 semaphore(%run_scoped3A : memref<!tpu.dma_semaphore, #tpu.memory_space<semaphore_mem>>) src(%dma_wait3A_69 : memref<40x128xi32, #tpu.memory_space<hbm>>) dst(%arg5 : memref<40x128xi32, #tpu.memory_space<vmem>>)
        tpu.yield
      }) : () -> ()
    } else {
    }
    %eq3A_36 = arith.constant 31 : i32
    %eq3A_37 = arith.cmpi eq, %add3A, %eq3A_36 : i32
    %convert_element_type3A_38 = arith.extui %eq3A_37 : i1 to i32
    %cond3A_39 = arith.constant 0 : i32
    %cond3A_40 = arith.cmpi ne, %convert_element_type3A_38, %cond3A_39 : i32
    scf.if %cond3A_40 {
      "tpu.region"() ({
        %run_scoped3A = tpu.sem_alloc : memref<!tpu.dma_semaphore, #tpu.memory_space<semaphore_mem>>
        %dma_start3A = arith.constant 0 : i32
        %dma_start3A_64 = arith.constant 0 : i32
        %dma_start3A_65 = tpu.memref_slice %arg5[%dma_start3A, %dma_start3A_64] : memref<40x128xi32, #tpu.memory_space<vmem>> -> memref<16x128xi32, #tpu.memory_space<vmem>>
        %dma_start3A_66 = arith.constant 0 : i32
        %dma_start3A_67 = tpu.memref_slice %arg2[%mul3A_28, %dma_start3A_66] : memref<1256x128xi32, #tpu.memory_space<hbm>> -> memref<16x128xi32, #tpu.memory_space<hbm>>
        %dma_start3A_68 = arith.constant 0 : i32
        %dma_start3A_69 = arith.constant 0 : i32
        %dma_start3A_70 = tpu.memref_slice %arg5[%dma_start3A_68, %dma_start3A_69] : memref<40x128xi32, #tpu.memory_space<vmem>> -> memref<16x128xi32, #tpu.memory_space<vmem>>
        %dma_start3A_71 = arith.constant 0 : i32
        %dma_start3A_72 = tpu.memref_slice %arg2[%mul3A_28, %dma_start3A_71] : memref<1256x128xi32, #tpu.memory_space<hbm>> -> memref<16x128xi32, #tpu.memory_space<hbm>>
        tpu.enqueue_dma source(%dma_start3A_72 : memref<16x128xi32, #tpu.memory_space<hbm>>) target(%dma_start3A_70 : memref<16x128xi32, #tpu.memory_space<vmem>>) target_semaphore(%run_scoped3A : memref<!tpu.dma_semaphore, #tpu.memory_space<semaphore_mem>>)
        %dma_wait3A = arith.constant 0 : i32
        %dma_wait3A_73 = arith.constant 0 : i32
        %dma_wait3A_74 = tpu.memref_slice %arg5[%dma_wait3A, %dma_wait3A_73] : memref<40x128xi32, #tpu.memory_space<vmem>> -> memref<16x128xi32, #tpu.memory_space<vmem>>
        %dma_wait3A_75 = arith.constant 0 : i32
        %dma_wait3A_76 = tpu.memref_slice %arg2[%mul3A_28, %dma_wait3A_75] : memref<1256x128xi32, #tpu.memory_space<hbm>> -> memref<16x128xi32, #tpu.memory_space<hbm>>
        %dma_wait3A_77 = arith.constant 0 : i32
        %dma_wait3A_78 = arith.constant 0 : i32
        %dma_wait3A_79 = tpu.memref_slice %arg5[%dma_wait3A_77, %dma_wait3A_78] : memref<40x128xi32, #tpu.memory_space<vmem>> -> memref<16x128xi32, #tpu.memory_space<vmem>>
        %dma_wait3A_80 = arith.constant 0 : i32
        %dma_wait3A_81 = tpu.memref_slice %arg2[%mul3A_28, %dma_wait3A_80] : memref<1256x128xi32, #tpu.memory_space<hbm>> -> memref<16x128xi32, #tpu.memory_space<hbm>>
        tpu.wait_dma2 semaphore(%run_scoped3A : memref<!tpu.dma_semaphore, #tpu.memory_space<semaphore_mem>>) src(%dma_wait3A_81 : memref<16x128xi32, #tpu.memory_space<hbm>>) dst(%dma_wait3A_79 : memref<16x128xi32, #tpu.memory_space<vmem>>)
        tpu.yield
      }) : () -> ()
    } else {
    }
    %barrier3A = arith.constant 0 : index
    tpu.barrier barrier_id(%barrier3A)
    %while3A_41 = arith.constant 0 : i32
    %while3A_42 = arith.constant 0 : i32
    %while3A_43 = arith.subi %select_n3A_33, %while3A_41 : i32
    %while3A_44 = arith.addi %while3A_41, %while3A_43 : i32
    %while3A_45 = arith.constant 1 : i32
    %while3A_46 = arith.divsi %while3A_43, %while3A_45 : i32
    %while3A_47 = arith.muli %while3A_46, %while3A_45 : i32
    %while3A_48 = arith.addi %while3A_41, %while3A_47 : i32
    %while3A_49 = arith.constant 1 : i32
    %while3A_50 = scf.for %while3A_64 = %while3A_41 to %while3A_48 step %while3A_49 iter_args(%while3A_65 = %while3A_42) -> (i32)  : i32 {
      "tpu.region"() ({
        %run_scoped3A = tpu.sem_alloc : memref<!tpu.dma_semaphore, #tpu.memory_space<semaphore_mem>>
        %dma_start3A = arith.constant 0 : i32
        %dma_start3A_67 = tpu.memref_slice %arg5[%while3A_64, %dma_start3A] : memref<40x128xi32, #tpu.memory_space<vmem>> -> memref<1x128xi32, #tpu.memory_space<vmem>>
        %dma_start3A_68 = tpu.memref_squeeze %dma_start3A_67 : memref<1x128xi32, #tpu.memory_space<vmem>> -> memref<128xi32, #tpu.memory_space<vmem>>
        %dma_start3A_69 = arith.constant 0 : i32
        %dma_start3A_70 = arith.constant 0 : i32
        %dma_start3A_71 = tpu.memref_slice %arg8[%dma_start3A_69, %dma_start3A_70] : memref<10008x128xf32, #tpu.memory_space<vmem_shared>> -> memref<10008x128xf32, #tpu.memory_space<vmem_shared>>
        tpu.enqueue_indirect_dma source(%arg6 : memref<128x128xf32, #tpu.memory_space<vmem>>) target(%dma_start3A_71 : memref<10008x128xf32, #tpu.memory_space<vmem_shared>>) offsets(%dma_start3A_68 : memref<128xi32, #tpu.memory_space<vmem>>) semaphore(%run_scoped3A : memref<!tpu.dma_semaphore, #tpu.memory_space<semaphore_mem>>) {add = true}
        %dma_wait3A = arith.constant 0 : i32
        %dma_wait3A_72 = tpu.memref_slice %arg5[%while3A_64, %dma_wait3A] : memref<40x128xi32, #tpu.memory_space<vmem>> -> memref<1x128xi32, #tpu.memory_space<vmem>>
        %dma_wait3A_73 = tpu.memref_squeeze %dma_wait3A_72 : memref<1x128xi32, #tpu.memory_space<vmem>> -> memref<128xi32, #tpu.memory_space<vmem>>
        %dma_wait3A_74 = arith.constant 0 : i32
        %dma_wait3A_75 = arith.constant 0 : i32
        %dma_wait3A_76 = tpu.memref_slice %arg8[%dma_wait3A_74, %dma_wait3A_75] : memref<10008x128xf32, #tpu.memory_space<vmem_shared>> -> memref<10008x128xf32, #tpu.memory_space<vmem_shared>>
        tpu.wait_indirect_dma semaphore(%run_scoped3A : memref<!tpu.dma_semaphore, #tpu.memory_space<semaphore_mem>>) src(%arg6 : memref<128x128xf32, #tpu.memory_space<vmem>>) dst(%dma_wait3A_76 : memref<10008x128xf32, #tpu.memory_space<vmem_shared>>)
        tpu.yield
      }) : () -> ()
      %while3A_66 = arith.constant 0 : i32
      scf.yield %while3A_66 : i32
    }
    %while3A_51 = arith.constant 1 : i32
    %while3A_52 = scf.for %while3A_64 = %while3A_48 to %while3A_44 step %while3A_51 iter_args(%while3A_65 = %while3A_50) -> (i32)  : i32 {
      "tpu.region"() ({
        %run_scoped3A = tpu.sem_alloc : memref<!tpu.dma_semaphore, #tpu.memory_space<semaphore_mem>>
        %dma_start3A = arith.constant 0 : i32
        %dma_start3A_67 = tpu.memref_slice %arg5[%while3A_64, %dma_start3A] : memref<40x128xi32, #tpu.memory_space<vmem>> -> memref<1x128xi32, #tpu.memory_space<vmem>>
        %dma_start3A_68 = tpu.memref_squeeze %dma_start3A_67 : memref<1x128xi32, #tpu.memory_space<vmem>> -> memref<128xi32, #tpu.memory_space<vmem>>
        %dma_start3A_69 = arith.constant 0 : i32
        %dma_start3A_70 = arith.constant 0 : i32
        %dma_start3A_71 = tpu.memref_slice %arg8[%dma_start3A_69, %dma_start3A_70] : memref<10008x128xf32, #tpu.memory_space<vmem_shared>> -> memref<10008x128xf32, #tpu.memory_space<vmem_shared>>
        tpu.enqueue_indirect_dma source(%arg6 : memref<128x128xf32, #tpu.memory_space<vmem>>) target(%dma_start3A_71 : memref<10008x128xf32, #tpu.memory_space<vmem_shared>>) offsets(%dma_start3A_68 : memref<128xi32, #tpu.memory_space<vmem>>) semaphore(%run_scoped3A : memref<!tpu.dma_semaphore, #tpu.memory_space<semaphore_mem>>) {add = true}
        %dma_wait3A = arith.constant 0 : i32
        %dma_wait3A_72 = tpu.memref_slice %arg5[%while3A_64, %dma_wait3A] : memref<40x128xi32, #tpu.memory_space<vmem>> -> memref<1x128xi32, #tpu.memory_space<vmem>>
        %dma_wait3A_73 = tpu.memref_squeeze %dma_wait3A_72 : memref<1x128xi32, #tpu.memory_space<vmem>> -> memref<128xi32, #tpu.memory_space<vmem>>
        %dma_wait3A_74 = arith.constant 0 : i32
        %dma_wait3A_75 = arith.constant 0 : i32
        %dma_wait3A_76 = tpu.memref_slice %arg8[%dma_wait3A_74, %dma_wait3A_75] : memref<10008x128xf32, #tpu.memory_space<vmem_shared>> -> memref<10008x128xf32, #tpu.memory_space<vmem_shared>>
        tpu.wait_indirect_dma semaphore(%run_scoped3A : memref<!tpu.dma_semaphore, #tpu.memory_space<semaphore_mem>>) src(%arg6 : memref<128x128xf32, #tpu.memory_space<vmem>>) dst(%dma_wait3A_76 : memref<10008x128xf32, #tpu.memory_space<vmem_shared>>)
        tpu.yield
      }) : () -> ()
      %while3A_66 = arith.constant 0 : i32
      scf.yield %while3A_66 : i32
    }
    %barrier3A_53 = arith.constant 0 : index
    tpu.barrier barrier_id(%barrier3A_53)
    %eq3A_54 = arith.constant 0 : i32
    %eq3A_55 = arith.cmpi eq, %arg0, %eq3A_54 : i32
    %convert_element_type3A_56 = arith.extui %eq3A_55 : i1 to i32
    %cond3A_57 = arith.constant 0 : i32
    %cond3A_58 = arith.cmpi ne, %convert_element_type3A_56, %cond3A_57 : i32
    scf.if %cond3A_58 {
      %lt3A_64 = arith.constant 15 : i32
      %lt3A_65 = arith.cmpi slt, %arg1, %lt3A_64 : i32
      %convert_element_type3A_66 = arith.extui %lt3A_65 : i1 to i32
      %cond3A_67 = arith.constant 0 : i32
      %cond3A_68 = arith.cmpi ne, %convert_element_type3A_66, %cond3A_67 : i32
      scf.if %cond3A_68 {
        %mul3A_74 = arith.constant 624 : i32
        %mul3A_75 = arith.muli %arg1, %mul3A_74 : i32
        %mul3A_76 = arith.constant 624 : i32
        %mul3A_77 = arith.muli %arg1, %mul3A_76 : i32
        "tpu.region"() ({
          %run_scoped3A = tpu.sem_alloc : memref<!tpu.dma_semaphore, #tpu.memory_space<semaphore_mem>>
          %dma_start3A = arith.constant 0 : i32
          %dma_start3A_78 = tpu.memref_slice %arg3[%mul3A_77, %dma_start3A] : memref<10000x128xf32, #tpu.memory_space<hbm>> -> memref<624x128xf32, #tpu.memory_space<hbm>>
          %dma_start3A_79 = arith.constant 0 : i32
          %dma_start3A_80 = tpu.memref_slice %arg8[%mul3A_75, %dma_start3A_79] : memref<10008x128xf32, #tpu.memory_space<vmem_shared>> -> memref<624x128xf32, #tpu.memory_space<vmem_shared>>
          tpu.enqueue_dma source(%dma_start3A_80 : memref<624x128xf32, #tpu.memory_space<vmem_shared>>) target(%dma_start3A_78 : memref<624x128xf32, #tpu.memory_space<hbm>>) target_semaphore(%run_scoped3A : memref<!tpu.dma_semaphore, #tpu.memory_space<semaphore_mem>>)
          %dma_wait3A = arith.constant 0 : i32
          %dma_wait3A_81 = tpu.memref_slice %arg3[%mul3A_77, %dma_wait3A] : memref<10000x128xf32, #tpu.memory_space<hbm>> -> memref<624x128xf32, #tpu.memory_space<hbm>>
          %dma_wait3A_82 = arith.constant 0 : i32
          %dma_wait3A_83 = tpu.memref_slice %arg8[%mul3A_75, %dma_wait3A_82] : memref<10008x128xf32, #tpu.memory_space<vmem_shared>> -> memref<624x128xf32, #tpu.memory_space<vmem_shared>>
          tpu.wait_dma2 semaphore(%run_scoped3A : memref<!tpu.dma_semaphore, #tpu.memory_space<semaphore_mem>>) src(%dma_wait3A_83 : memref<624x128xf32, #tpu.memory_space<vmem_shared>>) dst(%dma_wait3A_81 : memref<624x128xf32, #tpu.memory_space<hbm>>)
          tpu.yield
        }) : () -> ()
      } else {
      }
      %eq3A_69 = arith.constant 15 : i32
      %eq3A_70 = arith.cmpi eq, %arg1, %eq3A_69 : i32
      %convert_element_type3A_71 = arith.extui %eq3A_70 : i1 to i32
      %cond3A_72 = arith.constant 0 : i32
      %cond3A_73 = arith.cmpi ne, %convert_element_type3A_71, %cond3A_72 : i32
      scf.if %cond3A_73 {
        "tpu.region"() ({
          %run_scoped3A = tpu.sem_alloc : memref<!tpu.dma_semaphore, #tpu.memory_space<semaphore_mem>>
          %dma_start3A = arith.constant 9360 : i32
          %dma_start3A_74 = arith.constant 0 : i32
          %dma_start3A_75 = tpu.memref_slice %arg3[%dma_start3A, %dma_start3A_74] : memref<10000x128xf32, #tpu.memory_space<hbm>> -> memref<640x128xf32, #tpu.memory_space<hbm>>
          %dma_start3A_76 = arith.constant 9360 : i32
          %dma_start3A_77 = arith.constant 0 : i32
          %dma_start3A_78 = tpu.memref_slice %arg8[%dma_start3A_76, %dma_start3A_77] : memref<10008x128xf32, #tpu.memory_space<vmem_shared>> -> memref<640x128xf32, #tpu.memory_space<vmem_shared>>
          tpu.enqueue_dma source(%dma_start3A_78 : memref<640x128xf32, #tpu.memory_space<vmem_shared>>) target(%dma_start3A_75 : memref<640x128xf32, #tpu.memory_space<hbm>>) target_semaphore(%run_scoped3A : memref<!tpu.dma_semaphore, #tpu.memory_space<semaphore_mem>>)
          %dma_wait3A = arith.constant 9360 : i32
          %dma_wait3A_79 = arith.constant 0 : i32
          %dma_wait3A_80 = tpu.memref_slice %arg3[%dma_wait3A, %dma_wait3A_79] : memref<10000x128xf32, #tpu.memory_space<hbm>> -> memref<640x128xf32, #tpu.memory_space<hbm>>
          %dma_wait3A_81 = arith.constant 9360 : i32
          %dma_wait3A_82 = arith.constant 0 : i32
          %dma_wait3A_83 = tpu.memref_slice %arg8[%dma_wait3A_81, %dma_wait3A_82] : memref<10008x128xf32, #tpu.memory_space<vmem_shared>> -> memref<640x128xf32, #tpu.memory_space<vmem_shared>>
          tpu.wait_dma2 semaphore(%run_scoped3A : memref<!tpu.dma_semaphore, #tpu.memory_space<semaphore_mem>>) src(%dma_wait3A_83 : memref<640x128xf32, #tpu.memory_space<vmem_shared>>) dst(%dma_wait3A_80 : memref<640x128xf32, #tpu.memory_space<hbm>>)
          tpu.yield
        }) : () -> ()
      } else {
      }
    } else {
    }
    %eq3A_59 = arith.constant 1 : i32
    %eq3A_60 = arith.cmpi eq, %arg0, %eq3A_59 : i32
    %convert_element_type3A_61 = arith.extui %eq3A_60 : i1 to i32
    %cond3A_62 = arith.constant 0 : i32
    %cond3A_63 = arith.cmpi ne, %convert_element_type3A_61, %cond3A_62 : i32
    scf.if %cond3A_63 {
      %lt3A_64 = arith.constant 15 : i32
      %lt3A_65 = arith.cmpi slt, %arg1, %lt3A_64 : i32
      %convert_element_type3A_66 = arith.extui %lt3A_65 : i1 to i32
      %cond3A_67 = arith.constant 0 : i32
      %cond3A_68 = arith.cmpi ne, %convert_element_type3A_66, %cond3A_67 : i32
      scf.if %cond3A_68 {
        %mul3A_74 = arith.constant 624 : i32
        %mul3A_75 = arith.muli %arg1, %mul3A_74 : i32
        %mul3A_76 = arith.constant 624 : i32
        %mul3A_77 = arith.muli %arg1, %mul3A_76 : i32
        "tpu.region"() ({
          %run_scoped3A = tpu.sem_alloc : memref<!tpu.dma_semaphore, #tpu.memory_space<semaphore_mem>>
          %dma_start3A = arith.constant 0 : i32
          %dma_start3A_78 = tpu.memref_slice %arg4[%mul3A_77, %dma_start3A] : memref<10000x128xf32, #tpu.memory_space<hbm>> -> memref<624x128xf32, #tpu.memory_space<hbm>>
          %dma_start3A_79 = arith.constant 0 : i32
          %dma_start3A_80 = tpu.memref_slice %arg8[%mul3A_75, %dma_start3A_79] : memref<10008x128xf32, #tpu.memory_space<vmem_shared>> -> memref<624x128xf32, #tpu.memory_space<vmem_shared>>
          tpu.enqueue_dma source(%dma_start3A_80 : memref<624x128xf32, #tpu.memory_space<vmem_shared>>) target(%dma_start3A_78 : memref<624x128xf32, #tpu.memory_space<hbm>>) target_semaphore(%run_scoped3A : memref<!tpu.dma_semaphore, #tpu.memory_space<semaphore_mem>>)
          %dma_wait3A = arith.constant 0 : i32
          %dma_wait3A_81 = tpu.memref_slice %arg4[%mul3A_77, %dma_wait3A] : memref<10000x128xf32, #tpu.memory_space<hbm>> -> memref<624x128xf32, #tpu.memory_space<hbm>>
          %dma_wait3A_82 = arith.constant 0 : i32
          %dma_wait3A_83 = tpu.memref_slice %arg8[%mul3A_75, %dma_wait3A_82] : memref<10008x128xf32, #tpu.memory_space<vmem_shared>> -> memref<624x128xf32, #tpu.memory_space<vmem_shared>>
          tpu.wait_dma2 semaphore(%run_scoped3A : memref<!tpu.dma_semaphore, #tpu.memory_space<semaphore_mem>>) src(%dma_wait3A_83 : memref<624x128xf32, #tpu.memory_space<vmem_shared>>) dst(%dma_wait3A_81 : memref<624x128xf32, #tpu.memory_space<hbm>>)
          tpu.yield
        }) : () -> ()
      } else {
      }
      %eq3A_69 = arith.constant 15 : i32
      %eq3A_70 = arith.cmpi eq, %arg1, %eq3A_69 : i32
      %convert_element_type3A_71 = arith.extui %eq3A_70 : i1 to i32
      %cond3A_72 = arith.constant 0 : i32
      %cond3A_73 = arith.cmpi ne, %convert_element_type3A_71, %cond3A_72 : i32
      scf.if %cond3A_73 {
        "tpu.region"() ({
          %run_scoped3A = tpu.sem_alloc : memref<!tpu.dma_semaphore, #tpu.memory_space<semaphore_mem>>
          %dma_start3A = arith.constant 9360 : i32
          %dma_start3A_74 = arith.constant 0 : i32
          %dma_start3A_75 = tpu.memref_slice %arg4[%dma_start3A, %dma_start3A_74] : memref<10000x128xf32, #tpu.memory_space<hbm>> -> memref<640x128xf32, #tpu.memory_space<hbm>>
          %dma_start3A_76 = arith.constant 9360 : i32
          %dma_start3A_77 = arith.constant 0 : i32
          %dma_start3A_78 = tpu.memref_slice %arg8[%dma_start3A_76, %dma_start3A_77] : memref<10008x128xf32, #tpu.memory_space<vmem_shared>> -> memref<640x128xf32, #tpu.memory_space<vmem_shared>>
          tpu.enqueue_dma source(%dma_start3A_78 : memref<640x128xf32, #tpu.memory_space<vmem_shared>>) target(%dma_start3A_75 : memref<640x128xf32, #tpu.memory_space<hbm>>) target_semaphore(%run_scoped3A : memref<!tpu.dma_semaphore, #tpu.memory_space<semaphore_mem>>)
          %dma_wait3A = arith.constant 9360 : i32
          %dma_wait3A_79 = arith.constant 0 : i32
          %dma_wait3A_80 = tpu.memref_slice %arg4[%dma_wait3A, %dma_wait3A_79] : memref<10000x128xf32, #tpu.memory_space<hbm>> -> memref<640x128xf32, #tpu.memory_space<hbm>>
          %dma_wait3A_81 = arith.constant 9360 : i32
          %dma_wait3A_82 = arith.constant 0 : i32
          %dma_wait3A_83 = tpu.memref_slice %arg8[%dma_wait3A_81, %dma_wait3A_82] : memref<10008x128xf32, #tpu.memory_space<vmem_shared>> -> memref<640x128xf32, #tpu.memory_space<vmem_shared>>
          tpu.wait_dma2 semaphore(%run_scoped3A : memref<!tpu.dma_semaphore, #tpu.memory_space<semaphore_mem>>) src(%dma_wait3A_83 : memref<640x128xf32, #tpu.memory_space<vmem_shared>>) dst(%dma_wait3A_80 : memref<640x128xf32, #tpu.memory_space<hbm>>)
          tpu.yield
        }) : () -> ()
      } else {
      }
    } else {
    }
    return
  }
}

#map = affine_map<(d0, d1) -> (0, 0)>
module attributes {stable_mosaic.version = 14 : i64} {
  func.func @_seg_body(%arg0: i32, %arg1: i32, %arg2: memref<10000x128xf32, #tpu.memory_space<hbm>>, %arg3: memref<10000x128xf32, #tpu.memory_space<hbm>>, %arg4: memref<1256x128xi32, #tpu.memory_space<hbm>>, %arg5: memref<1256x128xi32, #tpu.memory_space<hbm>>, %arg6: memref<10000x128xf32, #tpu.memory_space<hbm>>, %arg7: memref<10000x128xf32, #tpu.memory_space<hbm>>, %arg8: memref<8x128xi32, #tpu.memory_space<vmem>>, %arg9: memref<8x128xi32, #tpu.memory_space<vmem>>, %arg10: memref<128x128xf32, #tpu.memory_space<vmem>>, %arg11: memref<128x128xf32, #tpu.memory_space<vmem>>, %arg12: memref<16x128xf32, #tpu.memory_space<vmem>>, %arg13: memref<10008x128xf32, #tpu.memory_space<vmem_shared>>, %arg14: memref<!tpu.dma_semaphore, #tpu.memory_space<semaphore_mem>>, %arg15: memref<!tpu.dma_semaphore, #tpu.memory_space<semaphore_mem>>) attributes {dimension_semantics = [#tpu.dimension_semantics<core_parallel>, #tpu.dimension_semantics<subcore_parallel>], iteration_bounds = array<i64: 2, 16>, scalar_prefetch = 0 : i64, scratch_operands = 8 : i64, tpu.core_type = #tpu.core_type<sc_vector_subcore>, window_params = [{transform_indices = #map}, {transform_indices = #map}, {transform_indices = #map}, {transform_indices = #map}, {transform_indices = #map}, {transform_indices = #map}]} {
    %scan3A = arith.constant 0 : i32
    %scan3A_0 = arith.constant 0 : i32
    %scan3A_1 = arith.constant 128 : i32
    %scan3A_2 = arith.addi %scan3A_0, %scan3A_1 : i32
    %scan3A_3 = arith.constant 1 : i32
    %scan3A_4 = scf.for %scan3A_44 = %scan3A_0 to %scan3A_2 step %scan3A_3 iter_args(%scan3A_45 = %scan3A) -> (i32)  : i32 {
      %broadcast_in_dim3A = arith.constant 0.000000e+00 : f32
      %broadcast_in_dim3A_46 = vector.broadcast %broadcast_in_dim3A : f32 to vector<16xf32>
      %jit3A_47 = arith.constant 8 : i32
      %div3A = arith.divsi %scan3A_44, %jit3A_47 : i32
      %sign3A = arith.constant 0 : i32
      %sign3A_48 = arith.cmpi sgt, %scan3A_44, %sign3A : i32
      %sign3A_49 = arith.extui %sign3A_48 : i1 to i32
      %sign3A_50 = arith.constant 0 : i32
      %sign3A_51 = arith.cmpi slt, %scan3A_44, %sign3A_50 : i32
      %sign3A_52 = arith.extui %sign3A_51 : i1 to i32
      %sign3A_53 = arith.subi %sign3A_49, %sign3A_52 : i32
      %sign3A_54 = arith.constant 0 : i32
      %sign3A_55 = arith.cmpi sgt, %jit3A_47, %sign3A_54 : i32
      %sign3A_56 = arith.extui %sign3A_55 : i1 to i32
      %sign3A_57 = arith.constant 0 : i32
      %sign3A_58 = arith.cmpi slt, %jit3A_47, %sign3A_57 : i32
      %sign3A_59 = arith.extui %sign3A_58 : i1 to i32
      %sign3A_60 = arith.subi %sign3A_56, %sign3A_59 : i32
      %ne3A = arith.cmpi ne, %sign3A_53, %sign3A_60 : i32
      %rem3A = arith.remsi %scan3A_44, %jit3A_47 : i32
      %ne3A_61 = arith.constant 0 : i32
      %ne3A_62 = arith.cmpi ne, %rem3A, %ne3A_61 : i32
      %and3A = arith.andi %ne3A, %ne3A_62 : i1
      %sub3A = arith.constant 1 : i32
      %sub3A_63 = arith.subi %div3A, %sub3A : i32
      %select_n3A_64 = arith.select %and3A, %sub3A_63, %div3A : i32
      %jit3A_65 = arith.constant 8 : i32
      %eq3A_66 = arith.constant 0 : i32
      %eq3A_67 = arith.cmpi eq, %jit3A_65, %eq3A_66 : i32
      %jit3A_68 = arith.constant 1 : i32
      %select_n3A_69 = arith.select %eq3A_67, %jit3A_68, %jit3A_65 : i32
      %rem3A_70 = arith.remsi %scan3A_44, %select_n3A_69 : i32
      %ne3A_71 = arith.constant 0 : i32
      %ne3A_72 = arith.cmpi ne, %rem3A_70, %ne3A_71 : i32
      %lt3A = arith.constant 0 : i32
      %lt3A_73 = arith.cmpi slt, %rem3A_70, %lt3A : i32
      %lt3A_74 = arith.constant 0 : i32
      %lt3A_75 = arith.cmpi slt, %select_n3A_69, %lt3A_74 : i32
      %ne3A_76 = arith.xori %lt3A_73, %lt3A_75 : i1
      %and3A_77 = arith.andi %ne3A_76, %ne3A_72 : i1
      %add3A = arith.addi %rem3A_70, %select_n3A_69 : i32
      %select_n3A_78 = arith.select %and3A_77, %add3A, %rem3A_70 : i32
      %mul3A_79 = arith.constant 16 : i32
      %mul3A_80 = arith.muli %select_n3A_78, %mul3A_79 : i32
      %swap3A = arith.index_cast %select_n3A_64 : i32 to index
      %swap3A_81 = arith.index_cast %mul3A_80 : i32 to index
      %swap3A_82 = tpu.vector_load %arg12[%swap3A, %swap3A_81] {strides = array<i32>} : memref<16x128xf32, #tpu.memory_space<vmem>>, vector<1x16xf32>,
      %swap3A_83 = vector.shape_cast %swap3A_82 : vector<1x16xf32> to vector<16xf32>
      %swap3A_84 = vector.shape_cast %broadcast_in_dim3A_46 : vector<16xf32> to vector<1x16xf32>
      tpu.vector_store %arg12[%swap3A, %swap3A_81], %swap3A_84 {strides = array<i32>} : memref<16x128xf32, #tpu.memory_space<vmem>>, vector<1x16xf32>,
      %scan3A_85 = arith.constant 0 : i32
      scf.yield %scan3A_85 : i32
    }
    %scan3A_5 = arith.constant 128 : i32
    %eq3A = arith.constant 15 : i32
    %eq3A_6 = arith.cmpi eq, %arg1, %eq3A : i32
    %jit3A = arith.constant 40 : i32
    %jit3A_7 = arith.constant 39 : i32
    %select_n3A = arith.select %eq3A_6, %jit3A, %jit3A_7 : i32
    %while3A = arith.constant 0 : i32
    %while3A_8 = arith.constant 0 : i32
    %while3A_9 = arith.subi %select_n3A, %while3A : i32
    %while3A_10 = arith.addi %while3A, %while3A_9 : i32
    %while3A_11 = arith.constant 1 : i32
    %while3A_12 = arith.divsi %while3A_9, %while3A_11 : i32
    %while3A_13 = arith.muli %while3A_12, %while3A_11 : i32
    %while3A_14 = arith.addi %while3A, %while3A_13 : i32
    %while3A_15 = arith.constant 1 : i32
    %while3A_16 = scf.for %while3A_44 = %while3A to %while3A_14 step %while3A_15 iter_args(%while3A_45 = %while3A_8) -> (i32)  : i32 {
      %mul3A_46 = arith.constant 624 : i32
      %mul3A_47 = arith.muli %arg1, %mul3A_46 : i32
      %mul3A_48 = arith.constant 16 : i32
      %mul3A_49 = arith.muli %while3A_44, %mul3A_48 : i32
      %add3A = arith.addi %mul3A_47, %mul3A_49 : i32
      "tpu.region"() ({
        %run_scoped3A = tpu.sem_alloc : memref<!tpu.dma_semaphore, #tpu.memory_space<semaphore_mem>>
        %dma_start3A = arith.constant 0 : i32
        %dma_start3A_51 = tpu.memref_slice %arg13[%add3A, %dma_start3A] : memref<10008x128xf32, #tpu.memory_space<vmem_shared>> -> memref<16x128xf32, #tpu.memory_space<vmem_shared>>
        %dma_start3A_52 = arith.constant 0 : i32
        %dma_start3A_53 = tpu.memref_slice %arg13[%add3A, %dma_start3A_52] : memref<10008x128xf32, #tpu.memory_space<vmem_shared>> -> memref<16x128xf32, #tpu.memory_space<vmem_shared>>
        tpu.enqueue_dma source(%arg12 : memref<16x128xf32, #tpu.memory_space<vmem>>) target(%dma_start3A_53 : memref<16x128xf32, #tpu.memory_space<vmem_shared>>) target_semaphore(%run_scoped3A : memref<!tpu.dma_semaphore, #tpu.memory_space<semaphore_mem>>)
        %dma_wait3A = arith.constant 0 : i32
        %dma_wait3A_54 = tpu.memref_slice %arg13[%add3A, %dma_wait3A] : memref<10008x128xf32, #tpu.memory_space<vmem_shared>> -> memref<16x128xf32, #tpu.memory_space<vmem_shared>>
        %dma_wait3A_55 = arith.constant 0 : i32
        %dma_wait3A_56 = tpu.memref_slice %arg13[%add3A, %dma_wait3A_55] : memref<10008x128xf32, #tpu.memory_space<vmem_shared>> -> memref<16x128xf32, #tpu.memory_space<vmem_shared>>
        tpu.wait_dma2 semaphore(%run_scoped3A : memref<!tpu.dma_semaphore, #tpu.memory_space<semaphore_mem>>) src(%arg12 : memref<16x128xf32, #tpu.memory_space<vmem>>) dst(%dma_wait3A_56 : memref<16x128xf32, #tpu.memory_space<vmem_shared>>)
        tpu.yield
      }) : () -> ()
      %while3A_50 = arith.constant 0 : i32
      scf.yield %while3A_50 : i32
    }
    %while3A_17 = arith.constant 1 : i32
    %while3A_18 = scf.for %while3A_44 = %while3A_14 to %while3A_10 step %while3A_17 iter_args(%while3A_45 = %while3A_16) -> (i32)  : i32 {
      %mul3A_46 = arith.constant 624 : i32
      %mul3A_47 = arith.muli %arg1, %mul3A_46 : i32
      %mul3A_48 = arith.constant 16 : i32
      %mul3A_49 = arith.muli %while3A_44, %mul3A_48 : i32
      %add3A = arith.addi %mul3A_47, %mul3A_49 : i32
      "tpu.region"() ({
        %run_scoped3A = tpu.sem_alloc : memref<!tpu.dma_semaphore, #tpu.memory_space<semaphore_mem>>
        %dma_start3A = arith.constant 0 : i32
        %dma_start3A_51 = tpu.memref_slice %arg13[%add3A, %dma_start3A] : memref<10008x128xf32, #tpu.memory_space<vmem_shared>> -> memref<16x128xf32, #tpu.memory_space<vmem_shared>>
        %dma_start3A_52 = arith.constant 0 : i32
        %dma_start3A_53 = tpu.memref_slice %arg13[%add3A, %dma_start3A_52] : memref<10008x128xf32, #tpu.memory_space<vmem_shared>> -> memref<16x128xf32, #tpu.memory_space<vmem_shared>>
        tpu.enqueue_dma source(%arg12 : memref<16x128xf32, #tpu.memory_space<vmem>>) target(%dma_start3A_53 : memref<16x128xf32, #tpu.memory_space<vmem_shared>>) target_semaphore(%run_scoped3A : memref<!tpu.dma_semaphore, #tpu.memory_space<semaphore_mem>>)
        %dma_wait3A = arith.constant 0 : i32
        %dma_wait3A_54 = tpu.memref_slice %arg13[%add3A, %dma_wait3A] : memref<10008x128xf32, #tpu.memory_space<vmem_shared>> -> memref<16x128xf32, #tpu.memory_space<vmem_shared>>
        %dma_wait3A_55 = arith.constant 0 : i32
        %dma_wait3A_56 = tpu.memref_slice %arg13[%add3A, %dma_wait3A_55] : memref<10008x128xf32, #tpu.memory_space<vmem_shared>> -> memref<16x128xf32, #tpu.memory_space<vmem_shared>>
        tpu.wait_dma2 semaphore(%run_scoped3A : memref<!tpu.dma_semaphore, #tpu.memory_space<semaphore_mem>>) src(%arg12 : memref<16x128xf32, #tpu.memory_space<vmem>>) dst(%dma_wait3A_56 : memref<16x128xf32, #tpu.memory_space<vmem_shared>>)
        tpu.yield
      }) : () -> ()
      %while3A_50 = arith.constant 0 : i32
      scf.yield %while3A_50 : i32
    }
    %mul3A = arith.constant 80 : i32
    %mul3A_19 = arith.muli %arg1, %mul3A : i32
    %eq3A_20 = arith.constant 15 : i32
    %eq3A_21 = arith.cmpi eq, %arg1, %eq3A_20 : i32
    %jit3A_22 = arith.constant 56 : i32
    %jit3A_23 = arith.constant 80 : i32
    %select_n3A_24 = arith.select %eq3A_21, %jit3A_22, %jit3A_23 : i32
    %barrier3A = arith.constant 0 : index
    tpu.barrier barrier_id(%barrier3A)
    "tpu.region"() ({
      %run_scoped3A = tpu.sem_alloc : memref<!tpu.dma_semaphore, #tpu.memory_space<semaphore_mem>>
      %dma_start3A = arith.constant 0 : i32
      %dma_start3A_44 = tpu.memref_slice %arg4[%mul3A_19, %dma_start3A] : memref<1256x128xi32, #tpu.memory_space<hbm>> -> memref<8x128xi32, #tpu.memory_space<hbm>>
      %dma_start3A_45 = arith.constant 0 : i32
      %dma_start3A_46 = tpu.memref_slice %arg4[%mul3A_19, %dma_start3A_45] : memref<1256x128xi32, #tpu.memory_space<hbm>> -> memref<8x128xi32, #tpu.memory_space<hbm>>
      tpu.enqueue_dma source(%dma_start3A_46 : memref<8x128xi32, #tpu.memory_space<hbm>>) target(%arg8 : memref<8x128xi32, #tpu.memory_space<vmem>>) target_semaphore(%run_scoped3A : memref<!tpu.dma_semaphore, #tpu.memory_space<semaphore_mem>>)
      %dma_wait3A = arith.constant 0 : i32
      %dma_wait3A_47 = tpu.memref_slice %arg4[%mul3A_19, %dma_wait3A] : memref<1256x128xi32, #tpu.memory_space<hbm>> -> memref<8x128xi32, #tpu.memory_space<hbm>>
      %dma_wait3A_48 = arith.constant 0 : i32
      %dma_wait3A_49 = tpu.memref_slice %arg4[%mul3A_19, %dma_wait3A_48] : memref<1256x128xi32, #tpu.memory_space<hbm>> -> memref<8x128xi32, #tpu.memory_space<hbm>>
      tpu.wait_dma2 semaphore(%run_scoped3A : memref<!tpu.dma_semaphore, #tpu.memory_space<semaphore_mem>>) src(%dma_wait3A_49 : memref<8x128xi32, #tpu.memory_space<hbm>>) dst(%arg8 : memref<8x128xi32, #tpu.memory_space<vmem>>)
      tpu.yield
    }) : () -> ()
    "tpu.region"() ({
      %run_scoped3A = tpu.sem_alloc : memref<!tpu.dma_semaphore, #tpu.memory_space<semaphore_mem>>
      %dma_start3A = arith.constant 0 : i32
      %dma_start3A_44 = tpu.memref_slice %arg5[%mul3A_19, %dma_start3A] : memref<1256x128xi32, #tpu.memory_space<hbm>> -> memref<8x128xi32, #tpu.memory_space<hbm>>
      %dma_start3A_45 = arith.constant 0 : i32
      %dma_start3A_46 = tpu.memref_slice %arg5[%mul3A_19, %dma_start3A_45] : memref<1256x128xi32, #tpu.memory_space<hbm>> -> memref<8x128xi32, #tpu.memory_space<hbm>>
      tpu.enqueue_dma source(%dma_start3A_46 : memref<8x128xi32, #tpu.memory_space<hbm>>) target(%arg9 : memref<8x128xi32, #tpu.memory_space<vmem>>) target_semaphore(%run_scoped3A : memref<!tpu.dma_semaphore, #tpu.memory_space<semaphore_mem>>)
      %dma_wait3A = arith.constant 0 : i32
      %dma_wait3A_47 = tpu.memref_slice %arg5[%mul3A_19, %dma_wait3A] : memref<1256x128xi32, #tpu.memory_space<hbm>> -> memref<8x128xi32, #tpu.memory_space<hbm>>
      %dma_wait3A_48 = arith.constant 0 : i32
      %dma_wait3A_49 = tpu.memref_slice %arg5[%mul3A_19, %dma_wait3A_48] : memref<1256x128xi32, #tpu.memory_space<hbm>> -> memref<8x128xi32, #tpu.memory_space<hbm>>
      tpu.wait_dma2 semaphore(%run_scoped3A : memref<!tpu.dma_semaphore, #tpu.memory_space<semaphore_mem>>) src(%dma_wait3A_49 : memref<8x128xi32, #tpu.memory_space<hbm>>) dst(%arg9 : memref<8x128xi32, #tpu.memory_space<vmem>>)
      tpu.yield
    }) : () -> ()
    %eq3A_25 = arith.constant 0 : i32
    %eq3A_26 = arith.cmpi eq, %arg0, %eq3A_25 : i32
    %convert_element_type3A = arith.extui %eq3A_26 : i1 to i32
    %cond3A = arith.constant 0 : i32
    %cond3A_27 = arith.cmpi ne, %convert_element_type3A, %cond3A : i32
    scf.if %cond3A_27 {
      %dma_start3A = arith.constant 0 : i32
      %dma_start3A_44 = arith.constant 0 : i32
      %dma_start3A_45 = tpu.memref_slice %arg8[%dma_start3A, %dma_start3A_44] : memref<8x128xi32, #tpu.memory_space<vmem>> -> memref<1x128xi32, #tpu.memory_space<vmem>>
      %dma_start3A_46 = tpu.memref_squeeze %dma_start3A_45 : memref<1x128xi32, #tpu.memory_space<vmem>> -> memref<128xi32, #tpu.memory_space<vmem>>
      %dma_start3A_47 = arith.constant 0 : i32
      %dma_start3A_48 = arith.constant 0 : i32
      %dma_start3A_49 = tpu.memref_slice %arg2[%dma_start3A_47, %dma_start3A_48] : memref<10000x128xf32, #tpu.memory_space<hbm>> -> memref<10000x128xf32, #tpu.memory_space<hbm>>
      tpu.enqueue_indirect_dma source(%dma_start3A_49 : memref<10000x128xf32, #tpu.memory_space<hbm>>) target(%arg10 : memref<128x128xf32, #tpu.memory_space<vmem>>) offsets(%dma_start3A_46 : memref<128xi32, #tpu.memory_space<vmem>>) semaphore(%arg14 : memref<!tpu.dma_semaphore, #tpu.memory_space<semaphore_mem>>)
      %while3A_50 = arith.constant 0 : i32
      %while3A_51 = arith.constant 0 : i32
      %while3A_52 = arith.subi %select_n3A_24, %while3A_50 : i32
      %while3A_53 = arith.addi %while3A_50, %while3A_52 : i32
      %while3A_54 = arith.constant 1 : i32
      %while3A_55 = arith.divsi %while3A_52, %while3A_54 : i32
      %while3A_56 = arith.muli %while3A_55, %while3A_54 : i32
      %while3A_57 = arith.addi %while3A_50, %while3A_56 : i32
      %while3A_58 = arith.constant 1 : i32
      %while3A_59 = scf.for %while3A_62 = %while3A_50 to %while3A_57 step %while3A_58 iter_args(%while3A_63 = %while3A_51) -> (i32)  : i32 {
        %jit3A_64 = arith.constant 2 : i32
        %eq3A_65 = arith.constant 0 : i32
        %eq3A_66 = arith.cmpi eq, %jit3A_64, %eq3A_65 : i32
        %jit3A_67 = arith.constant 1 : i32
        %select_n3A_68 = arith.select %eq3A_66, %jit3A_67, %jit3A_64 : i32
        %rem3A = arith.remsi %while3A_62, %select_n3A_68 : i32
        %ne3A = arith.constant 0 : i32
        %ne3A_69 = arith.cmpi ne, %rem3A, %ne3A : i32
        %lt3A = arith.constant 0 : i32
        %lt3A_70 = arith.cmpi slt, %rem3A, %lt3A : i32
        %lt3A_71 = arith.constant 0 : i32
        %lt3A_72 = arith.cmpi slt, %select_n3A_68, %lt3A_71 : i32
        %ne3A_73 = arith.xori %lt3A_70, %lt3A_72 : i1
        %and3A = arith.andi %ne3A_73, %ne3A_69 : i1
        %add3A = arith.addi %rem3A, %select_n3A_68 : i32
        %select_n3A_74 = arith.select %and3A, %add3A, %rem3A : i32
        %eq3A_75 = arith.constant 0 : i32
        %eq3A_76 = arith.cmpi eq, %select_n3A_74, %eq3A_75 : i32
        %convert_element_type3A_77 = arith.extui %eq3A_76 : i1 to i32
        %cond3A_78 = arith.constant 0 : i32
        %cond3A_79 = arith.cmpi ne, %convert_element_type3A_77, %cond3A_78 : i32
        scf.if %cond3A_79 {
          %add3A_102 = arith.constant 1 : i32
          %add3A_103 = arith.addi %while3A_62, %add3A_102 : i32
          %jit3A_104 = arith.constant 8 : i32
          %eq3A_105 = arith.constant 0 : i32
          %eq3A_106 = arith.cmpi eq, %jit3A_104, %eq3A_105 : i32
          %jit3A_107 = arith.constant 1 : i32
          %select_n3A_108 = arith.select %eq3A_106, %jit3A_107, %jit3A_104 : i32
          %rem3A_109 = arith.remsi %add3A_103, %select_n3A_108 : i32
          %ne3A_110 = arith.constant 0 : i32
          %ne3A_111 = arith.cmpi ne, %rem3A_109, %ne3A_110 : i32
          %lt3A_112 = arith.constant 0 : i32
          %lt3A_113 = arith.cmpi slt, %rem3A_109, %lt3A_112 : i32
          %lt3A_114 = arith.constant 0 : i32
          %lt3A_115 = arith.cmpi slt, %select_n3A_108, %lt3A_114 : i32
          %ne3A_116 = arith.xori %lt3A_113, %lt3A_115 : i1
          %and3A_117 = arith.andi %ne3A_116, %ne3A_111 : i1
          %add3A_118 = arith.addi %rem3A_109, %select_n3A_108 : i32
          %select_n3A_119 = arith.select %and3A_117, %add3A_118, %rem3A_109 : i32
          %eq3A_120 = arith.constant 0 : i32
          %eq3A_121 = arith.cmpi eq, %select_n3A_119, %eq3A_120 : i32
          %add3A_122 = arith.constant 1 : i32
          %add3A_123 = arith.addi %while3A_62, %add3A_122 : i32
          %lt3A_124 = arith.cmpi slt, %add3A_123, %select_n3A_24 : i32
          %and3A_125 = arith.andi %eq3A_121, %lt3A_124 : i1
          %jit3A_126 = arith.constant 8 : i32
          %eq3A_127 = arith.constant 0 : i32
          %eq3A_128 = arith.cmpi eq, %jit3A_126, %eq3A_127 : i32
          %jit3A_129 = arith.constant 1 : i32
          %select_n3A_130 = arith.select %eq3A_128, %jit3A_129, %jit3A_126 : i32
          %rem3A_131 = arith.remsi %while3A_62, %select_n3A_130 : i32
          %ne3A_132 = arith.constant 0 : i32
          %ne3A_133 = arith.cmpi ne, %rem3A_131, %ne3A_132 : i32
          %lt3A_134 = arith.constant 0 : i32
          %lt3A_135 = arith.cmpi slt, %rem3A_131, %lt3A_134 : i32
          %lt3A_136 = arith.constant 0 : i32
          %lt3A_137 = arith.cmpi slt, %select_n3A_130, %lt3A_136 : i32
          %ne3A_138 = arith.xori %lt3A_135, %lt3A_137 : i1
          %and3A_139 = arith.andi %ne3A_138, %ne3A_133 : i1
          %add3A_140 = arith.addi %rem3A_131, %select_n3A_130 : i32
          %select_n3A_141 = arith.select %and3A_139, %add3A_140, %rem3A_131 : i32
          %dma_wait3A = arith.constant 0 : i32
          %dma_wait3A_142 = tpu.memref_slice %arg8[%select_n3A_141, %dma_wait3A] : memref<8x128xi32, #tpu.memory_space<vmem>> -> memref<1x128xi32, #tpu.memory_space<vmem>>
          %dma_wait3A_143 = tpu.memref_squeeze %dma_wait3A_142 : memref<1x128xi32, #tpu.memory_space<vmem>> -> memref<128xi32, #tpu.memory_space<vmem>>
          %dma_wait3A_144 = arith.constant 0 : i32
          %dma_wait3A_145 = arith.constant 0 : i32
          %dma_wait3A_146 = tpu.memref_slice %arg2[%dma_wait3A_144, %dma_wait3A_145] : memref<10000x128xf32, #tpu.memory_space<hbm>> -> memref<10000x128xf32, #tpu.memory_space<hbm>>
          tpu.wait_indirect_dma semaphore(%arg14 : memref<!tpu.dma_semaphore, #tpu.memory_space<semaphore_mem>>) src(%dma_wait3A_146 : memref<10000x128xf32, #tpu.memory_space<hbm>>) dst(%arg10 : memref<128x128xf32, #tpu.memory_space<vmem>>)
          %convert_element_type3A_147 = arith.extui %and3A_125 : i1 to i32
          %cond3A_148 = arith.constant 0 : i32
          %cond3A_149 = arith.cmpi ne, %convert_element_type3A_147, %cond3A_148 : i32
          scf.if %cond3A_149 {
            %add3A_175 = arith.constant 1 : i32
            %add3A_176 = arith.addi %while3A_62, %add3A_175 : i32
            %jit3A_177 = arith.constant 8 : i32
            %div3A = arith.divsi %add3A_176, %jit3A_177 : i32
            %sign3A = arith.constant 0 : i32
            %sign3A_178 = arith.cmpi sgt, %add3A_176, %sign3A : i32
            %sign3A_179 = arith.extui %sign3A_178 : i1 to i32
            %sign3A_180 = arith.constant 0 : i32
            %sign3A_181 = arith.cmpi slt, %add3A_176, %sign3A_180 : i32
            %sign3A_182 = arith.extui %sign3A_181 : i1 to i32
            %sign3A_183 = arith.subi %sign3A_179, %sign3A_182 : i32
            %sign3A_184 = arith.constant 0 : i32
            %sign3A_185 = arith.cmpi sgt, %jit3A_177, %sign3A_184 : i32
            %sign3A_186 = arith.extui %sign3A_185 : i1 to i32
            %sign3A_187 = arith.constant 0 : i32
            %sign3A_188 = arith.cmpi slt, %jit3A_177, %sign3A_187 : i32
            %sign3A_189 = arith.extui %sign3A_188 : i1 to i32
            %sign3A_190 = arith.subi %sign3A_186, %sign3A_189 : i32
            %ne3A_191 = arith.cmpi ne, %sign3A_183, %sign3A_190 : i32
            %rem3A_192 = arith.remsi %add3A_176, %jit3A_177 : i32
            %ne3A_193 = arith.constant 0 : i32
            %ne3A_194 = arith.cmpi ne, %rem3A_192, %ne3A_193 : i32
            %and3A_195 = arith.andi %ne3A_191, %ne3A_194 : i1
            %sub3A = arith.constant 1 : i32
            %sub3A_196 = arith.subi %div3A, %sub3A : i32
            %select_n3A_197 = arith.select %and3A_195, %sub3A_196, %div3A : i32
            %mul3A_198 = arith.constant 8 : i32
            %mul3A_199 = arith.muli %select_n3A_197, %mul3A_198 : i32
            %add3A_200 = arith.addi %mul3A_19, %mul3A_199 : i32
            "tpu.region"() ({
              %run_scoped3A = tpu.sem_alloc : memref<!tpu.dma_semaphore, #tpu.memory_space<semaphore_mem>>
              %dma_start3A_201 = arith.constant 0 : i32
              %dma_start3A_202 = tpu.memref_slice %arg4[%add3A_200, %dma_start3A_201] : memref<1256x128xi32, #tpu.memory_space<hbm>> -> memref<8x128xi32, #tpu.memory_space<hbm>>
              %dma_start3A_203 = arith.constant 0 : i32
              %dma_start3A_204 = tpu.memref_slice %arg4[%add3A_200, %dma_start3A_203] : memref<1256x128xi32, #tpu.memory_space<hbm>> -> memref<8x128xi32, #tpu.memory_space<hbm>>
              tpu.enqueue_dma source(%dma_start3A_204 : memref<8x128xi32, #tpu.memory_space<hbm>>) target(%arg8 : memref<8x128xi32, #tpu.memory_space<vmem>>) target_semaphore(%run_scoped3A : memref<!tpu.dma_semaphore, #tpu.memory_space<semaphore_mem>>)
              %dma_wait3A_205 = arith.constant 0 : i32
              %dma_wait3A_206 = tpu.memref_slice %arg4[%add3A_200, %dma_wait3A_205] : memref<1256x128xi32, #tpu.memory_space<hbm>> -> memref<8x128xi32, #tpu.memory_space<hbm>>
              %dma_wait3A_207 = arith.constant 0 : i32
              %dma_wait3A_208 = tpu.memref_slice %arg4[%add3A_200, %dma_wait3A_207] : memref<1256x128xi32, #tpu.memory_space<hbm>> -> memref<8x128xi32, #tpu.memory_space<hbm>>
              tpu.wait_dma2 semaphore(%run_scoped3A : memref<!tpu.dma_semaphore, #tpu.memory_space<semaphore_mem>>) src(%dma_wait3A_208 : memref<8x128xi32, #tpu.memory_space<hbm>>) dst(%arg8 : memref<8x128xi32, #tpu.memory_space<vmem>>)
              tpu.yield
            }) : () -> ()
          } else {
          }
          %add3A_150 = arith.constant 1 : i32
          %add3A_151 = arith.addi %while3A_62, %add3A_150 : i32
          %lt3A_152 = arith.cmpi slt, %add3A_151, %select_n3A_24 : i32
          %convert_element_type3A_153 = arith.extui %lt3A_152 : i1 to i32
          %cond3A_154 = arith.constant 0 : i32
          %cond3A_155 = arith.cmpi ne, %convert_element_type3A_153, %cond3A_154 : i32
          scf.if %cond3A_155 {
            %add3A_175 = arith.constant 1 : i32
            %add3A_176 = arith.addi %while3A_62, %add3A_175 : i32
            %jit3A_177 = arith.constant 8 : i32
            %eq3A_178 = arith.constant 0 : i32
            %eq3A_179 = arith.cmpi eq, %jit3A_177, %eq3A_178 : i32
            %jit3A_180 = arith.constant 1 : i32
            %select_n3A_181 = arith.select %eq3A_179, %jit3A_180, %jit3A_177 : i32
            %rem3A_182 = arith.remsi %add3A_176, %select_n3A_181 : i32
            %ne3A_183 = arith.constant 0 : i32
            %ne3A_184 = arith.cmpi ne, %rem3A_182, %ne3A_183 : i32
            %lt3A_185 = arith.constant 0 : i32
            %lt3A_186 = arith.cmpi slt, %rem3A_182, %lt3A_185 : i32
            %lt3A_187 = arith.constant 0 : i32
            %lt3A_188 = arith.cmpi slt, %select_n3A_181, %lt3A_187 : i32
            %ne3A_189 = arith.xori %lt3A_186, %lt3A_188 : i1
            %and3A_190 = arith.andi %ne3A_189, %ne3A_184 : i1
            %add3A_191 = arith.addi %rem3A_182, %select_n3A_181 : i32
            %select_n3A_192 = arith.select %and3A_190, %add3A_191, %rem3A_182 : i32
            %dma_start3A_193 = arith.constant 0 : i32
            %dma_start3A_194 = tpu.memref_slice %arg8[%select_n3A_192, %dma_start3A_193] : memref<8x128xi32, #tpu.memory_space<vmem>> -> memref<1x128xi32, #tpu.memory_space<vmem>>
            %dma_start3A_195 = tpu.memref_squeeze %dma_start3A_194 : memref<1x128xi32, #tpu.memory_space<vmem>> -> memref<128xi32, #tpu.memory_space<vmem>>
            %dma_start3A_196 = arith.constant 0 : i32
            %dma_start3A_197 = arith.constant 0 : i32
            %dma_start3A_198 = tpu.memref_slice %arg2[%dma_start3A_196, %dma_start3A_197] : memref<10000x128xf32, #tpu.memory_space<hbm>> -> memref<10000x128xf32, #tpu.memory_space<hbm>>
            tpu.enqueue_indirect_dma source(%dma_start3A_198 : memref<10000x128xf32, #tpu.memory_space<hbm>>) target(%arg11 : memref<128x128xf32, #tpu.memory_space<vmem>>) offsets(%dma_start3A_195 : memref<128xi32, #tpu.memory_space<vmem>>) semaphore(%arg15 : memref<!tpu.dma_semaphore, #tpu.memory_space<semaphore_mem>>)
          } else {
          }
          %jit3A_156 = arith.constant 8 : i32
          %eq3A_157 = arith.constant 0 : i32
          %eq3A_158 = arith.cmpi eq, %jit3A_156, %eq3A_157 : i32
          %jit3A_159 = arith.constant 1 : i32
          %select_n3A_160 = arith.select %eq3A_158, %jit3A_159, %jit3A_156 : i32
          %rem3A_161 = arith.remsi %while3A_62, %select_n3A_160 : i32
          %ne3A_162 = arith.constant 0 : i32
          %ne3A_163 = arith.cmpi ne, %rem3A_161, %ne3A_162 : i32
          %lt3A_164 = arith.constant 0 : i32
          %lt3A_165 = arith.cmpi slt, %rem3A_161, %lt3A_164 : i32
          %lt3A_166 = arith.constant 0 : i32
          %lt3A_167 = arith.cmpi slt, %select_n3A_160, %lt3A_166 : i32
          %ne3A_168 = arith.xori %lt3A_165, %lt3A_167 : i1
          %and3A_169 = arith.andi %ne3A_168, %ne3A_163 : i1
          %add3A_170 = arith.addi %rem3A_161, %select_n3A_160 : i32
          %select_n3A_171 = arith.select %and3A_169, %add3A_170, %rem3A_161 : i32
          "tpu.region"() ({
            %run_scoped3A = tpu.sem_alloc : memref<!tpu.dma_semaphore, #tpu.memory_space<semaphore_mem>>
            %dma_start3A_175 = arith.constant 0 : i32
            %dma_start3A_176 = tpu.memref_slice %arg9[%select_n3A_171, %dma_start3A_175] : memref<8x128xi32, #tpu.memory_space<vmem>> -> memref<1x128xi32, #tpu.memory_space<vmem>>
            %dma_start3A_177 = tpu.memref_squeeze %dma_start3A_176 : memref<1x128xi32, #tpu.memory_space<vmem>> -> memref<128xi32, #tpu.memory_space<vmem>>
            %dma_start3A_178 = arith.constant 0 : i32
            %dma_start3A_179 = arith.constant 0 : i32
            %dma_start3A_180 = tpu.memref_slice %arg13[%dma_start3A_178, %dma_start3A_179] : memref<10008x128xf32, #tpu.memory_space<vmem_shared>> -> memref<10008x128xf32, #tpu.memory_space<vmem_shared>>
            tpu.enqueue_indirect_dma source(%arg10 : memref<128x128xf32, #tpu.memory_space<vmem>>) target(%dma_start3A_180 : memref<10008x128xf32, #tpu.memory_space<vmem_shared>>) offsets(%dma_start3A_177 : memref<128xi32, #tpu.memory_space<vmem>>) semaphore(%run_scoped3A : memref<!tpu.dma_semaphore, #tpu.memory_space<semaphore_mem>>) {add = true}
            %dma_wait3A_181 = arith.constant 0 : i32
            %dma_wait3A_182 = tpu.memref_slice %arg9[%select_n3A_171, %dma_wait3A_181] : memref<8x128xi32, #tpu.memory_space<vmem>> -> memref<1x128xi32, #tpu.memory_space<vmem>>
            %dma_wait3A_183 = tpu.memref_squeeze %dma_wait3A_182 : memref<1x128xi32, #tpu.memory_space<vmem>> -> memref<128xi32, #tpu.memory_space<vmem>>
            %dma_wait3A_184 = arith.constant 0 : i32
            %dma_wait3A_185 = arith.constant 0 : i32
            %dma_wait3A_186 = tpu.memref_slice %arg13[%dma_wait3A_184, %dma_wait3A_185] : memref<10008x128xf32, #tpu.memory_space<vmem_shared>> -> memref<10008x128xf32, #tpu.memory_space<vmem_shared>>
            tpu.wait_indirect_dma semaphore(%run_scoped3A : memref<!tpu.dma_semaphore, #tpu.memory_space<semaphore_mem>>) src(%arg10 : memref<128x128xf32, #tpu.memory_space<vmem>>) dst(%dma_wait3A_186 : memref<10008x128xf32, #tpu.memory_space<vmem_shared>>)
            tpu.yield
          }) : () -> ()
          %convert_element_type3A_172 = arith.extui %and3A_125 : i1 to i32
          %cond3A_173 = arith.constant 0 : i32
          %cond3A_174 = arith.cmpi ne, %convert_element_type3A_172, %cond3A_173 : i32
          scf.if %cond3A_174 {
            %add3A_175 = arith.constant 1 : i32
            %add3A_176 = arith.addi %while3A_62, %add3A_175 : i32
            %jit3A_177 = arith.constant 8 : i32
            %div3A = arith.divsi %add3A_176, %jit3A_177 : i32
            %sign3A = arith.constant 0 : i32
            %sign3A_178 = arith.cmpi sgt, %add3A_176, %sign3A : i32
            %sign3A_179 = arith.extui %sign3A_178 : i1 to i32
            %sign3A_180 = arith.constant 0 : i32
            %sign3A_181 = arith.cmpi slt, %add3A_176, %sign3A_180 : i32
            %sign3A_182 = arith.extui %sign3A_181 : i1 to i32
            %sign3A_183 = arith.subi %sign3A_179, %sign3A_182 : i32
            %sign3A_184 = arith.constant 0 : i32
            %sign3A_185 = arith.cmpi sgt, %jit3A_177, %sign3A_184 : i32
            %sign3A_186 = arith.extui %sign3A_185 : i1 to i32
            %sign3A_187 = arith.constant 0 : i32
            %sign3A_188 = arith.cmpi slt, %jit3A_177, %sign3A_187 : i32
            %sign3A_189 = arith.extui %sign3A_188 : i1 to i32
            %sign3A_190 = arith.subi %sign3A_186, %sign3A_189 : i32
            %ne3A_191 = arith.cmpi ne, %sign3A_183, %sign3A_190 : i32
            %rem3A_192 = arith.remsi %add3A_176, %jit3A_177 : i32
            %ne3A_193 = arith.constant 0 : i32
            %ne3A_194 = arith.cmpi ne, %rem3A_192, %ne3A_193 : i32
            %and3A_195 = arith.andi %ne3A_191, %ne3A_194 : i1
            %sub3A = arith.constant 1 : i32
            %sub3A_196 = arith.subi %div3A, %sub3A : i32
            %select_n3A_197 = arith.select %and3A_195, %sub3A_196, %div3A : i32
            %mul3A_198 = arith.constant 8 : i32
            %mul3A_199 = arith.muli %select_n3A_197, %mul3A_198 : i32
            %add3A_200 = arith.addi %mul3A_19, %mul3A_199 : i32
            "tpu.region"() ({
              %run_scoped3A = tpu.sem_alloc : memref<!tpu.dma_semaphore, #tpu.memory_space<semaphore_mem>>
              %dma_start3A_201 = arith.constant 0 : i32
              %dma_start3A_202 = tpu.memref_slice %arg5[%add3A_200, %dma_start3A_201] : memref<1256x128xi32, #tpu.memory_space<hbm>> -> memref<8x128xi32, #tpu.memory_space<hbm>>
              %dma_start3A_203 = arith.constant 0 : i32
              %dma_start3A_204 = tpu.memref_slice %arg5[%add3A_200, %dma_start3A_203] : memref<1256x128xi32, #tpu.memory_space<hbm>> -> memref<8x128xi32, #tpu.memory_space<hbm>>
              tpu.enqueue_dma source(%dma_start3A_204 : memref<8x128xi32, #tpu.memory_space<hbm>>) target(%arg9 : memref<8x128xi32, #tpu.memory_space<vmem>>) target_semaphore(%run_scoped3A : memref<!tpu.dma_semaphore, #tpu.memory_space<semaphore_mem>>)
              %dma_wait3A_205 = arith.constant 0 : i32
              %dma_wait3A_206 = tpu.memref_slice %arg5[%add3A_200, %dma_wait3A_205] : memref<1256x128xi32, #tpu.memory_space<hbm>> -> memref<8x128xi32, #tpu.memory_space<hbm>>
              %dma_wait3A_207 = arith.constant 0 : i32
              %dma_wait3A_208 = tpu.memref_slice %arg5[%add3A_200, %dma_wait3A_207] : memref<1256x128xi32, #tpu.memory_space<hbm>> -> memref<8x128xi32, #tpu.memory_space<hbm>>
              tpu.wait_dma2 semaphore(%run_scoped3A : memref<!tpu.dma_semaphore, #tpu.memory_space<semaphore_mem>>) src(%dma_wait3A_208 : memref<8x128xi32, #tpu.memory_space<hbm>>) dst(%arg9 : memref<8x128xi32, #tpu.memory_space<vmem>>)
              tpu.yield
            }) : () -> ()
          } else {
          }
        } else {
        }
        %jit3A_80 = arith.constant 2 : i32
        %eq3A_81 = arith.constant 0 : i32
        %eq3A_82 = arith.cmpi eq, %jit3A_80, %eq3A_81 : i32
        %jit3A_83 = arith.constant 1 : i32
        %select_n3A_84 = arith.select %eq3A_82, %jit3A_83, %jit3A_80 : i32
        %rem3A_85 = arith.remsi %while3A_62, %select_n3A_84 : i32
        %ne3A_86 = arith.constant 0 : i32
        %ne3A_87 = arith.cmpi ne, %rem3A_85, %ne3A_86 : i32
        %lt3A_88 = arith.constant 0 : i32
        %lt3A_89 = arith.cmpi slt, %rem3A_85, %lt3A_88 : i32
        %lt3A_90 = arith.constant 0 : i32
        %lt3A_91 = arith.cmpi slt, %select_n3A_84, %lt3A_90 : i32
        %ne3A_92 = arith.xori %lt3A_89, %lt3A_91 : i1
        %and3A_93 = arith.andi %ne3A_92, %ne3A_87 : i1
        %add3A_94 = arith.addi %rem3A_85, %select_n3A_84 : i32
        %select_n3A_95 = arith.select %and3A_93, %add3A_94, %rem3A_85 : i32
        %eq3A_96 = arith.constant 1 : i32
        %eq3A_97 = arith.cmpi eq, %select_n3A_95, %eq3A_96 : i32
        %convert_element_type3A_98 = arith.extui %eq3A_97 : i1 to i32
        %cond3A_99 = arith.constant 0 : i32
        %cond3A_100 = arith.cmpi ne, %convert_element_type3A_98, %cond3A_99 : i32
        scf.if %cond3A_100 {
          %add3A_102 = arith.constant 1 : i32
          %add3A_103 = arith.addi %while3A_62, %add3A_102 : i32
          %jit3A_104 = arith.constant 8 : i32
          %eq3A_105 = arith.constant 0 : i32
          %eq3A_106 = arith.cmpi eq, %jit3A_104, %eq3A_105 : i32
          %jit3A_107 = arith.constant 1 : i32
          %select_n3A_108 = arith.select %eq3A_106, %jit3A_107, %jit3A_104 : i32
          %rem3A_109 = arith.remsi %add3A_103, %select_n3A_108 : i32
          %ne3A_110 = arith.constant 0 : i32
          %ne3A_111 = arith.cmpi ne, %rem3A_109, %ne3A_110 : i32
          %lt3A_112 = arith.constant 0 : i32
          %lt3A_113 = arith.cmpi slt, %rem3A_109, %lt3A_112 : i32
          %lt3A_114 = arith.constant 0 : i32
          %lt3A_115 = arith.cmpi slt, %select_n3A_108, %lt3A_114 : i32
          %ne3A_116 = arith.xori %lt3A_113, %lt3A_115 : i1
          %and3A_117 = arith.andi %ne3A_116, %ne3A_111 : i1
          %add3A_118 = arith.addi %rem3A_109, %select_n3A_108 : i32
          %select_n3A_119 = arith.select %and3A_117, %add3A_118, %rem3A_109 : i32
          %eq3A_120 = arith.constant 0 : i32
          %eq3A_121 = arith.cmpi eq, %select_n3A_119, %eq3A_120 : i32
          %add3A_122 = arith.constant 1 : i32
          %add3A_123 = arith.addi %while3A_62, %add3A_122 : i32
          %lt3A_124 = arith.cmpi slt, %add3A_123, %select_n3A_24 : i32
          %and3A_125 = arith.andi %eq3A_121, %lt3A_124 : i1
          %jit3A_126 = arith.constant 8 : i32
          %eq3A_127 = arith.constant 0 : i32
          %eq3A_128 = arith.cmpi eq, %jit3A_126, %eq3A_127 : i32
          %jit3A_129 = arith.constant 1 : i32
          %select_n3A_130 = arith.select %eq3A_128, %jit3A_129, %jit3A_126 : i32
          %rem3A_131 = arith.remsi %while3A_62, %select_n3A_130 : i32
          %ne3A_132 = arith.constant 0 : i32
          %ne3A_133 = arith.cmpi ne, %rem3A_131, %ne3A_132 : i32
          %lt3A_134 = arith.constant 0 : i32
          %lt3A_135 = arith.cmpi slt, %rem3A_131, %lt3A_134 : i32
          %lt3A_136 = arith.constant 0 : i32
          %lt3A_137 = arith.cmpi slt, %select_n3A_130, %lt3A_136 : i32
          %ne3A_138 = arith.xori %lt3A_135, %lt3A_137 : i1
          %and3A_139 = arith.andi %ne3A_138, %ne3A_133 : i1
          %add3A_140 = arith.addi %rem3A_131, %select_n3A_130 : i32
          %select_n3A_141 = arith.select %and3A_139, %add3A_140, %rem3A_131 : i32
          %dma_wait3A = arith.constant 0 : i32
          %dma_wait3A_142 = tpu.memref_slice %arg8[%select_n3A_141, %dma_wait3A] : memref<8x128xi32, #tpu.memory_space<vmem>> -> memref<1x128xi32, #tpu.memory_space<vmem>>
          %dma_wait3A_143 = tpu.memref_squeeze %dma_wait3A_142 : memref<1x128xi32, #tpu.memory_space<vmem>> -> memref<128xi32, #tpu.memory_space<vmem>>
          %dma_wait3A_144 = arith.constant 0 : i32
          %dma_wait3A_145 = arith.constant 0 : i32
          %dma_wait3A_146 = tpu.memref_slice %arg2[%dma_wait3A_144, %dma_wait3A_145] : memref<10000x128xf32, #tpu.memory_space<hbm>> -> memref<10000x128xf32, #tpu.memory_space<hbm>>
          tpu.wait_indirect_dma semaphore(%arg15 : memref<!tpu.dma_semaphore, #tpu.memory_space<semaphore_mem>>) src(%dma_wait3A_146 : memref<10000x128xf32, #tpu.memory_space<hbm>>) dst(%arg11 : memref<128x128xf32, #tpu.memory_space<vmem>>)
          %convert_element_type3A_147 = arith.extui %and3A_125 : i1 to i32
          %cond3A_148 = arith.constant 0 : i32
          %cond3A_149 = arith.cmpi ne, %convert_element_type3A_147, %cond3A_148 : i32
          scf.if %cond3A_149 {
            %add3A_175 = arith.constant 1 : i32
            %add3A_176 = arith.addi %while3A_62, %add3A_175 : i32
            %jit3A_177 = arith.constant 8 : i32
            %div3A = arith.divsi %add3A_176, %jit3A_177 : i32
            %sign3A = arith.constant 0 : i32
            %sign3A_178 = arith.cmpi sgt, %add3A_176, %sign3A : i32
            %sign3A_179 = arith.extui %sign3A_178 : i1 to i32
            %sign3A_180 = arith.constant 0 : i32
            %sign3A_181 = arith.cmpi slt, %add3A_176, %sign3A_180 : i32
            %sign3A_182 = arith.extui %sign3A_181 : i1 to i32
            %sign3A_183 = arith.subi %sign3A_179, %sign3A_182 : i32
            %sign3A_184 = arith.constant 0 : i32
            %sign3A_185 = arith.cmpi sgt, %jit3A_177, %sign3A_184 : i32
            %sign3A_186 = arith.extui %sign3A_185 : i1 to i32
            %sign3A_187 = arith.constant 0 : i32
            %sign3A_188 = arith.cmpi slt, %jit3A_177, %sign3A_187 : i32
            %sign3A_189 = arith.extui %sign3A_188 : i1 to i32
            %sign3A_190 = arith.subi %sign3A_186, %sign3A_189 : i32
            %ne3A_191 = arith.cmpi ne, %sign3A_183, %sign3A_190 : i32
            %rem3A_192 = arith.remsi %add3A_176, %jit3A_177 : i32
            %ne3A_193 = arith.constant 0 : i32
            %ne3A_194 = arith.cmpi ne, %rem3A_192, %ne3A_193 : i32
            %and3A_195 = arith.andi %ne3A_191, %ne3A_194 : i1
            %sub3A = arith.constant 1 : i32
            %sub3A_196 = arith.subi %div3A, %sub3A : i32
            %select_n3A_197 = arith.select %and3A_195, %sub3A_196, %div3A : i32
            %mul3A_198 = arith.constant 8 : i32
            %mul3A_199 = arith.muli %select_n3A_197, %mul3A_198 : i32
            %add3A_200 = arith.addi %mul3A_19, %mul3A_199 : i32
            "tpu.region"() ({
              %run_scoped3A = tpu.sem_alloc : memref<!tpu.dma_semaphore, #tpu.memory_space<semaphore_mem>>
              %dma_start3A_201 = arith.constant 0 : i32
              %dma_start3A_202 = tpu.memref_slice %arg4[%add3A_200, %dma_start3A_201] : memref<1256x128xi32, #tpu.memory_space<hbm>> -> memref<8x128xi32, #tpu.memory_space<hbm>>
              %dma_start3A_203 = arith.constant 0 : i32
              %dma_start3A_204 = tpu.memref_slice %arg4[%add3A_200, %dma_start3A_203] : memref<1256x128xi32, #tpu.memory_space<hbm>> -> memref<8x128xi32, #tpu.memory_space<hbm>>
              tpu.enqueue_dma source(%dma_start3A_204 : memref<8x128xi32, #tpu.memory_space<hbm>>) target(%arg8 : memref<8x128xi32, #tpu.memory_space<vmem>>) target_semaphore(%run_scoped3A : memref<!tpu.dma_semaphore, #tpu.memory_space<semaphore_mem>>)
              %dma_wait3A_205 = arith.constant 0 : i32
              %dma_wait3A_206 = tpu.memref_slice %arg4[%add3A_200, %dma_wait3A_205] : memref<1256x128xi32, #tpu.memory_space<hbm>> -> memref<8x128xi32, #tpu.memory_space<hbm>>
              %dma_wait3A_207 = arith.constant 0 : i32
              %dma_wait3A_208 = tpu.memref_slice %arg4[%add3A_200, %dma_wait3A_207] : memref<1256x128xi32, #tpu.memory_space<hbm>> -> memref<8x128xi32, #tpu.memory_space<hbm>>
              tpu.wait_dma2 semaphore(%run_scoped3A : memref<!tpu.dma_semaphore, #tpu.memory_space<semaphore_mem>>) src(%dma_wait3A_208 : memref<8x128xi32, #tpu.memory_space<hbm>>) dst(%arg8 : memref<8x128xi32, #tpu.memory_space<vmem>>)
              tpu.yield
            }) : () -> ()
          } else {
          }
          %add3A_150 = arith.constant 1 : i32
          %add3A_151 = arith.addi %while3A_62, %add3A_150 : i32
          %lt3A_152 = arith.cmpi slt, %add3A_151, %select_n3A_24 : i32
          %convert_element_type3A_153 = arith.extui %lt3A_152 : i1 to i32
          %cond3A_154 = arith.constant 0 : i32
          %cond3A_155 = arith.cmpi ne, %convert_element_type3A_153, %cond3A_154 : i32
          scf.if %cond3A_155 {
            %add3A_175 = arith.constant 1 : i32
            %add3A_176 = arith.addi %while3A_62, %add3A_175 : i32
            %jit3A_177 = arith.constant 8 : i32
            %eq3A_178 = arith.constant 0 : i32
            %eq3A_179 = arith.cmpi eq, %jit3A_177, %eq3A_178 : i32
            %jit3A_180 = arith.constant 1 : i32
            %select_n3A_181 = arith.select %eq3A_179, %jit3A_180, %jit3A_177 : i32
            %rem3A_182 = arith.remsi %add3A_176, %select_n3A_181 : i32
            %ne3A_183 = arith.constant 0 : i32
            %ne3A_184 = arith.cmpi ne, %rem3A_182, %ne3A_183 : i32
            %lt3A_185 = arith.constant 0 : i32
            %lt3A_186 = arith.cmpi slt, %rem3A_182, %lt3A_185 : i32
            %lt3A_187 = arith.constant 0 : i32
            %lt3A_188 = arith.cmpi slt, %select_n3A_181, %lt3A_187 : i32
            %ne3A_189 = arith.xori %lt3A_186, %lt3A_188 : i1
            %and3A_190 = arith.andi %ne3A_189, %ne3A_184 : i1
            %add3A_191 = arith.addi %rem3A_182, %select_n3A_181 : i32
            %select_n3A_192 = arith.select %and3A_190, %add3A_191, %rem3A_182 : i32
            %dma_start3A_193 = arith.constant 0 : i32
            %dma_start3A_194 = tpu.memref_slice %arg8[%select_n3A_192, %dma_start3A_193] : memref<8x128xi32, #tpu.memory_space<vmem>> -> memref<1x128xi32, #tpu.memory_space<vmem>>
            %dma_start3A_195 = tpu.memref_squeeze %dma_start3A_194 : memref<1x128xi32, #tpu.memory_space<vmem>> -> memref<128xi32, #tpu.memory_space<vmem>>
            %dma_start3A_196 = arith.constant 0 : i32
            %dma_start3A_197 = arith.constant 0 : i32
            %dma_start3A_198 = tpu.memref_slice %arg2[%dma_start3A_196, %dma_start3A_197] : memref<10000x128xf32, #tpu.memory_space<hbm>> -> memref<10000x128xf32, #tpu.memory_space<hbm>>
            tpu.enqueue_indirect_dma source(%dma_start3A_198 : memref<10000x128xf32, #tpu.memory_space<hbm>>) target(%arg10 : memref<128x128xf32, #tpu.memory_space<vmem>>) offsets(%dma_start3A_195 : memref<128xi32, #tpu.memory_space<vmem>>) semaphore(%arg14 : memref<!tpu.dma_semaphore, #tpu.memory_space<semaphore_mem>>)
          } else {
          }
          %jit3A_156 = arith.constant 8 : i32
          %eq3A_157 = arith.constant 0 : i32
          %eq3A_158 = arith.cmpi eq, %jit3A_156, %eq3A_157 : i32
          %jit3A_159 = arith.constant 1 : i32
          %select_n3A_160 = arith.select %eq3A_158, %jit3A_159, %jit3A_156 : i32
          %rem3A_161 = arith.remsi %while3A_62, %select_n3A_160 : i32
          %ne3A_162 = arith.constant 0 : i32
          %ne3A_163 = arith.cmpi ne, %rem3A_161, %ne3A_162 : i32
          %lt3A_164 = arith.constant 0 : i32
          %lt3A_165 = arith.cmpi slt, %rem3A_161, %lt3A_164 : i32
          %lt3A_166 = arith.constant 0 : i32
          %lt3A_167 = arith.cmpi slt, %select_n3A_160, %lt3A_166 : i32
          %ne3A_168 = arith.xori %lt3A_165, %lt3A_167 : i1
          %and3A_169 = arith.andi %ne3A_168, %ne3A_163 : i1
          %add3A_170 = arith.addi %rem3A_161, %select_n3A_160 : i32
          %select_n3A_171 = arith.select %and3A_169, %add3A_170, %rem3A_161 : i32
          "tpu.region"() ({
            %run_scoped3A = tpu.sem_alloc : memref<!tpu.dma_semaphore, #tpu.memory_space<semaphore_mem>>
            %dma_start3A_175 = arith.constant 0 : i32
            %dma_start3A_176 = tpu.memref_slice %arg9[%select_n3A_171, %dma_start3A_175] : memref<8x128xi32, #tpu.memory_space<vmem>> -> memref<1x128xi32, #tpu.memory_space<vmem>>
            %dma_start3A_177 = tpu.memref_squeeze %dma_start3A_176 : memref<1x128xi32, #tpu.memory_space<vmem>> -> memref<128xi32, #tpu.memory_space<vmem>>
            %dma_start3A_178 = arith.constant 0 : i32
            %dma_start3A_179 = arith.constant 0 : i32
            %dma_start3A_180 = tpu.memref_slice %arg13[%dma_start3A_178, %dma_start3A_179] : memref<10008x128xf32, #tpu.memory_space<vmem_shared>> -> memref<10008x128xf32, #tpu.memory_space<vmem_shared>>
            tpu.enqueue_indirect_dma source(%arg11 : memref<128x128xf32, #tpu.memory_space<vmem>>) target(%dma_start3A_180 : memref<10008x128xf32, #tpu.memory_space<vmem_shared>>) offsets(%dma_start3A_177 : memref<128xi32, #tpu.memory_space<vmem>>) semaphore(%run_scoped3A : memref<!tpu.dma_semaphore, #tpu.memory_space<semaphore_mem>>) {add = true}
            %dma_wait3A_181 = arith.constant 0 : i32
            %dma_wait3A_182 = tpu.memref_slice %arg9[%select_n3A_171, %dma_wait3A_181] : memref<8x128xi32, #tpu.memory_space<vmem>> -> memref<1x128xi32, #tpu.memory_space<vmem>>
            %dma_wait3A_183 = tpu.memref_squeeze %dma_wait3A_182 : memref<1x128xi32, #tpu.memory_space<vmem>> -> memref<128xi32, #tpu.memory_space<vmem>>
            %dma_wait3A_184 = arith.constant 0 : i32
            %dma_wait3A_185 = arith.constant 0 : i32
            %dma_wait3A_186 = tpu.memref_slice %arg13[%dma_wait3A_184, %dma_wait3A_185] : memref<10008x128xf32, #tpu.memory_space<vmem_shared>> -> memref<10008x128xf32, #tpu.memory_space<vmem_shared>>
            tpu.wait_indirect_dma semaphore(%run_scoped3A : memref<!tpu.dma_semaphore, #tpu.memory_space<semaphore_mem>>) src(%arg11 : memref<128x128xf32, #tpu.memory_space<vmem>>) dst(%dma_wait3A_186 : memref<10008x128xf32, #tpu.memory_space<vmem_shared>>)
            tpu.yield
          }) : () -> ()
          %convert_element_type3A_172 = arith.extui %and3A_125 : i1 to i32
          %cond3A_173 = arith.constant 0 : i32
          %cond3A_174 = arith.cmpi ne, %convert_element_type3A_172, %cond3A_173 : i32
          scf.if %cond3A_174 {
            %add3A_175 = arith.constant 1 : i32
            %add3A_176 = arith.addi %while3A_62, %add3A_175 : i32
            %jit3A_177 = arith.constant 8 : i32
            %div3A = arith.divsi %add3A_176, %jit3A_177 : i32
            %sign3A = arith.constant 0 : i32
            %sign3A_178 = arith.cmpi sgt, %add3A_176, %sign3A : i32
            %sign3A_179 = arith.extui %sign3A_178 : i1 to i32
            %sign3A_180 = arith.constant 0 : i32
            %sign3A_181 = arith.cmpi slt, %add3A_176, %sign3A_180 : i32
            %sign3A_182 = arith.extui %sign3A_181 : i1 to i32
            %sign3A_183 = arith.subi %sign3A_179, %sign3A_182 : i32
            %sign3A_184 = arith.constant 0 : i32
            %sign3A_185 = arith.cmpi sgt, %jit3A_177, %sign3A_184 : i32
            %sign3A_186 = arith.extui %sign3A_185 : i1 to i32
            %sign3A_187 = arith.constant 0 : i32
            %sign3A_188 = arith.cmpi slt, %jit3A_177, %sign3A_187 : i32
            %sign3A_189 = arith.extui %sign3A_188 : i1 to i32
            %sign3A_190 = arith.subi %sign3A_186, %sign3A_189 : i32
            %ne3A_191 = arith.cmpi ne, %sign3A_183, %sign3A_190 : i32
            %rem3A_192 = arith.remsi %add3A_176, %jit3A_177 : i32
            %ne3A_193 = arith.constant 0 : i32
            %ne3A_194 = arith.cmpi ne, %rem3A_192, %ne3A_193 : i32
            %and3A_195 = arith.andi %ne3A_191, %ne3A_194 : i1
            %sub3A = arith.constant 1 : i32
            %sub3A_196 = arith.subi %div3A, %sub3A : i32
            %select_n3A_197 = arith.select %and3A_195, %sub3A_196, %div3A : i32
            %mul3A_198 = arith.constant 8 : i32
            %mul3A_199 = arith.muli %select_n3A_197, %mul3A_198 : i32
            %add3A_200 = arith.addi %mul3A_19, %mul3A_199 : i32
            "tpu.region"() ({
              %run_scoped3A = tpu.sem_alloc : memref<!tpu.dma_semaphore, #tpu.memory_space<semaphore_mem>>
              %dma_start3A_201 = arith.constant 0 : i32
              %dma_start3A_202 = tpu.memref_slice %arg5[%add3A_200, %dma_start3A_201] : memref<1256x128xi32, #tpu.memory_space<hbm>> -> memref<8x128xi32, #tpu.memory_space<hbm>>
              %dma_start3A_203 = arith.constant 0 : i32
              %dma_start3A_204 = tpu.memref_slice %arg5[%add3A_200, %dma_start3A_203] : memref<1256x128xi32, #tpu.memory_space<hbm>> -> memref<8x128xi32, #tpu.memory_space<hbm>>
              tpu.enqueue_dma source(%dma_start3A_204 : memref<8x128xi32, #tpu.memory_space<hbm>>) target(%arg9 : memref<8x128xi32, #tpu.memory_space<vmem>>) target_semaphore(%run_scoped3A : memref<!tpu.dma_semaphore, #tpu.memory_space<semaphore_mem>>)
              %dma_wait3A_205 = arith.constant 0 : i32
              %dma_wait3A_206 = tpu.memref_slice %arg5[%add3A_200, %dma_wait3A_205] : memref<1256x128xi32, #tpu.memory_space<hbm>> -> memref<8x128xi32, #tpu.memory_space<hbm>>
              %dma_wait3A_207 = arith.constant 0 : i32
              %dma_wait3A_208 = tpu.memref_slice %arg5[%add3A_200, %dma_wait3A_207] : memref<1256x128xi32, #tpu.memory_space<hbm>> -> memref<8x128xi32, #tpu.memory_space<hbm>>
              tpu.wait_dma2 semaphore(%run_scoped3A : memref<!tpu.dma_semaphore, #tpu.memory_space<semaphore_mem>>) src(%dma_wait3A_208 : memref<8x128xi32, #tpu.memory_space<hbm>>) dst(%arg9 : memref<8x128xi32, #tpu.memory_space<vmem>>)
              tpu.yield
            }) : () -> ()
          } else {
          }
        } else {
        }
        %while3A_101 = arith.constant 0 : i32
        scf.yield %while3A_101 : i32
      }
      %while3A_60 = arith.constant 1 : i32
      %while3A_61 = scf.for %while3A_62 = %while3A_57 to %while3A_53 step %while3A_60 iter_args(%while3A_63 = %while3A_59) -> (i32)  : i32 {
        %jit3A_64 = arith.constant 2 : i32
        %eq3A_65 = arith.constant 0 : i32
        %eq3A_66 = arith.cmpi eq, %jit3A_64, %eq3A_65 : i32
        %jit3A_67 = arith.constant 1 : i32
        %select_n3A_68 = arith.select %eq3A_66, %jit3A_67, %jit3A_64 : i32
        %rem3A = arith.remsi %while3A_62, %select_n3A_68 : i32
        %ne3A = arith.constant 0 : i32
        %ne3A_69 = arith.cmpi ne, %rem3A, %ne3A : i32
        %lt3A = arith.constant 0 : i32
        %lt3A_70 = arith.cmpi slt, %rem3A, %lt3A : i32
        %lt3A_71 = arith.constant 0 : i32
        %lt3A_72 = arith.cmpi slt, %select_n3A_68, %lt3A_71 : i32
        %ne3A_73 = arith.xori %lt3A_70, %lt3A_72 : i1
        %and3A = arith.andi %ne3A_73, %ne3A_69 : i1
        %add3A = arith.addi %rem3A, %select_n3A_68 : i32
        %select_n3A_74 = arith.select %and3A, %add3A, %rem3A : i32
        %eq3A_75 = arith.constant 0 : i32
        %eq3A_76 = arith.cmpi eq, %select_n3A_74, %eq3A_75 : i32
        %convert_element_type3A_77 = arith.extui %eq3A_76 : i1 to i32
        %cond3A_78 = arith.constant 0 : i32
        %cond3A_79 = arith.cmpi ne, %convert_element_type3A_77, %cond3A_78 : i32
        scf.if %cond3A_79 {
          %add3A_102 = arith.constant 1 : i32
          %add3A_103 = arith.addi %while3A_62, %add3A_102 : i32
          %jit3A_104 = arith.constant 8 : i32
          %eq3A_105 = arith.constant 0 : i32
          %eq3A_106 = arith.cmpi eq, %jit3A_104, %eq3A_105 : i32
          %jit3A_107 = arith.constant 1 : i32
          %select_n3A_108 = arith.select %eq3A_106, %jit3A_107, %jit3A_104 : i32
          %rem3A_109 = arith.remsi %add3A_103, %select_n3A_108 : i32
          %ne3A_110 = arith.constant 0 : i32
          %ne3A_111 = arith.cmpi ne, %rem3A_109, %ne3A_110 : i32
          %lt3A_112 = arith.constant 0 : i32
          %lt3A_113 = arith.cmpi slt, %rem3A_109, %lt3A_112 : i32
          %lt3A_114 = arith.constant 0 : i32
          %lt3A_115 = arith.cmpi slt, %select_n3A_108, %lt3A_114 : i32
          %ne3A_116 = arith.xori %lt3A_113, %lt3A_115 : i1
          %and3A_117 = arith.andi %ne3A_116, %ne3A_111 : i1
          %add3A_118 = arith.addi %rem3A_109, %select_n3A_108 : i32
          %select_n3A_119 = arith.select %and3A_117, %add3A_118, %rem3A_109 : i32
          %eq3A_120 = arith.constant 0 : i32
          %eq3A_121 = arith.cmpi eq, %select_n3A_119, %eq3A_120 : i32
          %add3A_122 = arith.constant 1 : i32
          %add3A_123 = arith.addi %while3A_62, %add3A_122 : i32
          %lt3A_124 = arith.cmpi slt, %add3A_123, %select_n3A_24 : i32
          %and3A_125 = arith.andi %eq3A_121, %lt3A_124 : i1
          %jit3A_126 = arith.constant 8 : i32
          %eq3A_127 = arith.constant 0 : i32
          %eq3A_128 = arith.cmpi eq, %jit3A_126, %eq3A_127 : i32
          %jit3A_129 = arith.constant 1 : i32
          %select_n3A_130 = arith.select %eq3A_128, %jit3A_129, %jit3A_126 : i32
          %rem3A_131 = arith.remsi %while3A_62, %select_n3A_130 : i32
          %ne3A_132 = arith.constant 0 : i32
          %ne3A_133 = arith.cmpi ne, %rem3A_131, %ne3A_132 : i32
          %lt3A_134 = arith.constant 0 : i32
          %lt3A_135 = arith.cmpi slt, %rem3A_131, %lt3A_134 : i32
          %lt3A_136 = arith.constant 0 : i32
          %lt3A_137 = arith.cmpi slt, %select_n3A_130, %lt3A_136 : i32
          %ne3A_138 = arith.xori %lt3A_135, %lt3A_137 : i1
          %and3A_139 = arith.andi %ne3A_138, %ne3A_133 : i1
          %add3A_140 = arith.addi %rem3A_131, %select_n3A_130 : i32
          %select_n3A_141 = arith.select %and3A_139, %add3A_140, %rem3A_131 : i32
          %dma_wait3A = arith.constant 0 : i32
          %dma_wait3A_142 = tpu.memref_slice %arg8[%select_n3A_141, %dma_wait3A] : memref<8x128xi32, #tpu.memory_space<vmem>> -> memref<1x128xi32, #tpu.memory_space<vmem>>
          %dma_wait3A_143 = tpu.memref_squeeze %dma_wait3A_142 : memref<1x128xi32, #tpu.memory_space<vmem>> -> memref<128xi32, #tpu.memory_space<vmem>>
          %dma_wait3A_144 = arith.constant 0 : i32
          %dma_wait3A_145 = arith.constant 0 : i32
          %dma_wait3A_146 = tpu.memref_slice %arg2[%dma_wait3A_144, %dma_wait3A_145] : memref<10000x128xf32, #tpu.memory_space<hbm>> -> memref<10000x128xf32, #tpu.memory_space<hbm>>
          tpu.wait_indirect_dma semaphore(%arg14 : memref<!tpu.dma_semaphore, #tpu.memory_space<semaphore_mem>>) src(%dma_wait3A_146 : memref<10000x128xf32, #tpu.memory_space<hbm>>) dst(%arg10 : memref<128x128xf32, #tpu.memory_space<vmem>>)
          %convert_element_type3A_147 = arith.extui %and3A_125 : i1 to i32
          %cond3A_148 = arith.constant 0 : i32
          %cond3A_149 = arith.cmpi ne, %convert_element_type3A_147, %cond3A_148 : i32
          scf.if %cond3A_149 {
            %add3A_175 = arith.constant 1 : i32
            %add3A_176 = arith.addi %while3A_62, %add3A_175 : i32
            %jit3A_177 = arith.constant 8 : i32
            %div3A = arith.divsi %add3A_176, %jit3A_177 : i32
            %sign3A = arith.constant 0 : i32
            %sign3A_178 = arith.cmpi sgt, %add3A_176, %sign3A : i32
            %sign3A_179 = arith.extui %sign3A_178 : i1 to i32
            %sign3A_180 = arith.constant 0 : i32
            %sign3A_181 = arith.cmpi slt, %add3A_176, %sign3A_180 : i32
            %sign3A_182 = arith.extui %sign3A_181 : i1 to i32
            %sign3A_183 = arith.subi %sign3A_179, %sign3A_182 : i32
            %sign3A_184 = arith.constant 0 : i32
            %sign3A_185 = arith.cmpi sgt, %jit3A_177, %sign3A_184 : i32
            %sign3A_186 = arith.extui %sign3A_185 : i1 to i32
            %sign3A_187 = arith.constant 0 : i32
            %sign3A_188 = arith.cmpi slt, %jit3A_177, %sign3A_187 : i32
            %sign3A_189 = arith.extui %sign3A_188 : i1 to i32
            %sign3A_190 = arith.subi %sign3A_186, %sign3A_189 : i32
            %ne3A_191 = arith.cmpi ne, %sign3A_183, %sign3A_190 : i32
            %rem3A_192 = arith.remsi %add3A_176, %jit3A_177 : i32
            %ne3A_193 = arith.constant 0 : i32
            %ne3A_194 = arith.cmpi ne, %rem3A_192, %ne3A_193 : i32
            %and3A_195 = arith.andi %ne3A_191, %ne3A_194 : i1
            %sub3A = arith.constant 1 : i32
            %sub3A_196 = arith.subi %div3A, %sub3A : i32
            %select_n3A_197 = arith.select %and3A_195, %sub3A_196, %div3A : i32
            %mul3A_198 = arith.constant 8 : i32
            %mul3A_199 = arith.muli %select_n3A_197, %mul3A_198 : i32
            %add3A_200 = arith.addi %mul3A_19, %mul3A_199 : i32
            "tpu.region"() ({
              %run_scoped3A = tpu.sem_alloc : memref<!tpu.dma_semaphore, #tpu.memory_space<semaphore_mem>>
              %dma_start3A_201 = arith.constant 0 : i32
              %dma_start3A_202 = tpu.memref_slice %arg4[%add3A_200, %dma_start3A_201] : memref<1256x128xi32, #tpu.memory_space<hbm>> -> memref<8x128xi32, #tpu.memory_space<hbm>>
              %dma_start3A_203 = arith.constant 0 : i32
              %dma_start3A_204 = tpu.memref_slice %arg4[%add3A_200, %dma_start3A_203] : memref<1256x128xi32, #tpu.memory_space<hbm>> -> memref<8x128xi32, #tpu.memory_space<hbm>>
              tpu.enqueue_dma source(%dma_start3A_204 : memref<8x128xi32, #tpu.memory_space<hbm>>) target(%arg8 : memref<8x128xi32, #tpu.memory_space<vmem>>) target_semaphore(%run_scoped3A : memref<!tpu.dma_semaphore, #tpu.memory_space<semaphore_mem>>)
              %dma_wait3A_205 = arith.constant 0 : i32
              %dma_wait3A_206 = tpu.memref_slice %arg4[%add3A_200, %dma_wait3A_205] : memref<1256x128xi32, #tpu.memory_space<hbm>> -> memref<8x128xi32, #tpu.memory_space<hbm>>
              %dma_wait3A_207 = arith.constant 0 : i32
              %dma_wait3A_208 = tpu.memref_slice %arg4[%add3A_200, %dma_wait3A_207] : memref<1256x128xi32, #tpu.memory_space<hbm>> -> memref<8x128xi32, #tpu.memory_space<hbm>>
              tpu.wait_dma2 semaphore(%run_scoped3A : memref<!tpu.dma_semaphore, #tpu.memory_space<semaphore_mem>>) src(%dma_wait3A_208 : memref<8x128xi32, #tpu.memory_space<hbm>>) dst(%arg8 : memref<8x128xi32, #tpu.memory_space<vmem>>)
              tpu.yield
            }) : () -> ()
          } else {
          }
          %add3A_150 = arith.constant 1 : i32
          %add3A_151 = arith.addi %while3A_62, %add3A_150 : i32
          %lt3A_152 = arith.cmpi slt, %add3A_151, %select_n3A_24 : i32
          %convert_element_type3A_153 = arith.extui %lt3A_152 : i1 to i32
          %cond3A_154 = arith.constant 0 : i32
          %cond3A_155 = arith.cmpi ne, %convert_element_type3A_153, %cond3A_154 : i32
          scf.if %cond3A_155 {
            %add3A_175 = arith.constant 1 : i32
            %add3A_176 = arith.addi %while3A_62, %add3A_175 : i32
            %jit3A_177 = arith.constant 8 : i32
            %eq3A_178 = arith.constant 0 : i32
            %eq3A_179 = arith.cmpi eq, %jit3A_177, %eq3A_178 : i32
            %jit3A_180 = arith.constant 1 : i32
            %select_n3A_181 = arith.select %eq3A_179, %jit3A_180, %jit3A_177 : i32
            %rem3A_182 = arith.remsi %add3A_176, %select_n3A_181 : i32
            %ne3A_183 = arith.constant 0 : i32
            %ne3A_184 = arith.cmpi ne, %rem3A_182, %ne3A_183 : i32
            %lt3A_185 = arith.constant 0 : i32
            %lt3A_186 = arith.cmpi slt, %rem3A_182, %lt3A_185 : i32
            %lt3A_187 = arith.constant 0 : i32
            %lt3A_188 = arith.cmpi slt, %select_n3A_181, %lt3A_187 : i32
            %ne3A_189 = arith.xori %lt3A_186, %lt3A_188 : i1
            %and3A_190 = arith.andi %ne3A_189, %ne3A_184 : i1
            %add3A_191 = arith.addi %rem3A_182, %select_n3A_181 : i32
            %select_n3A_192 = arith.select %and3A_190, %add3A_191, %rem3A_182 : i32
            %dma_start3A_193 = arith.constant 0 : i32
            %dma_start3A_194 = tpu.memref_slice %arg8[%select_n3A_192, %dma_start3A_193] : memref<8x128xi32, #tpu.memory_space<vmem>> -> memref<1x128xi32, #tpu.memory_space<vmem>>
            %dma_start3A_195 = tpu.memref_squeeze %dma_start3A_194 : memref<1x128xi32, #tpu.memory_space<vmem>> -> memref<128xi32, #tpu.memory_space<vmem>>
            %dma_start3A_196 = arith.constant 0 : i32
            %dma_start3A_197 = arith.constant 0 : i32
            %dma_start3A_198 = tpu.memref_slice %arg2[%dma_start3A_196, %dma_start3A_197] : memref<10000x128xf32, #tpu.memory_space<hbm>> -> memref<10000x128xf32, #tpu.memory_space<hbm>>
            tpu.enqueue_indirect_dma source(%dma_start3A_198 : memref<10000x128xf32, #tpu.memory_space<hbm>>) target(%arg11 : memref<128x128xf32, #tpu.memory_space<vmem>>) offsets(%dma_start3A_195 : memref<128xi32, #tpu.memory_space<vmem>>) semaphore(%arg15 : memref<!tpu.dma_semaphore, #tpu.memory_space<semaphore_mem>>)
          } else {
          }
          %jit3A_156 = arith.constant 8 : i32
          %eq3A_157 = arith.constant 0 : i32
          %eq3A_158 = arith.cmpi eq, %jit3A_156, %eq3A_157 : i32
          %jit3A_159 = arith.constant 1 : i32
          %select_n3A_160 = arith.select %eq3A_158, %jit3A_159, %jit3A_156 : i32
          %rem3A_161 = arith.remsi %while3A_62, %select_n3A_160 : i32
          %ne3A_162 = arith.constant 0 : i32
          %ne3A_163 = arith.cmpi ne, %rem3A_161, %ne3A_162 : i32
          %lt3A_164 = arith.constant 0 : i32
          %lt3A_165 = arith.cmpi slt, %rem3A_161, %lt3A_164 : i32
          %lt3A_166 = arith.constant 0 : i32
          %lt3A_167 = arith.cmpi slt, %select_n3A_160, %lt3A_166 : i32
          %ne3A_168 = arith.xori %lt3A_165, %lt3A_167 : i1
          %and3A_169 = arith.andi %ne3A_168, %ne3A_163 : i1
          %add3A_170 = arith.addi %rem3A_161, %select_n3A_160 : i32
          %select_n3A_171 = arith.select %and3A_169, %add3A_170, %rem3A_161 : i32
          "tpu.region"() ({
            %run_scoped3A = tpu.sem_alloc : memref<!tpu.dma_semaphore, #tpu.memory_space<semaphore_mem>>
            %dma_start3A_175 = arith.constant 0 : i32
            %dma_start3A_176 = tpu.memref_slice %arg9[%select_n3A_171, %dma_start3A_175] : memref<8x128xi32, #tpu.memory_space<vmem>> -> memref<1x128xi32, #tpu.memory_space<vmem>>
            %dma_start3A_177 = tpu.memref_squeeze %dma_start3A_176 : memref<1x128xi32, #tpu.memory_space<vmem>> -> memref<128xi32, #tpu.memory_space<vmem>>
            %dma_start3A_178 = arith.constant 0 : i32
            %dma_start3A_179 = arith.constant 0 : i32
            %dma_start3A_180 = tpu.memref_slice %arg13[%dma_start3A_178, %dma_start3A_179] : memref<10008x128xf32, #tpu.memory_space<vmem_shared>> -> memref<10008x128xf32, #tpu.memory_space<vmem_shared>>
            tpu.enqueue_indirect_dma source(%arg10 : memref<128x128xf32, #tpu.memory_space<vmem>>) target(%dma_start3A_180 : memref<10008x128xf32, #tpu.memory_space<vmem_shared>>) offsets(%dma_start3A_177 : memref<128xi32, #tpu.memory_space<vmem>>) semaphore(%run_scoped3A : memref<!tpu.dma_semaphore, #tpu.memory_space<semaphore_mem>>) {add = true}
            %dma_wait3A_181 = arith.constant 0 : i32
            %dma_wait3A_182 = tpu.memref_slice %arg9[%select_n3A_171, %dma_wait3A_181] : memref<8x128xi32, #tpu.memory_space<vmem>> -> memref<1x128xi32, #tpu.memory_space<vmem>>
            %dma_wait3A_183 = tpu.memref_squeeze %dma_wait3A_182 : memref<1x128xi32, #tpu.memory_space<vmem>> -> memref<128xi32, #tpu.memory_space<vmem>>
            %dma_wait3A_184 = arith.constant 0 : i32
            %dma_wait3A_185 = arith.constant 0 : i32
            %dma_wait3A_186 = tpu.memref_slice %arg13[%dma_wait3A_184, %dma_wait3A_185] : memref<10008x128xf32, #tpu.memory_space<vmem_shared>> -> memref<10008x128xf32, #tpu.memory_space<vmem_shared>>
            tpu.wait_indirect_dma semaphore(%run_scoped3A : memref<!tpu.dma_semaphore, #tpu.memory_space<semaphore_mem>>) src(%arg10 : memref<128x128xf32, #tpu.memory_space<vmem>>) dst(%dma_wait3A_186 : memref<10008x128xf32, #tpu.memory_space<vmem_shared>>)
            tpu.yield
          }) : () -> ()
          %convert_element_type3A_172 = arith.extui %and3A_125 : i1 to i32
          %cond3A_173 = arith.constant 0 : i32
          %cond3A_174 = arith.cmpi ne, %convert_element_type3A_172, %cond3A_173 : i32
          scf.if %cond3A_174 {
            %add3A_175 = arith.constant 1 : i32
            %add3A_176 = arith.addi %while3A_62, %add3A_175 : i32
            %jit3A_177 = arith.constant 8 : i32
            %div3A = arith.divsi %add3A_176, %jit3A_177 : i32
            %sign3A = arith.constant 0 : i32
            %sign3A_178 = arith.cmpi sgt, %add3A_176, %sign3A : i32
            %sign3A_179 = arith.extui %sign3A_178 : i1 to i32
            %sign3A_180 = arith.constant 0 : i32
            %sign3A_181 = arith.cmpi slt, %add3A_176, %sign3A_180 : i32
            %sign3A_182 = arith.extui %sign3A_181 : i1 to i32
            %sign3A_183 = arith.subi %sign3A_179, %sign3A_182 : i32
            %sign3A_184 = arith.constant 0 : i32
            %sign3A_185 = arith.cmpi sgt, %jit3A_177, %sign3A_184 : i32
            %sign3A_186 = arith.extui %sign3A_185 : i1 to i32
            %sign3A_187 = arith.constant 0 : i32
            %sign3A_188 = arith.cmpi slt, %jit3A_177, %sign3A_187 : i32
            %sign3A_189 = arith.extui %sign3A_188 : i1 to i32
            %sign3A_190 = arith.subi %sign3A_186, %sign3A_189 : i32
            %ne3A_191 = arith.cmpi ne, %sign3A_183, %sign3A_190 : i32
            %rem3A_192 = arith.remsi %add3A_176, %jit3A_177 : i32
            %ne3A_193 = arith.constant 0 : i32
            %ne3A_194 = arith.cmpi ne, %rem3A_192, %ne3A_193 : i32
            %and3A_195 = arith.andi %ne3A_191, %ne3A_194 : i1
            %sub3A = arith.constant 1 : i32
            %sub3A_196 = arith.subi %div3A, %sub3A : i32
            %select_n3A_197 = arith.select %and3A_195, %sub3A_196, %div3A : i32
            %mul3A_198 = arith.constant 8 : i32
            %mul3A_199 = arith.muli %select_n3A_197, %mul3A_198 : i32
            %add3A_200 = arith.addi %mul3A_19, %mul3A_199 : i32
            "tpu.region"() ({
              %run_scoped3A = tpu.sem_alloc : memref<!tpu.dma_semaphore, #tpu.memory_space<semaphore_mem>>
              %dma_start3A_201 = arith.constant 0 : i32
              %dma_start3A_202 = tpu.memref_slice %arg5[%add3A_200, %dma_start3A_201] : memref<1256x128xi32, #tpu.memory_space<hbm>> -> memref<8x128xi32, #tpu.memory_space<hbm>>
              %dma_start3A_203 = arith.constant 0 : i32
              %dma_start3A_204 = tpu.memref_slice %arg5[%add3A_200, %dma_start3A_203] : memref<1256x128xi32, #tpu.memory_space<hbm>> -> memref<8x128xi32, #tpu.memory_space<hbm>>
              tpu.enqueue_dma source(%dma_start3A_204 : memref<8x128xi32, #tpu.memory_space<hbm>>) target(%arg9 : memref<8x128xi32, #tpu.memory_space<vmem>>) target_semaphore(%run_scoped3A : memref<!tpu.dma_semaphore, #tpu.memory_space<semaphore_mem>>)
              %dma_wait3A_205 = arith.constant 0 : i32
              %dma_wait3A_206 = tpu.memref_slice %arg5[%add3A_200, %dma_wait3A_205] : memref<1256x128xi32, #tpu.memory_space<hbm>> -> memref<8x128xi32, #tpu.memory_space<hbm>>
              %dma_wait3A_207 = arith.constant 0 : i32
              %dma_wait3A_208 = tpu.memref_slice %arg5[%add3A_200, %dma_wait3A_207] : memref<1256x128xi32, #tpu.memory_space<hbm>> -> memref<8x128xi32, #tpu.memory_space<hbm>>
              tpu.wait_dma2 semaphore(%run_scoped3A : memref<!tpu.dma_semaphore, #tpu.memory_space<semaphore_mem>>) src(%dma_wait3A_208 : memref<8x128xi32, #tpu.memory_space<hbm>>) dst(%arg9 : memref<8x128xi32, #tpu.memory_space<vmem>>)
              tpu.yield
            }) : () -> ()
          } else {
          }
        } else {
        }
        %jit3A_80 = arith.constant 2 : i32
        %eq3A_81 = arith.constant 0 : i32
        %eq3A_82 = arith.cmpi eq, %jit3A_80, %eq3A_81 : i32
        %jit3A_83 = arith.constant 1 : i32
        %select_n3A_84 = arith.select %eq3A_82, %jit3A_83, %jit3A_80 : i32
        %rem3A_85 = arith.remsi %while3A_62, %select_n3A_84 : i32
        %ne3A_86 = arith.constant 0 : i32
        %ne3A_87 = arith.cmpi ne, %rem3A_85, %ne3A_86 : i32
        %lt3A_88 = arith.constant 0 : i32
        %lt3A_89 = arith.cmpi slt, %rem3A_85, %lt3A_88 : i32
        %lt3A_90 = arith.constant 0 : i32
        %lt3A_91 = arith.cmpi slt, %select_n3A_84, %lt3A_90 : i32
        %ne3A_92 = arith.xori %lt3A_89, %lt3A_91 : i1
        %and3A_93 = arith.andi %ne3A_92, %ne3A_87 : i1
        %add3A_94 = arith.addi %rem3A_85, %select_n3A_84 : i32
        %select_n3A_95 = arith.select %and3A_93, %add3A_94, %rem3A_85 : i32
        %eq3A_96 = arith.constant 1 : i32
        %eq3A_97 = arith.cmpi eq, %select_n3A_95, %eq3A_96 : i32
        %convert_element_type3A_98 = arith.extui %eq3A_97 : i1 to i32
        %cond3A_99 = arith.constant 0 : i32
        %cond3A_100 = arith.cmpi ne, %convert_element_type3A_98, %cond3A_99 : i32
        scf.if %cond3A_100 {
          %add3A_102 = arith.constant 1 : i32
          %add3A_103 = arith.addi %while3A_62, %add3A_102 : i32
          %jit3A_104 = arith.constant 8 : i32
          %eq3A_105 = arith.constant 0 : i32
          %eq3A_106 = arith.cmpi eq, %jit3A_104, %eq3A_105 : i32
          %jit3A_107 = arith.constant 1 : i32
          %select_n3A_108 = arith.select %eq3A_106, %jit3A_107, %jit3A_104 : i32
          %rem3A_109 = arith.remsi %add3A_103, %select_n3A_108 : i32
          %ne3A_110 = arith.constant 0 : i32
          %ne3A_111 = arith.cmpi ne, %rem3A_109, %ne3A_110 : i32
          %lt3A_112 = arith.constant 0 : i32
          %lt3A_113 = arith.cmpi slt, %rem3A_109, %lt3A_112 : i32
          %lt3A_114 = arith.constant 0 : i32
          %lt3A_115 = arith.cmpi slt, %select_n3A_108, %lt3A_114 : i32
          %ne3A_116 = arith.xori %lt3A_113, %lt3A_115 : i1
          %and3A_117 = arith.andi %ne3A_116, %ne3A_111 : i1
          %add3A_118 = arith.addi %rem3A_109, %select_n3A_108 : i32
          %select_n3A_119 = arith.select %and3A_117, %add3A_118, %rem3A_109 : i32
          %eq3A_120 = arith.constant 0 : i32
          %eq3A_121 = arith.cmpi eq, %select_n3A_119, %eq3A_120 : i32
          %add3A_122 = arith.constant 1 : i32
          %add3A_123 = arith.addi %while3A_62, %add3A_122 : i32
          %lt3A_124 = arith.cmpi slt, %add3A_123, %select_n3A_24 : i32
          %and3A_125 = arith.andi %eq3A_121, %lt3A_124 : i1
          %jit3A_126 = arith.constant 8 : i32
          %eq3A_127 = arith.constant 0 : i32
          %eq3A_128 = arith.cmpi eq, %jit3A_126, %eq3A_127 : i32
          %jit3A_129 = arith.constant 1 : i32
          %select_n3A_130 = arith.select %eq3A_128, %jit3A_129, %jit3A_126 : i32
          %rem3A_131 = arith.remsi %while3A_62, %select_n3A_130 : i32
          %ne3A_132 = arith.constant 0 : i32
          %ne3A_133 = arith.cmpi ne, %rem3A_131, %ne3A_132 : i32
          %lt3A_134 = arith.constant 0 : i32
          %lt3A_135 = arith.cmpi slt, %rem3A_131, %lt3A_134 : i32
          %lt3A_136 = arith.constant 0 : i32
          %lt3A_137 = arith.cmpi slt, %select_n3A_130, %lt3A_136 : i32
          %ne3A_138 = arith.xori %lt3A_135, %lt3A_137 : i1
          %and3A_139 = arith.andi %ne3A_138, %ne3A_133 : i1
          %add3A_140 = arith.addi %rem3A_131, %select_n3A_130 : i32
          %select_n3A_141 = arith.select %and3A_139, %add3A_140, %rem3A_131 : i32
          %dma_wait3A = arith.constant 0 : i32
          %dma_wait3A_142 = tpu.memref_slice %arg8[%select_n3A_141, %dma_wait3A] : memref<8x128xi32, #tpu.memory_space<vmem>> -> memref<1x128xi32, #tpu.memory_space<vmem>>
          %dma_wait3A_143 = tpu.memref_squeeze %dma_wait3A_142 : memref<1x128xi32, #tpu.memory_space<vmem>> -> memref<128xi32, #tpu.memory_space<vmem>>
          %dma_wait3A_144 = arith.constant 0 : i32
          %dma_wait3A_145 = arith.constant 0 : i32
          %dma_wait3A_146 = tpu.memref_slice %arg2[%dma_wait3A_144, %dma_wait3A_145] : memref<10000x128xf32, #tpu.memory_space<hbm>> -> memref<10000x128xf32, #tpu.memory_space<hbm>>
          tpu.wait_indirect_dma semaphore(%arg15 : memref<!tpu.dma_semaphore, #tpu.memory_space<semaphore_mem>>) src(%dma_wait3A_146 : memref<10000x128xf32, #tpu.memory_space<hbm>>) dst(%arg11 : memref<128x128xf32, #tpu.memory_space<vmem>>)
          %convert_element_type3A_147 = arith.extui %and3A_125 : i1 to i32
          %cond3A_148 = arith.constant 0 : i32
          %cond3A_149 = arith.cmpi ne, %convert_element_type3A_147, %cond3A_148 : i32
          scf.if %cond3A_149 {
            %add3A_175 = arith.constant 1 : i32
            %add3A_176 = arith.addi %while3A_62, %add3A_175 : i32
            %jit3A_177 = arith.constant 8 : i32
            %div3A = arith.divsi %add3A_176, %jit3A_177 : i32
            %sign3A = arith.constant 0 : i32
            %sign3A_178 = arith.cmpi sgt, %add3A_176, %sign3A : i32
            %sign3A_179 = arith.extui %sign3A_178 : i1 to i32
            %sign3A_180 = arith.constant 0 : i32
            %sign3A_181 = arith.cmpi slt, %add3A_176, %sign3A_180 : i32
            %sign3A_182 = arith.extui %sign3A_181 : i1 to i32
            %sign3A_183 = arith.subi %sign3A_179, %sign3A_182 : i32
            %sign3A_184 = arith.constant 0 : i32
            %sign3A_185 = arith.cmpi sgt, %jit3A_177, %sign3A_184 : i32
            %sign3A_186 = arith.extui %sign3A_185 : i1 to i32
            %sign3A_187 = arith.constant 0 : i32
            %sign3A_188 = arith.cmpi slt, %jit3A_177, %sign3A_187 : i32
            %sign3A_189 = arith.extui %sign3A_188 : i1 to i32
            %sign3A_190 = arith.subi %sign3A_186, %sign3A_189 : i32
            %ne3A_191 = arith.cmpi ne, %sign3A_183, %sign3A_190 : i32
            %rem3A_192 = arith.remsi %add3A_176, %jit3A_177 : i32
            %ne3A_193 = arith.constant 0 : i32
            %ne3A_194 = arith.cmpi ne, %rem3A_192, %ne3A_193 : i32
            %and3A_195 = arith.andi %ne3A_191, %ne3A_194 : i1
            %sub3A = arith.constant 1 : i32
            %sub3A_196 = arith.subi %div3A, %sub3A : i32
            %select_n3A_197 = arith.select %and3A_195, %sub3A_196, %div3A : i32
            %mul3A_198 = arith.constant 8 : i32
            %mul3A_199 = arith.muli %select_n3A_197, %mul3A_198 : i32
            %add3A_200 = arith.addi %mul3A_19, %mul3A_199 : i32
            "tpu.region"() ({
              %run_scoped3A = tpu.sem_alloc : memref<!tpu.dma_semaphore, #tpu.memory_space<semaphore_mem>>
              %dma_start3A_201 = arith.constant 0 : i32
              %dma_start3A_202 = tpu.memref_slice %arg4[%add3A_200, %dma_start3A_201] : memref<1256x128xi32, #tpu.memory_space<hbm>> -> memref<8x128xi32, #tpu.memory_space<hbm>>
              %dma_start3A_203 = arith.constant 0 : i32
              %dma_start3A_204 = tpu.memref_slice %arg4[%add3A_200, %dma_start3A_203] : memref<1256x128xi32, #tpu.memory_space<hbm>> -> memref<8x128xi32, #tpu.memory_space<hbm>>
              tpu.enqueue_dma source(%dma_start3A_204 : memref<8x128xi32, #tpu.memory_space<hbm>>) target(%arg8 : memref<8x128xi32, #tpu.memory_space<vmem>>) target_semaphore(%run_scoped3A : memref<!tpu.dma_semaphore, #tpu.memory_space<semaphore_mem>>)
              %dma_wait3A_205 = arith.constant 0 : i32
              %dma_wait3A_206 = tpu.memref_slice %arg4[%add3A_200, %dma_wait3A_205] : memref<1256x128xi32, #tpu.memory_space<hbm>> -> memref<8x128xi32, #tpu.memory_space<hbm>>
              %dma_wait3A_207 = arith.constant 0 : i32
              %dma_wait3A_208 = tpu.memref_slice %arg4[%add3A_200, %dma_wait3A_207] : memref<1256x128xi32, #tpu.memory_space<hbm>> -> memref<8x128xi32, #tpu.memory_space<hbm>>
              tpu.wait_dma2 semaphore(%run_scoped3A : memref<!tpu.dma_semaphore, #tpu.memory_space<semaphore_mem>>) src(%dma_wait3A_208 : memref<8x128xi32, #tpu.memory_space<hbm>>) dst(%arg8 : memref<8x128xi32, #tpu.memory_space<vmem>>)
              tpu.yield
            }) : () -> ()
          } else {
          }
          %add3A_150 = arith.constant 1 : i32
          %add3A_151 = arith.addi %while3A_62, %add3A_150 : i32
          %lt3A_152 = arith.cmpi slt, %add3A_151, %select_n3A_24 : i32
          %convert_element_type3A_153 = arith.extui %lt3A_152 : i1 to i32
          %cond3A_154 = arith.constant 0 : i32
          %cond3A_155 = arith.cmpi ne, %convert_element_type3A_153, %cond3A_154 : i32
          scf.if %cond3A_155 {
            %add3A_175 = arith.constant 1 : i32
            %add3A_176 = arith.addi %while3A_62, %add3A_175 : i32
            %jit3A_177 = arith.constant 8 : i32
            %eq3A_178 = arith.constant 0 : i32
            %eq3A_179 = arith.cmpi eq, %jit3A_177, %eq3A_178 : i32
            %jit3A_180 = arith.constant 1 : i32
            %select_n3A_181 = arith.select %eq3A_179, %jit3A_180, %jit3A_177 : i32
            %rem3A_182 = arith.remsi %add3A_176, %select_n3A_181 : i32
            %ne3A_183 = arith.constant 0 : i32
            %ne3A_184 = arith.cmpi ne, %rem3A_182, %ne3A_183 : i32
            %lt3A_185 = arith.constant 0 : i32
            %lt3A_186 = arith.cmpi slt, %rem3A_182, %lt3A_185 : i32
            %lt3A_187 = arith.constant 0 : i32
            %lt3A_188 = arith.cmpi slt, %select_n3A_181, %lt3A_187 : i32
            %ne3A_189 = arith.xori %lt3A_186, %lt3A_188 : i1
            %and3A_190 = arith.andi %ne3A_189, %ne3A_184 : i1
            %add3A_191 = arith.addi %rem3A_182, %select_n3A_181 : i32
            %select_n3A_192 = arith.select %and3A_190, %add3A_191, %rem3A_182 : i32
            %dma_start3A_193 = arith.constant 0 : i32
            %dma_start3A_194 = tpu.memref_slice %arg8[%select_n3A_192, %dma_start3A_193] : memref<8x128xi32, #tpu.memory_space<vmem>> -> memref<1x128xi32, #tpu.memory_space<vmem>>
            %dma_start3A_195 = tpu.memref_squeeze %dma_start3A_194 : memref<1x128xi32, #tpu.memory_space<vmem>> -> memref<128xi32, #tpu.memory_space<vmem>>
            %dma_start3A_196 = arith.constant 0 : i32
            %dma_start3A_197 = arith.constant 0 : i32
            %dma_start3A_198 = tpu.memref_slice %arg2[%dma_start3A_196, %dma_start3A_197] : memref<10000x128xf32, #tpu.memory_space<hbm>> -> memref<10000x128xf32, #tpu.memory_space<hbm>>
            tpu.enqueue_indirect_dma source(%dma_start3A_198 : memref<10000x128xf32, #tpu.memory_space<hbm>>) target(%arg10 : memref<128x128xf32, #tpu.memory_space<vmem>>) offsets(%dma_start3A_195 : memref<128xi32, #tpu.memory_space<vmem>>) semaphore(%arg14 : memref<!tpu.dma_semaphore, #tpu.memory_space<semaphore_mem>>)
          } else {
          }
          %jit3A_156 = arith.constant 8 : i32
          %eq3A_157 = arith.constant 0 : i32
          %eq3A_158 = arith.cmpi eq, %jit3A_156, %eq3A_157 : i32
          %jit3A_159 = arith.constant 1 : i32
          %select_n3A_160 = arith.select %eq3A_158, %jit3A_159, %jit3A_156 : i32
          %rem3A_161 = arith.remsi %while3A_62, %select_n3A_160 : i32
          %ne3A_162 = arith.constant 0 : i32
          %ne3A_163 = arith.cmpi ne, %rem3A_161, %ne3A_162 : i32
          %lt3A_164 = arith.constant 0 : i32
          %lt3A_165 = arith.cmpi slt, %rem3A_161, %lt3A_164 : i32
          %lt3A_166 = arith.constant 0 : i32
          %lt3A_167 = arith.cmpi slt, %select_n3A_160, %lt3A_166 : i32
          %ne3A_168 = arith.xori %lt3A_165, %lt3A_167 : i1
          %and3A_169 = arith.andi %ne3A_168, %ne3A_163 : i1
          %add3A_170 = arith.addi %rem3A_161, %select_n3A_160 : i32
          %select_n3A_171 = arith.select %and3A_169, %add3A_170, %rem3A_161 : i32
          "tpu.region"() ({
            %run_scoped3A = tpu.sem_alloc : memref<!tpu.dma_semaphore, #tpu.memory_space<semaphore_mem>>
            %dma_start3A_175 = arith.constant 0 : i32
            %dma_start3A_176 = tpu.memref_slice %arg9[%select_n3A_171, %dma_start3A_175] : memref<8x128xi32, #tpu.memory_space<vmem>> -> memref<1x128xi32, #tpu.memory_space<vmem>>
            %dma_start3A_177 = tpu.memref_squeeze %dma_start3A_176 : memref<1x128xi32, #tpu.memory_space<vmem>> -> memref<128xi32, #tpu.memory_space<vmem>>
            %dma_start3A_178 = arith.constant 0 : i32
            %dma_start3A_179 = arith.constant 0 : i32
            %dma_start3A_180 = tpu.memref_slice %arg13[%dma_start3A_178, %dma_start3A_179] : memref<10008x128xf32, #tpu.memory_space<vmem_shared>> -> memref<10008x128xf32, #tpu.memory_space<vmem_shared>>
            tpu.enqueue_indirect_dma source(%arg11 : memref<128x128xf32, #tpu.memory_space<vmem>>) target(%dma_start3A_180 : memref<10008x128xf32, #tpu.memory_space<vmem_shared>>) offsets(%dma_start3A_177 : memref<128xi32, #tpu.memory_space<vmem>>) semaphore(%run_scoped3A : memref<!tpu.dma_semaphore, #tpu.memory_space<semaphore_mem>>) {add = true}
            %dma_wait3A_181 = arith.constant 0 : i32
            %dma_wait3A_182 = tpu.memref_slice %arg9[%select_n3A_171, %dma_wait3A_181] : memref<8x128xi32, #tpu.memory_space<vmem>> -> memref<1x128xi32, #tpu.memory_space<vmem>>
            %dma_wait3A_183 = tpu.memref_squeeze %dma_wait3A_182 : memref<1x128xi32, #tpu.memory_space<vmem>> -> memref<128xi32, #tpu.memory_space<vmem>>
            %dma_wait3A_184 = arith.constant 0 : i32
            %dma_wait3A_185 = arith.constant 0 : i32
            %dma_wait3A_186 = tpu.memref_slice %arg13[%dma_wait3A_184, %dma_wait3A_185] : memref<10008x128xf32, #tpu.memory_space<vmem_shared>> -> memref<10008x128xf32, #tpu.memory_space<vmem_shared>>
            tpu.wait_indirect_dma semaphore(%run_scoped3A : memref<!tpu.dma_semaphore, #tpu.memory_space<semaphore_mem>>) src(%arg11 : memref<128x128xf32, #tpu.memory_space<vmem>>) dst(%dma_wait3A_186 : memref<10008x128xf32, #tpu.memory_space<vmem_shared>>)
            tpu.yield
          }) : () -> ()
          %convert_element_type3A_172 = arith.extui %and3A_125 : i1 to i32
          %cond3A_173 = arith.constant 0 : i32
          %cond3A_174 = arith.cmpi ne, %convert_element_type3A_172, %cond3A_173 : i32
          scf.if %cond3A_174 {
            %add3A_175 = arith.constant 1 : i32
            %add3A_176 = arith.addi %while3A_62, %add3A_175 : i32
            %jit3A_177 = arith.constant 8 : i32
            %div3A = arith.divsi %add3A_176, %jit3A_177 : i32
            %sign3A = arith.constant 0 : i32
            %sign3A_178 = arith.cmpi sgt, %add3A_176, %sign3A : i32
            %sign3A_179 = arith.extui %sign3A_178 : i1 to i32
            %sign3A_180 = arith.constant 0 : i32
            %sign3A_181 = arith.cmpi slt, %add3A_176, %sign3A_180 : i32
            %sign3A_182 = arith.extui %sign3A_181 : i1 to i32
            %sign3A_183 = arith.subi %sign3A_179, %sign3A_182 : i32
            %sign3A_184 = arith.constant 0 : i32
            %sign3A_185 = arith.cmpi sgt, %jit3A_177, %sign3A_184 : i32
            %sign3A_186 = arith.extui %sign3A_185 : i1 to i32
            %sign3A_187 = arith.constant 0 : i32
            %sign3A_188 = arith.cmpi slt, %jit3A_177, %sign3A_187 : i32
            %sign3A_189 = arith.extui %sign3A_188 : i1 to i32
            %sign3A_190 = arith.subi %sign3A_186, %sign3A_189 : i32
            %ne3A_191 = arith.cmpi ne, %sign3A_183, %sign3A_190 : i32
            %rem3A_192 = arith.remsi %add3A_176, %jit3A_177 : i32
            %ne3A_193 = arith.constant 0 : i32
            %ne3A_194 = arith.cmpi ne, %rem3A_192, %ne3A_193 : i32
            %and3A_195 = arith.andi %ne3A_191, %ne3A_194 : i1
            %sub3A = arith.constant 1 : i32
            %sub3A_196 = arith.subi %div3A, %sub3A : i32
            %select_n3A_197 = arith.select %and3A_195, %sub3A_196, %div3A : i32
            %mul3A_198 = arith.constant 8 : i32
            %mul3A_199 = arith.muli %select_n3A_197, %mul3A_198 : i32
            %add3A_200 = arith.addi %mul3A_19, %mul3A_199 : i32
            "tpu.region"() ({
              %run_scoped3A = tpu.sem_alloc : memref<!tpu.dma_semaphore, #tpu.memory_space<semaphore_mem>>
              %dma_start3A_201 = arith.constant 0 : i32
              %dma_start3A_202 = tpu.memref_slice %arg5[%add3A_200, %dma_start3A_201] : memref<1256x128xi32, #tpu.memory_space<hbm>> -> memref<8x128xi32, #tpu.memory_space<hbm>>
              %dma_start3A_203 = arith.constant 0 : i32
              %dma_start3A_204 = tpu.memref_slice %arg5[%add3A_200, %dma_start3A_203] : memref<1256x128xi32, #tpu.memory_space<hbm>> -> memref<8x128xi32, #tpu.memory_space<hbm>>
              tpu.enqueue_dma source(%dma_start3A_204 : memref<8x128xi32, #tpu.memory_space<hbm>>) target(%arg9 : memref<8x128xi32, #tpu.memory_space<vmem>>) target_semaphore(%run_scoped3A : memref<!tpu.dma_semaphore, #tpu.memory_space<semaphore_mem>>)
              %dma_wait3A_205 = arith.constant 0 : i32
              %dma_wait3A_206 = tpu.memref_slice %arg5[%add3A_200, %dma_wait3A_205] : memref<1256x128xi32, #tpu.memory_space<hbm>> -> memref<8x128xi32, #tpu.memory_space<hbm>>
              %dma_wait3A_207 = arith.constant 0 : i32
              %dma_wait3A_208 = tpu.memref_slice %arg5[%add3A_200, %dma_wait3A_207] : memref<1256x128xi32, #tpu.memory_space<hbm>> -> memref<8x128xi32, #tpu.memory_space<hbm>>
              tpu.wait_dma2 semaphore(%run_scoped3A : memref<!tpu.dma_semaphore, #tpu.memory_space<semaphore_mem>>) src(%dma_wait3A_208 : memref<8x128xi32, #tpu.memory_space<hbm>>) dst(%arg9 : memref<8x128xi32, #tpu.memory_space<vmem>>)
              tpu.yield
            }) : () -> ()
          } else {
          }
        } else {
        }
        %while3A_101 = arith.constant 0 : i32
        scf.yield %while3A_101 : i32
      }
    } else {
    }
    %eq3A_28 = arith.constant 1 : i32
    %eq3A_29 = arith.cmpi eq, %arg0, %eq3A_28 : i32
    %convert_element_type3A_30 = arith.extui %eq3A_29 : i1 to i32
    %cond3A_31 = arith.constant 0 : i32
    %cond3A_32 = arith.cmpi ne, %convert_element_type3A_30, %cond3A_31 : i32
    scf.if %cond3A_32 {
      %dma_start3A = arith.constant 0 : i32
      %dma_start3A_44 = arith.constant 0 : i32
      %dma_start3A_45 = tpu.memref_slice %arg8[%dma_start3A, %dma_start3A_44] : memref<8x128xi32, #tpu.memory_space<vmem>> -> memref<1x128xi32, #tpu.memory_space<vmem>>
      %dma_start3A_46 = tpu.memref_squeeze %dma_start3A_45 : memref<1x128xi32, #tpu.memory_space<vmem>> -> memref<128xi32, #tpu.memory_space<vmem>>
      %dma_start3A_47 = arith.constant 0 : i32
      %dma_start3A_48 = arith.constant 0 : i32
      %dma_start3A_49 = tpu.memref_slice %arg3[%dma_start3A_47, %dma_start3A_48] : memref<10000x128xf32, #tpu.memory_space<hbm>> -> memref<10000x128xf32, #tpu.memory_space<hbm>>
      tpu.enqueue_indirect_dma source(%dma_start3A_49 : memref<10000x128xf32, #tpu.memory_space<hbm>>) target(%arg10 : memref<128x128xf32, #tpu.memory_space<vmem>>) offsets(%dma_start3A_46 : memref<128xi32, #tpu.memory_space<vmem>>) semaphore(%arg14 : memref<!tpu.dma_semaphore, #tpu.memory_space<semaphore_mem>>)
      %while3A_50 = arith.constant 0 : i32
      %while3A_51 = arith.constant 0 : i32
      %while3A_52 = arith.subi %select_n3A_24, %while3A_50 : i32
      %while3A_53 = arith.addi %while3A_50, %while3A_52 : i32
      %while3A_54 = arith.constant 1 : i32
      %while3A_55 = arith.divsi %while3A_52, %while3A_54 : i32
      %while3A_56 = arith.muli %while3A_55, %while3A_54 : i32
      %while3A_57 = arith.addi %while3A_50, %while3A_56 : i32
      %while3A_58 = arith.constant 1 : i32
      %while3A_59 = scf.for %while3A_62 = %while3A_50 to %while3A_57 step %while3A_58 iter_args(%while3A_63 = %while3A_51) -> (i32)  : i32 {
        %jit3A_64 = arith.constant 2 : i32
        %eq3A_65 = arith.constant 0 : i32
        %eq3A_66 = arith.cmpi eq, %jit3A_64, %eq3A_65 : i32
        %jit3A_67 = arith.constant 1 : i32
        %select_n3A_68 = arith.select %eq3A_66, %jit3A_67, %jit3A_64 : i32
        %rem3A = arith.remsi %while3A_62, %select_n3A_68 : i32
        %ne3A = arith.constant 0 : i32
        %ne3A_69 = arith.cmpi ne, %rem3A, %ne3A : i32
        %lt3A = arith.constant 0 : i32
        %lt3A_70 = arith.cmpi slt, %rem3A, %lt3A : i32
        %lt3A_71 = arith.constant 0 : i32
        %lt3A_72 = arith.cmpi slt, %select_n3A_68, %lt3A_71 : i32
        %ne3A_73 = arith.xori %lt3A_70, %lt3A_72 : i1
        %and3A = arith.andi %ne3A_73, %ne3A_69 : i1
        %add3A = arith.addi %rem3A, %select_n3A_68 : i32
        %select_n3A_74 = arith.select %and3A, %add3A, %rem3A : i32
        %eq3A_75 = arith.constant 0 : i32
        %eq3A_76 = arith.cmpi eq, %select_n3A_74, %eq3A_75 : i32
        %convert_element_type3A_77 = arith.extui %eq3A_76 : i1 to i32
        %cond3A_78 = arith.constant 0 : i32
        %cond3A_79 = arith.cmpi ne, %convert_element_type3A_77, %cond3A_78 : i32
        scf.if %cond3A_79 {
          %add3A_102 = arith.constant 1 : i32
          %add3A_103 = arith.addi %while3A_62, %add3A_102 : i32
          %jit3A_104 = arith.constant 8 : i32
          %eq3A_105 = arith.constant 0 : i32
          %eq3A_106 = arith.cmpi eq, %jit3A_104, %eq3A_105 : i32
          %jit3A_107 = arith.constant 1 : i32
          %select_n3A_108 = arith.select %eq3A_106, %jit3A_107, %jit3A_104 : i32
          %rem3A_109 = arith.remsi %add3A_103, %select_n3A_108 : i32
          %ne3A_110 = arith.constant 0 : i32
          %ne3A_111 = arith.cmpi ne, %rem3A_109, %ne3A_110 : i32
          %lt3A_112 = arith.constant 0 : i32
          %lt3A_113 = arith.cmpi slt, %rem3A_109, %lt3A_112 : i32
          %lt3A_114 = arith.constant 0 : i32
          %lt3A_115 = arith.cmpi slt, %select_n3A_108, %lt3A_114 : i32
          %ne3A_116 = arith.xori %lt3A_113, %lt3A_115 : i1
          %and3A_117 = arith.andi %ne3A_116, %ne3A_111 : i1
          %add3A_118 = arith.addi %rem3A_109, %select_n3A_108 : i32
          %select_n3A_119 = arith.select %and3A_117, %add3A_118, %rem3A_109 : i32
          %eq3A_120 = arith.constant 0 : i32
          %eq3A_121 = arith.cmpi eq, %select_n3A_119, %eq3A_120 : i32
          %add3A_122 = arith.constant 1 : i32
          %add3A_123 = arith.addi %while3A_62, %add3A_122 : i32
          %lt3A_124 = arith.cmpi slt, %add3A_123, %select_n3A_24 : i32
          %and3A_125 = arith.andi %eq3A_121, %lt3A_124 : i1
          %jit3A_126 = arith.constant 8 : i32
          %eq3A_127 = arith.constant 0 : i32
          %eq3A_128 = arith.cmpi eq, %jit3A_126, %eq3A_127 : i32
          %jit3A_129 = arith.constant 1 : i32
          %select_n3A_130 = arith.select %eq3A_128, %jit3A_129, %jit3A_126 : i32
          %rem3A_131 = arith.remsi %while3A_62, %select_n3A_130 : i32
          %ne3A_132 = arith.constant 0 : i32
          %ne3A_133 = arith.cmpi ne, %rem3A_131, %ne3A_132 : i32
          %lt3A_134 = arith.constant 0 : i32
          %lt3A_135 = arith.cmpi slt, %rem3A_131, %lt3A_134 : i32
          %lt3A_136 = arith.constant 0 : i32
          %lt3A_137 = arith.cmpi slt, %select_n3A_130, %lt3A_136 : i32
          %ne3A_138 = arith.xori %lt3A_135, %lt3A_137 : i1
          %and3A_139 = arith.andi %ne3A_138, %ne3A_133 : i1
          %add3A_140 = arith.addi %rem3A_131, %select_n3A_130 : i32
          %select_n3A_141 = arith.select %and3A_139, %add3A_140, %rem3A_131 : i32
          %dma_wait3A = arith.constant 0 : i32
          %dma_wait3A_142 = tpu.memref_slice %arg8[%select_n3A_141, %dma_wait3A] : memref<8x128xi32, #tpu.memory_space<vmem>> -> memref<1x128xi32, #tpu.memory_space<vmem>>
          %dma_wait3A_143 = tpu.memref_squeeze %dma_wait3A_142 : memref<1x128xi32, #tpu.memory_space<vmem>> -> memref<128xi32, #tpu.memory_space<vmem>>
          %dma_wait3A_144 = arith.constant 0 : i32
          %dma_wait3A_145 = arith.constant 0 : i32
          %dma_wait3A_146 = tpu.memref_slice %arg3[%dma_wait3A_144, %dma_wait3A_145] : memref<10000x128xf32, #tpu.memory_space<hbm>> -> memref<10000x128xf32, #tpu.memory_space<hbm>>
          tpu.wait_indirect_dma semaphore(%arg14 : memref<!tpu.dma_semaphore, #tpu.memory_space<semaphore_mem>>) src(%dma_wait3A_146 : memref<10000x128xf32, #tpu.memory_space<hbm>>) dst(%arg10 : memref<128x128xf32, #tpu.memory_space<vmem>>)
          %convert_element_type3A_147 = arith.extui %and3A_125 : i1 to i32
          %cond3A_148 = arith.constant 0 : i32
          %cond3A_149 = arith.cmpi ne, %convert_element_type3A_147, %cond3A_148 : i32
          scf.if %cond3A_149 {
            %add3A_175 = arith.constant 1 : i32
            %add3A_176 = arith.addi %while3A_62, %add3A_175 : i32
            %jit3A_177 = arith.constant 8 : i32
            %div3A = arith.divsi %add3A_176, %jit3A_177 : i32
            %sign3A = arith.constant 0 : i32
            %sign3A_178 = arith.cmpi sgt, %add3A_176, %sign3A : i32
            %sign3A_179 = arith.extui %sign3A_178 : i1 to i32
            %sign3A_180 = arith.constant 0 : i32
            %sign3A_181 = arith.cmpi slt, %add3A_176, %sign3A_180 : i32
            %sign3A_182 = arith.extui %sign3A_181 : i1 to i32
            %sign3A_183 = arith.subi %sign3A_179, %sign3A_182 : i32
            %sign3A_184 = arith.constant 0 : i32
            %sign3A_185 = arith.cmpi sgt, %jit3A_177, %sign3A_184 : i32
            %sign3A_186 = arith.extui %sign3A_185 : i1 to i32
            %sign3A_187 = arith.constant 0 : i32
            %sign3A_188 = arith.cmpi slt, %jit3A_177, %sign3A_187 : i32
            %sign3A_189 = arith.extui %sign3A_188 : i1 to i32
            %sign3A_190 = arith.subi %sign3A_186, %sign3A_189 : i32
            %ne3A_191 = arith.cmpi ne, %sign3A_183, %sign3A_190 : i32
            %rem3A_192 = arith.remsi %add3A_176, %jit3A_177 : i32
            %ne3A_193 = arith.constant 0 : i32
            %ne3A_194 = arith.cmpi ne, %rem3A_192, %ne3A_193 : i32
            %and3A_195 = arith.andi %ne3A_191, %ne3A_194 : i1
            %sub3A = arith.constant 1 : i32
            %sub3A_196 = arith.subi %div3A, %sub3A : i32
            %select_n3A_197 = arith.select %and3A_195, %sub3A_196, %div3A : i32
            %mul3A_198 = arith.constant 8 : i32
            %mul3A_199 = arith.muli %select_n3A_197, %mul3A_198 : i32
            %add3A_200 = arith.addi %mul3A_19, %mul3A_199 : i32
            "tpu.region"() ({
              %run_scoped3A = tpu.sem_alloc : memref<!tpu.dma_semaphore, #tpu.memory_space<semaphore_mem>>
              %dma_start3A_201 = arith.constant 0 : i32
              %dma_start3A_202 = tpu.memref_slice %arg4[%add3A_200, %dma_start3A_201] : memref<1256x128xi32, #tpu.memory_space<hbm>> -> memref<8x128xi32, #tpu.memory_space<hbm>>
              %dma_start3A_203 = arith.constant 0 : i32
              %dma_start3A_204 = tpu.memref_slice %arg4[%add3A_200, %dma_start3A_203] : memref<1256x128xi32, #tpu.memory_space<hbm>> -> memref<8x128xi32, #tpu.memory_space<hbm>>
              tpu.enqueue_dma source(%dma_start3A_204 : memref<8x128xi32, #tpu.memory_space<hbm>>) target(%arg8 : memref<8x128xi32, #tpu.memory_space<vmem>>) target_semaphore(%run_scoped3A : memref<!tpu.dma_semaphore, #tpu.memory_space<semaphore_mem>>)
              %dma_wait3A_205 = arith.constant 0 : i32
              %dma_wait3A_206 = tpu.memref_slice %arg4[%add3A_200, %dma_wait3A_205] : memref<1256x128xi32, #tpu.memory_space<hbm>> -> memref<8x128xi32, #tpu.memory_space<hbm>>
              %dma_wait3A_207 = arith.constant 0 : i32
              %dma_wait3A_208 = tpu.memref_slice %arg4[%add3A_200, %dma_wait3A_207] : memref<1256x128xi32, #tpu.memory_space<hbm>> -> memref<8x128xi32, #tpu.memory_space<hbm>>
              tpu.wait_dma2 semaphore(%run_scoped3A : memref<!tpu.dma_semaphore, #tpu.memory_space<semaphore_mem>>) src(%dma_wait3A_208 : memref<8x128xi32, #tpu.memory_space<hbm>>) dst(%arg8 : memref<8x128xi32, #tpu.memory_space<vmem>>)
              tpu.yield
            }) : () -> ()
          } else {
          }
          %add3A_150 = arith.constant 1 : i32
          %add3A_151 = arith.addi %while3A_62, %add3A_150 : i32
          %lt3A_152 = arith.cmpi slt, %add3A_151, %select_n3A_24 : i32
          %convert_element_type3A_153 = arith.extui %lt3A_152 : i1 to i32
          %cond3A_154 = arith.constant 0 : i32
          %cond3A_155 = arith.cmpi ne, %convert_element_type3A_153, %cond3A_154 : i32
          scf.if %cond3A_155 {
            %add3A_175 = arith.constant 1 : i32
            %add3A_176 = arith.addi %while3A_62, %add3A_175 : i32
            %jit3A_177 = arith.constant 8 : i32
            %eq3A_178 = arith.constant 0 : i32
            %eq3A_179 = arith.cmpi eq, %jit3A_177, %eq3A_178 : i32
            %jit3A_180 = arith.constant 1 : i32
            %select_n3A_181 = arith.select %eq3A_179, %jit3A_180, %jit3A_177 : i32
            %rem3A_182 = arith.remsi %add3A_176, %select_n3A_181 : i32
            %ne3A_183 = arith.constant 0 : i32
            %ne3A_184 = arith.cmpi ne, %rem3A_182, %ne3A_183 : i32
            %lt3A_185 = arith.constant 0 : i32
            %lt3A_186 = arith.cmpi slt, %rem3A_182, %lt3A_185 : i32
            %lt3A_187 = arith.constant 0 : i32
            %lt3A_188 = arith.cmpi slt, %select_n3A_181, %lt3A_187 : i32
            %ne3A_189 = arith.xori %lt3A_186, %lt3A_188 : i1
            %and3A_190 = arith.andi %ne3A_189, %ne3A_184 : i1
            %add3A_191 = arith.addi %rem3A_182, %select_n3A_181 : i32
            %select_n3A_192 = arith.select %and3A_190, %add3A_191, %rem3A_182 : i32
            %dma_start3A_193 = arith.constant 0 : i32
            %dma_start3A_194 = tpu.memref_slice %arg8[%select_n3A_192, %dma_start3A_193] : memref<8x128xi32, #tpu.memory_space<vmem>> -> memref<1x128xi32, #tpu.memory_space<vmem>>
            %dma_start3A_195 = tpu.memref_squeeze %dma_start3A_194 : memref<1x128xi32, #tpu.memory_space<vmem>> -> memref<128xi32, #tpu.memory_space<vmem>>
            %dma_start3A_196 = arith.constant 0 : i32
            %dma_start3A_197 = arith.constant 0 : i32
            %dma_start3A_198 = tpu.memref_slice %arg3[%dma_start3A_196, %dma_start3A_197] : memref<10000x128xf32, #tpu.memory_space<hbm>> -> memref<10000x128xf32, #tpu.memory_space<hbm>>
            tpu.enqueue_indirect_dma source(%dma_start3A_198 : memref<10000x128xf32, #tpu.memory_space<hbm>>) target(%arg11 : memref<128x128xf32, #tpu.memory_space<vmem>>) offsets(%dma_start3A_195 : memref<128xi32, #tpu.memory_space<vmem>>) semaphore(%arg15 : memref<!tpu.dma_semaphore, #tpu.memory_space<semaphore_mem>>)
          } else {
          }
          %jit3A_156 = arith.constant 8 : i32
          %eq3A_157 = arith.constant 0 : i32
          %eq3A_158 = arith.cmpi eq, %jit3A_156, %eq3A_157 : i32
          %jit3A_159 = arith.constant 1 : i32
          %select_n3A_160 = arith.select %eq3A_158, %jit3A_159, %jit3A_156 : i32
          %rem3A_161 = arith.remsi %while3A_62, %select_n3A_160 : i32
          %ne3A_162 = arith.constant 0 : i32
          %ne3A_163 = arith.cmpi ne, %rem3A_161, %ne3A_162 : i32
          %lt3A_164 = arith.constant 0 : i32
          %lt3A_165 = arith.cmpi slt, %rem3A_161, %lt3A_164 : i32
          %lt3A_166 = arith.constant 0 : i32
          %lt3A_167 = arith.cmpi slt, %select_n3A_160, %lt3A_166 : i32
          %ne3A_168 = arith.xori %lt3A_165, %lt3A_167 : i1
          %and3A_169 = arith.andi %ne3A_168, %ne3A_163 : i1
          %add3A_170 = arith.addi %rem3A_161, %select_n3A_160 : i32
          %select_n3A_171 = arith.select %and3A_169, %add3A_170, %rem3A_161 : i32
          "tpu.region"() ({
            %run_scoped3A = tpu.sem_alloc : memref<!tpu.dma_semaphore, #tpu.memory_space<semaphore_mem>>
            %dma_start3A_175 = arith.constant 0 : i32
            %dma_start3A_176 = tpu.memref_slice %arg9[%select_n3A_171, %dma_start3A_175] : memref<8x128xi32, #tpu.memory_space<vmem>> -> memref<1x128xi32, #tpu.memory_space<vmem>>
            %dma_start3A_177 = tpu.memref_squeeze %dma_start3A_176 : memref<1x128xi32, #tpu.memory_space<vmem>> -> memref<128xi32, #tpu.memory_space<vmem>>
            %dma_start3A_178 = arith.constant 0 : i32
            %dma_start3A_179 = arith.constant 0 : i32
            %dma_start3A_180 = tpu.memref_slice %arg13[%dma_start3A_178, %dma_start3A_179] : memref<10008x128xf32, #tpu.memory_space<vmem_shared>> -> memref<10008x128xf32, #tpu.memory_space<vmem_shared>>
            tpu.enqueue_indirect_dma source(%arg10 : memref<128x128xf32, #tpu.memory_space<vmem>>) target(%dma_start3A_180 : memref<10008x128xf32, #tpu.memory_space<vmem_shared>>) offsets(%dma_start3A_177 : memref<128xi32, #tpu.memory_space<vmem>>) semaphore(%run_scoped3A : memref<!tpu.dma_semaphore, #tpu.memory_space<semaphore_mem>>) {add = true}
            %dma_wait3A_181 = arith.constant 0 : i32
            %dma_wait3A_182 = tpu.memref_slice %arg9[%select_n3A_171, %dma_wait3A_181] : memref<8x128xi32, #tpu.memory_space<vmem>> -> memref<1x128xi32, #tpu.memory_space<vmem>>
            %dma_wait3A_183 = tpu.memref_squeeze %dma_wait3A_182 : memref<1x128xi32, #tpu.memory_space<vmem>> -> memref<128xi32, #tpu.memory_space<vmem>>
            %dma_wait3A_184 = arith.constant 0 : i32
            %dma_wait3A_185 = arith.constant 0 : i32
            %dma_wait3A_186 = tpu.memref_slice %arg13[%dma_wait3A_184, %dma_wait3A_185] : memref<10008x128xf32, #tpu.memory_space<vmem_shared>> -> memref<10008x128xf32, #tpu.memory_space<vmem_shared>>
            tpu.wait_indirect_dma semaphore(%run_scoped3A : memref<!tpu.dma_semaphore, #tpu.memory_space<semaphore_mem>>) src(%arg10 : memref<128x128xf32, #tpu.memory_space<vmem>>) dst(%dma_wait3A_186 : memref<10008x128xf32, #tpu.memory_space<vmem_shared>>)
            tpu.yield
          }) : () -> ()
          %convert_element_type3A_172 = arith.extui %and3A_125 : i1 to i32
          %cond3A_173 = arith.constant 0 : i32
          %cond3A_174 = arith.cmpi ne, %convert_element_type3A_172, %cond3A_173 : i32
          scf.if %cond3A_174 {
            %add3A_175 = arith.constant 1 : i32
            %add3A_176 = arith.addi %while3A_62, %add3A_175 : i32
            %jit3A_177 = arith.constant 8 : i32
            %div3A = arith.divsi %add3A_176, %jit3A_177 : i32
            %sign3A = arith.constant 0 : i32
            %sign3A_178 = arith.cmpi sgt, %add3A_176, %sign3A : i32
            %sign3A_179 = arith.extui %sign3A_178 : i1 to i32
            %sign3A_180 = arith.constant 0 : i32
            %sign3A_181 = arith.cmpi slt, %add3A_176, %sign3A_180 : i32
            %sign3A_182 = arith.extui %sign3A_181 : i1 to i32
            %sign3A_183 = arith.subi %sign3A_179, %sign3A_182 : i32
            %sign3A_184 = arith.constant 0 : i32
            %sign3A_185 = arith.cmpi sgt, %jit3A_177, %sign3A_184 : i32
            %sign3A_186 = arith.extui %sign3A_185 : i1 to i32
            %sign3A_187 = arith.constant 0 : i32
            %sign3A_188 = arith.cmpi slt, %jit3A_177, %sign3A_187 : i32
            %sign3A_189 = arith.extui %sign3A_188 : i1 to i32
            %sign3A_190 = arith.subi %sign3A_186, %sign3A_189 : i32
            %ne3A_191 = arith.cmpi ne, %sign3A_183, %sign3A_190 : i32
            %rem3A_192 = arith.remsi %add3A_176, %jit3A_177 : i32
            %ne3A_193 = arith.constant 0 : i32
            %ne3A_194 = arith.cmpi ne, %rem3A_192, %ne3A_193 : i32
            %and3A_195 = arith.andi %ne3A_191, %ne3A_194 : i1
            %sub3A = arith.constant 1 : i32
            %sub3A_196 = arith.subi %div3A, %sub3A : i32
            %select_n3A_197 = arith.select %and3A_195, %sub3A_196, %div3A : i32
            %mul3A_198 = arith.constant 8 : i32
            %mul3A_199 = arith.muli %select_n3A_197, %mul3A_198 : i32
            %add3A_200 = arith.addi %mul3A_19, %mul3A_199 : i32
            "tpu.region"() ({
              %run_scoped3A = tpu.sem_alloc : memref<!tpu.dma_semaphore, #tpu.memory_space<semaphore_mem>>
              %dma_start3A_201 = arith.constant 0 : i32
              %dma_start3A_202 = tpu.memref_slice %arg5[%add3A_200, %dma_start3A_201] : memref<1256x128xi32, #tpu.memory_space<hbm>> -> memref<8x128xi32, #tpu.memory_space<hbm>>
              %dma_start3A_203 = arith.constant 0 : i32
              %dma_start3A_204 = tpu.memref_slice %arg5[%add3A_200, %dma_start3A_203] : memref<1256x128xi32, #tpu.memory_space<hbm>> -> memref<8x128xi32, #tpu.memory_space<hbm>>
              tpu.enqueue_dma source(%dma_start3A_204 : memref<8x128xi32, #tpu.memory_space<hbm>>) target(%arg9 : memref<8x128xi32, #tpu.memory_space<vmem>>) target_semaphore(%run_scoped3A : memref<!tpu.dma_semaphore, #tpu.memory_space<semaphore_mem>>)
              %dma_wait3A_205 = arith.constant 0 : i32
              %dma_wait3A_206 = tpu.memref_slice %arg5[%add3A_200, %dma_wait3A_205] : memref<1256x128xi32, #tpu.memory_space<hbm>> -> memref<8x128xi32, #tpu.memory_space<hbm>>
              %dma_wait3A_207 = arith.constant 0 : i32
              %dma_wait3A_208 = tpu.memref_slice %arg5[%add3A_200, %dma_wait3A_207] : memref<1256x128xi32, #tpu.memory_space<hbm>> -> memref<8x128xi32, #tpu.memory_space<hbm>>
              tpu.wait_dma2 semaphore(%run_scoped3A : memref<!tpu.dma_semaphore, #tpu.memory_space<semaphore_mem>>) src(%dma_wait3A_208 : memref<8x128xi32, #tpu.memory_space<hbm>>) dst(%arg9 : memref<8x128xi32, #tpu.memory_space<vmem>>)
              tpu.yield
            }) : () -> ()
          } else {
          }
        } else {
        }
        %jit3A_80 = arith.constant 2 : i32
        %eq3A_81 = arith.constant 0 : i32
        %eq3A_82 = arith.cmpi eq, %jit3A_80, %eq3A_81 : i32
        %jit3A_83 = arith.constant 1 : i32
        %select_n3A_84 = arith.select %eq3A_82, %jit3A_83, %jit3A_80 : i32
        %rem3A_85 = arith.remsi %while3A_62, %select_n3A_84 : i32
        %ne3A_86 = arith.constant 0 : i32
        %ne3A_87 = arith.cmpi ne, %rem3A_85, %ne3A_86 : i32
        %lt3A_88 = arith.constant 0 : i32
        %lt3A_89 = arith.cmpi slt, %rem3A_85, %lt3A_88 : i32
        %lt3A_90 = arith.constant 0 : i32
        %lt3A_91 = arith.cmpi slt, %select_n3A_84, %lt3A_90 : i32
        %ne3A_92 = arith.xori %lt3A_89, %lt3A_91 : i1
        %and3A_93 = arith.andi %ne3A_92, %ne3A_87 : i1
        %add3A_94 = arith.addi %rem3A_85, %select_n3A_84 : i32
        %select_n3A_95 = arith.select %and3A_93, %add3A_94, %rem3A_85 : i32
        %eq3A_96 = arith.constant 1 : i32
        %eq3A_97 = arith.cmpi eq, %select_n3A_95, %eq3A_96 : i32
        %convert_element_type3A_98 = arith.extui %eq3A_97 : i1 to i32
        %cond3A_99 = arith.constant 0 : i32
        %cond3A_100 = arith.cmpi ne, %convert_element_type3A_98, %cond3A_99 : i32
        scf.if %cond3A_100 {
          %add3A_102 = arith.constant 1 : i32
          %add3A_103 = arith.addi %while3A_62, %add3A_102 : i32
          %jit3A_104 = arith.constant 8 : i32
          %eq3A_105 = arith.constant 0 : i32
          %eq3A_106 = arith.cmpi eq, %jit3A_104, %eq3A_105 : i32
          %jit3A_107 = arith.constant 1 : i32
          %select_n3A_108 = arith.select %eq3A_106, %jit3A_107, %jit3A_104 : i32
          %rem3A_109 = arith.remsi %add3A_103, %select_n3A_108 : i32
          %ne3A_110 = arith.constant 0 : i32
          %ne3A_111 = arith.cmpi ne, %rem3A_109, %ne3A_110 : i32
          %lt3A_112 = arith.constant 0 : i32
          %lt3A_113 = arith.cmpi slt, %rem3A_109, %lt3A_112 : i32
          %lt3A_114 = arith.constant 0 : i32
          %lt3A_115 = arith.cmpi slt, %select_n3A_108, %lt3A_114 : i32
          %ne3A_116 = arith.xori %lt3A_113, %lt3A_115 : i1
          %and3A_117 = arith.andi %ne3A_116, %ne3A_111 : i1
          %add3A_118 = arith.addi %rem3A_109, %select_n3A_108 : i32
          %select_n3A_119 = arith.select %and3A_117, %add3A_118, %rem3A_109 : i32
          %eq3A_120 = arith.constant 0 : i32
          %eq3A_121 = arith.cmpi eq, %select_n3A_119, %eq3A_120 : i32
          %add3A_122 = arith.constant 1 : i32
          %add3A_123 = arith.addi %while3A_62, %add3A_122 : i32
          %lt3A_124 = arith.cmpi slt, %add3A_123, %select_n3A_24 : i32
          %and3A_125 = arith.andi %eq3A_121, %lt3A_124 : i1
          %jit3A_126 = arith.constant 8 : i32
          %eq3A_127 = arith.constant 0 : i32
          %eq3A_128 = arith.cmpi eq, %jit3A_126, %eq3A_127 : i32
          %jit3A_129 = arith.constant 1 : i32
          %select_n3A_130 = arith.select %eq3A_128, %jit3A_129, %jit3A_126 : i32
          %rem3A_131 = arith.remsi %while3A_62, %select_n3A_130 : i32
          %ne3A_132 = arith.constant 0 : i32
          %ne3A_133 = arith.cmpi ne, %rem3A_131, %ne3A_132 : i32
          %lt3A_134 = arith.constant 0 : i32
          %lt3A_135 = arith.cmpi slt, %rem3A_131, %lt3A_134 : i32
          %lt3A_136 = arith.constant 0 : i32
          %lt3A_137 = arith.cmpi slt, %select_n3A_130, %lt3A_136 : i32
          %ne3A_138 = arith.xori %lt3A_135, %lt3A_137 : i1
          %and3A_139 = arith.andi %ne3A_138, %ne3A_133 : i1
          %add3A_140 = arith.addi %rem3A_131, %select_n3A_130 : i32
          %select_n3A_141 = arith.select %and3A_139, %add3A_140, %rem3A_131 : i32
          %dma_wait3A = arith.constant 0 : i32
          %dma_wait3A_142 = tpu.memref_slice %arg8[%select_n3A_141, %dma_wait3A] : memref<8x128xi32, #tpu.memory_space<vmem>> -> memref<1x128xi32, #tpu.memory_space<vmem>>
          %dma_wait3A_143 = tpu.memref_squeeze %dma_wait3A_142 : memref<1x128xi32, #tpu.memory_space<vmem>> -> memref<128xi32, #tpu.memory_space<vmem>>
          %dma_wait3A_144 = arith.constant 0 : i32
          %dma_wait3A_145 = arith.constant 0 : i32
          %dma_wait3A_146 = tpu.memref_slice %arg3[%dma_wait3A_144, %dma_wait3A_145] : memref<10000x128xf32, #tpu.memory_space<hbm>> -> memref<10000x128xf32, #tpu.memory_space<hbm>>
          tpu.wait_indirect_dma semaphore(%arg15 : memref<!tpu.dma_semaphore, #tpu.memory_space<semaphore_mem>>) src(%dma_wait3A_146 : memref<10000x128xf32, #tpu.memory_space<hbm>>) dst(%arg11 : memref<128x128xf32, #tpu.memory_space<vmem>>)
          %convert_element_type3A_147 = arith.extui %and3A_125 : i1 to i32
          %cond3A_148 = arith.constant 0 : i32
          %cond3A_149 = arith.cmpi ne, %convert_element_type3A_147, %cond3A_148 : i32
          scf.if %cond3A_149 {
            %add3A_175 = arith.constant 1 : i32
            %add3A_176 = arith.addi %while3A_62, %add3A_175 : i32
            %jit3A_177 = arith.constant 8 : i32
            %div3A = arith.divsi %add3A_176, %jit3A_177 : i32
            %sign3A = arith.constant 0 : i32
            %sign3A_178 = arith.cmpi sgt, %add3A_176, %sign3A : i32
            %sign3A_179 = arith.extui %sign3A_178 : i1 to i32
            %sign3A_180 = arith.constant 0 : i32
            %sign3A_181 = arith.cmpi slt, %add3A_176, %sign3A_180 : i32
            %sign3A_182 = arith.extui %sign3A_181 : i1 to i32
            %sign3A_183 = arith.subi %sign3A_179, %sign3A_182 : i32
            %sign3A_184 = arith.constant 0 : i32
            %sign3A_185 = arith.cmpi sgt, %jit3A_177, %sign3A_184 : i32
            %sign3A_186 = arith.extui %sign3A_185 : i1 to i32
            %sign3A_187 = arith.constant 0 : i32
            %sign3A_188 = arith.cmpi slt, %jit3A_177, %sign3A_187 : i32
            %sign3A_189 = arith.extui %sign3A_188 : i1 to i32
            %sign3A_190 = arith.subi %sign3A_186, %sign3A_189 : i32
            %ne3A_191 = arith.cmpi ne, %sign3A_183, %sign3A_190 : i32
            %rem3A_192 = arith.remsi %add3A_176, %jit3A_177 : i32
            %ne3A_193 = arith.constant 0 : i32
            %ne3A_194 = arith.cmpi ne, %rem3A_192, %ne3A_193 : i32
            %and3A_195 = arith.andi %ne3A_191, %ne3A_194 : i1
            %sub3A = arith.constant 1 : i32
            %sub3A_196 = arith.subi %div3A, %sub3A : i32
            %select_n3A_197 = arith.select %and3A_195, %sub3A_196, %div3A : i32
            %mul3A_198 = arith.constant 8 : i32
            %mul3A_199 = arith.muli %select_n3A_197, %mul3A_198 : i32
            %add3A_200 = arith.addi %mul3A_19, %mul3A_199 : i32
            "tpu.region"() ({
              %run_scoped3A = tpu.sem_alloc : memref<!tpu.dma_semaphore, #tpu.memory_space<semaphore_mem>>
              %dma_start3A_201 = arith.constant 0 : i32
              %dma_start3A_202 = tpu.memref_slice %arg4[%add3A_200, %dma_start3A_201] : memref<1256x128xi32, #tpu.memory_space<hbm>> -> memref<8x128xi32, #tpu.memory_space<hbm>>
              %dma_start3A_203 = arith.constant 0 : i32
              %dma_start3A_204 = tpu.memref_slice %arg4[%add3A_200, %dma_start3A_203] : memref<1256x128xi32, #tpu.memory_space<hbm>> -> memref<8x128xi32, #tpu.memory_space<hbm>>
              tpu.enqueue_dma source(%dma_start3A_204 : memref<8x128xi32, #tpu.memory_space<hbm>>) target(%arg8 : memref<8x128xi32, #tpu.memory_space<vmem>>) target_semaphore(%run_scoped3A : memref<!tpu.dma_semaphore, #tpu.memory_space<semaphore_mem>>)
              %dma_wait3A_205 = arith.constant 0 : i32
              %dma_wait3A_206 = tpu.memref_slice %arg4[%add3A_200, %dma_wait3A_205] : memref<1256x128xi32, #tpu.memory_space<hbm>> -> memref<8x128xi32, #tpu.memory_space<hbm>>
              %dma_wait3A_207 = arith.constant 0 : i32
              %dma_wait3A_208 = tpu.memref_slice %arg4[%add3A_200, %dma_wait3A_207] : memref<1256x128xi32, #tpu.memory_space<hbm>> -> memref<8x128xi32, #tpu.memory_space<hbm>>
              tpu.wait_dma2 semaphore(%run_scoped3A : memref<!tpu.dma_semaphore, #tpu.memory_space<semaphore_mem>>) src(%dma_wait3A_208 : memref<8x128xi32, #tpu.memory_space<hbm>>) dst(%arg8 : memref<8x128xi32, #tpu.memory_space<vmem>>)
              tpu.yield
            }) : () -> ()
          } else {
          }
          %add3A_150 = arith.constant 1 : i32
          %add3A_151 = arith.addi %while3A_62, %add3A_150 : i32
          %lt3A_152 = arith.cmpi slt, %add3A_151, %select_n3A_24 : i32
          %convert_element_type3A_153 = arith.extui %lt3A_152 : i1 to i32
          %cond3A_154 = arith.constant 0 : i32
          %cond3A_155 = arith.cmpi ne, %convert_element_type3A_153, %cond3A_154 : i32
          scf.if %cond3A_155 {
            %add3A_175 = arith.constant 1 : i32
            %add3A_176 = arith.addi %while3A_62, %add3A_175 : i32
            %jit3A_177 = arith.constant 8 : i32
            %eq3A_178 = arith.constant 0 : i32
            %eq3A_179 = arith.cmpi eq, %jit3A_177, %eq3A_178 : i32
            %jit3A_180 = arith.constant 1 : i32
            %select_n3A_181 = arith.select %eq3A_179, %jit3A_180, %jit3A_177 : i32
            %rem3A_182 = arith.remsi %add3A_176, %select_n3A_181 : i32
            %ne3A_183 = arith.constant 0 : i32
            %ne3A_184 = arith.cmpi ne, %rem3A_182, %ne3A_183 : i32
            %lt3A_185 = arith.constant 0 : i32
            %lt3A_186 = arith.cmpi slt, %rem3A_182, %lt3A_185 : i32
            %lt3A_187 = arith.constant 0 : i32
            %lt3A_188 = arith.cmpi slt, %select_n3A_181, %lt3A_187 : i32
            %ne3A_189 = arith.xori %lt3A_186, %lt3A_188 : i1
            %and3A_190 = arith.andi %ne3A_189, %ne3A_184 : i1
            %add3A_191 = arith.addi %rem3A_182, %select_n3A_181 : i32
            %select_n3A_192 = arith.select %and3A_190, %add3A_191, %rem3A_182 : i32
            %dma_start3A_193 = arith.constant 0 : i32
            %dma_start3A_194 = tpu.memref_slice %arg8[%select_n3A_192, %dma_start3A_193] : memref<8x128xi32, #tpu.memory_space<vmem>> -> memref<1x128xi32, #tpu.memory_space<vmem>>
            %dma_start3A_195 = tpu.memref_squeeze %dma_start3A_194 : memref<1x128xi32, #tpu.memory_space<vmem>> -> memref<128xi32, #tpu.memory_space<vmem>>
            %dma_start3A_196 = arith.constant 0 : i32
            %dma_start3A_197 = arith.constant 0 : i32
            %dma_start3A_198 = tpu.memref_slice %arg3[%dma_start3A_196, %dma_start3A_197] : memref<10000x128xf32, #tpu.memory_space<hbm>> -> memref<10000x128xf32, #tpu.memory_space<hbm>>
            tpu.enqueue_indirect_dma source(%dma_start3A_198 : memref<10000x128xf32, #tpu.memory_space<hbm>>) target(%arg10 : memref<128x128xf32, #tpu.memory_space<vmem>>) offsets(%dma_start3A_195 : memref<128xi32, #tpu.memory_space<vmem>>) semaphore(%arg14 : memref<!tpu.dma_semaphore, #tpu.memory_space<semaphore_mem>>)
          } else {
          }
          %jit3A_156 = arith.constant 8 : i32
          %eq3A_157 = arith.constant 0 : i32
          %eq3A_158 = arith.cmpi eq, %jit3A_156, %eq3A_157 : i32
          %jit3A_159 = arith.constant 1 : i32
          %select_n3A_160 = arith.select %eq3A_158, %jit3A_159, %jit3A_156 : i32
          %rem3A_161 = arith.remsi %while3A_62, %select_n3A_160 : i32
          %ne3A_162 = arith.constant 0 : i32
          %ne3A_163 = arith.cmpi ne, %rem3A_161, %ne3A_162 : i32
          %lt3A_164 = arith.constant 0 : i32
          %lt3A_165 = arith.cmpi slt, %rem3A_161, %lt3A_164 : i32
          %lt3A_166 = arith.constant 0 : i32
          %lt3A_167 = arith.cmpi slt, %select_n3A_160, %lt3A_166 : i32
          %ne3A_168 = arith.xori %lt3A_165, %lt3A_167 : i1
          %and3A_169 = arith.andi %ne3A_168, %ne3A_163 : i1
          %add3A_170 = arith.addi %rem3A_161, %select_n3A_160 : i32
          %select_n3A_171 = arith.select %and3A_169, %add3A_170, %rem3A_161 : i32
          "tpu.region"() ({
            %run_scoped3A = tpu.sem_alloc : memref<!tpu.dma_semaphore, #tpu.memory_space<semaphore_mem>>
            %dma_start3A_175 = arith.constant 0 : i32
            %dma_start3A_176 = tpu.memref_slice %arg9[%select_n3A_171, %dma_start3A_175] : memref<8x128xi32, #tpu.memory_space<vmem>> -> memref<1x128xi32, #tpu.memory_space<vmem>>
            %dma_start3A_177 = tpu.memref_squeeze %dma_start3A_176 : memref<1x128xi32, #tpu.memory_space<vmem>> -> memref<128xi32, #tpu.memory_space<vmem>>
            %dma_start3A_178 = arith.constant 0 : i32
            %dma_start3A_179 = arith.constant 0 : i32
            %dma_start3A_180 = tpu.memref_slice %arg13[%dma_start3A_178, %dma_start3A_179] : memref<10008x128xf32, #tpu.memory_space<vmem_shared>> -> memref<10008x128xf32, #tpu.memory_space<vmem_shared>>
            tpu.enqueue_indirect_dma source(%arg11 : memref<128x128xf32, #tpu.memory_space<vmem>>) target(%dma_start3A_180 : memref<10008x128xf32, #tpu.memory_space<vmem_shared>>) offsets(%dma_start3A_177 : memref<128xi32, #tpu.memory_space<vmem>>) semaphore(%run_scoped3A : memref<!tpu.dma_semaphore, #tpu.memory_space<semaphore_mem>>) {add = true}
            %dma_wait3A_181 = arith.constant 0 : i32
            %dma_wait3A_182 = tpu.memref_slice %arg9[%select_n3A_171, %dma_wait3A_181] : memref<8x128xi32, #tpu.memory_space<vmem>> -> memref<1x128xi32, #tpu.memory_space<vmem>>
            %dma_wait3A_183 = tpu.memref_squeeze %dma_wait3A_182 : memref<1x128xi32, #tpu.memory_space<vmem>> -> memref<128xi32, #tpu.memory_space<vmem>>
            %dma_wait3A_184 = arith.constant 0 : i32
            %dma_wait3A_185 = arith.constant 0 : i32
            %dma_wait3A_186 = tpu.memref_slice %arg13[%dma_wait3A_184, %dma_wait3A_185] : memref<10008x128xf32, #tpu.memory_space<vmem_shared>> -> memref<10008x128xf32, #tpu.memory_space<vmem_shared>>
            tpu.wait_indirect_dma semaphore(%run_scoped3A : memref<!tpu.dma_semaphore, #tpu.memory_space<semaphore_mem>>) src(%arg11 : memref<128x128xf32, #tpu.memory_space<vmem>>) dst(%dma_wait3A_186 : memref<10008x128xf32, #tpu.memory_space<vmem_shared>>)
            tpu.yield
          }) : () -> ()
          %convert_element_type3A_172 = arith.extui %and3A_125 : i1 to i32
          %cond3A_173 = arith.constant 0 : i32
          %cond3A_174 = arith.cmpi ne, %convert_element_type3A_172, %cond3A_173 : i32
          scf.if %cond3A_174 {
            %add3A_175 = arith.constant 1 : i32
            %add3A_176 = arith.addi %while3A_62, %add3A_175 : i32
            %jit3A_177 = arith.constant 8 : i32
            %div3A = arith.divsi %add3A_176, %jit3A_177 : i32
            %sign3A = arith.constant 0 : i32
            %sign3A_178 = arith.cmpi sgt, %add3A_176, %sign3A : i32
            %sign3A_179 = arith.extui %sign3A_178 : i1 to i32
            %sign3A_180 = arith.constant 0 : i32
            %sign3A_181 = arith.cmpi slt, %add3A_176, %sign3A_180 : i32
            %sign3A_182 = arith.extui %sign3A_181 : i1 to i32
            %sign3A_183 = arith.subi %sign3A_179, %sign3A_182 : i32
            %sign3A_184 = arith.constant 0 : i32
            %sign3A_185 = arith.cmpi sgt, %jit3A_177, %sign3A_184 : i32
            %sign3A_186 = arith.extui %sign3A_185 : i1 to i32
            %sign3A_187 = arith.constant 0 : i32
            %sign3A_188 = arith.cmpi slt, %jit3A_177, %sign3A_187 : i32
            %sign3A_189 = arith.extui %sign3A_188 : i1 to i32
            %sign3A_190 = arith.subi %sign3A_186, %sign3A_189 : i32
            %ne3A_191 = arith.cmpi ne, %sign3A_183, %sign3A_190 : i32
            %rem3A_192 = arith.remsi %add3A_176, %jit3A_177 : i32
            %ne3A_193 = arith.constant 0 : i32
            %ne3A_194 = arith.cmpi ne, %rem3A_192, %ne3A_193 : i32
            %and3A_195 = arith.andi %ne3A_191, %ne3A_194 : i1
            %sub3A = arith.constant 1 : i32
            %sub3A_196 = arith.subi %div3A, %sub3A : i32
            %select_n3A_197 = arith.select %and3A_195, %sub3A_196, %div3A : i32
            %mul3A_198 = arith.constant 8 : i32
            %mul3A_199 = arith.muli %select_n3A_197, %mul3A_198 : i32
            %add3A_200 = arith.addi %mul3A_19, %mul3A_199 : i32
            "tpu.region"() ({
              %run_scoped3A = tpu.sem_alloc : memref<!tpu.dma_semaphore, #tpu.memory_space<semaphore_mem>>
              %dma_start3A_201 = arith.constant 0 : i32
              %dma_start3A_202 = tpu.memref_slice %arg5[%add3A_200, %dma_start3A_201] : memref<1256x128xi32, #tpu.memory_space<hbm>> -> memref<8x128xi32, #tpu.memory_space<hbm>>
              %dma_start3A_203 = arith.constant 0 : i32
              %dma_start3A_204 = tpu.memref_slice %arg5[%add3A_200, %dma_start3A_203] : memref<1256x128xi32, #tpu.memory_space<hbm>> -> memref<8x128xi32, #tpu.memory_space<hbm>>
              tpu.enqueue_dma source(%dma_start3A_204 : memref<8x128xi32, #tpu.memory_space<hbm>>) target(%arg9 : memref<8x128xi32, #tpu.memory_space<vmem>>) target_semaphore(%run_scoped3A : memref<!tpu.dma_semaphore, #tpu.memory_space<semaphore_mem>>)
              %dma_wait3A_205 = arith.constant 0 : i32
              %dma_wait3A_206 = tpu.memref_slice %arg5[%add3A_200, %dma_wait3A_205] : memref<1256x128xi32, #tpu.memory_space<hbm>> -> memref<8x128xi32, #tpu.memory_space<hbm>>
              %dma_wait3A_207 = arith.constant 0 : i32
              %dma_wait3A_208 = tpu.memref_slice %arg5[%add3A_200, %dma_wait3A_207] : memref<1256x128xi32, #tpu.memory_space<hbm>> -> memref<8x128xi32, #tpu.memory_space<hbm>>
              tpu.wait_dma2 semaphore(%run_scoped3A : memref<!tpu.dma_semaphore, #tpu.memory_space<semaphore_mem>>) src(%dma_wait3A_208 : memref<8x128xi32, #tpu.memory_space<hbm>>) dst(%arg9 : memref<8x128xi32, #tpu.memory_space<vmem>>)
              tpu.yield
            }) : () -> ()
          } else {
          }
        } else {
        }
        %while3A_101 = arith.constant 0 : i32
        scf.yield %while3A_101 : i32
      }
      %while3A_60 = arith.constant 1 : i32
      %while3A_61 = scf.for %while3A_62 = %while3A_57 to %while3A_53 step %while3A_60 iter_args(%while3A_63 = %while3A_59) -> (i32)  : i32 {
        %jit3A_64 = arith.constant 2 : i32
        %eq3A_65 = arith.constant 0 : i32
        %eq3A_66 = arith.cmpi eq, %jit3A_64, %eq3A_65 : i32
        %jit3A_67 = arith.constant 1 : i32
        %select_n3A_68 = arith.select %eq3A_66, %jit3A_67, %jit3A_64 : i32
        %rem3A = arith.remsi %while3A_62, %select_n3A_68 : i32
        %ne3A = arith.constant 0 : i32
        %ne3A_69 = arith.cmpi ne, %rem3A, %ne3A : i32
        %lt3A = arith.constant 0 : i32
        %lt3A_70 = arith.cmpi slt, %rem3A, %lt3A : i32
        %lt3A_71 = arith.constant 0 : i32
        %lt3A_72 = arith.cmpi slt, %select_n3A_68, %lt3A_71 : i32
        %ne3A_73 = arith.xori %lt3A_70, %lt3A_72 : i1
        %and3A = arith.andi %ne3A_73, %ne3A_69 : i1
        %add3A = arith.addi %rem3A, %select_n3A_68 : i32
        %select_n3A_74 = arith.select %and3A, %add3A, %rem3A : i32
        %eq3A_75 = arith.constant 0 : i32
        %eq3A_76 = arith.cmpi eq, %select_n3A_74, %eq3A_75 : i32
        %convert_element_type3A_77 = arith.extui %eq3A_76 : i1 to i32
        %cond3A_78 = arith.constant 0 : i32
        %cond3A_79 = arith.cmpi ne, %convert_element_type3A_77, %cond3A_78 : i32
        scf.if %cond3A_79 {
          %add3A_102 = arith.constant 1 : i32
          %add3A_103 = arith.addi %while3A_62, %add3A_102 : i32
          %jit3A_104 = arith.constant 8 : i32
          %eq3A_105 = arith.constant 0 : i32
          %eq3A_106 = arith.cmpi eq, %jit3A_104, %eq3A_105 : i32
          %jit3A_107 = arith.constant 1 : i32
          %select_n3A_108 = arith.select %eq3A_106, %jit3A_107, %jit3A_104 : i32
          %rem3A_109 = arith.remsi %add3A_103, %select_n3A_108 : i32
          %ne3A_110 = arith.constant 0 : i32
          %ne3A_111 = arith.cmpi ne, %rem3A_109, %ne3A_110 : i32
          %lt3A_112 = arith.constant 0 : i32
          %lt3A_113 = arith.cmpi slt, %rem3A_109, %lt3A_112 : i32
          %lt3A_114 = arith.constant 0 : i32
          %lt3A_115 = arith.cmpi slt, %select_n3A_108, %lt3A_114 : i32
          %ne3A_116 = arith.xori %lt3A_113, %lt3A_115 : i1
          %and3A_117 = arith.andi %ne3A_116, %ne3A_111 : i1
          %add3A_118 = arith.addi %rem3A_109, %select_n3A_108 : i32
          %select_n3A_119 = arith.select %and3A_117, %add3A_118, %rem3A_109 : i32
          %eq3A_120 = arith.constant 0 : i32
          %eq3A_121 = arith.cmpi eq, %select_n3A_119, %eq3A_120 : i32
          %add3A_122 = arith.constant 1 : i32
          %add3A_123 = arith.addi %while3A_62, %add3A_122 : i32
          %lt3A_124 = arith.cmpi slt, %add3A_123, %select_n3A_24 : i32
          %and3A_125 = arith.andi %eq3A_121, %lt3A_124 : i1
          %jit3A_126 = arith.constant 8 : i32
          %eq3A_127 = arith.constant 0 : i32
          %eq3A_128 = arith.cmpi eq, %jit3A_126, %eq3A_127 : i32
          %jit3A_129 = arith.constant 1 : i32
          %select_n3A_130 = arith.select %eq3A_128, %jit3A_129, %jit3A_126 : i32
          %rem3A_131 = arith.remsi %while3A_62, %select_n3A_130 : i32
          %ne3A_132 = arith.constant 0 : i32
          %ne3A_133 = arith.cmpi ne, %rem3A_131, %ne3A_132 : i32
          %lt3A_134 = arith.constant 0 : i32
          %lt3A_135 = arith.cmpi slt, %rem3A_131, %lt3A_134 : i32
          %lt3A_136 = arith.constant 0 : i32
          %lt3A_137 = arith.cmpi slt, %select_n3A_130, %lt3A_136 : i32
          %ne3A_138 = arith.xori %lt3A_135, %lt3A_137 : i1
          %and3A_139 = arith.andi %ne3A_138, %ne3A_133 : i1
          %add3A_140 = arith.addi %rem3A_131, %select_n3A_130 : i32
          %select_n3A_141 = arith.select %and3A_139, %add3A_140, %rem3A_131 : i32
          %dma_wait3A = arith.constant 0 : i32
          %dma_wait3A_142 = tpu.memref_slice %arg8[%select_n3A_141, %dma_wait3A] : memref<8x128xi32, #tpu.memory_space<vmem>> -> memref<1x128xi32, #tpu.memory_space<vmem>>
          %dma_wait3A_143 = tpu.memref_squeeze %dma_wait3A_142 : memref<1x128xi32, #tpu.memory_space<vmem>> -> memref<128xi32, #tpu.memory_space<vmem>>
          %dma_wait3A_144 = arith.constant 0 : i32
          %dma_wait3A_145 = arith.constant 0 : i32
          %dma_wait3A_146 = tpu.memref_slice %arg3[%dma_wait3A_144, %dma_wait3A_145] : memref<10000x128xf32, #tpu.memory_space<hbm>> -> memref<10000x128xf32, #tpu.memory_space<hbm>>
          tpu.wait_indirect_dma semaphore(%arg14 : memref<!tpu.dma_semaphore, #tpu.memory_space<semaphore_mem>>) src(%dma_wait3A_146 : memref<10000x128xf32, #tpu.memory_space<hbm>>) dst(%arg10 : memref<128x128xf32, #tpu.memory_space<vmem>>)
          %convert_element_type3A_147 = arith.extui %and3A_125 : i1 to i32
          %cond3A_148 = arith.constant 0 : i32
          %cond3A_149 = arith.cmpi ne, %convert_element_type3A_147, %cond3A_148 : i32
          scf.if %cond3A_149 {
            %add3A_175 = arith.constant 1 : i32
            %add3A_176 = arith.addi %while3A_62, %add3A_175 : i32
            %jit3A_177 = arith.constant 8 : i32
            %div3A = arith.divsi %add3A_176, %jit3A_177 : i32
            %sign3A = arith.constant 0 : i32
            %sign3A_178 = arith.cmpi sgt, %add3A_176, %sign3A : i32
            %sign3A_179 = arith.extui %sign3A_178 : i1 to i32
            %sign3A_180 = arith.constant 0 : i32
            %sign3A_181 = arith.cmpi slt, %add3A_176, %sign3A_180 : i32
            %sign3A_182 = arith.extui %sign3A_181 : i1 to i32
            %sign3A_183 = arith.subi %sign3A_179, %sign3A_182 : i32
            %sign3A_184 = arith.constant 0 : i32
            %sign3A_185 = arith.cmpi sgt, %jit3A_177, %sign3A_184 : i32
            %sign3A_186 = arith.extui %sign3A_185 : i1 to i32
            %sign3A_187 = arith.constant 0 : i32
            %sign3A_188 = arith.cmpi slt, %jit3A_177, %sign3A_187 : i32
            %sign3A_189 = arith.extui %sign3A_188 : i1 to i32
            %sign3A_190 = arith.subi %sign3A_186, %sign3A_189 : i32
            %ne3A_191 = arith.cmpi ne, %sign3A_183, %sign3A_190 : i32
            %rem3A_192 = arith.remsi %add3A_176, %jit3A_177 : i32
            %ne3A_193 = arith.constant 0 : i32
            %ne3A_194 = arith.cmpi ne, %rem3A_192, %ne3A_193 : i32
            %and3A_195 = arith.andi %ne3A_191, %ne3A_194 : i1
            %sub3A = arith.constant 1 : i32
            %sub3A_196 = arith.subi %div3A, %sub3A : i32
            %select_n3A_197 = arith.select %and3A_195, %sub3A_196, %div3A : i32
            %mul3A_198 = arith.constant 8 : i32
            %mul3A_199 = arith.muli %select_n3A_197, %mul3A_198 : i32
            %add3A_200 = arith.addi %mul3A_19, %mul3A_199 : i32
            "tpu.region"() ({
              %run_scoped3A = tpu.sem_alloc : memref<!tpu.dma_semaphore, #tpu.memory_space<semaphore_mem>>
              %dma_start3A_201 = arith.constant 0 : i32
              %dma_start3A_202 = tpu.memref_slice %arg4[%add3A_200, %dma_start3A_201] : memref<1256x128xi32, #tpu.memory_space<hbm>> -> memref<8x128xi32, #tpu.memory_space<hbm>>
              %dma_start3A_203 = arith.constant 0 : i32
              %dma_start3A_204 = tpu.memref_slice %arg4[%add3A_200, %dma_start3A_203] : memref<1256x128xi32, #tpu.memory_space<hbm>> -> memref<8x128xi32, #tpu.memory_space<hbm>>
              tpu.enqueue_dma source(%dma_start3A_204 : memref<8x128xi32, #tpu.memory_space<hbm>>) target(%arg8 : memref<8x128xi32, #tpu.memory_space<vmem>>) target_semaphore(%run_scoped3A : memref<!tpu.dma_semaphore, #tpu.memory_space<semaphore_mem>>)
              %dma_wait3A_205 = arith.constant 0 : i32
              %dma_wait3A_206 = tpu.memref_slice %arg4[%add3A_200, %dma_wait3A_205] : memref<1256x128xi32, #tpu.memory_space<hbm>> -> memref<8x128xi32, #tpu.memory_space<hbm>>
              %dma_wait3A_207 = arith.constant 0 : i32
              %dma_wait3A_208 = tpu.memref_slice %arg4[%add3A_200, %dma_wait3A_207] : memref<1256x128xi32, #tpu.memory_space<hbm>> -> memref<8x128xi32, #tpu.memory_space<hbm>>
              tpu.wait_dma2 semaphore(%run_scoped3A : memref<!tpu.dma_semaphore, #tpu.memory_space<semaphore_mem>>) src(%dma_wait3A_208 : memref<8x128xi32, #tpu.memory_space<hbm>>) dst(%arg8 : memref<8x128xi32, #tpu.memory_space<vmem>>)
              tpu.yield
            }) : () -> ()
          } else {
          }
          %add3A_150 = arith.constant 1 : i32
          %add3A_151 = arith.addi %while3A_62, %add3A_150 : i32
          %lt3A_152 = arith.cmpi slt, %add3A_151, %select_n3A_24 : i32
          %convert_element_type3A_153 = arith.extui %lt3A_152 : i1 to i32
          %cond3A_154 = arith.constant 0 : i32
          %cond3A_155 = arith.cmpi ne, %convert_element_type3A_153, %cond3A_154 : i32
          scf.if %cond3A_155 {
            %add3A_175 = arith.constant 1 : i32
            %add3A_176 = arith.addi %while3A_62, %add3A_175 : i32
            %jit3A_177 = arith.constant 8 : i32
            %eq3A_178 = arith.constant 0 : i32
            %eq3A_179 = arith.cmpi eq, %jit3A_177, %eq3A_178 : i32
            %jit3A_180 = arith.constant 1 : i32
            %select_n3A_181 = arith.select %eq3A_179, %jit3A_180, %jit3A_177 : i32
            %rem3A_182 = arith.remsi %add3A_176, %select_n3A_181 : i32
            %ne3A_183 = arith.constant 0 : i32
            %ne3A_184 = arith.cmpi ne, %rem3A_182, %ne3A_183 : i32
            %lt3A_185 = arith.constant 0 : i32
            %lt3A_186 = arith.cmpi slt, %rem3A_182, %lt3A_185 : i32
            %lt3A_187 = arith.constant 0 : i32
            %lt3A_188 = arith.cmpi slt, %select_n3A_181, %lt3A_187 : i32
            %ne3A_189 = arith.xori %lt3A_186, %lt3A_188 : i1
            %and3A_190 = arith.andi %ne3A_189, %ne3A_184 : i1
            %add3A_191 = arith.addi %rem3A_182, %select_n3A_181 : i32
            %select_n3A_192 = arith.select %and3A_190, %add3A_191, %rem3A_182 : i32
            %dma_start3A_193 = arith.constant 0 : i32
            %dma_start3A_194 = tpu.memref_slice %arg8[%select_n3A_192, %dma_start3A_193] : memref<8x128xi32, #tpu.memory_space<vmem>> -> memref<1x128xi32, #tpu.memory_space<vmem>>
            %dma_start3A_195 = tpu.memref_squeeze %dma_start3A_194 : memref<1x128xi32, #tpu.memory_space<vmem>> -> memref<128xi32, #tpu.memory_space<vmem>>
            %dma_start3A_196 = arith.constant 0 : i32
            %dma_start3A_197 = arith.constant 0 : i32
            %dma_start3A_198 = tpu.memref_slice %arg3[%dma_start3A_196, %dma_start3A_197] : memref<10000x128xf32, #tpu.memory_space<hbm>> -> memref<10000x128xf32, #tpu.memory_space<hbm>>
            tpu.enqueue_indirect_dma source(%dma_start3A_198 : memref<10000x128xf32, #tpu.memory_space<hbm>>) target(%arg11 : memref<128x128xf32, #tpu.memory_space<vmem>>) offsets(%dma_start3A_195 : memref<128xi32, #tpu.memory_space<vmem>>) semaphore(%arg15 : memref<!tpu.dma_semaphore, #tpu.memory_space<semaphore_mem>>)
          } else {
          }
          %jit3A_156 = arith.constant 8 : i32
          %eq3A_157 = arith.constant 0 : i32
          %eq3A_158 = arith.cmpi eq, %jit3A_156, %eq3A_157 : i32
          %jit3A_159 = arith.constant 1 : i32
          %select_n3A_160 = arith.select %eq3A_158, %jit3A_159, %jit3A_156 : i32
          %rem3A_161 = arith.remsi %while3A_62, %select_n3A_160 : i32
          %ne3A_162 = arith.constant 0 : i32
          %ne3A_163 = arith.cmpi ne, %rem3A_161, %ne3A_162 : i32
          %lt3A_164 = arith.constant 0 : i32
          %lt3A_165 = arith.cmpi slt, %rem3A_161, %lt3A_164 : i32
          %lt3A_166 = arith.constant 0 : i32
          %lt3A_167 = arith.cmpi slt, %select_n3A_160, %lt3A_166 : i32
          %ne3A_168 = arith.xori %lt3A_165, %lt3A_167 : i1
          %and3A_169 = arith.andi %ne3A_168, %ne3A_163 : i1
          %add3A_170 = arith.addi %rem3A_161, %select_n3A_160 : i32
          %select_n3A_171 = arith.select %and3A_169, %add3A_170, %rem3A_161 : i32
          "tpu.region"() ({
            %run_scoped3A = tpu.sem_alloc : memref<!tpu.dma_semaphore, #tpu.memory_space<semaphore_mem>>
            %dma_start3A_175 = arith.constant 0 : i32
            %dma_start3A_176 = tpu.memref_slice %arg9[%select_n3A_171, %dma_start3A_175] : memref<8x128xi32, #tpu.memory_space<vmem>> -> memref<1x128xi32, #tpu.memory_space<vmem>>
            %dma_start3A_177 = tpu.memref_squeeze %dma_start3A_176 : memref<1x128xi32, #tpu.memory_space<vmem>> -> memref<128xi32, #tpu.memory_space<vmem>>
            %dma_start3A_178 = arith.constant 0 : i32
            %dma_start3A_179 = arith.constant 0 : i32
            %dma_start3A_180 = tpu.memref_slice %arg13[%dma_start3A_178, %dma_start3A_179] : memref<10008x128xf32, #tpu.memory_space<vmem_shared>> -> memref<10008x128xf32, #tpu.memory_space<vmem_shared>>
            tpu.enqueue_indirect_dma source(%arg10 : memref<128x128xf32, #tpu.memory_space<vmem>>) target(%dma_start3A_180 : memref<10008x128xf32, #tpu.memory_space<vmem_shared>>) offsets(%dma_start3A_177 : memref<128xi32, #tpu.memory_space<vmem>>) semaphore(%run_scoped3A : memref<!tpu.dma_semaphore, #tpu.memory_space<semaphore_mem>>) {add = true}
            %dma_wait3A_181 = arith.constant 0 : i32
            %dma_wait3A_182 = tpu.memref_slice %arg9[%select_n3A_171, %dma_wait3A_181] : memref<8x128xi32, #tpu.memory_space<vmem>> -> memref<1x128xi32, #tpu.memory_space<vmem>>
            %dma_wait3A_183 = tpu.memref_squeeze %dma_wait3A_182 : memref<1x128xi32, #tpu.memory_space<vmem>> -> memref<128xi32, #tpu.memory_space<vmem>>
            %dma_wait3A_184 = arith.constant 0 : i32
            %dma_wait3A_185 = arith.constant 0 : i32
            %dma_wait3A_186 = tpu.memref_slice %arg13[%dma_wait3A_184, %dma_wait3A_185] : memref<10008x128xf32, #tpu.memory_space<vmem_shared>> -> memref<10008x128xf32, #tpu.memory_space<vmem_shared>>
            tpu.wait_indirect_dma semaphore(%run_scoped3A : memref<!tpu.dma_semaphore, #tpu.memory_space<semaphore_mem>>) src(%arg10 : memref<128x128xf32, #tpu.memory_space<vmem>>) dst(%dma_wait3A_186 : memref<10008x128xf32, #tpu.memory_space<vmem_shared>>)
            tpu.yield
          }) : () -> ()
          %convert_element_type3A_172 = arith.extui %and3A_125 : i1 to i32
          %cond3A_173 = arith.constant 0 : i32
          %cond3A_174 = arith.cmpi ne, %convert_element_type3A_172, %cond3A_173 : i32
          scf.if %cond3A_174 {
            %add3A_175 = arith.constant 1 : i32
            %add3A_176 = arith.addi %while3A_62, %add3A_175 : i32
            %jit3A_177 = arith.constant 8 : i32
            %div3A = arith.divsi %add3A_176, %jit3A_177 : i32
            %sign3A = arith.constant 0 : i32
            %sign3A_178 = arith.cmpi sgt, %add3A_176, %sign3A : i32
            %sign3A_179 = arith.extui %sign3A_178 : i1 to i32
            %sign3A_180 = arith.constant 0 : i32
            %sign3A_181 = arith.cmpi slt, %add3A_176, %sign3A_180 : i32
            %sign3A_182 = arith.extui %sign3A_181 : i1 to i32
            %sign3A_183 = arith.subi %sign3A_179, %sign3A_182 : i32
            %sign3A_184 = arith.constant 0 : i32
            %sign3A_185 = arith.cmpi sgt, %jit3A_177, %sign3A_184 : i32
            %sign3A_186 = arith.extui %sign3A_185 : i1 to i32
            %sign3A_187 = arith.constant 0 : i32
            %sign3A_188 = arith.cmpi slt, %jit3A_177, %sign3A_187 : i32
            %sign3A_189 = arith.extui %sign3A_188 : i1 to i32
            %sign3A_190 = arith.subi %sign3A_186, %sign3A_189 : i32
            %ne3A_191 = arith.cmpi ne, %sign3A_183, %sign3A_190 : i32
            %rem3A_192 = arith.remsi %add3A_176, %jit3A_177 : i32
            %ne3A_193 = arith.constant 0 : i32
            %ne3A_194 = arith.cmpi ne, %rem3A_192, %ne3A_193 : i32
            %and3A_195 = arith.andi %ne3A_191, %ne3A_194 : i1
            %sub3A = arith.constant 1 : i32
            %sub3A_196 = arith.subi %div3A, %sub3A : i32
            %select_n3A_197 = arith.select %and3A_195, %sub3A_196, %div3A : i32
            %mul3A_198 = arith.constant 8 : i32
            %mul3A_199 = arith.muli %select_n3A_197, %mul3A_198 : i32
            %add3A_200 = arith.addi %mul3A_19, %mul3A_199 : i32
            "tpu.region"() ({
              %run_scoped3A = tpu.sem_alloc : memref<!tpu.dma_semaphore, #tpu.memory_space<semaphore_mem>>
              %dma_start3A_201 = arith.constant 0 : i32
              %dma_start3A_202 = tpu.memref_slice %arg5[%add3A_200, %dma_start3A_201] : memref<1256x128xi32, #tpu.memory_space<hbm>> -> memref<8x128xi32, #tpu.memory_space<hbm>>
              %dma_start3A_203 = arith.constant 0 : i32
              %dma_start3A_204 = tpu.memref_slice %arg5[%add3A_200, %dma_start3A_203] : memref<1256x128xi32, #tpu.memory_space<hbm>> -> memref<8x128xi32, #tpu.memory_space<hbm>>
              tpu.enqueue_dma source(%dma_start3A_204 : memref<8x128xi32, #tpu.memory_space<hbm>>) target(%arg9 : memref<8x128xi32, #tpu.memory_space<vmem>>) target_semaphore(%run_scoped3A : memref<!tpu.dma_semaphore, #tpu.memory_space<semaphore_mem>>)
              %dma_wait3A_205 = arith.constant 0 : i32
              %dma_wait3A_206 = tpu.memref_slice %arg5[%add3A_200, %dma_wait3A_205] : memref<1256x128xi32, #tpu.memory_space<hbm>> -> memref<8x128xi32, #tpu.memory_space<hbm>>
              %dma_wait3A_207 = arith.constant 0 : i32
              %dma_wait3A_208 = tpu.memref_slice %arg5[%add3A_200, %dma_wait3A_207] : memref<1256x128xi32, #tpu.memory_space<hbm>> -> memref<8x128xi32, #tpu.memory_space<hbm>>
              tpu.wait_dma2 semaphore(%run_scoped3A : memref<!tpu.dma_semaphore, #tpu.memory_space<semaphore_mem>>) src(%dma_wait3A_208 : memref<8x128xi32, #tpu.memory_space<hbm>>) dst(%arg9 : memref<8x128xi32, #tpu.memory_space<vmem>>)
              tpu.yield
            }) : () -> ()
          } else {
          }
        } else {
        }
        %jit3A_80 = arith.constant 2 : i32
        %eq3A_81 = arith.constant 0 : i32
        %eq3A_82 = arith.cmpi eq, %jit3A_80, %eq3A_81 : i32
        %jit3A_83 = arith.constant 1 : i32
        %select_n3A_84 = arith.select %eq3A_82, %jit3A_83, %jit3A_80 : i32
        %rem3A_85 = arith.remsi %while3A_62, %select_n3A_84 : i32
        %ne3A_86 = arith.constant 0 : i32
        %ne3A_87 = arith.cmpi ne, %rem3A_85, %ne3A_86 : i32
        %lt3A_88 = arith.constant 0 : i32
        %lt3A_89 = arith.cmpi slt, %rem3A_85, %lt3A_88 : i32
        %lt3A_90 = arith.constant 0 : i32
        %lt3A_91 = arith.cmpi slt, %select_n3A_84, %lt3A_90 : i32
        %ne3A_92 = arith.xori %lt3A_89, %lt3A_91 : i1
        %and3A_93 = arith.andi %ne3A_92, %ne3A_87 : i1
        %add3A_94 = arith.addi %rem3A_85, %select_n3A_84 : i32
        %select_n3A_95 = arith.select %and3A_93, %add3A_94, %rem3A_85 : i32
        %eq3A_96 = arith.constant 1 : i32
        %eq3A_97 = arith.cmpi eq, %select_n3A_95, %eq3A_96 : i32
        %convert_element_type3A_98 = arith.extui %eq3A_97 : i1 to i32
        %cond3A_99 = arith.constant 0 : i32
        %cond3A_100 = arith.cmpi ne, %convert_element_type3A_98, %cond3A_99 : i32
        scf.if %cond3A_100 {
          %add3A_102 = arith.constant 1 : i32
          %add3A_103 = arith.addi %while3A_62, %add3A_102 : i32
          %jit3A_104 = arith.constant 8 : i32
          %eq3A_105 = arith.constant 0 : i32
          %eq3A_106 = arith.cmpi eq, %jit3A_104, %eq3A_105 : i32
          %jit3A_107 = arith.constant 1 : i32
          %select_n3A_108 = arith.select %eq3A_106, %jit3A_107, %jit3A_104 : i32
          %rem3A_109 = arith.remsi %add3A_103, %select_n3A_108 : i32
          %ne3A_110 = arith.constant 0 : i32
          %ne3A_111 = arith.cmpi ne, %rem3A_109, %ne3A_110 : i32
          %lt3A_112 = arith.constant 0 : i32
          %lt3A_113 = arith.cmpi slt, %rem3A_109, %lt3A_112 : i32
          %lt3A_114 = arith.constant 0 : i32
          %lt3A_115 = arith.cmpi slt, %select_n3A_108, %lt3A_114 : i32
          %ne3A_116 = arith.xori %lt3A_113, %lt3A_115 : i1
          %and3A_117 = arith.andi %ne3A_116, %ne3A_111 : i1
          %add3A_118 = arith.addi %rem3A_109, %select_n3A_108 : i32
          %select_n3A_119 = arith.select %and3A_117, %add3A_118, %rem3A_109 : i32
          %eq3A_120 = arith.constant 0 : i32
          %eq3A_121 = arith.cmpi eq, %select_n3A_119, %eq3A_120 : i32
          %add3A_122 = arith.constant 1 : i32
          %add3A_123 = arith.addi %while3A_62, %add3A_122 : i32
          %lt3A_124 = arith.cmpi slt, %add3A_123, %select_n3A_24 : i32
          %and3A_125 = arith.andi %eq3A_121, %lt3A_124 : i1
          %jit3A_126 = arith.constant 8 : i32
          %eq3A_127 = arith.constant 0 : i32
          %eq3A_128 = arith.cmpi eq, %jit3A_126, %eq3A_127 : i32
          %jit3A_129 = arith.constant 1 : i32
          %select_n3A_130 = arith.select %eq3A_128, %jit3A_129, %jit3A_126 : i32
          %rem3A_131 = arith.remsi %while3A_62, %select_n3A_130 : i32
          %ne3A_132 = arith.constant 0 : i32
          %ne3A_133 = arith.cmpi ne, %rem3A_131, %ne3A_132 : i32
          %lt3A_134 = arith.constant 0 : i32
          %lt3A_135 = arith.cmpi slt, %rem3A_131, %lt3A_134 : i32
          %lt3A_136 = arith.constant 0 : i32
          %lt3A_137 = arith.cmpi slt, %select_n3A_130, %lt3A_136 : i32
          %ne3A_138 = arith.xori %lt3A_135, %lt3A_137 : i1
          %and3A_139 = arith.andi %ne3A_138, %ne3A_133 : i1
          %add3A_140 = arith.addi %rem3A_131, %select_n3A_130 : i32
          %select_n3A_141 = arith.select %and3A_139, %add3A_140, %rem3A_131 : i32
          %dma_wait3A = arith.constant 0 : i32
          %dma_wait3A_142 = tpu.memref_slice %arg8[%select_n3A_141, %dma_wait3A] : memref<8x128xi32, #tpu.memory_space<vmem>> -> memref<1x128xi32, #tpu.memory_space<vmem>>
          %dma_wait3A_143 = tpu.memref_squeeze %dma_wait3A_142 : memref<1x128xi32, #tpu.memory_space<vmem>> -> memref<128xi32, #tpu.memory_space<vmem>>
          %dma_wait3A_144 = arith.constant 0 : i32
          %dma_wait3A_145 = arith.constant 0 : i32
          %dma_wait3A_146 = tpu.memref_slice %arg3[%dma_wait3A_144, %dma_wait3A_145] : memref<10000x128xf32, #tpu.memory_space<hbm>> -> memref<10000x128xf32, #tpu.memory_space<hbm>>
          tpu.wait_indirect_dma semaphore(%arg15 : memref<!tpu.dma_semaphore, #tpu.memory_space<semaphore_mem>>) src(%dma_wait3A_146 : memref<10000x128xf32, #tpu.memory_space<hbm>>) dst(%arg11 : memref<128x128xf32, #tpu.memory_space<vmem>>)
          %convert_element_type3A_147 = arith.extui %and3A_125 : i1 to i32
          %cond3A_148 = arith.constant 0 : i32
          %cond3A_149 = arith.cmpi ne, %convert_element_type3A_147, %cond3A_148 : i32
          scf.if %cond3A_149 {
            %add3A_175 = arith.constant 1 : i32
            %add3A_176 = arith.addi %while3A_62, %add3A_175 : i32
            %jit3A_177 = arith.constant 8 : i32
            %div3A = arith.divsi %add3A_176, %jit3A_177 : i32
            %sign3A = arith.constant 0 : i32
            %sign3A_178 = arith.cmpi sgt, %add3A_176, %sign3A : i32
            %sign3A_179 = arith.extui %sign3A_178 : i1 to i32
            %sign3A_180 = arith.constant 0 : i32
            %sign3A_181 = arith.cmpi slt, %add3A_176, %sign3A_180 : i32
            %sign3A_182 = arith.extui %sign3A_181 : i1 to i32
            %sign3A_183 = arith.subi %sign3A_179, %sign3A_182 : i32
            %sign3A_184 = arith.constant 0 : i32
            %sign3A_185 = arith.cmpi sgt, %jit3A_177, %sign3A_184 : i32
            %sign3A_186 = arith.extui %sign3A_185 : i1 to i32
            %sign3A_187 = arith.constant 0 : i32
            %sign3A_188 = arith.cmpi slt, %jit3A_177, %sign3A_187 : i32
            %sign3A_189 = arith.extui %sign3A_188 : i1 to i32
            %sign3A_190 = arith.subi %sign3A_186, %sign3A_189 : i32
            %ne3A_191 = arith.cmpi ne, %sign3A_183, %sign3A_190 : i32
            %rem3A_192 = arith.remsi %add3A_176, %jit3A_177 : i32
            %ne3A_193 = arith.constant 0 : i32
            %ne3A_194 = arith.cmpi ne, %rem3A_192, %ne3A_193 : i32
            %and3A_195 = arith.andi %ne3A_191, %ne3A_194 : i1
            %sub3A = arith.constant 1 : i32
            %sub3A_196 = arith.subi %div3A, %sub3A : i32
            %select_n3A_197 = arith.select %and3A_195, %sub3A_196, %div3A : i32
            %mul3A_198 = arith.constant 8 : i32
            %mul3A_199 = arith.muli %select_n3A_197, %mul3A_198 : i32
            %add3A_200 = arith.addi %mul3A_19, %mul3A_199 : i32
            "tpu.region"() ({
              %run_scoped3A = tpu.sem_alloc : memref<!tpu.dma_semaphore, #tpu.memory_space<semaphore_mem>>
              %dma_start3A_201 = arith.constant 0 : i32
              %dma_start3A_202 = tpu.memref_slice %arg4[%add3A_200, %dma_start3A_201] : memref<1256x128xi32, #tpu.memory_space<hbm>> -> memref<8x128xi32, #tpu.memory_space<hbm>>
              %dma_start3A_203 = arith.constant 0 : i32
              %dma_start3A_204 = tpu.memref_slice %arg4[%add3A_200, %dma_start3A_203] : memref<1256x128xi32, #tpu.memory_space<hbm>> -> memref<8x128xi32, #tpu.memory_space<hbm>>
              tpu.enqueue_dma source(%dma_start3A_204 : memref<8x128xi32, #tpu.memory_space<hbm>>) target(%arg8 : memref<8x128xi32, #tpu.memory_space<vmem>>) target_semaphore(%run_scoped3A : memref<!tpu.dma_semaphore, #tpu.memory_space<semaphore_mem>>)
              %dma_wait3A_205 = arith.constant 0 : i32
              %dma_wait3A_206 = tpu.memref_slice %arg4[%add3A_200, %dma_wait3A_205] : memref<1256x128xi32, #tpu.memory_space<hbm>> -> memref<8x128xi32, #tpu.memory_space<hbm>>
              %dma_wait3A_207 = arith.constant 0 : i32
              %dma_wait3A_208 = tpu.memref_slice %arg4[%add3A_200, %dma_wait3A_207] : memref<1256x128xi32, #tpu.memory_space<hbm>> -> memref<8x128xi32, #tpu.memory_space<hbm>>
              tpu.wait_dma2 semaphore(%run_scoped3A : memref<!tpu.dma_semaphore, #tpu.memory_space<semaphore_mem>>) src(%dma_wait3A_208 : memref<8x128xi32, #tpu.memory_space<hbm>>) dst(%arg8 : memref<8x128xi32, #tpu.memory_space<vmem>>)
              tpu.yield
            }) : () -> ()
          } else {
          }
          %add3A_150 = arith.constant 1 : i32
          %add3A_151 = arith.addi %while3A_62, %add3A_150 : i32
          %lt3A_152 = arith.cmpi slt, %add3A_151, %select_n3A_24 : i32
          %convert_element_type3A_153 = arith.extui %lt3A_152 : i1 to i32
          %cond3A_154 = arith.constant 0 : i32
          %cond3A_155 = arith.cmpi ne, %convert_element_type3A_153, %cond3A_154 : i32
          scf.if %cond3A_155 {
            %add3A_175 = arith.constant 1 : i32
            %add3A_176 = arith.addi %while3A_62, %add3A_175 : i32
            %jit3A_177 = arith.constant 8 : i32
            %eq3A_178 = arith.constant 0 : i32
            %eq3A_179 = arith.cmpi eq, %jit3A_177, %eq3A_178 : i32
            %jit3A_180 = arith.constant 1 : i32
            %select_n3A_181 = arith.select %eq3A_179, %jit3A_180, %jit3A_177 : i32
            %rem3A_182 = arith.remsi %add3A_176, %select_n3A_181 : i32
            %ne3A_183 = arith.constant 0 : i32
            %ne3A_184 = arith.cmpi ne, %rem3A_182, %ne3A_183 : i32
            %lt3A_185 = arith.constant 0 : i32
            %lt3A_186 = arith.cmpi slt, %rem3A_182, %lt3A_185 : i32
            %lt3A_187 = arith.constant 0 : i32
            %lt3A_188 = arith.cmpi slt, %select_n3A_181, %lt3A_187 : i32
            %ne3A_189 = arith.xori %lt3A_186, %lt3A_188 : i1
            %and3A_190 = arith.andi %ne3A_189, %ne3A_184 : i1
            %add3A_191 = arith.addi %rem3A_182, %select_n3A_181 : i32
            %select_n3A_192 = arith.select %and3A_190, %add3A_191, %rem3A_182 : i32
            %dma_start3A_193 = arith.constant 0 : i32
            %dma_start3A_194 = tpu.memref_slice %arg8[%select_n3A_192, %dma_start3A_193] : memref<8x128xi32, #tpu.memory_space<vmem>> -> memref<1x128xi32, #tpu.memory_space<vmem>>
            %dma_start3A_195 = tpu.memref_squeeze %dma_start3A_194 : memref<1x128xi32, #tpu.memory_space<vmem>> -> memref<128xi32, #tpu.memory_space<vmem>>
            %dma_start3A_196 = arith.constant 0 : i32
            %dma_start3A_197 = arith.constant 0 : i32
            %dma_start3A_198 = tpu.memref_slice %arg3[%dma_start3A_196, %dma_start3A_197] : memref<10000x128xf32, #tpu.memory_space<hbm>> -> memref<10000x128xf32, #tpu.memory_space<hbm>>
            tpu.enqueue_indirect_dma source(%dma_start3A_198 : memref<10000x128xf32, #tpu.memory_space<hbm>>) target(%arg10 : memref<128x128xf32, #tpu.memory_space<vmem>>) offsets(%dma_start3A_195 : memref<128xi32, #tpu.memory_space<vmem>>) semaphore(%arg14 : memref<!tpu.dma_semaphore, #tpu.memory_space<semaphore_mem>>)
          } else {
          }
          %jit3A_156 = arith.constant 8 : i32
          %eq3A_157 = arith.constant 0 : i32
          %eq3A_158 = arith.cmpi eq, %jit3A_156, %eq3A_157 : i32
          %jit3A_159 = arith.constant 1 : i32
          %select_n3A_160 = arith.select %eq3A_158, %jit3A_159, %jit3A_156 : i32
          %rem3A_161 = arith.remsi %while3A_62, %select_n3A_160 : i32
          %ne3A_162 = arith.constant 0 : i32
          %ne3A_163 = arith.cmpi ne, %rem3A_161, %ne3A_162 : i32
          %lt3A_164 = arith.constant 0 : i32
          %lt3A_165 = arith.cmpi slt, %rem3A_161, %lt3A_164 : i32
          %lt3A_166 = arith.constant 0 : i32
          %lt3A_167 = arith.cmpi slt, %select_n3A_160, %lt3A_166 : i32
          %ne3A_168 = arith.xori %lt3A_165, %lt3A_167 : i1
          %and3A_169 = arith.andi %ne3A_168, %ne3A_163 : i1
          %add3A_170 = arith.addi %rem3A_161, %select_n3A_160 : i32
          %select_n3A_171 = arith.select %and3A_169, %add3A_170, %rem3A_161 : i32
          "tpu.region"() ({
            %run_scoped3A = tpu.sem_alloc : memref<!tpu.dma_semaphore, #tpu.memory_space<semaphore_mem>>
            %dma_start3A_175 = arith.constant 0 : i32
            %dma_start3A_176 = tpu.memref_slice %arg9[%select_n3A_171, %dma_start3A_175] : memref<8x128xi32, #tpu.memory_space<vmem>> -> memref<1x128xi32, #tpu.memory_space<vmem>>
            %dma_start3A_177 = tpu.memref_squeeze %dma_start3A_176 : memref<1x128xi32, #tpu.memory_space<vmem>> -> memref<128xi32, #tpu.memory_space<vmem>>
            %dma_start3A_178 = arith.constant 0 : i32
            %dma_start3A_179 = arith.constant 0 : i32
            %dma_start3A_180 = tpu.memref_slice %arg13[%dma_start3A_178, %dma_start3A_179] : memref<10008x128xf32, #tpu.memory_space<vmem_shared>> -> memref<10008x128xf32, #tpu.memory_space<vmem_shared>>
            tpu.enqueue_indirect_dma source(%arg11 : memref<128x128xf32, #tpu.memory_space<vmem>>) target(%dma_start3A_180 : memref<10008x128xf32, #tpu.memory_space<vmem_shared>>) offsets(%dma_start3A_177 : memref<128xi32, #tpu.memory_space<vmem>>) semaphore(%run_scoped3A : memref<!tpu.dma_semaphore, #tpu.memory_space<semaphore_mem>>) {add = true}
            %dma_wait3A_181 = arith.constant 0 : i32
            %dma_wait3A_182 = tpu.memref_slice %arg9[%select_n3A_171, %dma_wait3A_181] : memref<8x128xi32, #tpu.memory_space<vmem>> -> memref<1x128xi32, #tpu.memory_space<vmem>>
            %dma_wait3A_183 = tpu.memref_squeeze %dma_wait3A_182 : memref<1x128xi32, #tpu.memory_space<vmem>> -> memref<128xi32, #tpu.memory_space<vmem>>
            %dma_wait3A_184 = arith.constant 0 : i32
            %dma_wait3A_185 = arith.constant 0 : i32
            %dma_wait3A_186 = tpu.memref_slice %arg13[%dma_wait3A_184, %dma_wait3A_185] : memref<10008x128xf32, #tpu.memory_space<vmem_shared>> -> memref<10008x128xf32, #tpu.memory_space<vmem_shared>>
            tpu.wait_indirect_dma semaphore(%run_scoped3A : memref<!tpu.dma_semaphore, #tpu.memory_space<semaphore_mem>>) src(%arg11 : memref<128x128xf32, #tpu.memory_space<vmem>>) dst(%dma_wait3A_186 : memref<10008x128xf32, #tpu.memory_space<vmem_shared>>)
            tpu.yield
          }) : () -> ()
          %convert_element_type3A_172 = arith.extui %and3A_125 : i1 to i32
          %cond3A_173 = arith.constant 0 : i32
          %cond3A_174 = arith.cmpi ne, %convert_element_type3A_172, %cond3A_173 : i32
          scf.if %cond3A_174 {
            %add3A_175 = arith.constant 1 : i32
            %add3A_176 = arith.addi %while3A_62, %add3A_175 : i32
            %jit3A_177 = arith.constant 8 : i32
            %div3A = arith.divsi %add3A_176, %jit3A_177 : i32
            %sign3A = arith.constant 0 : i32
            %sign3A_178 = arith.cmpi sgt, %add3A_176, %sign3A : i32
            %sign3A_179 = arith.extui %sign3A_178 : i1 to i32
            %sign3A_180 = arith.constant 0 : i32
            %sign3A_181 = arith.cmpi slt, %add3A_176, %sign3A_180 : i32
            %sign3A_182 = arith.extui %sign3A_181 : i1 to i32
            %sign3A_183 = arith.subi %sign3A_179, %sign3A_182 : i32
            %sign3A_184 = arith.constant 0 : i32
            %sign3A_185 = arith.cmpi sgt, %jit3A_177, %sign3A_184 : i32
            %sign3A_186 = arith.extui %sign3A_185 : i1 to i32
            %sign3A_187 = arith.constant 0 : i32
            %sign3A_188 = arith.cmpi slt, %jit3A_177, %sign3A_187 : i32
            %sign3A_189 = arith.extui %sign3A_188 : i1 to i32
            %sign3A_190 = arith.subi %sign3A_186, %sign3A_189 : i32
            %ne3A_191 = arith.cmpi ne, %sign3A_183, %sign3A_190 : i32
            %rem3A_192 = arith.remsi %add3A_176, %jit3A_177 : i32
            %ne3A_193 = arith.constant 0 : i32
            %ne3A_194 = arith.cmpi ne, %rem3A_192, %ne3A_193 : i32
            %and3A_195 = arith.andi %ne3A_191, %ne3A_194 : i1
            %sub3A = arith.constant 1 : i32
            %sub3A_196 = arith.subi %div3A, %sub3A : i32
            %select_n3A_197 = arith.select %and3A_195, %sub3A_196, %div3A : i32
            %mul3A_198 = arith.constant 8 : i32
            %mul3A_199 = arith.muli %select_n3A_197, %mul3A_198 : i32
            %add3A_200 = arith.addi %mul3A_19, %mul3A_199 : i32
            "tpu.region"() ({
              %run_scoped3A = tpu.sem_alloc : memref<!tpu.dma_semaphore, #tpu.memory_space<semaphore_mem>>
              %dma_start3A_201 = arith.constant 0 : i32
              %dma_start3A_202 = tpu.memref_slice %arg5[%add3A_200, %dma_start3A_201] : memref<1256x128xi32, #tpu.memory_space<hbm>> -> memref<8x128xi32, #tpu.memory_space<hbm>>
              %dma_start3A_203 = arith.constant 0 : i32
              %dma_start3A_204 = tpu.memref_slice %arg5[%add3A_200, %dma_start3A_203] : memref<1256x128xi32, #tpu.memory_space<hbm>> -> memref<8x128xi32, #tpu.memory_space<hbm>>
              tpu.enqueue_dma source(%dma_start3A_204 : memref<8x128xi32, #tpu.memory_space<hbm>>) target(%arg9 : memref<8x128xi32, #tpu.memory_space<vmem>>) target_semaphore(%run_scoped3A : memref<!tpu.dma_semaphore, #tpu.memory_space<semaphore_mem>>)
              %dma_wait3A_205 = arith.constant 0 : i32
              %dma_wait3A_206 = tpu.memref_slice %arg5[%add3A_200, %dma_wait3A_205] : memref<1256x128xi32, #tpu.memory_space<hbm>> -> memref<8x128xi32, #tpu.memory_space<hbm>>
              %dma_wait3A_207 = arith.constant 0 : i32
              %dma_wait3A_208 = tpu.memref_slice %arg5[%add3A_200, %dma_wait3A_207] : memref<1256x128xi32, #tpu.memory_space<hbm>> -> memref<8x128xi32, #tpu.memory_space<hbm>>
              tpu.wait_dma2 semaphore(%run_scoped3A : memref<!tpu.dma_semaphore, #tpu.memory_space<semaphore_mem>>) src(%dma_wait3A_208 : memref<8x128xi32, #tpu.memory_space<hbm>>) dst(%arg9 : memref<8x128xi32, #tpu.memory_space<vmem>>)
              tpu.yield
            }) : () -> ()
          } else {
          }
        } else {
        }
        %while3A_101 = arith.constant 0 : i32
        scf.yield %while3A_101 : i32
      }
    } else {
    }
    %barrier3A_33 = arith.constant 0 : index
    tpu.barrier barrier_id(%barrier3A_33)
    %eq3A_34 = arith.constant 0 : i32
    %eq3A_35 = arith.cmpi eq, %arg0, %eq3A_34 : i32
    %convert_element_type3A_36 = arith.extui %eq3A_35 : i1 to i32
    %cond3A_37 = arith.constant 0 : i32
    %cond3A_38 = arith.cmpi ne, %convert_element_type3A_36, %cond3A_37 : i32
    scf.if %cond3A_38 {
      %lt3A = arith.constant 15 : i32
      %lt3A_44 = arith.cmpi slt, %arg1, %lt3A : i32
      %convert_element_type3A_45 = arith.extui %lt3A_44 : i1 to i32
      %cond3A_46 = arith.constant 0 : i32
      %cond3A_47 = arith.cmpi ne, %convert_element_type3A_45, %cond3A_46 : i32
      scf.if %cond3A_47 {
        %mul3A_53 = arith.constant 624 : i32
        %mul3A_54 = arith.muli %arg1, %mul3A_53 : i32
        %mul3A_55 = arith.constant 624 : i32
        %mul3A_56 = arith.muli %arg1, %mul3A_55 : i32
        "tpu.region"() ({
          %run_scoped3A = tpu.sem_alloc : memref<!tpu.dma_semaphore, #tpu.memory_space<semaphore_mem>>
          %dma_start3A = arith.constant 0 : i32
          %dma_start3A_57 = tpu.memref_slice %arg6[%mul3A_56, %dma_start3A] : memref<10000x128xf32, #tpu.memory_space<hbm>> -> memref<624x128xf32, #tpu.memory_space<hbm>>
          %dma_start3A_58 = arith.constant 0 : i32
          %dma_start3A_59 = tpu.memref_slice %arg13[%mul3A_54, %dma_start3A_58] : memref<10008x128xf32, #tpu.memory_space<vmem_shared>> -> memref<624x128xf32, #tpu.memory_space<vmem_shared>>
          tpu.enqueue_dma source(%dma_start3A_59 : memref<624x128xf32, #tpu.memory_space<vmem_shared>>) target(%dma_start3A_57 : memref<624x128xf32, #tpu.memory_space<hbm>>) target_semaphore(%run_scoped3A : memref<!tpu.dma_semaphore, #tpu.memory_space<semaphore_mem>>)
          %dma_wait3A = arith.constant 0 : i32
          %dma_wait3A_60 = tpu.memref_slice %arg6[%mul3A_56, %dma_wait3A] : memref<10000x128xf32, #tpu.memory_space<hbm>> -> memref<624x128xf32, #tpu.memory_space<hbm>>
          %dma_wait3A_61 = arith.constant 0 : i32
          %dma_wait3A_62 = tpu.memref_slice %arg13[%mul3A_54, %dma_wait3A_61] : memref<10008x128xf32, #tpu.memory_space<vmem_shared>> -> memref<624x128xf32, #tpu.memory_space<vmem_shared>>
          tpu.wait_dma2 semaphore(%run_scoped3A : memref<!tpu.dma_semaphore, #tpu.memory_space<semaphore_mem>>) src(%dma_wait3A_62 : memref<624x128xf32, #tpu.memory_space<vmem_shared>>) dst(%dma_wait3A_60 : memref<624x128xf32, #tpu.memory_space<hbm>>)
          tpu.yield
        }) : () -> ()
      } else {
      }
      %eq3A_48 = arith.constant 15 : i32
      %eq3A_49 = arith.cmpi eq, %arg1, %eq3A_48 : i32
      %convert_element_type3A_50 = arith.extui %eq3A_49 : i1 to i32
      %cond3A_51 = arith.constant 0 : i32
      %cond3A_52 = arith.cmpi ne, %convert_element_type3A_50, %cond3A_51 : i32
      scf.if %cond3A_52 {
        "tpu.region"() ({
          %run_scoped3A = tpu.sem_alloc : memref<!tpu.dma_semaphore, #tpu.memory_space<semaphore_mem>>
          %dma_start3A = arith.constant 9360 : i32
          %dma_start3A_53 = arith.constant 0 : i32
          %dma_start3A_54 = tpu.memref_slice %arg6[%dma_start3A, %dma_start3A_53] : memref<10000x128xf32, #tpu.memory_space<hbm>> -> memref<640x128xf32, #tpu.memory_space<hbm>>
          %dma_start3A_55 = arith.constant 9360 : i32
          %dma_start3A_56 = arith.constant 0 : i32
          %dma_start3A_57 = tpu.memref_slice %arg13[%dma_start3A_55, %dma_start3A_56] : memref<10008x128xf32, #tpu.memory_space<vmem_shared>> -> memref<640x128xf32, #tpu.memory_space<vmem_shared>>
          tpu.enqueue_dma source(%dma_start3A_57 : memref<640x128xf32, #tpu.memory_space<vmem_shared>>) target(%dma_start3A_54 : memref<640x128xf32, #tpu.memory_space<hbm>>) target_semaphore(%run_scoped3A : memref<!tpu.dma_semaphore, #tpu.memory_space<semaphore_mem>>)
          %dma_wait3A = arith.constant 9360 : i32
          %dma_wait3A_58 = arith.constant 0 : i32
          %dma_wait3A_59 = tpu.memref_slice %arg6[%dma_wait3A, %dma_wait3A_58] : memref<10000x128xf32, #tpu.memory_space<hbm>> -> memref<640x128xf32, #tpu.memory_space<hbm>>
          %dma_wait3A_60 = arith.constant 9360 : i32
          %dma_wait3A_61 = arith.constant 0 : i32
          %dma_wait3A_62 = tpu.memref_slice %arg13[%dma_wait3A_60, %dma_wait3A_61] : memref<10008x128xf32, #tpu.memory_space<vmem_shared>> -> memref<640x128xf32, #tpu.memory_space<vmem_shared>>
          tpu.wait_dma2 semaphore(%run_scoped3A : memref<!tpu.dma_semaphore, #tpu.memory_space<semaphore_mem>>) src(%dma_wait3A_62 : memref<640x128xf32, #tpu.memory_space<vmem_shared>>) dst(%dma_wait3A_59 : memref<640x128xf32, #tpu.memory_space<hbm>>)
          tpu.yield
        }) : () -> ()
      } else {
      }
    } else {
    }
    %eq3A_39 = arith.constant 1 : i32
    %eq3A_40 = arith.cmpi eq, %arg0, %eq3A_39 : i32
    %convert_element_type3A_41 = arith.extui %eq3A_40 : i1 to i32
    %cond3A_42 = arith.constant 0 : i32
    %cond3A_43 = arith.cmpi ne, %convert_element_type3A_41, %cond3A_42 : i32
    scf.if %cond3A_43 {
      %lt3A = arith.constant 15 : i32
      %lt3A_44 = arith.cmpi slt, %arg1, %lt3A : i32
      %convert_element_type3A_45 = arith.extui %lt3A_44 : i1 to i32
      %cond3A_46 = arith.constant 0 : i32
      %cond3A_47 = arith.cmpi ne, %convert_element_type3A_45, %cond3A_46 : i32
      scf.if %cond3A_47 {
        %mul3A_53 = arith.constant 624 : i32
        %mul3A_54 = arith.muli %arg1, %mul3A_53 : i32
        %mul3A_55 = arith.constant 624 : i32
        %mul3A_56 = arith.muli %arg1, %mul3A_55 : i32
        "tpu.region"() ({
          %run_scoped3A = tpu.sem_alloc : memref<!tpu.dma_semaphore, #tpu.memory_space<semaphore_mem>>
          %dma_start3A = arith.constant 0 : i32
          %dma_start3A_57 = tpu.memref_slice %arg7[%mul3A_56, %dma_start3A] : memref<10000x128xf32, #tpu.memory_space<hbm>> -> memref<624x128xf32, #tpu.memory_space<hbm>>
          %dma_start3A_58 = arith.constant 0 : i32
          %dma_start3A_59 = tpu.memref_slice %arg13[%mul3A_54, %dma_start3A_58] : memref<10008x128xf32, #tpu.memory_space<vmem_shared>> -> memref<624x128xf32, #tpu.memory_space<vmem_shared>>
          tpu.enqueue_dma source(%dma_start3A_59 : memref<624x128xf32, #tpu.memory_space<vmem_shared>>) target(%dma_start3A_57 : memref<624x128xf32, #tpu.memory_space<hbm>>) target_semaphore(%run_scoped3A : memref<!tpu.dma_semaphore, #tpu.memory_space<semaphore_mem>>)
          %dma_wait3A = arith.constant 0 : i32
          %dma_wait3A_60 = tpu.memref_slice %arg7[%mul3A_56, %dma_wait3A] : memref<10000x128xf32, #tpu.memory_space<hbm>> -> memref<624x128xf32, #tpu.memory_space<hbm>>
          %dma_wait3A_61 = arith.constant 0 : i32
          %dma_wait3A_62 = tpu.memref_slice %arg13[%mul3A_54, %dma_wait3A_61] : memref<10008x128xf32, #tpu.memory_space<vmem_shared>> -> memref<624x128xf32, #tpu.memory_space<vmem_shared>>
          tpu.wait_dma2 semaphore(%run_scoped3A : memref<!tpu.dma_semaphore, #tpu.memory_space<semaphore_mem>>) src(%dma_wait3A_62 : memref<624x128xf32, #tpu.memory_space<vmem_shared>>) dst(%dma_wait3A_60 : memref<624x128xf32, #tpu.memory_space<hbm>>)
          tpu.yield
        }) : () -> ()
      } else {
      }
      %eq3A_48 = arith.constant 15 : i32
      %eq3A_49 = arith.cmpi eq, %arg1, %eq3A_48 : i32
      %convert_element_type3A_50 = arith.extui %eq3A_49 : i1 to i32
      %cond3A_51 = arith.constant 0 : i32
      %cond3A_52 = arith.cmpi ne, %convert_element_type3A_50, %cond3A_51 : i32
      scf.if %cond3A_52 {
        "tpu.region"() ({
          %run_scoped3A = tpu.sem_alloc : memref<!tpu.dma_semaphore, #tpu.memory_space<semaphore_mem>>
          %dma_start3A = arith.constant 9360 : i32
          %dma_start3A_53 = arith.constant 0 : i32
          %dma_start3A_54 = tpu.memref_slice %arg7[%dma_start3A, %dma_start3A_53] : memref<10000x128xf32, #tpu.memory_space<hbm>> -> memref<640x128xf32, #tpu.memory_space<hbm>>
          %dma_start3A_55 = arith.constant 9360 : i32
          %dma_start3A_56 = arith.constant 0 : i32
          %dma_start3A_57 = tpu.memref_slice %arg13[%dma_start3A_55, %dma_start3A_56] : memref<10008x128xf32, #tpu.memory_space<vmem_shared>> -> memref<640x128xf32, #tpu.memory_space<vmem_shared>>
          tpu.enqueue_dma source(%dma_start3A_57 : memref<640x128xf32, #tpu.memory_space<vmem_shared>>) target(%dma_start3A_54 : memref<640x128xf32, #tpu.memory_space<hbm>>) target_semaphore(%run_scoped3A : memref<!tpu.dma_semaphore, #tpu.memory_space<semaphore_mem>>)
          %dma_wait3A = arith.constant 9360 : i32
          %dma_wait3A_58 = arith.constant 0 : i32
          %dma_wait3A_59 = tpu.memref_slice %arg7[%dma_wait3A, %dma_wait3A_58] : memref<10000x128xf32, #tpu.memory_space<hbm>> -> memref<640x128xf32, #tpu.memory_space<hbm>>
          %dma_wait3A_60 = arith.constant 9360 : i32
          %dma_wait3A_61 = arith.constant 0 : i32
          %dma_wait3A_62 = tpu.memref_slice %arg13[%dma_wait3A_60, %dma_wait3A_61] : memref<10008x128xf32, #tpu.memory_space<vmem_shared>> -> memref<640x128xf32, #tpu.memory_space<vmem_shared>>
          tpu.wait_dma2 semaphore(%run_scoped3A : memref<!tpu.dma_semaphore, #tpu.memory_space<semaphore_mem>>) src(%dma_wait3A_62 : memref<640x128xf32, #tpu.memory_space<vmem_shared>>) dst(%dma_wait3A_59 : memref<640x128xf32, #tpu.memory_space<hbm>>)
          tpu.yield
        }) : () -> ()
      } else {
      }
    } else {
    }
    return
  }
}

#map = affine_map<(d0, d1) -> (0)>
module attributes {stable_mosaic.version = 14 : i64} {
  func.func @_edge_body(%arg0: i32, %arg1: i32, %arg2: memref<40000xf32, #tpu.memory_space<hbm>>, %arg3: memref<160000xi32, #tpu.memory_space<hbm>>, %arg4: memref<160000xi32, #tpu.memory_space<hbm>>, %arg5: memref<320000xf32, #tpu.memory_space<hbm>>, %arg6: memref<40000xf32, #tpu.memory_space<vmem>>, %arg7: memref<5008xi32, #tpu.memory_space<vmem>>, %arg8: memref<5008xi32, #tpu.memory_space<vmem>>, %arg9: memref<10016xf32, #tpu.memory_space<vmem>>) attributes {dimension_semantics = [#tpu.dimension_semantics<core_parallel>, #tpu.dimension_semantics<subcore_parallel>], iteration_bounds = array<i64: 2, 16>, scalar_prefetch = 0 : i64, scratch_operands = 4 : i64, tpu.core_type = #tpu.core_type<sc_vector_subcore>, window_params = [{transform_indices = #map}, {transform_indices = #map}, {transform_indices = #map}, {transform_indices = #map}]} {
    %mul3A = arith.constant 2 : i32
    %mul3A_0 = arith.muli %arg1, %mul3A : i32
    %add3A = arith.addi %mul3A_0, %arg0 : i32
    "tpu.region"() ({
      %run_scoped3A = tpu.sem_alloc : memref<!tpu.dma_semaphore, #tpu.memory_space<semaphore_mem>>
      tpu.enqueue_dma source(%arg2 : memref<40000xf32, #tpu.memory_space<hbm>>) target(%arg6 : memref<40000xf32, #tpu.memory_space<vmem>>) target_semaphore(%run_scoped3A : memref<!tpu.dma_semaphore, #tpu.memory_space<semaphore_mem>>)
      tpu.wait_dma2 semaphore(%run_scoped3A : memref<!tpu.dma_semaphore, #tpu.memory_space<semaphore_mem>>) src(%arg2 : memref<40000xf32, #tpu.memory_space<hbm>>) dst(%arg6 : memref<40000xf32, #tpu.memory_space<vmem>>)
      tpu.yield
    }) : () -> ()
    %iota3A = tpu.iota {dimensions = array<i32: 0>} : vector<16xi32>
    %lt3A = arith.constant 31 : i32
    %lt3A_1 = arith.cmpi slt, %add3A, %lt3A : i32
    %convert_element_type3A = arith.extui %lt3A_1 : i1 to i32
    %cond3A = arith.constant 0 : i32
    %cond3A_2 = arith.cmpi ne, %convert_element_type3A, %cond3A : i32
    scf.if %cond3A_2 {
      %mul3A_7 = arith.constant 5008 : i32
      %mul3A_8 = arith.muli %add3A, %mul3A_7 : i32
      "tpu.region"() ({
        %run_scoped3A = tpu.sem_alloc : memref<!tpu.dma_semaphore, #tpu.memory_space<semaphore_mem>>
        %dma_start3A = arith.constant 0 : i32
        %dma_start3A_17 = tpu.memref_slice %arg7[%dma_start3A] : memref<5008xi32, #tpu.memory_space<vmem>> -> memref<5008xi32, #tpu.memory_space<vmem>>
        %dma_start3A_18 = tpu.memref_slice %arg3[%mul3A_8] : memref<160000xi32, #tpu.memory_space<hbm>> -> memref<5008xi32, #tpu.memory_space<hbm>>
        %dma_start3A_19 = arith.constant 0 : i32
        %dma_start3A_20 = tpu.memref_slice %arg7[%dma_start3A_19] : memref<5008xi32, #tpu.memory_space<vmem>> -> memref<5008xi32, #tpu.memory_space<vmem>>
        %dma_start3A_21 = tpu.memref_slice %arg3[%mul3A_8] : memref<160000xi32, #tpu.memory_space<hbm>> -> memref<5008xi32, #tpu.memory_space<hbm>>
        tpu.enqueue_dma source(%dma_start3A_21 : memref<5008xi32, #tpu.memory_space<hbm>>) target(%dma_start3A_20 : memref<5008xi32, #tpu.memory_space<vmem>>) target_semaphore(%run_scoped3A : memref<!tpu.dma_semaphore, #tpu.memory_space<semaphore_mem>>)
        %dma_wait3A = arith.constant 0 : i32
        %dma_wait3A_22 = tpu.memref_slice %arg7[%dma_wait3A] : memref<5008xi32, #tpu.memory_space<vmem>> -> memref<5008xi32, #tpu.memory_space<vmem>>
        %dma_wait3A_23 = tpu.memref_slice %arg3[%mul3A_8] : memref<160000xi32, #tpu.memory_space<hbm>> -> memref<5008xi32, #tpu.memory_space<hbm>>
        %dma_wait3A_24 = arith.constant 0 : i32
        %dma_wait3A_25 = tpu.memref_slice %arg7[%dma_wait3A_24] : memref<5008xi32, #tpu.memory_space<vmem>> -> memref<5008xi32, #tpu.memory_space<vmem>>
        %dma_wait3A_26 = tpu.memref_slice %arg3[%mul3A_8] : memref<160000xi32, #tpu.memory_space<hbm>> -> memref<5008xi32, #tpu.memory_space<hbm>>
        tpu.wait_dma2 semaphore(%run_scoped3A : memref<!tpu.dma_semaphore, #tpu.memory_space<semaphore_mem>>) src(%dma_wait3A_26 : memref<5008xi32, #tpu.memory_space<hbm>>) dst(%dma_wait3A_25 : memref<5008xi32, #tpu.memory_space<vmem>>)
        tpu.yield
      }) : () -> ()
      "tpu.region"() ({
        %run_scoped3A = tpu.sem_alloc : memref<!tpu.dma_semaphore, #tpu.memory_space<semaphore_mem>>
        %dma_start3A = arith.constant 0 : i32
        %dma_start3A_17 = tpu.memref_slice %arg8[%dma_start3A] : memref<5008xi32, #tpu.memory_space<vmem>> -> memref<5008xi32, #tpu.memory_space<vmem>>
        %dma_start3A_18 = tpu.memref_slice %arg4[%mul3A_8] : memref<160000xi32, #tpu.memory_space<hbm>> -> memref<5008xi32, #tpu.memory_space<hbm>>
        %dma_start3A_19 = arith.constant 0 : i32
        %dma_start3A_20 = tpu.memref_slice %arg8[%dma_start3A_19] : memref<5008xi32, #tpu.memory_space<vmem>> -> memref<5008xi32, #tpu.memory_space<vmem>>
        %dma_start3A_21 = tpu.memref_slice %arg4[%mul3A_8] : memref<160000xi32, #tpu.memory_space<hbm>> -> memref<5008xi32, #tpu.memory_space<hbm>>
        tpu.enqueue_dma source(%dma_start3A_21 : memref<5008xi32, #tpu.memory_space<hbm>>) target(%dma_start3A_20 : memref<5008xi32, #tpu.memory_space<vmem>>) target_semaphore(%run_scoped3A : memref<!tpu.dma_semaphore, #tpu.memory_space<semaphore_mem>>)
        %dma_wait3A = arith.constant 0 : i32
        %dma_wait3A_22 = tpu.memref_slice %arg8[%dma_wait3A] : memref<5008xi32, #tpu.memory_space<vmem>> -> memref<5008xi32, #tpu.memory_space<vmem>>
        %dma_wait3A_23 = tpu.memref_slice %arg4[%mul3A_8] : memref<160000xi32, #tpu.memory_space<hbm>> -> memref<5008xi32, #tpu.memory_space<hbm>>
        %dma_wait3A_24 = arith.constant 0 : i32
        %dma_wait3A_25 = tpu.memref_slice %arg8[%dma_wait3A_24] : memref<5008xi32, #tpu.memory_space<vmem>> -> memref<5008xi32, #tpu.memory_space<vmem>>
        %dma_wait3A_26 = tpu.memref_slice %arg4[%mul3A_8] : memref<160000xi32, #tpu.memory_space<hbm>> -> memref<5008xi32, #tpu.memory_space<hbm>>
        tpu.wait_dma2 semaphore(%run_scoped3A : memref<!tpu.dma_semaphore, #tpu.memory_space<semaphore_mem>>) src(%dma_wait3A_26 : memref<5008xi32, #tpu.memory_space<hbm>>) dst(%dma_wait3A_25 : memref<5008xi32, #tpu.memory_space<vmem>>)
        tpu.yield
      }) : () -> ()
      %scan3A = arith.constant 0 : i32
      %scan3A_9 = arith.constant 0 : i32
      %scan3A_10 = arith.constant 313 : i32
      %scan3A_11 = arith.addi %scan3A_9, %scan3A_10 : i32
      %scan3A_12 = arith.constant 1 : i32
      %scan3A_13 = scf.for %scan3A_17 = %scan3A_9 to %scan3A_11 step %scan3A_12 iter_args(%scan3A_18 = %scan3A) -> (i32)  : i32 {
        %mul3A_19 = arith.constant 16 : i32
        %mul3A_20 = arith.muli %scan3A_17, %mul3A_19 : i32
        %get3A = arith.index_cast %mul3A_20 : i32 to index
        %get3A_21 = tpu.vector_load %arg7[%get3A] {strides = array<i32>} : memref<5008xi32, #tpu.memory_space<vmem>>, vector<16xi32>,
        %mul3A_22 = arith.constant 4 : i32
        %mul3A_23 = vector.broadcast %mul3A_22 : i32 to vector<16xi32>
        %mul3A_24 = arith.muli %get3A_21, %mul3A_23 : vector<16xi32>
        %mul3A_25 = arith.constant 16 : i32
        %mul3A_26 = arith.muli %scan3A_17, %mul3A_25 : i32
        %get3A_27 = arith.index_cast %mul3A_26 : i32 to index
        %get3A_28 = tpu.vector_load %arg8[%get3A_27] {strides = array<i32>} : memref<5008xi32, #tpu.memory_space<vmem>>, vector<16xi32>,
        %mul3A_29 = arith.constant 4 : i32
        %mul3A_30 = vector.broadcast %mul3A_29 : i32 to vector<16xi32>
        %mul3A_31 = arith.muli %get3A_28, %mul3A_30 : vector<16xi32>
        %gather3A = tpu.vector_load_idx %arg6[%mul3A_24] : memref<40000xf32, #tpu.memory_space<vmem>>[vector<16xi32>], vector<16xf32>,
        %add3A_32 = arith.constant 1 : i32
        %add3A_33 = vector.broadcast %add3A_32 : i32 to vector<16xi32>
        %add3A_34 = arith.addi %mul3A_24, %add3A_33 : vector<16xi32>
        %gather3A_35 = tpu.vector_load_idx %arg6[%add3A_34] : memref<40000xf32, #tpu.memory_space<vmem>>[vector<16xi32>], vector<16xf32>,
        %add3A_36 = arith.constant 2 : i32
        %add3A_37 = vector.broadcast %add3A_36 : i32 to vector<16xi32>
        %add3A_38 = arith.addi %mul3A_31, %add3A_37 : vector<16xi32>
        %gather3A_39 = tpu.vector_load_idx %arg6[%add3A_38] : memref<40000xf32, #tpu.memory_space<vmem>>[vector<16xi32>], vector<16xf32>,
        %add3A_40 = arith.constant 3 : i32
        %add3A_41 = vector.broadcast %add3A_40 : i32 to vector<16xi32>
        %add3A_42 = arith.addi %mul3A_31, %add3A_41 : vector<16xi32>
        %gather3A_43 = tpu.vector_load_idx %arg6[%add3A_42] : memref<40000xf32, #tpu.memory_space<vmem>>[vector<16xi32>], vector<16xf32>,
        %mul3A_44 = arith.constant 16 : i32
        %mul3A_45 = arith.muli %scan3A_17, %mul3A_44 : i32
        %add3A_46 = vector.broadcast %mul3A_45 : i32 to vector<16xi32>
        %add3A_47 = arith.addi %add3A_46, %iota3A : vector<16xi32>
        %mul3A_48 = arith.constant 2 : i32
        %mul3A_49 = vector.broadcast %mul3A_48 : i32 to vector<16xi32>
        %mul3A_50 = arith.muli %add3A_47, %mul3A_49 : vector<16xi32>
        %add3A_51 = arith.addf %gather3A, %gather3A_39 : vector<16xf32>
        tpu.vector_store_idx %arg9[%mul3A_50], %add3A_51 : memref<10016xf32, #tpu.memory_space<vmem>>[vector<16xi32>], vector<16xf32>,
        %add3A_52 = arith.constant 1 : i32
        %add3A_53 = vector.broadcast %add3A_52 : i32 to vector<16xi32>
        %add3A_54 = arith.addi %mul3A_50, %add3A_53 : vector<16xi32>
        %add3A_55 = arith.addf %gather3A_35, %gather3A_43 : vector<16xf32>
        tpu.vector_store_idx %arg9[%add3A_54], %add3A_55 : memref<10016xf32, #tpu.memory_space<vmem>>[vector<16xi32>], vector<16xf32>,
        %scan3A_56 = arith.constant 0 : i32
        scf.yield %scan3A_56 : i32
      }
      %scan3A_14 = arith.constant 313 : i32
      %mul3A_15 = arith.constant 2 : i32
      %mul3A_16 = arith.muli %mul3A_15, %mul3A_8 : i32
      "tpu.region"() ({
        %run_scoped3A = tpu.sem_alloc : memref<!tpu.dma_semaphore, #tpu.memory_space<semaphore_mem>>
        %dma_start3A = arith.constant 0 : i32
        %dma_start3A_17 = tpu.memref_slice %arg9[%dma_start3A] : memref<10016xf32, #tpu.memory_space<vmem>> -> memref<10016xf32, #tpu.memory_space<vmem>>
        %dma_start3A_18 = tpu.memref_slice %arg5[%mul3A_16] : memref<320000xf32, #tpu.memory_space<hbm>> -> memref<10016xf32, #tpu.memory_space<hbm>>
        %dma_start3A_19 = tpu.memref_slice %arg5[%mul3A_16] : memref<320000xf32, #tpu.memory_space<hbm>> -> memref<10016xf32, #tpu.memory_space<hbm>>
        %dma_start3A_20 = arith.constant 0 : i32
        %dma_start3A_21 = tpu.memref_slice %arg9[%dma_start3A_20] : memref<10016xf32, #tpu.memory_space<vmem>> -> memref<10016xf32, #tpu.memory_space<vmem>>
        tpu.enqueue_dma source(%dma_start3A_21 : memref<10016xf32, #tpu.memory_space<vmem>>) target(%dma_start3A_19 : memref<10016xf32, #tpu.memory_space<hbm>>) target_semaphore(%run_scoped3A : memref<!tpu.dma_semaphore, #tpu.memory_space<semaphore_mem>>)
        %dma_wait3A = arith.constant 0 : i32
        %dma_wait3A_22 = tpu.memref_slice %arg9[%dma_wait3A] : memref<10016xf32, #tpu.memory_space<vmem>> -> memref<10016xf32, #tpu.memory_space<vmem>>
        %dma_wait3A_23 = tpu.memref_slice %arg5[%mul3A_16] : memref<320000xf32, #tpu.memory_space<hbm>> -> memref<10016xf32, #tpu.memory_space<hbm>>
        %dma_wait3A_24 = tpu.memref_slice %arg5[%mul3A_16] : memref<320000xf32, #tpu.memory_space<hbm>> -> memref<10016xf32, #tpu.memory_space<hbm>>
        %dma_wait3A_25 = arith.constant 0 : i32
        %dma_wait3A_26 = tpu.memref_slice %arg9[%dma_wait3A_25] : memref<10016xf32, #tpu.memory_space<vmem>> -> memref<10016xf32, #tpu.memory_space<vmem>>
        tpu.wait_dma2 semaphore(%run_scoped3A : memref<!tpu.dma_semaphore, #tpu.memory_space<semaphore_mem>>) src(%dma_wait3A_26 : memref<10016xf32, #tpu.memory_space<vmem>>) dst(%dma_wait3A_24 : memref<10016xf32, #tpu.memory_space<hbm>>)
        tpu.yield
      }) : () -> ()
    } else {
    }
    %eq3A = arith.constant 31 : i32
    %eq3A_3 = arith.cmpi eq, %add3A, %eq3A : i32
    %convert_element_type3A_4 = arith.extui %eq3A_3 : i1 to i32
    %cond3A_5 = arith.constant 0 : i32
    %cond3A_6 = arith.cmpi ne, %convert_element_type3A_4, %cond3A_5 : i32
    scf.if %cond3A_6 {
      "tpu.region"() ({
        %run_scoped3A = tpu.sem_alloc : memref<!tpu.dma_semaphore, #tpu.memory_space<semaphore_mem>>
        %dma_start3A = arith.constant 0 : i32
        %dma_start3A_13 = tpu.memref_slice %arg7[%dma_start3A] : memref<5008xi32, #tpu.memory_space<vmem>> -> memref<4752xi32, #tpu.memory_space<vmem>>
        %dma_start3A_14 = arith.constant 155248 : i32
        %dma_start3A_15 = tpu.memref_slice %arg3[%dma_start3A_14] : memref<160000xi32, #tpu.memory_space<hbm>> -> memref<4752xi32, #tpu.memory_space<hbm>>
        %dma_start3A_16 = arith.constant 0 : i32
        %dma_start3A_17 = tpu.memref_slice %arg7[%dma_start3A_16] : memref<5008xi32, #tpu.memory_space<vmem>> -> memref<4752xi32, #tpu.memory_space<vmem>>
        %dma_start3A_18 = arith.constant 155248 : i32
        %dma_start3A_19 = tpu.memref_slice %arg3[%dma_start3A_18] : memref<160000xi32, #tpu.memory_space<hbm>> -> memref<4752xi32, #tpu.memory_space<hbm>>
        tpu.enqueue_dma source(%dma_start3A_19 : memref<4752xi32, #tpu.memory_space<hbm>>) target(%dma_start3A_17 : memref<4752xi32, #tpu.memory_space<vmem>>) target_semaphore(%run_scoped3A : memref<!tpu.dma_semaphore, #tpu.memory_space<semaphore_mem>>)
        %dma_wait3A = arith.constant 0 : i32
        %dma_wait3A_20 = tpu.memref_slice %arg7[%dma_wait3A] : memref<5008xi32, #tpu.memory_space<vmem>> -> memref<4752xi32, #tpu.memory_space<vmem>>
        %dma_wait3A_21 = arith.constant 155248 : i32
        %dma_wait3A_22 = tpu.memref_slice %arg3[%dma_wait3A_21] : memref<160000xi32, #tpu.memory_space<hbm>> -> memref<4752xi32, #tpu.memory_space<hbm>>
        %dma_wait3A_23 = arith.constant 0 : i32
        %dma_wait3A_24 = tpu.memref_slice %arg7[%dma_wait3A_23] : memref<5008xi32, #tpu.memory_space<vmem>> -> memref<4752xi32, #tpu.memory_space<vmem>>
        %dma_wait3A_25 = arith.constant 155248 : i32
        %dma_wait3A_26 = tpu.memref_slice %arg3[%dma_wait3A_25] : memref<160000xi32, #tpu.memory_space<hbm>> -> memref<4752xi32, #tpu.memory_space<hbm>>
        tpu.wait_dma2 semaphore(%run_scoped3A : memref<!tpu.dma_semaphore, #tpu.memory_space<semaphore_mem>>) src(%dma_wait3A_26 : memref<4752xi32, #tpu.memory_space<hbm>>) dst(%dma_wait3A_24 : memref<4752xi32, #tpu.memory_space<vmem>>)
        tpu.yield
      }) : () -> ()
      "tpu.region"() ({
        %run_scoped3A = tpu.sem_alloc : memref<!tpu.dma_semaphore, #tpu.memory_space<semaphore_mem>>
        %dma_start3A = arith.constant 0 : i32
        %dma_start3A_13 = tpu.memref_slice %arg8[%dma_start3A] : memref<5008xi32, #tpu.memory_space<vmem>> -> memref<4752xi32, #tpu.memory_space<vmem>>
        %dma_start3A_14 = arith.constant 155248 : i32
        %dma_start3A_15 = tpu.memref_slice %arg4[%dma_start3A_14] : memref<160000xi32, #tpu.memory_space<hbm>> -> memref<4752xi32, #tpu.memory_space<hbm>>
        %dma_start3A_16 = arith.constant 0 : i32
        %dma_start3A_17 = tpu.memref_slice %arg8[%dma_start3A_16] : memref<5008xi32, #tpu.memory_space<vmem>> -> memref<4752xi32, #tpu.memory_space<vmem>>
        %dma_start3A_18 = arith.constant 155248 : i32
        %dma_start3A_19 = tpu.memref_slice %arg4[%dma_start3A_18] : memref<160000xi32, #tpu.memory_space<hbm>> -> memref<4752xi32, #tpu.memory_space<hbm>>
        tpu.enqueue_dma source(%dma_start3A_19 : memref<4752xi32, #tpu.memory_space<hbm>>) target(%dma_start3A_17 : memref<4752xi32, #tpu.memory_space<vmem>>) target_semaphore(%run_scoped3A : memref<!tpu.dma_semaphore, #tpu.memory_space<semaphore_mem>>)
        %dma_wait3A = arith.constant 0 : i32
        %dma_wait3A_20 = tpu.memref_slice %arg8[%dma_wait3A] : memref<5008xi32, #tpu.memory_space<vmem>> -> memref<4752xi32, #tpu.memory_space<vmem>>
        %dma_wait3A_21 = arith.constant 155248 : i32
        %dma_wait3A_22 = tpu.memref_slice %arg4[%dma_wait3A_21] : memref<160000xi32, #tpu.memory_space<hbm>> -> memref<4752xi32, #tpu.memory_space<hbm>>
        %dma_wait3A_23 = arith.constant 0 : i32
        %dma_wait3A_24 = tpu.memref_slice %arg8[%dma_wait3A_23] : memref<5008xi32, #tpu.memory_space<vmem>> -> memref<4752xi32, #tpu.memory_space<vmem>>
        %dma_wait3A_25 = arith.constant 155248 : i32
        %dma_wait3A_26 = tpu.memref_slice %arg4[%dma_wait3A_25] : memref<160000xi32, #tpu.memory_space<hbm>> -> memref<4752xi32, #tpu.memory_space<hbm>>
        tpu.wait_dma2 semaphore(%run_scoped3A : memref<!tpu.dma_semaphore, #tpu.memory_space<semaphore_mem>>) src(%dma_wait3A_26 : memref<4752xi32, #tpu.memory_space<hbm>>) dst(%dma_wait3A_24 : memref<4752xi32, #tpu.memory_space<vmem>>)
        tpu.yield
      }) : () -> ()
      %scan3A = arith.constant 0 : i32
      %scan3A_7 = arith.constant 0 : i32
      %scan3A_8 = arith.constant 297 : i32
      %scan3A_9 = arith.addi %scan3A_7, %scan3A_8 : i32
      %scan3A_10 = arith.constant 1 : i32
      %scan3A_11 = scf.for %scan3A_13 = %scan3A_7 to %scan3A_9 step %scan3A_10 iter_args(%scan3A_14 = %scan3A) -> (i32)  : i32 {
        %mul3A_15 = arith.constant 16 : i32
        %mul3A_16 = arith.muli %scan3A_13, %mul3A_15 : i32
        %get3A = arith.index_cast %mul3A_16 : i32 to index
        %get3A_17 = tpu.vector_load %arg7[%get3A] {strides = array<i32>} : memref<5008xi32, #tpu.memory_space<vmem>>, vector<16xi32>,
        %mul3A_18 = arith.constant 4 : i32
        %mul3A_19 = vector.broadcast %mul3A_18 : i32 to vector<16xi32>
        %mul3A_20 = arith.muli %get3A_17, %mul3A_19 : vector<16xi32>
        %mul3A_21 = arith.constant 16 : i32
        %mul3A_22 = arith.muli %scan3A_13, %mul3A_21 : i32
        %get3A_23 = arith.index_cast %mul3A_22 : i32 to index
        %get3A_24 = tpu.vector_load %arg8[%get3A_23] {strides = array<i32>} : memref<5008xi32, #tpu.memory_space<vmem>>, vector<16xi32>,
        %mul3A_25 = arith.constant 4 : i32
        %mul3A_26 = vector.broadcast %mul3A_25 : i32 to vector<16xi32>
        %mul3A_27 = arith.muli %get3A_24, %mul3A_26 : vector<16xi32>
        %gather3A = tpu.vector_load_idx %arg6[%mul3A_20] : memref<40000xf32, #tpu.memory_space<vmem>>[vector<16xi32>], vector<16xf32>,
        %add3A_28 = arith.constant 1 : i32
        %add3A_29 = vector.broadcast %add3A_28 : i32 to vector<16xi32>
        %add3A_30 = arith.addi %mul3A_20, %add3A_29 : vector<16xi32>
        %gather3A_31 = tpu.vector_load_idx %arg6[%add3A_30] : memref<40000xf32, #tpu.memory_space<vmem>>[vector<16xi32>], vector<16xf32>,
        %add3A_32 = arith.constant 2 : i32
        %add3A_33 = vector.broadcast %add3A_32 : i32 to vector<16xi32>
        %add3A_34 = arith.addi %mul3A_27, %add3A_33 : vector<16xi32>
        %gather3A_35 = tpu.vector_load_idx %arg6[%add3A_34] : memref<40000xf32, #tpu.memory_space<vmem>>[vector<16xi32>], vector<16xf32>,
        %add3A_36 = arith.constant 3 : i32
        %add3A_37 = vector.broadcast %add3A_36 : i32 to vector<16xi32>
        %add3A_38 = arith.addi %mul3A_27, %add3A_37 : vector<16xi32>
        %gather3A_39 = tpu.vector_load_idx %arg6[%add3A_38] : memref<40000xf32, #tpu.memory_space<vmem>>[vector<16xi32>], vector<16xf32>,
        %mul3A_40 = arith.constant 16 : i32
        %mul3A_41 = arith.muli %scan3A_13, %mul3A_40 : i32
        %add3A_42 = vector.broadcast %mul3A_41 : i32 to vector<16xi32>
        %add3A_43 = arith.addi %add3A_42, %iota3A : vector<16xi32>
        %mul3A_44 = arith.constant 2 : i32
        %mul3A_45 = vector.broadcast %mul3A_44 : i32 to vector<16xi32>
        %mul3A_46 = arith.muli %add3A_43, %mul3A_45 : vector<16xi32>
        %add3A_47 = arith.addf %gather3A, %gather3A_35 : vector<16xf32>
        tpu.vector_store_idx %arg9[%mul3A_46], %add3A_47 : memref<10016xf32, #tpu.memory_space<vmem>>[vector<16xi32>], vector<16xf32>,
        %add3A_48 = arith.constant 1 : i32
        %add3A_49 = vector.broadcast %add3A_48 : i32 to vector<16xi32>
        %add3A_50 = arith.addi %mul3A_46, %add3A_49 : vector<16xi32>
        %add3A_51 = arith.addf %gather3A_31, %gather3A_39 : vector<16xf32>
        tpu.vector_store_idx %arg9[%add3A_50], %add3A_51 : memref<10016xf32, #tpu.memory_space<vmem>>[vector<16xi32>], vector<16xf32>,
        %scan3A_52 = arith.constant 0 : i32
        scf.yield %scan3A_52 : i32
      }
      %scan3A_12 = arith.constant 297 : i32
      "tpu.region"() ({
        %run_scoped3A = tpu.sem_alloc : memref<!tpu.dma_semaphore, #tpu.memory_space<semaphore_mem>>
        %dma_start3A = arith.constant 0 : i32
        %dma_start3A_13 = tpu.memref_slice %arg9[%dma_start3A] : memref<10016xf32, #tpu.memory_space<vmem>> -> memref<9504xf32, #tpu.memory_space<vmem>>
        %dma_start3A_14 = arith.constant 310496 : i32
        %dma_start3A_15 = tpu.memref_slice %arg5[%dma_start3A_14] : memref<320000xf32, #tpu.memory_space<hbm>> -> memref<9504xf32, #tpu.memory_space<hbm>>
        %dma_start3A_16 = arith.constant 310496 : i32
        %dma_start3A_17 = tpu.memref_slice %arg5[%dma_start3A_16] : memref<320000xf32, #tpu.memory_space<hbm>> -> memref<9504xf32, #tpu.memory_space<hbm>>
        %dma_start3A_18 = arith.constant 0 : i32
        %dma_start3A_19 = tpu.memref_slice %arg9[%dma_start3A_18] : memref<10016xf32, #tpu.memory_space<vmem>> -> memref<9504xf32, #tpu.memory_space<vmem>>
        tpu.enqueue_dma source(%dma_start3A_19 : memref<9504xf32, #tpu.memory_space<vmem>>) target(%dma_start3A_17 : memref<9504xf32, #tpu.memory_space<hbm>>) target_semaphore(%run_scoped3A : memref<!tpu.dma_semaphore, #tpu.memory_space<semaphore_mem>>)
        %dma_wait3A = arith.constant 0 : i32
        %dma_wait3A_20 = tpu.memref_slice %arg9[%dma_wait3A] : memref<10016xf32, #tpu.memory_space<vmem>> -> memref<9504xf32, #tpu.memory_space<vmem>>
        %dma_wait3A_21 = arith.constant 310496 : i32
        %dma_wait3A_22 = tpu.memref_slice %arg5[%dma_wait3A_21] : memref<320000xf32, #tpu.memory_space<hbm>> -> memref<9504xf32, #tpu.memory_space<hbm>>
        %dma_wait3A_23 = arith.constant 310496 : i32
        %dma_wait3A_24 = tpu.memref_slice %arg5[%dma_wait3A_23] : memref<320000xf32, #tpu.memory_space<hbm>> -> memref<9504xf32, #tpu.memory_space<hbm>>
        %dma_wait3A_25 = arith.constant 0 : i32
        %dma_wait3A_26 = tpu.memref_slice %arg9[%dma_wait3A_25] : memref<10016xf32, #tpu.memory_space<vmem>> -> memref<9504xf32, #tpu.memory_space<vmem>>
        tpu.wait_dma2 semaphore(%run_scoped3A : memref<!tpu.dma_semaphore, #tpu.memory_space<semaphore_mem>>) src(%dma_wait3A_26 : memref<9504xf32, #tpu.memory_space<vmem>>) dst(%dma_wait3A_24 : memref<9504xf32, #tpu.memory_space<hbm>>)
        tpu.yield
      }) : () -> ()
    } else {
    }
    return
  }
}

#map = affine_map<(d0, d1) -> (0, 0)>
module attributes {stable_mosaic.version = 14 : i64} {
  func.func @_seg_body(%arg0: i32, %arg1: i32, %arg2: memref<10000x128xf32, #tpu.memory_space<hbm>>, %arg3: memref<10000x128xf32, #tpu.memory_space<hbm>>, %arg4: memref<1256x128xi32, #tpu.memory_space<hbm>>, %arg5: memref<1256x128xi32, #tpu.memory_space<hbm>>, %arg6: memref<10000x128xf32, #tpu.memory_space<hbm>>, %arg7: memref<10000x128xf32, #tpu.memory_space<hbm>>, %arg8: memref<8x128xi32, #tpu.memory_space<vmem>>, %arg9: memref<8x128xi32, #tpu.memory_space<vmem>>, %arg10: memref<128x128xf32, #tpu.memory_space<vmem>>, %arg11: memref<128x128xf32, #tpu.memory_space<vmem>>, %arg12: memref<16x128xf32, #tpu.memory_space<vmem>>, %arg13: memref<10008x128xf32, #tpu.memory_space<vmem_shared>>, %arg14: memref<!tpu.dma_semaphore, #tpu.memory_space<semaphore_mem>>, %arg15: memref<!tpu.dma_semaphore, #tpu.memory_space<semaphore_mem>>) attributes {dimension_semantics = [#tpu.dimension_semantics<core_parallel>, #tpu.dimension_semantics<subcore_parallel>], iteration_bounds = array<i64: 2, 16>, scalar_prefetch = 0 : i64, scratch_operands = 8 : i64, tpu.core_type = #tpu.core_type<sc_vector_subcore>, window_params = [{transform_indices = #map}, {transform_indices = #map}, {transform_indices = #map}, {transform_indices = #map}, {transform_indices = #map}, {transform_indices = #map}]} {
    %scan3A = arith.constant 0 : i32
    %scan3A_0 = arith.constant 0 : i32
    %scan3A_1 = arith.constant 128 : i32
    %scan3A_2 = arith.addi %scan3A_0, %scan3A_1 : i32
    %scan3A_3 = arith.constant 1 : i32
    %scan3A_4 = scf.for %scan3A_44 = %scan3A_0 to %scan3A_2 step %scan3A_3 iter_args(%scan3A_45 = %scan3A) -> (i32)  : i32 {
      %broadcast_in_dim3A = arith.constant 0.000000e+00 : f32
      %broadcast_in_dim3A_46 = vector.broadcast %broadcast_in_dim3A : f32 to vector<16xf32>
      %jit3A_47 = arith.constant 8 : i32
      %div3A = arith.divsi %scan3A_44, %jit3A_47 : i32
      %sign3A = arith.constant 0 : i32
      %sign3A_48 = arith.cmpi sgt, %scan3A_44, %sign3A : i32
      %sign3A_49 = arith.extui %sign3A_48 : i1 to i32
      %sign3A_50 = arith.constant 0 : i32
      %sign3A_51 = arith.cmpi slt, %scan3A_44, %sign3A_50 : i32
      %sign3A_52 = arith.extui %sign3A_51 : i1 to i32
      %sign3A_53 = arith.subi %sign3A_49, %sign3A_52 : i32
      %sign3A_54 = arith.constant 0 : i32
      %sign3A_55 = arith.cmpi sgt, %jit3A_47, %sign3A_54 : i32
      %sign3A_56 = arith.extui %sign3A_55 : i1 to i32
      %sign3A_57 = arith.constant 0 : i32
      %sign3A_58 = arith.cmpi slt, %jit3A_47, %sign3A_57 : i32
      %sign3A_59 = arith.extui %sign3A_58 : i1 to i32
      %sign3A_60 = arith.subi %sign3A_56, %sign3A_59 : i32
      %ne3A = arith.cmpi ne, %sign3A_53, %sign3A_60 : i32
      %rem3A = arith.remsi %scan3A_44, %jit3A_47 : i32
      %ne3A_61 = arith.constant 0 : i32
      %ne3A_62 = arith.cmpi ne, %rem3A, %ne3A_61 : i32
      %and3A = arith.andi %ne3A, %ne3A_62 : i1
      %sub3A = arith.constant 1 : i32
      %sub3A_63 = arith.subi %div3A, %sub3A : i32
      %select_n3A_64 = arith.select %and3A, %sub3A_63, %div3A : i32
      %jit3A_65 = arith.constant 8 : i32
      %eq3A_66 = arith.constant 0 : i32
      %eq3A_67 = arith.cmpi eq, %jit3A_65, %eq3A_66 : i32
      %jit3A_68 = arith.constant 1 : i32
      %select_n3A_69 = arith.select %eq3A_67, %jit3A_68, %jit3A_65 : i32
      %rem3A_70 = arith.remsi %scan3A_44, %select_n3A_69 : i32
      %ne3A_71 = arith.constant 0 : i32
      %ne3A_72 = arith.cmpi ne, %rem3A_70, %ne3A_71 : i32
      %lt3A = arith.constant 0 : i32
      %lt3A_73 = arith.cmpi slt, %rem3A_70, %lt3A : i32
      %lt3A_74 = arith.constant 0 : i32
      %lt3A_75 = arith.cmpi slt, %select_n3A_69, %lt3A_74 : i32
      %ne3A_76 = arith.xori %lt3A_73, %lt3A_75 : i1
      %and3A_77 = arith.andi %ne3A_76, %ne3A_72 : i1
      %add3A = arith.addi %rem3A_70, %select_n3A_69 : i32
      %select_n3A_78 = arith.select %and3A_77, %add3A, %rem3A_70 : i32
      %mul3A_79 = arith.constant 16 : i32
      %mul3A_80 = arith.muli %select_n3A_78, %mul3A_79 : i32
      %swap3A = arith.index_cast %select_n3A_64 : i32 to index
      %swap3A_81 = arith.index_cast %mul3A_80 : i32 to index
      %swap3A_82 = tpu.vector_load %arg12[%swap3A, %swap3A_81] {strides = array<i32>} : memref<16x128xf32, #tpu.memory_space<vmem>>, vector<1x16xf32>,
      %swap3A_83 = vector.shape_cast %swap3A_82 : vector<1x16xf32> to vector<16xf32>
      %swap3A_84 = vector.shape_cast %broadcast_in_dim3A_46 : vector<16xf32> to vector<1x16xf32>
      tpu.vector_store %arg12[%swap3A, %swap3A_81], %swap3A_84 {strides = array<i32>} : memref<16x128xf32, #tpu.memory_space<vmem>>, vector<1x16xf32>,
      %scan3A_85 = arith.constant 0 : i32
      scf.yield %scan3A_85 : i32
    }
    %scan3A_5 = arith.constant 128 : i32
    %eq3A = arith.constant 15 : i32
    %eq3A_6 = arith.cmpi eq, %arg1, %eq3A : i32
    %jit3A = arith.constant 40 : i32
    %jit3A_7 = arith.constant 39 : i32
    %select_n3A = arith.select %eq3A_6, %jit3A, %jit3A_7 : i32
    %while3A = arith.constant 0 : i32
    %while3A_8 = arith.constant 0 : i32
    %while3A_9 = arith.subi %select_n3A, %while3A : i32
    %while3A_10 = arith.addi %while3A, %while3A_9 : i32
    %while3A_11 = arith.constant 1 : i32
    %while3A_12 = arith.divsi %while3A_9, %while3A_11 : i32
    %while3A_13 = arith.muli %while3A_12, %while3A_11 : i32
    %while3A_14 = arith.addi %while3A, %while3A_13 : i32
    %while3A_15 = arith.constant 1 : i32
    %while3A_16 = scf.for %while3A_44 = %while3A to %while3A_14 step %while3A_15 iter_args(%while3A_45 = %while3A_8) -> (i32)  : i32 {
      %mul3A_46 = arith.constant 624 : i32
      %mul3A_47 = arith.muli %arg1, %mul3A_46 : i32
      %mul3A_48 = arith.constant 16 : i32
      %mul3A_49 = arith.muli %while3A_44, %mul3A_48 : i32
      %add3A = arith.addi %mul3A_47, %mul3A_49 : i32
      "tpu.region"() ({
        %run_scoped3A = tpu.sem_alloc : memref<!tpu.dma_semaphore, #tpu.memory_space<semaphore_mem>>
        %dma_start3A = arith.constant 0 : i32
        %dma_start3A_51 = tpu.memref_slice %arg13[%add3A, %dma_start3A] : memref<10008x128xf32, #tpu.memory_space<vmem_shared>> -> memref<16x128xf32, #tpu.memory_space<vmem_shared>>
        %dma_start3A_52 = arith.constant 0 : i32
        %dma_start3A_53 = tpu.memref_slice %arg13[%add3A, %dma_start3A_52] : memref<10008x128xf32, #tpu.memory_space<vmem_shared>> -> memref<16x128xf32, #tpu.memory_space<vmem_shared>>
        tpu.enqueue_dma source(%arg12 : memref<16x128xf32, #tpu.memory_space<vmem>>) target(%dma_start3A_53 : memref<16x128xf32, #tpu.memory_space<vmem_shared>>) target_semaphore(%run_scoped3A : memref<!tpu.dma_semaphore, #tpu.memory_space<semaphore_mem>>)
        %dma_wait3A = arith.constant 0 : i32
        %dma_wait3A_54 = tpu.memref_slice %arg13[%add3A, %dma_wait3A] : memref<10008x128xf32, #tpu.memory_space<vmem_shared>> -> memref<16x128xf32, #tpu.memory_space<vmem_shared>>
        %dma_wait3A_55 = arith.constant 0 : i32
        %dma_wait3A_56 = tpu.memref_slice %arg13[%add3A, %dma_wait3A_55] : memref<10008x128xf32, #tpu.memory_space<vmem_shared>> -> memref<16x128xf32, #tpu.memory_space<vmem_shared>>
        tpu.wait_dma2 semaphore(%run_scoped3A : memref<!tpu.dma_semaphore, #tpu.memory_space<semaphore_mem>>) src(%arg12 : memref<16x128xf32, #tpu.memory_space<vmem>>) dst(%dma_wait3A_56 : memref<16x128xf32, #tpu.memory_space<vmem_shared>>)
        tpu.yield
      }) : () -> ()
      %while3A_50 = arith.constant 0 : i32
      scf.yield %while3A_50 : i32
    }
    %while3A_17 = arith.constant 1 : i32
    %while3A_18 = scf.for %while3A_44 = %while3A_14 to %while3A_10 step %while3A_17 iter_args(%while3A_45 = %while3A_16) -> (i32)  : i32 {
      %mul3A_46 = arith.constant 624 : i32
      %mul3A_47 = arith.muli %arg1, %mul3A_46 : i32
      %mul3A_48 = arith.constant 16 : i32
      %mul3A_49 = arith.muli %while3A_44, %mul3A_48 : i32
      %add3A = arith.addi %mul3A_47, %mul3A_49 : i32
      "tpu.region"() ({
        %run_scoped3A = tpu.sem_alloc : memref<!tpu.dma_semaphore, #tpu.memory_space<semaphore_mem>>
        %dma_start3A = arith.constant 0 : i32
        %dma_start3A_51 = tpu.memref_slice %arg13[%add3A, %dma_start3A] : memref<10008x128xf32, #tpu.memory_space<vmem_shared>> -> memref<16x128xf32, #tpu.memory_space<vmem_shared>>
        %dma_start3A_52 = arith.constant 0 : i32
        %dma_start3A_53 = tpu.memref_slice %arg13[%add3A, %dma_start3A_52] : memref<10008x128xf32, #tpu.memory_space<vmem_shared>> -> memref<16x128xf32, #tpu.memory_space<vmem_shared>>
        tpu.enqueue_dma source(%arg12 : memref<16x128xf32, #tpu.memory_space<vmem>>) target(%dma_start3A_53 : memref<16x128xf32, #tpu.memory_space<vmem_shared>>) target_semaphore(%run_scoped3A : memref<!tpu.dma_semaphore, #tpu.memory_space<semaphore_mem>>)
        %dma_wait3A = arith.constant 0 : i32
        %dma_wait3A_54 = tpu.memref_slice %arg13[%add3A, %dma_wait3A] : memref<10008x128xf32, #tpu.memory_space<vmem_shared>> -> memref<16x128xf32, #tpu.memory_space<vmem_shared>>
        %dma_wait3A_55 = arith.constant 0 : i32
        %dma_wait3A_56 = tpu.memref_slice %arg13[%add3A, %dma_wait3A_55] : memref<10008x128xf32, #tpu.memory_space<vmem_shared>> -> memref<16x128xf32, #tpu.memory_space<vmem_shared>>
        tpu.wait_dma2 semaphore(%run_scoped3A : memref<!tpu.dma_semaphore, #tpu.memory_space<semaphore_mem>>) src(%arg12 : memref<16x128xf32, #tpu.memory_space<vmem>>) dst(%dma_wait3A_56 : memref<16x128xf32, #tpu.memory_space<vmem_shared>>)
        tpu.yield
      }) : () -> ()
      %while3A_50 = arith.constant 0 : i32
      scf.yield %while3A_50 : i32
    }
    %mul3A = arith.constant 80 : i32
    %mul3A_19 = arith.muli %arg1, %mul3A : i32
    %eq3A_20 = arith.constant 15 : i32
    %eq3A_21 = arith.cmpi eq, %arg1, %eq3A_20 : i32
    %jit3A_22 = arith.constant 56 : i32
    %jit3A_23 = arith.constant 80 : i32
    %select_n3A_24 = arith.select %eq3A_21, %jit3A_22, %jit3A_23 : i32
    %barrier3A = arith.constant 0 : index
    tpu.barrier barrier_id(%barrier3A)
    "tpu.region"() ({
      %run_scoped3A = tpu.sem_alloc : memref<!tpu.dma_semaphore, #tpu.memory_space<semaphore_mem>>
      %dma_start3A = arith.constant 0 : i32
      %dma_start3A_44 = tpu.memref_slice %arg4[%mul3A_19, %dma_start3A] : memref<1256x128xi32, #tpu.memory_space<hbm>> -> memref<8x128xi32, #tpu.memory_space<hbm>>
      %dma_start3A_45 = arith.constant 0 : i32
      %dma_start3A_46 = tpu.memref_slice %arg4[%mul3A_19, %dma_start3A_45] : memref<1256x128xi32, #tpu.memory_space<hbm>> -> memref<8x128xi32, #tpu.memory_space<hbm>>
      tpu.enqueue_dma source(%dma_start3A_46 : memref<8x128xi32, #tpu.memory_space<hbm>>) target(%arg8 : memref<8x128xi32, #tpu.memory_space<vmem>>) target_semaphore(%run_scoped3A : memref<!tpu.dma_semaphore, #tpu.memory_space<semaphore_mem>>)
      %dma_wait3A = arith.constant 0 : i32
      %dma_wait3A_47 = tpu.memref_slice %arg4[%mul3A_19, %dma_wait3A] : memref<1256x128xi32, #tpu.memory_space<hbm>> -> memref<8x128xi32, #tpu.memory_space<hbm>>
      %dma_wait3A_48 = arith.constant 0 : i32
      %dma_wait3A_49 = tpu.memref_slice %arg4[%mul3A_19, %dma_wait3A_48] : memref<1256x128xi32, #tpu.memory_space<hbm>> -> memref<8x128xi32, #tpu.memory_space<hbm>>
      tpu.wait_dma2 semaphore(%run_scoped3A : memref<!tpu.dma_semaphore, #tpu.memory_space<semaphore_mem>>) src(%dma_wait3A_49 : memref<8x128xi32, #tpu.memory_space<hbm>>) dst(%arg8 : memref<8x128xi32, #tpu.memory_space<vmem>>)
      tpu.yield
    }) : () -> ()
    "tpu.region"() ({
      %run_scoped3A = tpu.sem_alloc : memref<!tpu.dma_semaphore, #tpu.memory_space<semaphore_mem>>
      %dma_start3A = arith.constant 0 : i32
      %dma_start3A_44 = tpu.memref_slice %arg5[%mul3A_19, %dma_start3A] : memref<1256x128xi32, #tpu.memory_space<hbm>> -> memref<8x128xi32, #tpu.memory_space<hbm>>
      %dma_start3A_45 = arith.constant 0 : i32
      %dma_start3A_46 = tpu.memref_slice %arg5[%mul3A_19, %dma_start3A_45] : memref<1256x128xi32, #tpu.memory_space<hbm>> -> memref<8x128xi32, #tpu.memory_space<hbm>>
      tpu.enqueue_dma source(%dma_start3A_46 : memref<8x128xi32, #tpu.memory_space<hbm>>) target(%arg9 : memref<8x128xi32, #tpu.memory_space<vmem>>) target_semaphore(%run_scoped3A : memref<!tpu.dma_semaphore, #tpu.memory_space<semaphore_mem>>)
      %dma_wait3A = arith.constant 0 : i32
      %dma_wait3A_47 = tpu.memref_slice %arg5[%mul3A_19, %dma_wait3A] : memref<1256x128xi32, #tpu.memory_space<hbm>> -> memref<8x128xi32, #tpu.memory_space<hbm>>
      %dma_wait3A_48 = arith.constant 0 : i32
      %dma_wait3A_49 = tpu.memref_slice %arg5[%mul3A_19, %dma_wait3A_48] : memref<1256x128xi32, #tpu.memory_space<hbm>> -> memref<8x128xi32, #tpu.memory_space<hbm>>
      tpu.wait_dma2 semaphore(%run_scoped3A : memref<!tpu.dma_semaphore, #tpu.memory_space<semaphore_mem>>) src(%dma_wait3A_49 : memref<8x128xi32, #tpu.memory_space<hbm>>) dst(%arg9 : memref<8x128xi32, #tpu.memory_space<vmem>>)
      tpu.yield
    }) : () -> ()
    %eq3A_25 = arith.constant 0 : i32
    %eq3A_26 = arith.cmpi eq, %arg0, %eq3A_25 : i32
    %convert_element_type3A = arith.extui %eq3A_26 : i1 to i32
    %cond3A = arith.constant 0 : i32
    %cond3A_27 = arith.cmpi ne, %convert_element_type3A, %cond3A : i32
    scf.if %cond3A_27 {
      %dma_start3A = arith.constant 0 : i32
      %dma_start3A_44 = arith.constant 0 : i32
      %dma_start3A_45 = tpu.memref_slice %arg8[%dma_start3A, %dma_start3A_44] : memref<8x128xi32, #tpu.memory_space<vmem>> -> memref<1x128xi32, #tpu.memory_space<vmem>>
      %dma_start3A_46 = tpu.memref_squeeze %dma_start3A_45 : memref<1x128xi32, #tpu.memory_space<vmem>> -> memref<128xi32, #tpu.memory_space<vmem>>
      %dma_start3A_47 = arith.constant 0 : i32
      %dma_start3A_48 = arith.constant 0 : i32
      %dma_start3A_49 = tpu.memref_slice %arg2[%dma_start3A_47, %dma_start3A_48] : memref<10000x128xf32, #tpu.memory_space<hbm>> -> memref<10000x128xf32, #tpu.memory_space<hbm>>
      tpu.enqueue_indirect_dma source(%dma_start3A_49 : memref<10000x128xf32, #tpu.memory_space<hbm>>) target(%arg10 : memref<128x128xf32, #tpu.memory_space<vmem>>) offsets(%dma_start3A_46 : memref<128xi32, #tpu.memory_space<vmem>>) semaphore(%arg14 : memref<!tpu.dma_semaphore, #tpu.memory_space<semaphore_mem>>)
      %while3A_50 = arith.constant 0 : i32
      %while3A_51 = arith.constant 0 : i32
      %while3A_52 = arith.subi %select_n3A_24, %while3A_50 : i32
      %while3A_53 = arith.addi %while3A_50, %while3A_52 : i32
      %while3A_54 = arith.constant 1 : i32
      %while3A_55 = arith.divsi %while3A_52, %while3A_54 : i32
      %while3A_56 = arith.muli %while3A_55, %while3A_54 : i32
      %while3A_57 = arith.addi %while3A_50, %while3A_56 : i32
      %while3A_58 = arith.constant 1 : i32
      %while3A_59 = scf.for %while3A_62 = %while3A_50 to %while3A_57 step %while3A_58 iter_args(%while3A_63 = %while3A_51) -> (i32)  : i32 {
        %jit3A_64 = arith.constant 2 : i32
        %eq3A_65 = arith.constant 0 : i32
        %eq3A_66 = arith.cmpi eq, %jit3A_64, %eq3A_65 : i32
        %jit3A_67 = arith.constant 1 : i32
        %select_n3A_68 = arith.select %eq3A_66, %jit3A_67, %jit3A_64 : i32
        %rem3A = arith.remsi %while3A_62, %select_n3A_68 : i32
        %ne3A = arith.constant 0 : i32
        %ne3A_69 = arith.cmpi ne, %rem3A, %ne3A : i32
        %lt3A = arith.constant 0 : i32
        %lt3A_70 = arith.cmpi slt, %rem3A, %lt3A : i32
        %lt3A_71 = arith.constant 0 : i32
        %lt3A_72 = arith.cmpi slt, %select_n3A_68, %lt3A_71 : i32
        %ne3A_73 = arith.xori %lt3A_70, %lt3A_72 : i1
        %and3A = arith.andi %ne3A_73, %ne3A_69 : i1
        %add3A = arith.addi %rem3A, %select_n3A_68 : i32
        %select_n3A_74 = arith.select %and3A, %add3A, %rem3A : i32
        %eq3A_75 = arith.constant 0 : i32
        %eq3A_76 = arith.cmpi eq, %select_n3A_74, %eq3A_75 : i32
        %convert_element_type3A_77 = arith.extui %eq3A_76 : i1 to i32
        %cond3A_78 = arith.constant 0 : i32
        %cond3A_79 = arith.cmpi ne, %convert_element_type3A_77, %cond3A_78 : i32
        scf.if %cond3A_79 {
          %add3A_102 = arith.constant 1 : i32
          %add3A_103 = arith.addi %while3A_62, %add3A_102 : i32
          %jit3A_104 = arith.constant 8 : i32
          %eq3A_105 = arith.constant 0 : i32
          %eq3A_106 = arith.cmpi eq, %jit3A_104, %eq3A_105 : i32
          %jit3A_107 = arith.constant 1 : i32
          %select_n3A_108 = arith.select %eq3A_106, %jit3A_107, %jit3A_104 : i32
          %rem3A_109 = arith.remsi %add3A_103, %select_n3A_108 : i32
          %ne3A_110 = arith.constant 0 : i32
          %ne3A_111 = arith.cmpi ne, %rem3A_109, %ne3A_110 : i32
          %lt3A_112 = arith.constant 0 : i32
          %lt3A_113 = arith.cmpi slt, %rem3A_109, %lt3A_112 : i32
          %lt3A_114 = arith.constant 0 : i32
          %lt3A_115 = arith.cmpi slt, %select_n3A_108, %lt3A_114 : i32
          %ne3A_116 = arith.xori %lt3A_113, %lt3A_115 : i1
          %and3A_117 = arith.andi %ne3A_116, %ne3A_111 : i1
          %add3A_118 = arith.addi %rem3A_109, %select_n3A_108 : i32
          %select_n3A_119 = arith.select %and3A_117, %add3A_118, %rem3A_109 : i32
          %eq3A_120 = arith.constant 0 : i32
          %eq3A_121 = arith.cmpi eq, %select_n3A_119, %eq3A_120 : i32
          %add3A_122 = arith.constant 1 : i32
          %add3A_123 = arith.addi %while3A_62, %add3A_122 : i32
          %lt3A_124 = arith.cmpi slt, %add3A_123, %select_n3A_24 : i32
          %and3A_125 = arith.andi %eq3A_121, %lt3A_124 : i1
          %jit3A_126 = arith.constant 8 : i32
          %eq3A_127 = arith.constant 0 : i32
          %eq3A_128 = arith.cmpi eq, %jit3A_126, %eq3A_127 : i32
          %jit3A_129 = arith.constant 1 : i32
          %select_n3A_130 = arith.select %eq3A_128, %jit3A_129, %jit3A_126 : i32
          %rem3A_131 = arith.remsi %while3A_62, %select_n3A_130 : i32
          %ne3A_132 = arith.constant 0 : i32
          %ne3A_133 = arith.cmpi ne, %rem3A_131, %ne3A_132 : i32
          %lt3A_134 = arith.constant 0 : i32
          %lt3A_135 = arith.cmpi slt, %rem3A_131, %lt3A_134 : i32
          %lt3A_136 = arith.constant 0 : i32
          %lt3A_137 = arith.cmpi slt, %select_n3A_130, %lt3A_136 : i32
          %ne3A_138 = arith.xori %lt3A_135, %lt3A_137 : i1
          %and3A_139 = arith.andi %ne3A_138, %ne3A_133 : i1
          %add3A_140 = arith.addi %rem3A_131, %select_n3A_130 : i32
          %select_n3A_141 = arith.select %and3A_139, %add3A_140, %rem3A_131 : i32
          %dma_wait3A = arith.constant 0 : i32
          %dma_wait3A_142 = tpu.memref_slice %arg8[%select_n3A_141, %dma_wait3A] : memref<8x128xi32, #tpu.memory_space<vmem>> -> memref<1x128xi32, #tpu.memory_space<vmem>>
          %dma_wait3A_143 = tpu.memref_squeeze %dma_wait3A_142 : memref<1x128xi32, #tpu.memory_space<vmem>> -> memref<128xi32, #tpu.memory_space<vmem>>
          %dma_wait3A_144 = arith.constant 0 : i32
          %dma_wait3A_145 = arith.constant 0 : i32
          %dma_wait3A_146 = tpu.memref_slice %arg2[%dma_wait3A_144, %dma_wait3A_145] : memref<10000x128xf32, #tpu.memory_space<hbm>> -> memref<10000x128xf32, #tpu.memory_space<hbm>>
          tpu.wait_indirect_dma semaphore(%arg14 : memref<!tpu.dma_semaphore, #tpu.memory_space<semaphore_mem>>) src(%dma_wait3A_146 : memref<10000x128xf32, #tpu.memory_space<hbm>>) dst(%arg10 : memref<128x128xf32, #tpu.memory_space<vmem>>)
          %convert_element_type3A_147 = arith.extui %and3A_125 : i1 to i32
          %cond3A_148 = arith.constant 0 : i32
          %cond3A_149 = arith.cmpi ne, %convert_element_type3A_147, %cond3A_148 : i32
          scf.if %cond3A_149 {
            %add3A_175 = arith.constant 1 : i32
            %add3A_176 = arith.addi %while3A_62, %add3A_175 : i32
            %jit3A_177 = arith.constant 8 : i32
            %div3A = arith.divsi %add3A_176, %jit3A_177 : i32
            %sign3A = arith.constant 0 : i32
            %sign3A_178 = arith.cmpi sgt, %add3A_176, %sign3A : i32
            %sign3A_179 = arith.extui %sign3A_178 : i1 to i32
            %sign3A_180 = arith.constant 0 : i32
            %sign3A_181 = arith.cmpi slt, %add3A_176, %sign3A_180 : i32
            %sign3A_182 = arith.extui %sign3A_181 : i1 to i32
            %sign3A_183 = arith.subi %sign3A_179, %sign3A_182 : i32
            %sign3A_184 = arith.constant 0 : i32
            %sign3A_185 = arith.cmpi sgt, %jit3A_177, %sign3A_184 : i32
            %sign3A_186 = arith.extui %sign3A_185 : i1 to i32
            %sign3A_187 = arith.constant 0 : i32
            %sign3A_188 = arith.cmpi slt, %jit3A_177, %sign3A_187 : i32
            %sign3A_189 = arith.extui %sign3A_188 : i1 to i32
            %sign3A_190 = arith.subi %sign3A_186, %sign3A_189 : i32
            %ne3A_191 = arith.cmpi ne, %sign3A_183, %sign3A_190 : i32
            %rem3A_192 = arith.remsi %add3A_176, %jit3A_177 : i32
            %ne3A_193 = arith.constant 0 : i32
            %ne3A_194 = arith.cmpi ne, %rem3A_192, %ne3A_193 : i32
            %and3A_195 = arith.andi %ne3A_191, %ne3A_194 : i1
            %sub3A = arith.constant 1 : i32
            %sub3A_196 = arith.subi %div3A, %sub3A : i32
            %select_n3A_197 = arith.select %and3A_195, %sub3A_196, %div3A : i32
            %mul3A_198 = arith.constant 8 : i32
            %mul3A_199 = arith.muli %select_n3A_197, %mul3A_198 : i32
            %add3A_200 = arith.addi %mul3A_19, %mul3A_199 : i32
            "tpu.region"() ({
              %run_scoped3A = tpu.sem_alloc : memref<!tpu.dma_semaphore, #tpu.memory_space<semaphore_mem>>
              %dma_start3A_201 = arith.constant 0 : i32
              %dma_start3A_202 = tpu.memref_slice %arg4[%add3A_200, %dma_start3A_201] : memref<1256x128xi32, #tpu.memory_space<hbm>> -> memref<8x128xi32, #tpu.memory_space<hbm>>
              %dma_start3A_203 = arith.constant 0 : i32
              %dma_start3A_204 = tpu.memref_slice %arg4[%add3A_200, %dma_start3A_203] : memref<1256x128xi32, #tpu.memory_space<hbm>> -> memref<8x128xi32, #tpu.memory_space<hbm>>
              tpu.enqueue_dma source(%dma_start3A_204 : memref<8x128xi32, #tpu.memory_space<hbm>>) target(%arg8 : memref<8x128xi32, #tpu.memory_space<vmem>>) target_semaphore(%run_scoped3A : memref<!tpu.dma_semaphore, #tpu.memory_space<semaphore_mem>>)
              %dma_wait3A_205 = arith.constant 0 : i32
              %dma_wait3A_206 = tpu.memref_slice %arg4[%add3A_200, %dma_wait3A_205] : memref<1256x128xi32, #tpu.memory_space<hbm>> -> memref<8x128xi32, #tpu.memory_space<hbm>>
              %dma_wait3A_207 = arith.constant 0 : i32
              %dma_wait3A_208 = tpu.memref_slice %arg4[%add3A_200, %dma_wait3A_207] : memref<1256x128xi32, #tpu.memory_space<hbm>> -> memref<8x128xi32, #tpu.memory_space<hbm>>
              tpu.wait_dma2 semaphore(%run_scoped3A : memref<!tpu.dma_semaphore, #tpu.memory_space<semaphore_mem>>) src(%dma_wait3A_208 : memref<8x128xi32, #tpu.memory_space<hbm>>) dst(%arg8 : memref<8x128xi32, #tpu.memory_space<vmem>>)
              tpu.yield
            }) : () -> ()
          } else {
          }
          %add3A_150 = arith.constant 1 : i32
          %add3A_151 = arith.addi %while3A_62, %add3A_150 : i32
          %lt3A_152 = arith.cmpi slt, %add3A_151, %select_n3A_24 : i32
          %convert_element_type3A_153 = arith.extui %lt3A_152 : i1 to i32
          %cond3A_154 = arith.constant 0 : i32
          %cond3A_155 = arith.cmpi ne, %convert_element_type3A_153, %cond3A_154 : i32
          scf.if %cond3A_155 {
            %add3A_175 = arith.constant 1 : i32
            %add3A_176 = arith.addi %while3A_62, %add3A_175 : i32
            %jit3A_177 = arith.constant 8 : i32
            %eq3A_178 = arith.constant 0 : i32
            %eq3A_179 = arith.cmpi eq, %jit3A_177, %eq3A_178 : i32
            %jit3A_180 = arith.constant 1 : i32
            %select_n3A_181 = arith.select %eq3A_179, %jit3A_180, %jit3A_177 : i32
            %rem3A_182 = arith.remsi %add3A_176, %select_n3A_181 : i32
            %ne3A_183 = arith.constant 0 : i32
            %ne3A_184 = arith.cmpi ne, %rem3A_182, %ne3A_183 : i32
            %lt3A_185 = arith.constant 0 : i32
            %lt3A_186 = arith.cmpi slt, %rem3A_182, %lt3A_185 : i32
            %lt3A_187 = arith.constant 0 : i32
            %lt3A_188 = arith.cmpi slt, %select_n3A_181, %lt3A_187 : i32
            %ne3A_189 = arith.xori %lt3A_186, %lt3A_188 : i1
            %and3A_190 = arith.andi %ne3A_189, %ne3A_184 : i1
            %add3A_191 = arith.addi %rem3A_182, %select_n3A_181 : i32
            %select_n3A_192 = arith.select %and3A_190, %add3A_191, %rem3A_182 : i32
            %dma_start3A_193 = arith.constant 0 : i32
            %dma_start3A_194 = tpu.memref_slice %arg8[%select_n3A_192, %dma_start3A_193] : memref<8x128xi32, #tpu.memory_space<vmem>> -> memref<1x128xi32, #tpu.memory_space<vmem>>
            %dma_start3A_195 = tpu.memref_squeeze %dma_start3A_194 : memref<1x128xi32, #tpu.memory_space<vmem>> -> memref<128xi32, #tpu.memory_space<vmem>>
            %dma_start3A_196 = arith.constant 0 : i32
            %dma_start3A_197 = arith.constant 0 : i32
            %dma_start3A_198 = tpu.memref_slice %arg2[%dma_start3A_196, %dma_start3A_197] : memref<10000x128xf32, #tpu.memory_space<hbm>> -> memref<10000x128xf32, #tpu.memory_space<hbm>>
            tpu.enqueue_indirect_dma source(%dma_start3A_198 : memref<10000x128xf32, #tpu.memory_space<hbm>>) target(%arg11 : memref<128x128xf32, #tpu.memory_space<vmem>>) offsets(%dma_start3A_195 : memref<128xi32, #tpu.memory_space<vmem>>) semaphore(%arg15 : memref<!tpu.dma_semaphore, #tpu.memory_space<semaphore_mem>>)
          } else {
          }
          %jit3A_156 = arith.constant 8 : i32
          %eq3A_157 = arith.constant 0 : i32
          %eq3A_158 = arith.cmpi eq, %jit3A_156, %eq3A_157 : i32
          %jit3A_159 = arith.constant 1 : i32
          %select_n3A_160 = arith.select %eq3A_158, %jit3A_159, %jit3A_156 : i32
          %rem3A_161 = arith.remsi %while3A_62, %select_n3A_160 : i32
          %ne3A_162 = arith.constant 0 : i32
          %ne3A_163 = arith.cmpi ne, %rem3A_161, %ne3A_162 : i32
          %lt3A_164 = arith.constant 0 : i32
          %lt3A_165 = arith.cmpi slt, %rem3A_161, %lt3A_164 : i32
          %lt3A_166 = arith.constant 0 : i32
          %lt3A_167 = arith.cmpi slt, %select_n3A_160, %lt3A_166 : i32
          %ne3A_168 = arith.xori %lt3A_165, %lt3A_167 : i1
          %and3A_169 = arith.andi %ne3A_168, %ne3A_163 : i1
          %add3A_170 = arith.addi %rem3A_161, %select_n3A_160 : i32
          %select_n3A_171 = arith.select %and3A_169, %add3A_170, %rem3A_161 : i32
          "tpu.region"() ({
            %run_scoped3A = tpu.sem_alloc : memref<!tpu.dma_semaphore, #tpu.memory_space<semaphore_mem>>
            %dma_start3A_175 = arith.constant 0 : i32
            %dma_start3A_176 = tpu.memref_slice %arg9[%select_n3A_171, %dma_start3A_175] : memref<8x128xi32, #tpu.memory_space<vmem>> -> memref<1x128xi32, #tpu.memory_space<vmem>>
            %dma_start3A_177 = tpu.memref_squeeze %dma_start3A_176 : memref<1x128xi32, #tpu.memory_space<vmem>> -> memref<128xi32, #tpu.memory_space<vmem>>
            %dma_start3A_178 = arith.constant 0 : i32
            %dma_start3A_179 = arith.constant 0 : i32
            %dma_start3A_180 = tpu.memref_slice %arg13[%dma_start3A_178, %dma_start3A_179] : memref<10008x128xf32, #tpu.memory_space<vmem_shared>> -> memref<10008x128xf32, #tpu.memory_space<vmem_shared>>
            tpu.enqueue_indirect_dma source(%arg10 : memref<128x128xf32, #tpu.memory_space<vmem>>) target(%dma_start3A_180 : memref<10008x128xf32, #tpu.memory_space<vmem_shared>>) offsets(%dma_start3A_177 : memref<128xi32, #tpu.memory_space<vmem>>) semaphore(%run_scoped3A : memref<!tpu.dma_semaphore, #tpu.memory_space<semaphore_mem>>) {add = true}
            %dma_wait3A_181 = arith.constant 0 : i32
            %dma_wait3A_182 = tpu.memref_slice %arg9[%select_n3A_171, %dma_wait3A_181] : memref<8x128xi32, #tpu.memory_space<vmem>> -> memref<1x128xi32, #tpu.memory_space<vmem>>
            %dma_wait3A_183 = tpu.memref_squeeze %dma_wait3A_182 : memref<1x128xi32, #tpu.memory_space<vmem>> -> memref<128xi32, #tpu.memory_space<vmem>>
            %dma_wait3A_184 = arith.constant 0 : i32
            %dma_wait3A_185 = arith.constant 0 : i32
            %dma_wait3A_186 = tpu.memref_slice %arg13[%dma_wait3A_184, %dma_wait3A_185] : memref<10008x128xf32, #tpu.memory_space<vmem_shared>> -> memref<10008x128xf32, #tpu.memory_space<vmem_shared>>
            tpu.wait_indirect_dma semaphore(%run_scoped3A : memref<!tpu.dma_semaphore, #tpu.memory_space<semaphore_mem>>) src(%arg10 : memref<128x128xf32, #tpu.memory_space<vmem>>) dst(%dma_wait3A_186 : memref<10008x128xf32, #tpu.memory_space<vmem_shared>>)
            tpu.yield
          }) : () -> ()
          %convert_element_type3A_172 = arith.extui %and3A_125 : i1 to i32
          %cond3A_173 = arith.constant 0 : i32
          %cond3A_174 = arith.cmpi ne, %convert_element_type3A_172, %cond3A_173 : i32
          scf.if %cond3A_174 {
            %add3A_175 = arith.constant 1 : i32
            %add3A_176 = arith.addi %while3A_62, %add3A_175 : i32
            %jit3A_177 = arith.constant 8 : i32
            %div3A = arith.divsi %add3A_176, %jit3A_177 : i32
            %sign3A = arith.constant 0 : i32
            %sign3A_178 = arith.cmpi sgt, %add3A_176, %sign3A : i32
            %sign3A_179 = arith.extui %sign3A_178 : i1 to i32
            %sign3A_180 = arith.constant 0 : i32
            %sign3A_181 = arith.cmpi slt, %add3A_176, %sign3A_180 : i32
            %sign3A_182 = arith.extui %sign3A_181 : i1 to i32
            %sign3A_183 = arith.subi %sign3A_179, %sign3A_182 : i32
            %sign3A_184 = arith.constant 0 : i32
            %sign3A_185 = arith.cmpi sgt, %jit3A_177, %sign3A_184 : i32
            %sign3A_186 = arith.extui %sign3A_185 : i1 to i32
            %sign3A_187 = arith.constant 0 : i32
            %sign3A_188 = arith.cmpi slt, %jit3A_177, %sign3A_187 : i32
            %sign3A_189 = arith.extui %sign3A_188 : i1 to i32
            %sign3A_190 = arith.subi %sign3A_186, %sign3A_189 : i32
            %ne3A_191 = arith.cmpi ne, %sign3A_183, %sign3A_190 : i32
            %rem3A_192 = arith.remsi %add3A_176, %jit3A_177 : i32
            %ne3A_193 = arith.constant 0 : i32
            %ne3A_194 = arith.cmpi ne, %rem3A_192, %ne3A_193 : i32
            %and3A_195 = arith.andi %ne3A_191, %ne3A_194 : i1
            %sub3A = arith.constant 1 : i32
            %sub3A_196 = arith.subi %div3A, %sub3A : i32
            %select_n3A_197 = arith.select %and3A_195, %sub3A_196, %div3A : i32
            %mul3A_198 = arith.constant 8 : i32
            %mul3A_199 = arith.muli %select_n3A_197, %mul3A_198 : i32
            %add3A_200 = arith.addi %mul3A_19, %mul3A_199 : i32
            "tpu.region"() ({
              %run_scoped3A = tpu.sem_alloc : memref<!tpu.dma_semaphore, #tpu.memory_space<semaphore_mem>>
              %dma_start3A_201 = arith.constant 0 : i32
              %dma_start3A_202 = tpu.memref_slice %arg5[%add3A_200, %dma_start3A_201] : memref<1256x128xi32, #tpu.memory_space<hbm>> -> memref<8x128xi32, #tpu.memory_space<hbm>>
              %dma_start3A_203 = arith.constant 0 : i32
              %dma_start3A_204 = tpu.memref_slice %arg5[%add3A_200, %dma_start3A_203] : memref<1256x128xi32, #tpu.memory_space<hbm>> -> memref<8x128xi32, #tpu.memory_space<hbm>>
              tpu.enqueue_dma source(%dma_start3A_204 : memref<8x128xi32, #tpu.memory_space<hbm>>) target(%arg9 : memref<8x128xi32, #tpu.memory_space<vmem>>) target_semaphore(%run_scoped3A : memref<!tpu.dma_semaphore, #tpu.memory_space<semaphore_mem>>)
              %dma_wait3A_205 = arith.constant 0 : i32
              %dma_wait3A_206 = tpu.memref_slice %arg5[%add3A_200, %dma_wait3A_205] : memref<1256x128xi32, #tpu.memory_space<hbm>> -> memref<8x128xi32, #tpu.memory_space<hbm>>
              %dma_wait3A_207 = arith.constant 0 : i32
              %dma_wait3A_208 = tpu.memref_slice %arg5[%add3A_200, %dma_wait3A_207] : memref<1256x128xi32, #tpu.memory_space<hbm>> -> memref<8x128xi32, #tpu.memory_space<hbm>>
              tpu.wait_dma2 semaphore(%run_scoped3A : memref<!tpu.dma_semaphore, #tpu.memory_space<semaphore_mem>>) src(%dma_wait3A_208 : memref<8x128xi32, #tpu.memory_space<hbm>>) dst(%arg9 : memref<8x128xi32, #tpu.memory_space<vmem>>)
              tpu.yield
            }) : () -> ()
          } else {
          }
        } else {
        }
        %jit3A_80 = arith.constant 2 : i32
        %eq3A_81 = arith.constant 0 : i32
        %eq3A_82 = arith.cmpi eq, %jit3A_80, %eq3A_81 : i32
        %jit3A_83 = arith.constant 1 : i32
        %select_n3A_84 = arith.select %eq3A_82, %jit3A_83, %jit3A_80 : i32
        %rem3A_85 = arith.remsi %while3A_62, %select_n3A_84 : i32
        %ne3A_86 = arith.constant 0 : i32
        %ne3A_87 = arith.cmpi ne, %rem3A_85, %ne3A_86 : i32
        %lt3A_88 = arith.constant 0 : i32
        %lt3A_89 = arith.cmpi slt, %rem3A_85, %lt3A_88 : i32
        %lt3A_90 = arith.constant 0 : i32
        %lt3A_91 = arith.cmpi slt, %select_n3A_84, %lt3A_90 : i32
        %ne3A_92 = arith.xori %lt3A_89, %lt3A_91 : i1
        %and3A_93 = arith.andi %ne3A_92, %ne3A_87 : i1
        %add3A_94 = arith.addi %rem3A_85, %select_n3A_84 : i32
        %select_n3A_95 = arith.select %and3A_93, %add3A_94, %rem3A_85 : i32
        %eq3A_96 = arith.constant 1 : i32
        %eq3A_97 = arith.cmpi eq, %select_n3A_95, %eq3A_96 : i32
        %convert_element_type3A_98 = arith.extui %eq3A_97 : i1 to i32
        %cond3A_99 = arith.constant 0 : i32
        %cond3A_100 = arith.cmpi ne, %convert_element_type3A_98, %cond3A_99 : i32
        scf.if %cond3A_100 {
          %add3A_102 = arith.constant 1 : i32
          %add3A_103 = arith.addi %while3A_62, %add3A_102 : i32
          %jit3A_104 = arith.constant 8 : i32
          %eq3A_105 = arith.constant 0 : i32
          %eq3A_106 = arith.cmpi eq, %jit3A_104, %eq3A_105 : i32
          %jit3A_107 = arith.constant 1 : i32
          %select_n3A_108 = arith.select %eq3A_106, %jit3A_107, %jit3A_104 : i32
          %rem3A_109 = arith.remsi %add3A_103, %select_n3A_108 : i32
          %ne3A_110 = arith.constant 0 : i32
          %ne3A_111 = arith.cmpi ne, %rem3A_109, %ne3A_110 : i32
          %lt3A_112 = arith.constant 0 : i32
          %lt3A_113 = arith.cmpi slt, %rem3A_109, %lt3A_112 : i32
          %lt3A_114 = arith.constant 0 : i32
          %lt3A_115 = arith.cmpi slt, %select_n3A_108, %lt3A_114 : i32
          %ne3A_116 = arith.xori %lt3A_113, %lt3A_115 : i1
          %and3A_117 = arith.andi %ne3A_116, %ne3A_111 : i1
          %add3A_118 = arith.addi %rem3A_109, %select_n3A_108 : i32
          %select_n3A_119 = arith.select %and3A_117, %add3A_118, %rem3A_109 : i32
          %eq3A_120 = arith.constant 0 : i32
          %eq3A_121 = arith.cmpi eq, %select_n3A_119, %eq3A_120 : i32
          %add3A_122 = arith.constant 1 : i32
          %add3A_123 = arith.addi %while3A_62, %add3A_122 : i32
          %lt3A_124 = arith.cmpi slt, %add3A_123, %select_n3A_24 : i32
          %and3A_125 = arith.andi %eq3A_121, %lt3A_124 : i1
          %jit3A_126 = arith.constant 8 : i32
          %eq3A_127 = arith.constant 0 : i32
          %eq3A_128 = arith.cmpi eq, %jit3A_126, %eq3A_127 : i32
          %jit3A_129 = arith.constant 1 : i32
          %select_n3A_130 = arith.select %eq3A_128, %jit3A_129, %jit3A_126 : i32
          %rem3A_131 = arith.remsi %while3A_62, %select_n3A_130 : i32
          %ne3A_132 = arith.constant 0 : i32
          %ne3A_133 = arith.cmpi ne, %rem3A_131, %ne3A_132 : i32
          %lt3A_134 = arith.constant 0 : i32
          %lt3A_135 = arith.cmpi slt, %rem3A_131, %lt3A_134 : i32
          %lt3A_136 = arith.constant 0 : i32
          %lt3A_137 = arith.cmpi slt, %select_n3A_130, %lt3A_136 : i32
          %ne3A_138 = arith.xori %lt3A_135, %lt3A_137 : i1
          %and3A_139 = arith.andi %ne3A_138, %ne3A_133 : i1
          %add3A_140 = arith.addi %rem3A_131, %select_n3A_130 : i32
          %select_n3A_141 = arith.select %and3A_139, %add3A_140, %rem3A_131 : i32
          %dma_wait3A = arith.constant 0 : i32
          %dma_wait3A_142 = tpu.memref_slice %arg8[%select_n3A_141, %dma_wait3A] : memref<8x128xi32, #tpu.memory_space<vmem>> -> memref<1x128xi32, #tpu.memory_space<vmem>>
          %dma_wait3A_143 = tpu.memref_squeeze %dma_wait3A_142 : memref<1x128xi32, #tpu.memory_space<vmem>> -> memref<128xi32, #tpu.memory_space<vmem>>
          %dma_wait3A_144 = arith.constant 0 : i32
          %dma_wait3A_145 = arith.constant 0 : i32
          %dma_wait3A_146 = tpu.memref_slice %arg2[%dma_wait3A_144, %dma_wait3A_145] : memref<10000x128xf32, #tpu.memory_space<hbm>> -> memref<10000x128xf32, #tpu.memory_space<hbm>>
          tpu.wait_indirect_dma semaphore(%arg15 : memref<!tpu.dma_semaphore, #tpu.memory_space<semaphore_mem>>) src(%dma_wait3A_146 : memref<10000x128xf32, #tpu.memory_space<hbm>>) dst(%arg11 : memref<128x128xf32, #tpu.memory_space<vmem>>)
          %convert_element_type3A_147 = arith.extui %and3A_125 : i1 to i32
          %cond3A_148 = arith.constant 0 : i32
          %cond3A_149 = arith.cmpi ne, %convert_element_type3A_147, %cond3A_148 : i32
          scf.if %cond3A_149 {
            %add3A_175 = arith.constant 1 : i32
            %add3A_176 = arith.addi %while3A_62, %add3A_175 : i32
            %jit3A_177 = arith.constant 8 : i32
            %div3A = arith.divsi %add3A_176, %jit3A_177 : i32
            %sign3A = arith.constant 0 : i32
            %sign3A_178 = arith.cmpi sgt, %add3A_176, %sign3A : i32
            %sign3A_179 = arith.extui %sign3A_178 : i1 to i32
            %sign3A_180 = arith.constant 0 : i32
            %sign3A_181 = arith.cmpi slt, %add3A_176, %sign3A_180 : i32
            %sign3A_182 = arith.extui %sign3A_181 : i1 to i32
            %sign3A_183 = arith.subi %sign3A_179, %sign3A_182 : i32
            %sign3A_184 = arith.constant 0 : i32
            %sign3A_185 = arith.cmpi sgt, %jit3A_177, %sign3A_184 : i32
            %sign3A_186 = arith.extui %sign3A_185 : i1 to i32
            %sign3A_187 = arith.constant 0 : i32
            %sign3A_188 = arith.cmpi slt, %jit3A_177, %sign3A_187 : i32
            %sign3A_189 = arith.extui %sign3A_188 : i1 to i32
            %sign3A_190 = arith.subi %sign3A_186, %sign3A_189 : i32
            %ne3A_191 = arith.cmpi ne, %sign3A_183, %sign3A_190 : i32
            %rem3A_192 = arith.remsi %add3A_176, %jit3A_177 : i32
            %ne3A_193 = arith.constant 0 : i32
            %ne3A_194 = arith.cmpi ne, %rem3A_192, %ne3A_193 : i32
            %and3A_195 = arith.andi %ne3A_191, %ne3A_194 : i1
            %sub3A = arith.constant 1 : i32
            %sub3A_196 = arith.subi %div3A, %sub3A : i32
            %select_n3A_197 = arith.select %and3A_195, %sub3A_196, %div3A : i32
            %mul3A_198 = arith.constant 8 : i32
            %mul3A_199 = arith.muli %select_n3A_197, %mul3A_198 : i32
            %add3A_200 = arith.addi %mul3A_19, %mul3A_199 : i32
            "tpu.region"() ({
              %run_scoped3A = tpu.sem_alloc : memref<!tpu.dma_semaphore, #tpu.memory_space<semaphore_mem>>
              %dma_start3A_201 = arith.constant 0 : i32
              %dma_start3A_202 = tpu.memref_slice %arg4[%add3A_200, %dma_start3A_201] : memref<1256x128xi32, #tpu.memory_space<hbm>> -> memref<8x128xi32, #tpu.memory_space<hbm>>
              %dma_start3A_203 = arith.constant 0 : i32
              %dma_start3A_204 = tpu.memref_slice %arg4[%add3A_200, %dma_start3A_203] : memref<1256x128xi32, #tpu.memory_space<hbm>> -> memref<8x128xi32, #tpu.memory_space<hbm>>
              tpu.enqueue_dma source(%dma_start3A_204 : memref<8x128xi32, #tpu.memory_space<hbm>>) target(%arg8 : memref<8x128xi32, #tpu.memory_space<vmem>>) target_semaphore(%run_scoped3A : memref<!tpu.dma_semaphore, #tpu.memory_space<semaphore_mem>>)
              %dma_wait3A_205 = arith.constant 0 : i32
              %dma_wait3A_206 = tpu.memref_slice %arg4[%add3A_200, %dma_wait3A_205] : memref<1256x128xi32, #tpu.memory_space<hbm>> -> memref<8x128xi32, #tpu.memory_space<hbm>>
              %dma_wait3A_207 = arith.constant 0 : i32
              %dma_wait3A_208 = tpu.memref_slice %arg4[%add3A_200, %dma_wait3A_207] : memref<1256x128xi32, #tpu.memory_space<hbm>> -> memref<8x128xi32, #tpu.memory_space<hbm>>
              tpu.wait_dma2 semaphore(%run_scoped3A : memref<!tpu.dma_semaphore, #tpu.memory_space<semaphore_mem>>) src(%dma_wait3A_208 : memref<8x128xi32, #tpu.memory_space<hbm>>) dst(%arg8 : memref<8x128xi32, #tpu.memory_space<vmem>>)
              tpu.yield
            }) : () -> ()
          } else {
          }
          %add3A_150 = arith.constant 1 : i32
          %add3A_151 = arith.addi %while3A_62, %add3A_150 : i32
          %lt3A_152 = arith.cmpi slt, %add3A_151, %select_n3A_24 : i32
          %convert_element_type3A_153 = arith.extui %lt3A_152 : i1 to i32
          %cond3A_154 = arith.constant 0 : i32
          %cond3A_155 = arith.cmpi ne, %convert_element_type3A_153, %cond3A_154 : i32
          scf.if %cond3A_155 {
            %add3A_175 = arith.constant 1 : i32
            %add3A_176 = arith.addi %while3A_62, %add3A_175 : i32
            %jit3A_177 = arith.constant 8 : i32
            %eq3A_178 = arith.constant 0 : i32
            %eq3A_179 = arith.cmpi eq, %jit3A_177, %eq3A_178 : i32
            %jit3A_180 = arith.constant 1 : i32
            %select_n3A_181 = arith.select %eq3A_179, %jit3A_180, %jit3A_177 : i32
            %rem3A_182 = arith.remsi %add3A_176, %select_n3A_181 : i32
            %ne3A_183 = arith.constant 0 : i32
            %ne3A_184 = arith.cmpi ne, %rem3A_182, %ne3A_183 : i32
            %lt3A_185 = arith.constant 0 : i32
            %lt3A_186 = arith.cmpi slt, %rem3A_182, %lt3A_185 : i32
            %lt3A_187 = arith.constant 0 : i32
            %lt3A_188 = arith.cmpi slt, %select_n3A_181, %lt3A_187 : i32
            %ne3A_189 = arith.xori %lt3A_186, %lt3A_188 : i1
            %and3A_190 = arith.andi %ne3A_189, %ne3A_184 : i1
            %add3A_191 = arith.addi %rem3A_182, %select_n3A_181 : i32
            %select_n3A_192 = arith.select %and3A_190, %add3A_191, %rem3A_182 : i32
            %dma_start3A_193 = arith.constant 0 : i32
            %dma_start3A_194 = tpu.memref_slice %arg8[%select_n3A_192, %dma_start3A_193] : memref<8x128xi32, #tpu.memory_space<vmem>> -> memref<1x128xi32, #tpu.memory_space<vmem>>
            %dma_start3A_195 = tpu.memref_squeeze %dma_start3A_194 : memref<1x128xi32, #tpu.memory_space<vmem>> -> memref<128xi32, #tpu.memory_space<vmem>>
            %dma_start3A_196 = arith.constant 0 : i32
            %dma_start3A_197 = arith.constant 0 : i32
            %dma_start3A_198 = tpu.memref_slice %arg2[%dma_start3A_196, %dma_start3A_197] : memref<10000x128xf32, #tpu.memory_space<hbm>> -> memref<10000x128xf32, #tpu.memory_space<hbm>>
            tpu.enqueue_indirect_dma source(%dma_start3A_198 : memref<10000x128xf32, #tpu.memory_space<hbm>>) target(%arg10 : memref<128x128xf32, #tpu.memory_space<vmem>>) offsets(%dma_start3A_195 : memref<128xi32, #tpu.memory_space<vmem>>) semaphore(%arg14 : memref<!tpu.dma_semaphore, #tpu.memory_space<semaphore_mem>>)
          } else {
          }
          %jit3A_156 = arith.constant 8 : i32
          %eq3A_157 = arith.constant 0 : i32
          %eq3A_158 = arith.cmpi eq, %jit3A_156, %eq3A_157 : i32
          %jit3A_159 = arith.constant 1 : i32
          %select_n3A_160 = arith.select %eq3A_158, %jit3A_159, %jit3A_156 : i32
          %rem3A_161 = arith.remsi %while3A_62, %select_n3A_160 : i32
          %ne3A_162 = arith.constant 0 : i32
          %ne3A_163 = arith.cmpi ne, %rem3A_161, %ne3A_162 : i32
          %lt3A_164 = arith.constant 0 : i32
          %lt3A_165 = arith.cmpi slt, %rem3A_161, %lt3A_164 : i32
          %lt3A_166 = arith.constant 0 : i32
          %lt3A_167 = arith.cmpi slt, %select_n3A_160, %lt3A_166 : i32
          %ne3A_168 = arith.xori %lt3A_165, %lt3A_167 : i1
          %and3A_169 = arith.andi %ne3A_168, %ne3A_163 : i1
          %add3A_170 = arith.addi %rem3A_161, %select_n3A_160 : i32
          %select_n3A_171 = arith.select %and3A_169, %add3A_170, %rem3A_161 : i32
          "tpu.region"() ({
            %run_scoped3A = tpu.sem_alloc : memref<!tpu.dma_semaphore, #tpu.memory_space<semaphore_mem>>
            %dma_start3A_175 = arith.constant 0 : i32
            %dma_start3A_176 = tpu.memref_slice %arg9[%select_n3A_171, %dma_start3A_175] : memref<8x128xi32, #tpu.memory_space<vmem>> -> memref<1x128xi32, #tpu.memory_space<vmem>>
            %dma_start3A_177 = tpu.memref_squeeze %dma_start3A_176 : memref<1x128xi32, #tpu.memory_space<vmem>> -> memref<128xi32, #tpu.memory_space<vmem>>
            %dma_start3A_178 = arith.constant 0 : i32
            %dma_start3A_179 = arith.constant 0 : i32
            %dma_start3A_180 = tpu.memref_slice %arg13[%dma_start3A_178, %dma_start3A_179] : memref<10008x128xf32, #tpu.memory_space<vmem_shared>> -> memref<10008x128xf32, #tpu.memory_space<vmem_shared>>
            tpu.enqueue_indirect_dma source(%arg11 : memref<128x128xf32, #tpu.memory_space<vmem>>) target(%dma_start3A_180 : memref<10008x128xf32, #tpu.memory_space<vmem_shared>>) offsets(%dma_start3A_177 : memref<128xi32, #tpu.memory_space<vmem>>) semaphore(%run_scoped3A : memref<!tpu.dma_semaphore, #tpu.memory_space<semaphore_mem>>) {add = true}
            %dma_wait3A_181 = arith.constant 0 : i32
            %dma_wait3A_182 = tpu.memref_slice %arg9[%select_n3A_171, %dma_wait3A_181] : memref<8x128xi32, #tpu.memory_space<vmem>> -> memref<1x128xi32, #tpu.memory_space<vmem>>
            %dma_wait3A_183 = tpu.memref_squeeze %dma_wait3A_182 : memref<1x128xi32, #tpu.memory_space<vmem>> -> memref<128xi32, #tpu.memory_space<vmem>>
            %dma_wait3A_184 = arith.constant 0 : i32
            %dma_wait3A_185 = arith.constant 0 : i32
            %dma_wait3A_186 = tpu.memref_slice %arg13[%dma_wait3A_184, %dma_wait3A_185] : memref<10008x128xf32, #tpu.memory_space<vmem_shared>> -> memref<10008x128xf32, #tpu.memory_space<vmem_shared>>
            tpu.wait_indirect_dma semaphore(%run_scoped3A : memref<!tpu.dma_semaphore, #tpu.memory_space<semaphore_mem>>) src(%arg11 : memref<128x128xf32, #tpu.memory_space<vmem>>) dst(%dma_wait3A_186 : memref<10008x128xf32, #tpu.memory_space<vmem_shared>>)
            tpu.yield
          }) : () -> ()
          %convert_element_type3A_172 = arith.extui %and3A_125 : i1 to i32
          %cond3A_173 = arith.constant 0 : i32
          %cond3A_174 = arith.cmpi ne, %convert_element_type3A_172, %cond3A_173 : i32
          scf.if %cond3A_174 {
            %add3A_175 = arith.constant 1 : i32
            %add3A_176 = arith.addi %while3A_62, %add3A_175 : i32
            %jit3A_177 = arith.constant 8 : i32
            %div3A = arith.divsi %add3A_176, %jit3A_177 : i32
            %sign3A = arith.constant 0 : i32
            %sign3A_178 = arith.cmpi sgt, %add3A_176, %sign3A : i32
            %sign3A_179 = arith.extui %sign3A_178 : i1 to i32
            %sign3A_180 = arith.constant 0 : i32
            %sign3A_181 = arith.cmpi slt, %add3A_176, %sign3A_180 : i32
            %sign3A_182 = arith.extui %sign3A_181 : i1 to i32
            %sign3A_183 = arith.subi %sign3A_179, %sign3A_182 : i32
            %sign3A_184 = arith.constant 0 : i32
            %sign3A_185 = arith.cmpi sgt, %jit3A_177, %sign3A_184 : i32
            %sign3A_186 = arith.extui %sign3A_185 : i1 to i32
            %sign3A_187 = arith.constant 0 : i32
            %sign3A_188 = arith.cmpi slt, %jit3A_177, %sign3A_187 : i32
            %sign3A_189 = arith.extui %sign3A_188 : i1 to i32
            %sign3A_190 = arith.subi %sign3A_186, %sign3A_189 : i32
            %ne3A_191 = arith.cmpi ne, %sign3A_183, %sign3A_190 : i32
            %rem3A_192 = arith.remsi %add3A_176, %jit3A_177 : i32
            %ne3A_193 = arith.constant 0 : i32
            %ne3A_194 = arith.cmpi ne, %rem3A_192, %ne3A_193 : i32
            %and3A_195 = arith.andi %ne3A_191, %ne3A_194 : i1
            %sub3A = arith.constant 1 : i32
            %sub3A_196 = arith.subi %div3A, %sub3A : i32
            %select_n3A_197 = arith.select %and3A_195, %sub3A_196, %div3A : i32
            %mul3A_198 = arith.constant 8 : i32
            %mul3A_199 = arith.muli %select_n3A_197, %mul3A_198 : i32
            %add3A_200 = arith.addi %mul3A_19, %mul3A_199 : i32
            "tpu.region"() ({
              %run_scoped3A = tpu.sem_alloc : memref<!tpu.dma_semaphore, #tpu.memory_space<semaphore_mem>>
              %dma_start3A_201 = arith.constant 0 : i32
              %dma_start3A_202 = tpu.memref_slice %arg5[%add3A_200, %dma_start3A_201] : memref<1256x128xi32, #tpu.memory_space<hbm>> -> memref<8x128xi32, #tpu.memory_space<hbm>>
              %dma_start3A_203 = arith.constant 0 : i32
              %dma_start3A_204 = tpu.memref_slice %arg5[%add3A_200, %dma_start3A_203] : memref<1256x128xi32, #tpu.memory_space<hbm>> -> memref<8x128xi32, #tpu.memory_space<hbm>>
              tpu.enqueue_dma source(%dma_start3A_204 : memref<8x128xi32, #tpu.memory_space<hbm>>) target(%arg9 : memref<8x128xi32, #tpu.memory_space<vmem>>) target_semaphore(%run_scoped3A : memref<!tpu.dma_semaphore, #tpu.memory_space<semaphore_mem>>)
              %dma_wait3A_205 = arith.constant 0 : i32
              %dma_wait3A_206 = tpu.memref_slice %arg5[%add3A_200, %dma_wait3A_205] : memref<1256x128xi32, #tpu.memory_space<hbm>> -> memref<8x128xi32, #tpu.memory_space<hbm>>
              %dma_wait3A_207 = arith.constant 0 : i32
              %dma_wait3A_208 = tpu.memref_slice %arg5[%add3A_200, %dma_wait3A_207] : memref<1256x128xi32, #tpu.memory_space<hbm>> -> memref<8x128xi32, #tpu.memory_space<hbm>>
              tpu.wait_dma2 semaphore(%run_scoped3A : memref<!tpu.dma_semaphore, #tpu.memory_space<semaphore_mem>>) src(%dma_wait3A_208 : memref<8x128xi32, #tpu.memory_space<hbm>>) dst(%arg9 : memref<8x128xi32, #tpu.memory_space<vmem>>)
              tpu.yield
            }) : () -> ()
          } else {
          }
        } else {
        }
        %while3A_101 = arith.constant 0 : i32
        scf.yield %while3A_101 : i32
      }
      %while3A_60 = arith.constant 1 : i32
      %while3A_61 = scf.for %while3A_62 = %while3A_57 to %while3A_53 step %while3A_60 iter_args(%while3A_63 = %while3A_59) -> (i32)  : i32 {
        %jit3A_64 = arith.constant 2 : i32
        %eq3A_65 = arith.constant 0 : i32
        %eq3A_66 = arith.cmpi eq, %jit3A_64, %eq3A_65 : i32
        %jit3A_67 = arith.constant 1 : i32
        %select_n3A_68 = arith.select %eq3A_66, %jit3A_67, %jit3A_64 : i32
        %rem3A = arith.remsi %while3A_62, %select_n3A_68 : i32
        %ne3A = arith.constant 0 : i32
        %ne3A_69 = arith.cmpi ne, %rem3A, %ne3A : i32
        %lt3A = arith.constant 0 : i32
        %lt3A_70 = arith.cmpi slt, %rem3A, %lt3A : i32
        %lt3A_71 = arith.constant 0 : i32
        %lt3A_72 = arith.cmpi slt, %select_n3A_68, %lt3A_71 : i32
        %ne3A_73 = arith.xori %lt3A_70, %lt3A_72 : i1
        %and3A = arith.andi %ne3A_73, %ne3A_69 : i1
        %add3A = arith.addi %rem3A, %select_n3A_68 : i32
        %select_n3A_74 = arith.select %and3A, %add3A, %rem3A : i32
        %eq3A_75 = arith.constant 0 : i32
        %eq3A_76 = arith.cmpi eq, %select_n3A_74, %eq3A_75 : i32
        %convert_element_type3A_77 = arith.extui %eq3A_76 : i1 to i32
        %cond3A_78 = arith.constant 0 : i32
        %cond3A_79 = arith.cmpi ne, %convert_element_type3A_77, %cond3A_78 : i32
        scf.if %cond3A_79 {
          %add3A_102 = arith.constant 1 : i32
          %add3A_103 = arith.addi %while3A_62, %add3A_102 : i32
          %jit3A_104 = arith.constant 8 : i32
          %eq3A_105 = arith.constant 0 : i32
          %eq3A_106 = arith.cmpi eq, %jit3A_104, %eq3A_105 : i32
          %jit3A_107 = arith.constant 1 : i32
          %select_n3A_108 = arith.select %eq3A_106, %jit3A_107, %jit3A_104 : i32
          %rem3A_109 = arith.remsi %add3A_103, %select_n3A_108 : i32
          %ne3A_110 = arith.constant 0 : i32
          %ne3A_111 = arith.cmpi ne, %rem3A_109, %ne3A_110 : i32
          %lt3A_112 = arith.constant 0 : i32
          %lt3A_113 = arith.cmpi slt, %rem3A_109, %lt3A_112 : i32
          %lt3A_114 = arith.constant 0 : i32
          %lt3A_115 = arith.cmpi slt, %select_n3A_108, %lt3A_114 : i32
          %ne3A_116 = arith.xori %lt3A_113, %lt3A_115 : i1
          %and3A_117 = arith.andi %ne3A_116, %ne3A_111 : i1
          %add3A_118 = arith.addi %rem3A_109, %select_n3A_108 : i32
          %select_n3A_119 = arith.select %and3A_117, %add3A_118, %rem3A_109 : i32
          %eq3A_120 = arith.constant 0 : i32
          %eq3A_121 = arith.cmpi eq, %select_n3A_119, %eq3A_120 : i32
          %add3A_122 = arith.constant 1 : i32
          %add3A_123 = arith.addi %while3A_62, %add3A_122 : i32
          %lt3A_124 = arith.cmpi slt, %add3A_123, %select_n3A_24 : i32
          %and3A_125 = arith.andi %eq3A_121, %lt3A_124 : i1
          %jit3A_126 = arith.constant 8 : i32
          %eq3A_127 = arith.constant 0 : i32
          %eq3A_128 = arith.cmpi eq, %jit3A_126, %eq3A_127 : i32
          %jit3A_129 = arith.constant 1 : i32
          %select_n3A_130 = arith.select %eq3A_128, %jit3A_129, %jit3A_126 : i32
          %rem3A_131 = arith.remsi %while3A_62, %select_n3A_130 : i32
          %ne3A_132 = arith.constant 0 : i32
          %ne3A_133 = arith.cmpi ne, %rem3A_131, %ne3A_132 : i32
          %lt3A_134 = arith.constant 0 : i32
          %lt3A_135 = arith.cmpi slt, %rem3A_131, %lt3A_134 : i32
          %lt3A_136 = arith.constant 0 : i32
          %lt3A_137 = arith.cmpi slt, %select_n3A_130, %lt3A_136 : i32
          %ne3A_138 = arith.xori %lt3A_135, %lt3A_137 : i1
          %and3A_139 = arith.andi %ne3A_138, %ne3A_133 : i1
          %add3A_140 = arith.addi %rem3A_131, %select_n3A_130 : i32
          %select_n3A_141 = arith.select %and3A_139, %add3A_140, %rem3A_131 : i32
          %dma_wait3A = arith.constant 0 : i32
          %dma_wait3A_142 = tpu.memref_slice %arg8[%select_n3A_141, %dma_wait3A] : memref<8x128xi32, #tpu.memory_space<vmem>> -> memref<1x128xi32, #tpu.memory_space<vmem>>
          %dma_wait3A_143 = tpu.memref_squeeze %dma_wait3A_142 : memref<1x128xi32, #tpu.memory_space<vmem>> -> memref<128xi32, #tpu.memory_space<vmem>>
          %dma_wait3A_144 = arith.constant 0 : i32
          %dma_wait3A_145 = arith.constant 0 : i32
          %dma_wait3A_146 = tpu.memref_slice %arg2[%dma_wait3A_144, %dma_wait3A_145] : memref<10000x128xf32, #tpu.memory_space<hbm>> -> memref<10000x128xf32, #tpu.memory_space<hbm>>
          tpu.wait_indirect_dma semaphore(%arg14 : memref<!tpu.dma_semaphore, #tpu.memory_space<semaphore_mem>>) src(%dma_wait3A_146 : memref<10000x128xf32, #tpu.memory_space<hbm>>) dst(%arg10 : memref<128x128xf32, #tpu.memory_space<vmem>>)
          %convert_element_type3A_147 = arith.extui %and3A_125 : i1 to i32
          %cond3A_148 = arith.constant 0 : i32
          %cond3A_149 = arith.cmpi ne, %convert_element_type3A_147, %cond3A_148 : i32
          scf.if %cond3A_149 {
            %add3A_175 = arith.constant 1 : i32
            %add3A_176 = arith.addi %while3A_62, %add3A_175 : i32
            %jit3A_177 = arith.constant 8 : i32
            %div3A = arith.divsi %add3A_176, %jit3A_177 : i32
            %sign3A = arith.constant 0 : i32
            %sign3A_178 = arith.cmpi sgt, %add3A_176, %sign3A : i32
            %sign3A_179 = arith.extui %sign3A_178 : i1 to i32
            %sign3A_180 = arith.constant 0 : i32
            %sign3A_181 = arith.cmpi slt, %add3A_176, %sign3A_180 : i32
            %sign3A_182 = arith.extui %sign3A_181 : i1 to i32
            %sign3A_183 = arith.subi %sign3A_179, %sign3A_182 : i32
            %sign3A_184 = arith.constant 0 : i32
            %sign3A_185 = arith.cmpi sgt, %jit3A_177, %sign3A_184 : i32
            %sign3A_186 = arith.extui %sign3A_185 : i1 to i32
            %sign3A_187 = arith.constant 0 : i32
            %sign3A_188 = arith.cmpi slt, %jit3A_177, %sign3A_187 : i32
            %sign3A_189 = arith.extui %sign3A_188 : i1 to i32
            %sign3A_190 = arith.subi %sign3A_186, %sign3A_189 : i32
            %ne3A_191 = arith.cmpi ne, %sign3A_183, %sign3A_190 : i32
            %rem3A_192 = arith.remsi %add3A_176, %jit3A_177 : i32
            %ne3A_193 = arith.constant 0 : i32
            %ne3A_194 = arith.cmpi ne, %rem3A_192, %ne3A_193 : i32
            %and3A_195 = arith.andi %ne3A_191, %ne3A_194 : i1
            %sub3A = arith.constant 1 : i32
            %sub3A_196 = arith.subi %div3A, %sub3A : i32
            %select_n3A_197 = arith.select %and3A_195, %sub3A_196, %div3A : i32
            %mul3A_198 = arith.constant 8 : i32
            %mul3A_199 = arith.muli %select_n3A_197, %mul3A_198 : i32
            %add3A_200 = arith.addi %mul3A_19, %mul3A_199 : i32
            "tpu.region"() ({
              %run_scoped3A = tpu.sem_alloc : memref<!tpu.dma_semaphore, #tpu.memory_space<semaphore_mem>>
              %dma_start3A_201 = arith.constant 0 : i32
              %dma_start3A_202 = tpu.memref_slice %arg4[%add3A_200, %dma_start3A_201] : memref<1256x128xi32, #tpu.memory_space<hbm>> -> memref<8x128xi32, #tpu.memory_space<hbm>>
              %dma_start3A_203 = arith.constant 0 : i32
              %dma_start3A_204 = tpu.memref_slice %arg4[%add3A_200, %dma_start3A_203] : memref<1256x128xi32, #tpu.memory_space<hbm>> -> memref<8x128xi32, #tpu.memory_space<hbm>>
              tpu.enqueue_dma source(%dma_start3A_204 : memref<8x128xi32, #tpu.memory_space<hbm>>) target(%arg8 : memref<8x128xi32, #tpu.memory_space<vmem>>) target_semaphore(%run_scoped3A : memref<!tpu.dma_semaphore, #tpu.memory_space<semaphore_mem>>)
              %dma_wait3A_205 = arith.constant 0 : i32
              %dma_wait3A_206 = tpu.memref_slice %arg4[%add3A_200, %dma_wait3A_205] : memref<1256x128xi32, #tpu.memory_space<hbm>> -> memref<8x128xi32, #tpu.memory_space<hbm>>
              %dma_wait3A_207 = arith.constant 0 : i32
              %dma_wait3A_208 = tpu.memref_slice %arg4[%add3A_200, %dma_wait3A_207] : memref<1256x128xi32, #tpu.memory_space<hbm>> -> memref<8x128xi32, #tpu.memory_space<hbm>>
              tpu.wait_dma2 semaphore(%run_scoped3A : memref<!tpu.dma_semaphore, #tpu.memory_space<semaphore_mem>>) src(%dma_wait3A_208 : memref<8x128xi32, #tpu.memory_space<hbm>>) dst(%arg8 : memref<8x128xi32, #tpu.memory_space<vmem>>)
              tpu.yield
            }) : () -> ()
          } else {
          }
          %add3A_150 = arith.constant 1 : i32
          %add3A_151 = arith.addi %while3A_62, %add3A_150 : i32
          %lt3A_152 = arith.cmpi slt, %add3A_151, %select_n3A_24 : i32
          %convert_element_type3A_153 = arith.extui %lt3A_152 : i1 to i32
          %cond3A_154 = arith.constant 0 : i32
          %cond3A_155 = arith.cmpi ne, %convert_element_type3A_153, %cond3A_154 : i32
          scf.if %cond3A_155 {
            %add3A_175 = arith.constant 1 : i32
            %add3A_176 = arith.addi %while3A_62, %add3A_175 : i32
            %jit3A_177 = arith.constant 8 : i32
            %eq3A_178 = arith.constant 0 : i32
            %eq3A_179 = arith.cmpi eq, %jit3A_177, %eq3A_178 : i32
            %jit3A_180 = arith.constant 1 : i32
            %select_n3A_181 = arith.select %eq3A_179, %jit3A_180, %jit3A_177 : i32
            %rem3A_182 = arith.remsi %add3A_176, %select_n3A_181 : i32
            %ne3A_183 = arith.constant 0 : i32
            %ne3A_184 = arith.cmpi ne, %rem3A_182, %ne3A_183 : i32
            %lt3A_185 = arith.constant 0 : i32
            %lt3A_186 = arith.cmpi slt, %rem3A_182, %lt3A_185 : i32
            %lt3A_187 = arith.constant 0 : i32
            %lt3A_188 = arith.cmpi slt, %select_n3A_181, %lt3A_187 : i32
            %ne3A_189 = arith.xori %lt3A_186, %lt3A_188 : i1
            %and3A_190 = arith.andi %ne3A_189, %ne3A_184 : i1
            %add3A_191 = arith.addi %rem3A_182, %select_n3A_181 : i32
            %select_n3A_192 = arith.select %and3A_190, %add3A_191, %rem3A_182 : i32
            %dma_start3A_193 = arith.constant 0 : i32
            %dma_start3A_194 = tpu.memref_slice %arg8[%select_n3A_192, %dma_start3A_193] : memref<8x128xi32, #tpu.memory_space<vmem>> -> memref<1x128xi32, #tpu.memory_space<vmem>>
            %dma_start3A_195 = tpu.memref_squeeze %dma_start3A_194 : memref<1x128xi32, #tpu.memory_space<vmem>> -> memref<128xi32, #tpu.memory_space<vmem>>
            %dma_start3A_196 = arith.constant 0 : i32
            %dma_start3A_197 = arith.constant 0 : i32
            %dma_start3A_198 = tpu.memref_slice %arg2[%dma_start3A_196, %dma_start3A_197] : memref<10000x128xf32, #tpu.memory_space<hbm>> -> memref<10000x128xf32, #tpu.memory_space<hbm>>
            tpu.enqueue_indirect_dma source(%dma_start3A_198 : memref<10000x128xf32, #tpu.memory_space<hbm>>) target(%arg11 : memref<128x128xf32, #tpu.memory_space<vmem>>) offsets(%dma_start3A_195 : memref<128xi32, #tpu.memory_space<vmem>>) semaphore(%arg15 : memref<!tpu.dma_semaphore, #tpu.memory_space<semaphore_mem>>)
          } else {
          }
          %jit3A_156 = arith.constant 8 : i32
          %eq3A_157 = arith.constant 0 : i32
          %eq3A_158 = arith.cmpi eq, %jit3A_156, %eq3A_157 : i32
          %jit3A_159 = arith.constant 1 : i32
          %select_n3A_160 = arith.select %eq3A_158, %jit3A_159, %jit3A_156 : i32
          %rem3A_161 = arith.remsi %while3A_62, %select_n3A_160 : i32
          %ne3A_162 = arith.constant 0 : i32
          %ne3A_163 = arith.cmpi ne, %rem3A_161, %ne3A_162 : i32
          %lt3A_164 = arith.constant 0 : i32
          %lt3A_165 = arith.cmpi slt, %rem3A_161, %lt3A_164 : i32
          %lt3A_166 = arith.constant 0 : i32
          %lt3A_167 = arith.cmpi slt, %select_n3A_160, %lt3A_166 : i32
          %ne3A_168 = arith.xori %lt3A_165, %lt3A_167 : i1
          %and3A_169 = arith.andi %ne3A_168, %ne3A_163 : i1
          %add3A_170 = arith.addi %rem3A_161, %select_n3A_160 : i32
          %select_n3A_171 = arith.select %and3A_169, %add3A_170, %rem3A_161 : i32
          "tpu.region"() ({
            %run_scoped3A = tpu.sem_alloc : memref<!tpu.dma_semaphore, #tpu.memory_space<semaphore_mem>>
            %dma_start3A_175 = arith.constant 0 : i32
            %dma_start3A_176 = tpu.memref_slice %arg9[%select_n3A_171, %dma_start3A_175] : memref<8x128xi32, #tpu.memory_space<vmem>> -> memref<1x128xi32, #tpu.memory_space<vmem>>
            %dma_start3A_177 = tpu.memref_squeeze %dma_start3A_176 : memref<1x128xi32, #tpu.memory_space<vmem>> -> memref<128xi32, #tpu.memory_space<vmem>>
            %dma_start3A_178 = arith.constant 0 : i32
            %dma_start3A_179 = arith.constant 0 : i32
            %dma_start3A_180 = tpu.memref_slice %arg13[%dma_start3A_178, %dma_start3A_179] : memref<10008x128xf32, #tpu.memory_space<vmem_shared>> -> memref<10008x128xf32, #tpu.memory_space<vmem_shared>>
            tpu.enqueue_indirect_dma source(%arg10 : memref<128x128xf32, #tpu.memory_space<vmem>>) target(%dma_start3A_180 : memref<10008x128xf32, #tpu.memory_space<vmem_shared>>) offsets(%dma_start3A_177 : memref<128xi32, #tpu.memory_space<vmem>>) semaphore(%run_scoped3A : memref<!tpu.dma_semaphore, #tpu.memory_space<semaphore_mem>>) {add = true}
            %dma_wait3A_181 = arith.constant 0 : i32
            %dma_wait3A_182 = tpu.memref_slice %arg9[%select_n3A_171, %dma_wait3A_181] : memref<8x128xi32, #tpu.memory_space<vmem>> -> memref<1x128xi32, #tpu.memory_space<vmem>>
            %dma_wait3A_183 = tpu.memref_squeeze %dma_wait3A_182 : memref<1x128xi32, #tpu.memory_space<vmem>> -> memref<128xi32, #tpu.memory_space<vmem>>
            %dma_wait3A_184 = arith.constant 0 : i32
            %dma_wait3A_185 = arith.constant 0 : i32
            %dma_wait3A_186 = tpu.memref_slice %arg13[%dma_wait3A_184, %dma_wait3A_185] : memref<10008x128xf32, #tpu.memory_space<vmem_shared>> -> memref<10008x128xf32, #tpu.memory_space<vmem_shared>>
            tpu.wait_indirect_dma semaphore(%run_scoped3A : memref<!tpu.dma_semaphore, #tpu.memory_space<semaphore_mem>>) src(%arg10 : memref<128x128xf32, #tpu.memory_space<vmem>>) dst(%dma_wait3A_186 : memref<10008x128xf32, #tpu.memory_space<vmem_shared>>)
            tpu.yield
          }) : () -> ()
          %convert_element_type3A_172 = arith.extui %and3A_125 : i1 to i32
          %cond3A_173 = arith.constant 0 : i32
          %cond3A_174 = arith.cmpi ne, %convert_element_type3A_172, %cond3A_173 : i32
          scf.if %cond3A_174 {
            %add3A_175 = arith.constant 1 : i32
            %add3A_176 = arith.addi %while3A_62, %add3A_175 : i32
            %jit3A_177 = arith.constant 8 : i32
            %div3A = arith.divsi %add3A_176, %jit3A_177 : i32
            %sign3A = arith.constant 0 : i32
            %sign3A_178 = arith.cmpi sgt, %add3A_176, %sign3A : i32
            %sign3A_179 = arith.extui %sign3A_178 : i1 to i32
            %sign3A_180 = arith.constant 0 : i32
            %sign3A_181 = arith.cmpi slt, %add3A_176, %sign3A_180 : i32
            %sign3A_182 = arith.extui %sign3A_181 : i1 to i32
            %sign3A_183 = arith.subi %sign3A_179, %sign3A_182 : i32
            %sign3A_184 = arith.constant 0 : i32
            %sign3A_185 = arith.cmpi sgt, %jit3A_177, %sign3A_184 : i32
            %sign3A_186 = arith.extui %sign3A_185 : i1 to i32
            %sign3A_187 = arith.constant 0 : i32
            %sign3A_188 = arith.cmpi slt, %jit3A_177, %sign3A_187 : i32
            %sign3A_189 = arith.extui %sign3A_188 : i1 to i32
            %sign3A_190 = arith.subi %sign3A_186, %sign3A_189 : i32
            %ne3A_191 = arith.cmpi ne, %sign3A_183, %sign3A_190 : i32
            %rem3A_192 = arith.remsi %add3A_176, %jit3A_177 : i32
            %ne3A_193 = arith.constant 0 : i32
            %ne3A_194 = arith.cmpi ne, %rem3A_192, %ne3A_193 : i32
            %and3A_195 = arith.andi %ne3A_191, %ne3A_194 : i1
            %sub3A = arith.constant 1 : i32
            %sub3A_196 = arith.subi %div3A, %sub3A : i32
            %select_n3A_197 = arith.select %and3A_195, %sub3A_196, %div3A : i32
            %mul3A_198 = arith.constant 8 : i32
            %mul3A_199 = arith.muli %select_n3A_197, %mul3A_198 : i32
            %add3A_200 = arith.addi %mul3A_19, %mul3A_199 : i32
            "tpu.region"() ({
              %run_scoped3A = tpu.sem_alloc : memref<!tpu.dma_semaphore, #tpu.memory_space<semaphore_mem>>
              %dma_start3A_201 = arith.constant 0 : i32
              %dma_start3A_202 = tpu.memref_slice %arg5[%add3A_200, %dma_start3A_201] : memref<1256x128xi32, #tpu.memory_space<hbm>> -> memref<8x128xi32, #tpu.memory_space<hbm>>
              %dma_start3A_203 = arith.constant 0 : i32
              %dma_start3A_204 = tpu.memref_slice %arg5[%add3A_200, %dma_start3A_203] : memref<1256x128xi32, #tpu.memory_space<hbm>> -> memref<8x128xi32, #tpu.memory_space<hbm>>
              tpu.enqueue_dma source(%dma_start3A_204 : memref<8x128xi32, #tpu.memory_space<hbm>>) target(%arg9 : memref<8x128xi32, #tpu.memory_space<vmem>>) target_semaphore(%run_scoped3A : memref<!tpu.dma_semaphore, #tpu.memory_space<semaphore_mem>>)
              %dma_wait3A_205 = arith.constant 0 : i32
              %dma_wait3A_206 = tpu.memref_slice %arg5[%add3A_200, %dma_wait3A_205] : memref<1256x128xi32, #tpu.memory_space<hbm>> -> memref<8x128xi32, #tpu.memory_space<hbm>>
              %dma_wait3A_207 = arith.constant 0 : i32
              %dma_wait3A_208 = tpu.memref_slice %arg5[%add3A_200, %dma_wait3A_207] : memref<1256x128xi32, #tpu.memory_space<hbm>> -> memref<8x128xi32, #tpu.memory_space<hbm>>
              tpu.wait_dma2 semaphore(%run_scoped3A : memref<!tpu.dma_semaphore, #tpu.memory_space<semaphore_mem>>) src(%dma_wait3A_208 : memref<8x128xi32, #tpu.memory_space<hbm>>) dst(%arg9 : memref<8x128xi32, #tpu.memory_space<vmem>>)
              tpu.yield
            }) : () -> ()
          } else {
          }
        } else {
        }
        %jit3A_80 = arith.constant 2 : i32
        %eq3A_81 = arith.constant 0 : i32
        %eq3A_82 = arith.cmpi eq, %jit3A_80, %eq3A_81 : i32
        %jit3A_83 = arith.constant 1 : i32
        %select_n3A_84 = arith.select %eq3A_82, %jit3A_83, %jit3A_80 : i32
        %rem3A_85 = arith.remsi %while3A_62, %select_n3A_84 : i32
        %ne3A_86 = arith.constant 0 : i32
        %ne3A_87 = arith.cmpi ne, %rem3A_85, %ne3A_86 : i32
        %lt3A_88 = arith.constant 0 : i32
        %lt3A_89 = arith.cmpi slt, %rem3A_85, %lt3A_88 : i32
        %lt3A_90 = arith.constant 0 : i32
        %lt3A_91 = arith.cmpi slt, %select_n3A_84, %lt3A_90 : i32
        %ne3A_92 = arith.xori %lt3A_89, %lt3A_91 : i1
        %and3A_93 = arith.andi %ne3A_92, %ne3A_87 : i1
        %add3A_94 = arith.addi %rem3A_85, %select_n3A_84 : i32
        %select_n3A_95 = arith.select %and3A_93, %add3A_94, %rem3A_85 : i32
        %eq3A_96 = arith.constant 1 : i32
        %eq3A_97 = arith.cmpi eq, %select_n3A_95, %eq3A_96 : i32
        %convert_element_type3A_98 = arith.extui %eq3A_97 : i1 to i32
        %cond3A_99 = arith.constant 0 : i32
        %cond3A_100 = arith.cmpi ne, %convert_element_type3A_98, %cond3A_99 : i32
        scf.if %cond3A_100 {
          %add3A_102 = arith.constant 1 : i32
          %add3A_103 = arith.addi %while3A_62, %add3A_102 : i32
          %jit3A_104 = arith.constant 8 : i32
          %eq3A_105 = arith.constant 0 : i32
          %eq3A_106 = arith.cmpi eq, %jit3A_104, %eq3A_105 : i32
          %jit3A_107 = arith.constant 1 : i32
          %select_n3A_108 = arith.select %eq3A_106, %jit3A_107, %jit3A_104 : i32
          %rem3A_109 = arith.remsi %add3A_103, %select_n3A_108 : i32
          %ne3A_110 = arith.constant 0 : i32
          %ne3A_111 = arith.cmpi ne, %rem3A_109, %ne3A_110 : i32
          %lt3A_112 = arith.constant 0 : i32
          %lt3A_113 = arith.cmpi slt, %rem3A_109, %lt3A_112 : i32
          %lt3A_114 = arith.constant 0 : i32
          %lt3A_115 = arith.cmpi slt, %select_n3A_108, %lt3A_114 : i32
          %ne3A_116 = arith.xori %lt3A_113, %lt3A_115 : i1
          %and3A_117 = arith.andi %ne3A_116, %ne3A_111 : i1
          %add3A_118 = arith.addi %rem3A_109, %select_n3A_108 : i32
          %select_n3A_119 = arith.select %and3A_117, %add3A_118, %rem3A_109 : i32
          %eq3A_120 = arith.constant 0 : i32
          %eq3A_121 = arith.cmpi eq, %select_n3A_119, %eq3A_120 : i32
          %add3A_122 = arith.constant 1 : i32
          %add3A_123 = arith.addi %while3A_62, %add3A_122 : i32
          %lt3A_124 = arith.cmpi slt, %add3A_123, %select_n3A_24 : i32
          %and3A_125 = arith.andi %eq3A_121, %lt3A_124 : i1
          %jit3A_126 = arith.constant 8 : i32
          %eq3A_127 = arith.constant 0 : i32
          %eq3A_128 = arith.cmpi eq, %jit3A_126, %eq3A_127 : i32
          %jit3A_129 = arith.constant 1 : i32
          %select_n3A_130 = arith.select %eq3A_128, %jit3A_129, %jit3A_126 : i32
          %rem3A_131 = arith.remsi %while3A_62, %select_n3A_130 : i32
          %ne3A_132 = arith.constant 0 : i32
          %ne3A_133 = arith.cmpi ne, %rem3A_131, %ne3A_132 : i32
          %lt3A_134 = arith.constant 0 : i32
          %lt3A_135 = arith.cmpi slt, %rem3A_131, %lt3A_134 : i32
          %lt3A_136 = arith.constant 0 : i32
          %lt3A_137 = arith.cmpi slt, %select_n3A_130, %lt3A_136 : i32
          %ne3A_138 = arith.xori %lt3A_135, %lt3A_137 : i1
          %and3A_139 = arith.andi %ne3A_138, %ne3A_133 : i1
          %add3A_140 = arith.addi %rem3A_131, %select_n3A_130 : i32
          %select_n3A_141 = arith.select %and3A_139, %add3A_140, %rem3A_131 : i32
          %dma_wait3A = arith.constant 0 : i32
          %dma_wait3A_142 = tpu.memref_slice %arg8[%select_n3A_141, %dma_wait3A] : memref<8x128xi32, #tpu.memory_space<vmem>> -> memref<1x128xi32, #tpu.memory_space<vmem>>
          %dma_wait3A_143 = tpu.memref_squeeze %dma_wait3A_142 : memref<1x128xi32, #tpu.memory_space<vmem>> -> memref<128xi32, #tpu.memory_space<vmem>>
          %dma_wait3A_144 = arith.constant 0 : i32
          %dma_wait3A_145 = arith.constant 0 : i32
          %dma_wait3A_146 = tpu.memref_slice %arg2[%dma_wait3A_144, %dma_wait3A_145] : memref<10000x128xf32, #tpu.memory_space<hbm>> -> memref<10000x128xf32, #tpu.memory_space<hbm>>
          tpu.wait_indirect_dma semaphore(%arg15 : memref<!tpu.dma_semaphore, #tpu.memory_space<semaphore_mem>>) src(%dma_wait3A_146 : memref<10000x128xf32, #tpu.memory_space<hbm>>) dst(%arg11 : memref<128x128xf32, #tpu.memory_space<vmem>>)
          %convert_element_type3A_147 = arith.extui %and3A_125 : i1 to i32
          %cond3A_148 = arith.constant 0 : i32
          %cond3A_149 = arith.cmpi ne, %convert_element_type3A_147, %cond3A_148 : i32
          scf.if %cond3A_149 {
            %add3A_175 = arith.constant 1 : i32
            %add3A_176 = arith.addi %while3A_62, %add3A_175 : i32
            %jit3A_177 = arith.constant 8 : i32
            %div3A = arith.divsi %add3A_176, %jit3A_177 : i32
            %sign3A = arith.constant 0 : i32
            %sign3A_178 = arith.cmpi sgt, %add3A_176, %sign3A : i32
            %sign3A_179 = arith.extui %sign3A_178 : i1 to i32
            %sign3A_180 = arith.constant 0 : i32
            %sign3A_181 = arith.cmpi slt, %add3A_176, %sign3A_180 : i32
            %sign3A_182 = arith.extui %sign3A_181 : i1 to i32
            %sign3A_183 = arith.subi %sign3A_179, %sign3A_182 : i32
            %sign3A_184 = arith.constant 0 : i32
            %sign3A_185 = arith.cmpi sgt, %jit3A_177, %sign3A_184 : i32
            %sign3A_186 = arith.extui %sign3A_185 : i1 to i32
            %sign3A_187 = arith.constant 0 : i32
            %sign3A_188 = arith.cmpi slt, %jit3A_177, %sign3A_187 : i32
            %sign3A_189 = arith.extui %sign3A_188 : i1 to i32
            %sign3A_190 = arith.subi %sign3A_186, %sign3A_189 : i32
            %ne3A_191 = arith.cmpi ne, %sign3A_183, %sign3A_190 : i32
            %rem3A_192 = arith.remsi %add3A_176, %jit3A_177 : i32
            %ne3A_193 = arith.constant 0 : i32
            %ne3A_194 = arith.cmpi ne, %rem3A_192, %ne3A_193 : i32
            %and3A_195 = arith.andi %ne3A_191, %ne3A_194 : i1
            %sub3A = arith.constant 1 : i32
            %sub3A_196 = arith.subi %div3A, %sub3A : i32
            %select_n3A_197 = arith.select %and3A_195, %sub3A_196, %div3A : i32
            %mul3A_198 = arith.constant 8 : i32
            %mul3A_199 = arith.muli %select_n3A_197, %mul3A_198 : i32
            %add3A_200 = arith.addi %mul3A_19, %mul3A_199 : i32
            "tpu.region"() ({
              %run_scoped3A = tpu.sem_alloc : memref<!tpu.dma_semaphore, #tpu.memory_space<semaphore_mem>>
              %dma_start3A_201 = arith.constant 0 : i32
              %dma_start3A_202 = tpu.memref_slice %arg4[%add3A_200, %dma_start3A_201] : memref<1256x128xi32, #tpu.memory_space<hbm>> -> memref<8x128xi32, #tpu.memory_space<hbm>>
              %dma_start3A_203 = arith.constant 0 : i32
              %dma_start3A_204 = tpu.memref_slice %arg4[%add3A_200, %dma_start3A_203] : memref<1256x128xi32, #tpu.memory_space<hbm>> -> memref<8x128xi32, #tpu.memory_space<hbm>>
              tpu.enqueue_dma source(%dma_start3A_204 : memref<8x128xi32, #tpu.memory_space<hbm>>) target(%arg8 : memref<8x128xi32, #tpu.memory_space<vmem>>) target_semaphore(%run_scoped3A : memref<!tpu.dma_semaphore, #tpu.memory_space<semaphore_mem>>)
              %dma_wait3A_205 = arith.constant 0 : i32
              %dma_wait3A_206 = tpu.memref_slice %arg4[%add3A_200, %dma_wait3A_205] : memref<1256x128xi32, #tpu.memory_space<hbm>> -> memref<8x128xi32, #tpu.memory_space<hbm>>
              %dma_wait3A_207 = arith.constant 0 : i32
              %dma_wait3A_208 = tpu.memref_slice %arg4[%add3A_200, %dma_wait3A_207] : memref<1256x128xi32, #tpu.memory_space<hbm>> -> memref<8x128xi32, #tpu.memory_space<hbm>>
              tpu.wait_dma2 semaphore(%run_scoped3A : memref<!tpu.dma_semaphore, #tpu.memory_space<semaphore_mem>>) src(%dma_wait3A_208 : memref<8x128xi32, #tpu.memory_space<hbm>>) dst(%arg8 : memref<8x128xi32, #tpu.memory_space<vmem>>)
              tpu.yield
            }) : () -> ()
          } else {
          }
          %add3A_150 = arith.constant 1 : i32
          %add3A_151 = arith.addi %while3A_62, %add3A_150 : i32
          %lt3A_152 = arith.cmpi slt, %add3A_151, %select_n3A_24 : i32
          %convert_element_type3A_153 = arith.extui %lt3A_152 : i1 to i32
          %cond3A_154 = arith.constant 0 : i32
          %cond3A_155 = arith.cmpi ne, %convert_element_type3A_153, %cond3A_154 : i32
          scf.if %cond3A_155 {
            %add3A_175 = arith.constant 1 : i32
            %add3A_176 = arith.addi %while3A_62, %add3A_175 : i32
            %jit3A_177 = arith.constant 8 : i32
            %eq3A_178 = arith.constant 0 : i32
            %eq3A_179 = arith.cmpi eq, %jit3A_177, %eq3A_178 : i32
            %jit3A_180 = arith.constant 1 : i32
            %select_n3A_181 = arith.select %eq3A_179, %jit3A_180, %jit3A_177 : i32
            %rem3A_182 = arith.remsi %add3A_176, %select_n3A_181 : i32
            %ne3A_183 = arith.constant 0 : i32
            %ne3A_184 = arith.cmpi ne, %rem3A_182, %ne3A_183 : i32
            %lt3A_185 = arith.constant 0 : i32
            %lt3A_186 = arith.cmpi slt, %rem3A_182, %lt3A_185 : i32
            %lt3A_187 = arith.constant 0 : i32
            %lt3A_188 = arith.cmpi slt, %select_n3A_181, %lt3A_187 : i32
            %ne3A_189 = arith.xori %lt3A_186, %lt3A_188 : i1
            %and3A_190 = arith.andi %ne3A_189, %ne3A_184 : i1
            %add3A_191 = arith.addi %rem3A_182, %select_n3A_181 : i32
            %select_n3A_192 = arith.select %and3A_190, %add3A_191, %rem3A_182 : i32
            %dma_start3A_193 = arith.constant 0 : i32
            %dma_start3A_194 = tpu.memref_slice %arg8[%select_n3A_192, %dma_start3A_193] : memref<8x128xi32, #tpu.memory_space<vmem>> -> memref<1x128xi32, #tpu.memory_space<vmem>>
            %dma_start3A_195 = tpu.memref_squeeze %dma_start3A_194 : memref<1x128xi32, #tpu.memory_space<vmem>> -> memref<128xi32, #tpu.memory_space<vmem>>
            %dma_start3A_196 = arith.constant 0 : i32
            %dma_start3A_197 = arith.constant 0 : i32
            %dma_start3A_198 = tpu.memref_slice %arg2[%dma_start3A_196, %dma_start3A_197] : memref<10000x128xf32, #tpu.memory_space<hbm>> -> memref<10000x128xf32, #tpu.memory_space<hbm>>
            tpu.enqueue_indirect_dma source(%dma_start3A_198 : memref<10000x128xf32, #tpu.memory_space<hbm>>) target(%arg10 : memref<128x128xf32, #tpu.memory_space<vmem>>) offsets(%dma_start3A_195 : memref<128xi32, #tpu.memory_space<vmem>>) semaphore(%arg14 : memref<!tpu.dma_semaphore, #tpu.memory_space<semaphore_mem>>)
          } else {
          }
          %jit3A_156 = arith.constant 8 : i32
          %eq3A_157 = arith.constant 0 : i32
          %eq3A_158 = arith.cmpi eq, %jit3A_156, %eq3A_157 : i32
          %jit3A_159 = arith.constant 1 : i32
          %select_n3A_160 = arith.select %eq3A_158, %jit3A_159, %jit3A_156 : i32
          %rem3A_161 = arith.remsi %while3A_62, %select_n3A_160 : i32
          %ne3A_162 = arith.constant 0 : i32
          %ne3A_163 = arith.cmpi ne, %rem3A_161, %ne3A_162 : i32
          %lt3A_164 = arith.constant 0 : i32
          %lt3A_165 = arith.cmpi slt, %rem3A_161, %lt3A_164 : i32
          %lt3A_166 = arith.constant 0 : i32
          %lt3A_167 = arith.cmpi slt, %select_n3A_160, %lt3A_166 : i32
          %ne3A_168 = arith.xori %lt3A_165, %lt3A_167 : i1
          %and3A_169 = arith.andi %ne3A_168, %ne3A_163 : i1
          %add3A_170 = arith.addi %rem3A_161, %select_n3A_160 : i32
          %select_n3A_171 = arith.select %and3A_169, %add3A_170, %rem3A_161 : i32
          "tpu.region"() ({
            %run_scoped3A = tpu.sem_alloc : memref<!tpu.dma_semaphore, #tpu.memory_space<semaphore_mem>>
            %dma_start3A_175 = arith.constant 0 : i32
            %dma_start3A_176 = tpu.memref_slice %arg9[%select_n3A_171, %dma_start3A_175] : memref<8x128xi32, #tpu.memory_space<vmem>> -> memref<1x128xi32, #tpu.memory_space<vmem>>
            %dma_start3A_177 = tpu.memref_squeeze %dma_start3A_176 : memref<1x128xi32, #tpu.memory_space<vmem>> -> memref<128xi32, #tpu.memory_space<vmem>>
            %dma_start3A_178 = arith.constant 0 : i32
            %dma_start3A_179 = arith.constant 0 : i32
            %dma_start3A_180 = tpu.memref_slice %arg13[%dma_start3A_178, %dma_start3A_179] : memref<10008x128xf32, #tpu.memory_space<vmem_shared>> -> memref<10008x128xf32, #tpu.memory_space<vmem_shared>>
            tpu.enqueue_indirect_dma source(%arg11 : memref<128x128xf32, #tpu.memory_space<vmem>>) target(%dma_start3A_180 : memref<10008x128xf32, #tpu.memory_space<vmem_shared>>) offsets(%dma_start3A_177 : memref<128xi32, #tpu.memory_space<vmem>>) semaphore(%run_scoped3A : memref<!tpu.dma_semaphore, #tpu.memory_space<semaphore_mem>>) {add = true}
            %dma_wait3A_181 = arith.constant 0 : i32
            %dma_wait3A_182 = tpu.memref_slice %arg9[%select_n3A_171, %dma_wait3A_181] : memref<8x128xi32, #tpu.memory_space<vmem>> -> memref<1x128xi32, #tpu.memory_space<vmem>>
            %dma_wait3A_183 = tpu.memref_squeeze %dma_wait3A_182 : memref<1x128xi32, #tpu.memory_space<vmem>> -> memref<128xi32, #tpu.memory_space<vmem>>
            %dma_wait3A_184 = arith.constant 0 : i32
            %dma_wait3A_185 = arith.constant 0 : i32
            %dma_wait3A_186 = tpu.memref_slice %arg13[%dma_wait3A_184, %dma_wait3A_185] : memref<10008x128xf32, #tpu.memory_space<vmem_shared>> -> memref<10008x128xf32, #tpu.memory_space<vmem_shared>>
            tpu.wait_indirect_dma semaphore(%run_scoped3A : memref<!tpu.dma_semaphore, #tpu.memory_space<semaphore_mem>>) src(%arg11 : memref<128x128xf32, #tpu.memory_space<vmem>>) dst(%dma_wait3A_186 : memref<10008x128xf32, #tpu.memory_space<vmem_shared>>)
            tpu.yield
          }) : () -> ()
          %convert_element_type3A_172 = arith.extui %and3A_125 : i1 to i32
          %cond3A_173 = arith.constant 0 : i32
          %cond3A_174 = arith.cmpi ne, %convert_element_type3A_172, %cond3A_173 : i32
          scf.if %cond3A_174 {
            %add3A_175 = arith.constant 1 : i32
            %add3A_176 = arith.addi %while3A_62, %add3A_175 : i32
            %jit3A_177 = arith.constant 8 : i32
            %div3A = arith.divsi %add3A_176, %jit3A_177 : i32
            %sign3A = arith.constant 0 : i32
            %sign3A_178 = arith.cmpi sgt, %add3A_176, %sign3A : i32
            %sign3A_179 = arith.extui %sign3A_178 : i1 to i32
            %sign3A_180 = arith.constant 0 : i32
            %sign3A_181 = arith.cmpi slt, %add3A_176, %sign3A_180 : i32
            %sign3A_182 = arith.extui %sign3A_181 : i1 to i32
            %sign3A_183 = arith.subi %sign3A_179, %sign3A_182 : i32
            %sign3A_184 = arith.constant 0 : i32
            %sign3A_185 = arith.cmpi sgt, %jit3A_177, %sign3A_184 : i32
            %sign3A_186 = arith.extui %sign3A_185 : i1 to i32
            %sign3A_187 = arith.constant 0 : i32
            %sign3A_188 = arith.cmpi slt, %jit3A_177, %sign3A_187 : i32
            %sign3A_189 = arith.extui %sign3A_188 : i1 to i32
            %sign3A_190 = arith.subi %sign3A_186, %sign3A_189 : i32
            %ne3A_191 = arith.cmpi ne, %sign3A_183, %sign3A_190 : i32
            %rem3A_192 = arith.remsi %add3A_176, %jit3A_177 : i32
            %ne3A_193 = arith.constant 0 : i32
            %ne3A_194 = arith.cmpi ne, %rem3A_192, %ne3A_193 : i32
            %and3A_195 = arith.andi %ne3A_191, %ne3A_194 : i1
            %sub3A = arith.constant 1 : i32
            %sub3A_196 = arith.subi %div3A, %sub3A : i32
            %select_n3A_197 = arith.select %and3A_195, %sub3A_196, %div3A : i32
            %mul3A_198 = arith.constant 8 : i32
            %mul3A_199 = arith.muli %select_n3A_197, %mul3A_198 : i32
            %add3A_200 = arith.addi %mul3A_19, %mul3A_199 : i32
            "tpu.region"() ({
              %run_scoped3A = tpu.sem_alloc : memref<!tpu.dma_semaphore, #tpu.memory_space<semaphore_mem>>
              %dma_start3A_201 = arith.constant 0 : i32
              %dma_start3A_202 = tpu.memref_slice %arg5[%add3A_200, %dma_start3A_201] : memref<1256x128xi32, #tpu.memory_space<hbm>> -> memref<8x128xi32, #tpu.memory_space<hbm>>
              %dma_start3A_203 = arith.constant 0 : i32
              %dma_start3A_204 = tpu.memref_slice %arg5[%add3A_200, %dma_start3A_203] : memref<1256x128xi32, #tpu.memory_space<hbm>> -> memref<8x128xi32, #tpu.memory_space<hbm>>
              tpu.enqueue_dma source(%dma_start3A_204 : memref<8x128xi32, #tpu.memory_space<hbm>>) target(%arg9 : memref<8x128xi32, #tpu.memory_space<vmem>>) target_semaphore(%run_scoped3A : memref<!tpu.dma_semaphore, #tpu.memory_space<semaphore_mem>>)
              %dma_wait3A_205 = arith.constant 0 : i32
              %dma_wait3A_206 = tpu.memref_slice %arg5[%add3A_200, %dma_wait3A_205] : memref<1256x128xi32, #tpu.memory_space<hbm>> -> memref<8x128xi32, #tpu.memory_space<hbm>>
              %dma_wait3A_207 = arith.constant 0 : i32
              %dma_wait3A_208 = tpu.memref_slice %arg5[%add3A_200, %dma_wait3A_207] : memref<1256x128xi32, #tpu.memory_space<hbm>> -> memref<8x128xi32, #tpu.memory_space<hbm>>
              tpu.wait_dma2 semaphore(%run_scoped3A : memref<!tpu.dma_semaphore, #tpu.memory_space<semaphore_mem>>) src(%dma_wait3A_208 : memref<8x128xi32, #tpu.memory_space<hbm>>) dst(%arg9 : memref<8x128xi32, #tpu.memory_space<vmem>>)
              tpu.yield
            }) : () -> ()
          } else {
          }
        } else {
        }
        %while3A_101 = arith.constant 0 : i32
        scf.yield %while3A_101 : i32
      }
    } else {
    }
    %eq3A_28 = arith.constant 1 : i32
    %eq3A_29 = arith.cmpi eq, %arg0, %eq3A_28 : i32
    %convert_element_type3A_30 = arith.extui %eq3A_29 : i1 to i32
    %cond3A_31 = arith.constant 0 : i32
    %cond3A_32 = arith.cmpi ne, %convert_element_type3A_30, %cond3A_31 : i32
    scf.if %cond3A_32 {
      %dma_start3A = arith.constant 0 : i32
      %dma_start3A_44 = arith.constant 0 : i32
      %dma_start3A_45 = tpu.memref_slice %arg8[%dma_start3A, %dma_start3A_44] : memref<8x128xi32, #tpu.memory_space<vmem>> -> memref<1x128xi32, #tpu.memory_space<vmem>>
      %dma_start3A_46 = tpu.memref_squeeze %dma_start3A_45 : memref<1x128xi32, #tpu.memory_space<vmem>> -> memref<128xi32, #tpu.memory_space<vmem>>
      %dma_start3A_47 = arith.constant 0 : i32
      %dma_start3A_48 = arith.constant 0 : i32
      %dma_start3A_49 = tpu.memref_slice %arg3[%dma_start3A_47, %dma_start3A_48] : memref<10000x128xf32, #tpu.memory_space<hbm>> -> memref<10000x128xf32, #tpu.memory_space<hbm>>
      tpu.enqueue_indirect_dma source(%dma_start3A_49 : memref<10000x128xf32, #tpu.memory_space<hbm>>) target(%arg10 : memref<128x128xf32, #tpu.memory_space<vmem>>) offsets(%dma_start3A_46 : memref<128xi32, #tpu.memory_space<vmem>>) semaphore(%arg14 : memref<!tpu.dma_semaphore, #tpu.memory_space<semaphore_mem>>)
      %while3A_50 = arith.constant 0 : i32
      %while3A_51 = arith.constant 0 : i32
      %while3A_52 = arith.subi %select_n3A_24, %while3A_50 : i32
      %while3A_53 = arith.addi %while3A_50, %while3A_52 : i32
      %while3A_54 = arith.constant 1 : i32
      %while3A_55 = arith.divsi %while3A_52, %while3A_54 : i32
      %while3A_56 = arith.muli %while3A_55, %while3A_54 : i32
      %while3A_57 = arith.addi %while3A_50, %while3A_56 : i32
      %while3A_58 = arith.constant 1 : i32
      %while3A_59 = scf.for %while3A_62 = %while3A_50 to %while3A_57 step %while3A_58 iter_args(%while3A_63 = %while3A_51) -> (i32)  : i32 {
        %jit3A_64 = arith.constant 2 : i32
        %eq3A_65 = arith.constant 0 : i32
        %eq3A_66 = arith.cmpi eq, %jit3A_64, %eq3A_65 : i32
        %jit3A_67 = arith.constant 1 : i32
        %select_n3A_68 = arith.select %eq3A_66, %jit3A_67, %jit3A_64 : i32
        %rem3A = arith.remsi %while3A_62, %select_n3A_68 : i32
        %ne3A = arith.constant 0 : i32
        %ne3A_69 = arith.cmpi ne, %rem3A, %ne3A : i32
        %lt3A = arith.constant 0 : i32
        %lt3A_70 = arith.cmpi slt, %rem3A, %lt3A : i32
        %lt3A_71 = arith.constant 0 : i32
        %lt3A_72 = arith.cmpi slt, %select_n3A_68, %lt3A_71 : i32
        %ne3A_73 = arith.xori %lt3A_70, %lt3A_72 : i1
        %and3A = arith.andi %ne3A_73, %ne3A_69 : i1
        %add3A = arith.addi %rem3A, %select_n3A_68 : i32
        %select_n3A_74 = arith.select %and3A, %add3A, %rem3A : i32
        %eq3A_75 = arith.constant 0 : i32
        %eq3A_76 = arith.cmpi eq, %select_n3A_74, %eq3A_75 : i32
        %convert_element_type3A_77 = arith.extui %eq3A_76 : i1 to i32
        %cond3A_78 = arith.constant 0 : i32
        %cond3A_79 = arith.cmpi ne, %convert_element_type3A_77, %cond3A_78 : i32
        scf.if %cond3A_79 {
          %add3A_102 = arith.constant 1 : i32
          %add3A_103 = arith.addi %while3A_62, %add3A_102 : i32
          %jit3A_104 = arith.constant 8 : i32
          %eq3A_105 = arith.constant 0 : i32
          %eq3A_106 = arith.cmpi eq, %jit3A_104, %eq3A_105 : i32
          %jit3A_107 = arith.constant 1 : i32
          %select_n3A_108 = arith.select %eq3A_106, %jit3A_107, %jit3A_104 : i32
          %rem3A_109 = arith.remsi %add3A_103, %select_n3A_108 : i32
          %ne3A_110 = arith.constant 0 : i32
          %ne3A_111 = arith.cmpi ne, %rem3A_109, %ne3A_110 : i32
          %lt3A_112 = arith.constant 0 : i32
          %lt3A_113 = arith.cmpi slt, %rem3A_109, %lt3A_112 : i32
          %lt3A_114 = arith.constant 0 : i32
          %lt3A_115 = arith.cmpi slt, %select_n3A_108, %lt3A_114 : i32
          %ne3A_116 = arith.xori %lt3A_113, %lt3A_115 : i1
          %and3A_117 = arith.andi %ne3A_116, %ne3A_111 : i1
          %add3A_118 = arith.addi %rem3A_109, %select_n3A_108 : i32
          %select_n3A_119 = arith.select %and3A_117, %add3A_118, %rem3A_109 : i32
          %eq3A_120 = arith.constant 0 : i32
          %eq3A_121 = arith.cmpi eq, %select_n3A_119, %eq3A_120 : i32
          %add3A_122 = arith.constant 1 : i32
          %add3A_123 = arith.addi %while3A_62, %add3A_122 : i32
          %lt3A_124 = arith.cmpi slt, %add3A_123, %select_n3A_24 : i32
          %and3A_125 = arith.andi %eq3A_121, %lt3A_124 : i1
          %jit3A_126 = arith.constant 8 : i32
          %eq3A_127 = arith.constant 0 : i32
          %eq3A_128 = arith.cmpi eq, %jit3A_126, %eq3A_127 : i32
          %jit3A_129 = arith.constant 1 : i32
          %select_n3A_130 = arith.select %eq3A_128, %jit3A_129, %jit3A_126 : i32
          %rem3A_131 = arith.remsi %while3A_62, %select_n3A_130 : i32
          %ne3A_132 = arith.constant 0 : i32
          %ne3A_133 = arith.cmpi ne, %rem3A_131, %ne3A_132 : i32
          %lt3A_134 = arith.constant 0 : i32
          %lt3A_135 = arith.cmpi slt, %rem3A_131, %lt3A_134 : i32
          %lt3A_136 = arith.constant 0 : i32
          %lt3A_137 = arith.cmpi slt, %select_n3A_130, %lt3A_136 : i32
          %ne3A_138 = arith.xori %lt3A_135, %lt3A_137 : i1
          %and3A_139 = arith.andi %ne3A_138, %ne3A_133 : i1
          %add3A_140 = arith.addi %rem3A_131, %select_n3A_130 : i32
          %select_n3A_141 = arith.select %and3A_139, %add3A_140, %rem3A_131 : i32
          %dma_wait3A = arith.constant 0 : i32
          %dma_wait3A_142 = tpu.memref_slice %arg8[%select_n3A_141, %dma_wait3A] : memref<8x128xi32, #tpu.memory_space<vmem>> -> memref<1x128xi32, #tpu.memory_space<vmem>>
          %dma_wait3A_143 = tpu.memref_squeeze %dma_wait3A_142 : memref<1x128xi32, #tpu.memory_space<vmem>> -> memref<128xi32, #tpu.memory_space<vmem>>
          %dma_wait3A_144 = arith.constant 0 : i32
          %dma_wait3A_145 = arith.constant 0 : i32
          %dma_wait3A_146 = tpu.memref_slice %arg3[%dma_wait3A_144, %dma_wait3A_145] : memref<10000x128xf32, #tpu.memory_space<hbm>> -> memref<10000x128xf32, #tpu.memory_space<hbm>>
          tpu.wait_indirect_dma semaphore(%arg14 : memref<!tpu.dma_semaphore, #tpu.memory_space<semaphore_mem>>) src(%dma_wait3A_146 : memref<10000x128xf32, #tpu.memory_space<hbm>>) dst(%arg10 : memref<128x128xf32, #tpu.memory_space<vmem>>)
          %convert_element_type3A_147 = arith.extui %and3A_125 : i1 to i32
          %cond3A_148 = arith.constant 0 : i32
          %cond3A_149 = arith.cmpi ne, %convert_element_type3A_147, %cond3A_148 : i32
          scf.if %cond3A_149 {
            %add3A_175 = arith.constant 1 : i32
            %add3A_176 = arith.addi %while3A_62, %add3A_175 : i32
            %jit3A_177 = arith.constant 8 : i32
            %div3A = arith.divsi %add3A_176, %jit3A_177 : i32
            %sign3A = arith.constant 0 : i32
            %sign3A_178 = arith.cmpi sgt, %add3A_176, %sign3A : i32
            %sign3A_179 = arith.extui %sign3A_178 : i1 to i32
            %sign3A_180 = arith.constant 0 : i32
            %sign3A_181 = arith.cmpi slt, %add3A_176, %sign3A_180 : i32
            %sign3A_182 = arith.extui %sign3A_181 : i1 to i32
            %sign3A_183 = arith.subi %sign3A_179, %sign3A_182 : i32
            %sign3A_184 = arith.constant 0 : i32
            %sign3A_185 = arith.cmpi sgt, %jit3A_177, %sign3A_184 : i32
            %sign3A_186 = arith.extui %sign3A_185 : i1 to i32
            %sign3A_187 = arith.constant 0 : i32
            %sign3A_188 = arith.cmpi slt, %jit3A_177, %sign3A_187 : i32
            %sign3A_189 = arith.extui %sign3A_188 : i1 to i32
            %sign3A_190 = arith.subi %sign3A_186, %sign3A_189 : i32
            %ne3A_191 = arith.cmpi ne, %sign3A_183, %sign3A_190 : i32
            %rem3A_192 = arith.remsi %add3A_176, %jit3A_177 : i32
            %ne3A_193 = arith.constant 0 : i32
            %ne3A_194 = arith.cmpi ne, %rem3A_192, %ne3A_193 : i32
            %and3A_195 = arith.andi %ne3A_191, %ne3A_194 : i1
            %sub3A = arith.constant 1 : i32
            %sub3A_196 = arith.subi %div3A, %sub3A : i32
            %select_n3A_197 = arith.select %and3A_195, %sub3A_196, %div3A : i32
            %mul3A_198 = arith.constant 8 : i32
            %mul3A_199 = arith.muli %select_n3A_197, %mul3A_198 : i32
            %add3A_200 = arith.addi %mul3A_19, %mul3A_199 : i32
            "tpu.region"() ({
              %run_scoped3A = tpu.sem_alloc : memref<!tpu.dma_semaphore, #tpu.memory_space<semaphore_mem>>
              %dma_start3A_201 = arith.constant 0 : i32
              %dma_start3A_202 = tpu.memref_slice %arg4[%add3A_200, %dma_start3A_201] : memref<1256x128xi32, #tpu.memory_space<hbm>> -> memref<8x128xi32, #tpu.memory_space<hbm>>
              %dma_start3A_203 = arith.constant 0 : i32
              %dma_start3A_204 = tpu.memref_slice %arg4[%add3A_200, %dma_start3A_203] : memref<1256x128xi32, #tpu.memory_space<hbm>> -> memref<8x128xi32, #tpu.memory_space<hbm>>
              tpu.enqueue_dma source(%dma_start3A_204 : memref<8x128xi32, #tpu.memory_space<hbm>>) target(%arg8 : memref<8x128xi32, #tpu.memory_space<vmem>>) target_semaphore(%run_scoped3A : memref<!tpu.dma_semaphore, #tpu.memory_space<semaphore_mem>>)
              %dma_wait3A_205 = arith.constant 0 : i32
              %dma_wait3A_206 = tpu.memref_slice %arg4[%add3A_200, %dma_wait3A_205] : memref<1256x128xi32, #tpu.memory_space<hbm>> -> memref<8x128xi32, #tpu.memory_space<hbm>>
              %dma_wait3A_207 = arith.constant 0 : i32
              %dma_wait3A_208 = tpu.memref_slice %arg4[%add3A_200, %dma_wait3A_207] : memref<1256x128xi32, #tpu.memory_space<hbm>> -> memref<8x128xi32, #tpu.memory_space<hbm>>
              tpu.wait_dma2 semaphore(%run_scoped3A : memref<!tpu.dma_semaphore, #tpu.memory_space<semaphore_mem>>) src(%dma_wait3A_208 : memref<8x128xi32, #tpu.memory_space<hbm>>) dst(%arg8 : memref<8x128xi32, #tpu.memory_space<vmem>>)
              tpu.yield
            }) : () -> ()
          } else {
          }
          %add3A_150 = arith.constant 1 : i32
          %add3A_151 = arith.addi %while3A_62, %add3A_150 : i32
          %lt3A_152 = arith.cmpi slt, %add3A_151, %select_n3A_24 : i32
          %convert_element_type3A_153 = arith.extui %lt3A_152 : i1 to i32
          %cond3A_154 = arith.constant 0 : i32
          %cond3A_155 = arith.cmpi ne, %convert_element_type3A_153, %cond3A_154 : i32
          scf.if %cond3A_155 {
            %add3A_175 = arith.constant 1 : i32
            %add3A_176 = arith.addi %while3A_62, %add3A_175 : i32
            %jit3A_177 = arith.constant 8 : i32
            %eq3A_178 = arith.constant 0 : i32
            %eq3A_179 = arith.cmpi eq, %jit3A_177, %eq3A_178 : i32
            %jit3A_180 = arith.constant 1 : i32
            %select_n3A_181 = arith.select %eq3A_179, %jit3A_180, %jit3A_177 : i32
            %rem3A_182 = arith.remsi %add3A_176, %select_n3A_181 : i32
            %ne3A_183 = arith.constant 0 : i32
            %ne3A_184 = arith.cmpi ne, %rem3A_182, %ne3A_183 : i32
            %lt3A_185 = arith.constant 0 : i32
            %lt3A_186 = arith.cmpi slt, %rem3A_182, %lt3A_185 : i32
            %lt3A_187 = arith.constant 0 : i32
            %lt3A_188 = arith.cmpi slt, %select_n3A_181, %lt3A_187 : i32
            %ne3A_189 = arith.xori %lt3A_186, %lt3A_188 : i1
            %and3A_190 = arith.andi %ne3A_189, %ne3A_184 : i1
            %add3A_191 = arith.addi %rem3A_182, %select_n3A_181 : i32
            %select_n3A_192 = arith.select %and3A_190, %add3A_191, %rem3A_182 : i32
            %dma_start3A_193 = arith.constant 0 : i32
            %dma_start3A_194 = tpu.memref_slice %arg8[%select_n3A_192, %dma_start3A_193] : memref<8x128xi32, #tpu.memory_space<vmem>> -> memref<1x128xi32, #tpu.memory_space<vmem>>
            %dma_start3A_195 = tpu.memref_squeeze %dma_start3A_194 : memref<1x128xi32, #tpu.memory_space<vmem>> -> memref<128xi32, #tpu.memory_space<vmem>>
            %dma_start3A_196 = arith.constant 0 : i32
            %dma_start3A_197 = arith.constant 0 : i32
            %dma_start3A_198 = tpu.memref_slice %arg3[%dma_start3A_196, %dma_start3A_197] : memref<10000x128xf32, #tpu.memory_space<hbm>> -> memref<10000x128xf32, #tpu.memory_space<hbm>>
            tpu.enqueue_indirect_dma source(%dma_start3A_198 : memref<10000x128xf32, #tpu.memory_space<hbm>>) target(%arg11 : memref<128x128xf32, #tpu.memory_space<vmem>>) offsets(%dma_start3A_195 : memref<128xi32, #tpu.memory_space<vmem>>) semaphore(%arg15 : memref<!tpu.dma_semaphore, #tpu.memory_space<semaphore_mem>>)
          } else {
          }
          %jit3A_156 = arith.constant 8 : i32
          %eq3A_157 = arith.constant 0 : i32
          %eq3A_158 = arith.cmpi eq, %jit3A_156, %eq3A_157 : i32
          %jit3A_159 = arith.constant 1 : i32
          %select_n3A_160 = arith.select %eq3A_158, %jit3A_159, %jit3A_156 : i32
          %rem3A_161 = arith.remsi %while3A_62, %select_n3A_160 : i32
          %ne3A_162 = arith.constant 0 : i32
          %ne3A_163 = arith.cmpi ne, %rem3A_161, %ne3A_162 : i32
          %lt3A_164 = arith.constant 0 : i32
          %lt3A_165 = arith.cmpi slt, %rem3A_161, %lt3A_164 : i32
          %lt3A_166 = arith.constant 0 : i32
          %lt3A_167 = arith.cmpi slt, %select_n3A_160, %lt3A_166 : i32
          %ne3A_168 = arith.xori %lt3A_165, %lt3A_167 : i1
          %and3A_169 = arith.andi %ne3A_168, %ne3A_163 : i1
          %add3A_170 = arith.addi %rem3A_161, %select_n3A_160 : i32
          %select_n3A_171 = arith.select %and3A_169, %add3A_170, %rem3A_161 : i32
          "tpu.region"() ({
            %run_scoped3A = tpu.sem_alloc : memref<!tpu.dma_semaphore, #tpu.memory_space<semaphore_mem>>
            %dma_start3A_175 = arith.constant 0 : i32
            %dma_start3A_176 = tpu.memref_slice %arg9[%select_n3A_171, %dma_start3A_175] : memref<8x128xi32, #tpu.memory_space<vmem>> -> memref<1x128xi32, #tpu.memory_space<vmem>>
            %dma_start3A_177 = tpu.memref_squeeze %dma_start3A_176 : memref<1x128xi32, #tpu.memory_space<vmem>> -> memref<128xi32, #tpu.memory_space<vmem>>
            %dma_start3A_178 = arith.constant 0 : i32
            %dma_start3A_179 = arith.constant 0 : i32
            %dma_start3A_180 = tpu.memref_slice %arg13[%dma_start3A_178, %dma_start3A_179] : memref<10008x128xf32, #tpu.memory_space<vmem_shared>> -> memref<10008x128xf32, #tpu.memory_space<vmem_shared>>
            tpu.enqueue_indirect_dma source(%arg10 : memref<128x128xf32, #tpu.memory_space<vmem>>) target(%dma_start3A_180 : memref<10008x128xf32, #tpu.memory_space<vmem_shared>>) offsets(%dma_start3A_177 : memref<128xi32, #tpu.memory_space<vmem>>) semaphore(%run_scoped3A : memref<!tpu.dma_semaphore, #tpu.memory_space<semaphore_mem>>) {add = true}
            %dma_wait3A_181 = arith.constant 0 : i32
            %dma_wait3A_182 = tpu.memref_slice %arg9[%select_n3A_171, %dma_wait3A_181] : memref<8x128xi32, #tpu.memory_space<vmem>> -> memref<1x128xi32, #tpu.memory_space<vmem>>
            %dma_wait3A_183 = tpu.memref_squeeze %dma_wait3A_182 : memref<1x128xi32, #tpu.memory_space<vmem>> -> memref<128xi32, #tpu.memory_space<vmem>>
            %dma_wait3A_184 = arith.constant 0 : i32
            %dma_wait3A_185 = arith.constant 0 : i32
            %dma_wait3A_186 = tpu.memref_slice %arg13[%dma_wait3A_184, %dma_wait3A_185] : memref<10008x128xf32, #tpu.memory_space<vmem_shared>> -> memref<10008x128xf32, #tpu.memory_space<vmem_shared>>
            tpu.wait_indirect_dma semaphore(%run_scoped3A : memref<!tpu.dma_semaphore, #tpu.memory_space<semaphore_mem>>) src(%arg10 : memref<128x128xf32, #tpu.memory_space<vmem>>) dst(%dma_wait3A_186 : memref<10008x128xf32, #tpu.memory_space<vmem_shared>>)
            tpu.yield
          }) : () -> ()
          %convert_element_type3A_172 = arith.extui %and3A_125 : i1 to i32
          %cond3A_173 = arith.constant 0 : i32
          %cond3A_174 = arith.cmpi ne, %convert_element_type3A_172, %cond3A_173 : i32
          scf.if %cond3A_174 {
            %add3A_175 = arith.constant 1 : i32
            %add3A_176 = arith.addi %while3A_62, %add3A_175 : i32
            %jit3A_177 = arith.constant 8 : i32
            %div3A = arith.divsi %add3A_176, %jit3A_177 : i32
            %sign3A = arith.constant 0 : i32
            %sign3A_178 = arith.cmpi sgt, %add3A_176, %sign3A : i32
            %sign3A_179 = arith.extui %sign3A_178 : i1 to i32
            %sign3A_180 = arith.constant 0 : i32
            %sign3A_181 = arith.cmpi slt, %add3A_176, %sign3A_180 : i32
            %sign3A_182 = arith.extui %sign3A_181 : i1 to i32
            %sign3A_183 = arith.subi %sign3A_179, %sign3A_182 : i32
            %sign3A_184 = arith.constant 0 : i32
            %sign3A_185 = arith.cmpi sgt, %jit3A_177, %sign3A_184 : i32
            %sign3A_186 = arith.extui %sign3A_185 : i1 to i32
            %sign3A_187 = arith.constant 0 : i32
            %sign3A_188 = arith.cmpi slt, %jit3A_177, %sign3A_187 : i32
            %sign3A_189 = arith.extui %sign3A_188 : i1 to i32
            %sign3A_190 = arith.subi %sign3A_186, %sign3A_189 : i32
            %ne3A_191 = arith.cmpi ne, %sign3A_183, %sign3A_190 : i32
            %rem3A_192 = arith.remsi %add3A_176, %jit3A_177 : i32
            %ne3A_193 = arith.constant 0 : i32
            %ne3A_194 = arith.cmpi ne, %rem3A_192, %ne3A_193 : i32
            %and3A_195 = arith.andi %ne3A_191, %ne3A_194 : i1
            %sub3A = arith.constant 1 : i32
            %sub3A_196 = arith.subi %div3A, %sub3A : i32
            %select_n3A_197 = arith.select %and3A_195, %sub3A_196, %div3A : i32
            %mul3A_198 = arith.constant 8 : i32
            %mul3A_199 = arith.muli %select_n3A_197, %mul3A_198 : i32
            %add3A_200 = arith.addi %mul3A_19, %mul3A_199 : i32
            "tpu.region"() ({
              %run_scoped3A = tpu.sem_alloc : memref<!tpu.dma_semaphore, #tpu.memory_space<semaphore_mem>>
              %dma_start3A_201 = arith.constant 0 : i32
              %dma_start3A_202 = tpu.memref_slice %arg5[%add3A_200, %dma_start3A_201] : memref<1256x128xi32, #tpu.memory_space<hbm>> -> memref<8x128xi32, #tpu.memory_space<hbm>>
              %dma_start3A_203 = arith.constant 0 : i32
              %dma_start3A_204 = tpu.memref_slice %arg5[%add3A_200, %dma_start3A_203] : memref<1256x128xi32, #tpu.memory_space<hbm>> -> memref<8x128xi32, #tpu.memory_space<hbm>>
              tpu.enqueue_dma source(%dma_start3A_204 : memref<8x128xi32, #tpu.memory_space<hbm>>) target(%arg9 : memref<8x128xi32, #tpu.memory_space<vmem>>) target_semaphore(%run_scoped3A : memref<!tpu.dma_semaphore, #tpu.memory_space<semaphore_mem>>)
              %dma_wait3A_205 = arith.constant 0 : i32
              %dma_wait3A_206 = tpu.memref_slice %arg5[%add3A_200, %dma_wait3A_205] : memref<1256x128xi32, #tpu.memory_space<hbm>> -> memref<8x128xi32, #tpu.memory_space<hbm>>
              %dma_wait3A_207 = arith.constant 0 : i32
              %dma_wait3A_208 = tpu.memref_slice %arg5[%add3A_200, %dma_wait3A_207] : memref<1256x128xi32, #tpu.memory_space<hbm>> -> memref<8x128xi32, #tpu.memory_space<hbm>>
              tpu.wait_dma2 semaphore(%run_scoped3A : memref<!tpu.dma_semaphore, #tpu.memory_space<semaphore_mem>>) src(%dma_wait3A_208 : memref<8x128xi32, #tpu.memory_space<hbm>>) dst(%arg9 : memref<8x128xi32, #tpu.memory_space<vmem>>)
              tpu.yield
            }) : () -> ()
          } else {
          }
        } else {
        }
        %jit3A_80 = arith.constant 2 : i32
        %eq3A_81 = arith.constant 0 : i32
        %eq3A_82 = arith.cmpi eq, %jit3A_80, %eq3A_81 : i32
        %jit3A_83 = arith.constant 1 : i32
        %select_n3A_84 = arith.select %eq3A_82, %jit3A_83, %jit3A_80 : i32
        %rem3A_85 = arith.remsi %while3A_62, %select_n3A_84 : i32
        %ne3A_86 = arith.constant 0 : i32
        %ne3A_87 = arith.cmpi ne, %rem3A_85, %ne3A_86 : i32
        %lt3A_88 = arith.constant 0 : i32
        %lt3A_89 = arith.cmpi slt, %rem3A_85, %lt3A_88 : i32
        %lt3A_90 = arith.constant 0 : i32
        %lt3A_91 = arith.cmpi slt, %select_n3A_84, %lt3A_90 : i32
        %ne3A_92 = arith.xori %lt3A_89, %lt3A_91 : i1
        %and3A_93 = arith.andi %ne3A_92, %ne3A_87 : i1
        %add3A_94 = arith.addi %rem3A_85, %select_n3A_84 : i32
        %select_n3A_95 = arith.select %and3A_93, %add3A_94, %rem3A_85 : i32
        %eq3A_96 = arith.constant 1 : i32
        %eq3A_97 = arith.cmpi eq, %select_n3A_95, %eq3A_96 : i32
        %convert_element_type3A_98 = arith.extui %eq3A_97 : i1 to i32
        %cond3A_99 = arith.constant 0 : i32
        %cond3A_100 = arith.cmpi ne, %convert_element_type3A_98, %cond3A_99 : i32
        scf.if %cond3A_100 {
          %add3A_102 = arith.constant 1 : i32
          %add3A_103 = arith.addi %while3A_62, %add3A_102 : i32
          %jit3A_104 = arith.constant 8 : i32
          %eq3A_105 = arith.constant 0 : i32
          %eq3A_106 = arith.cmpi eq, %jit3A_104, %eq3A_105 : i32
          %jit3A_107 = arith.constant 1 : i32
          %select_n3A_108 = arith.select %eq3A_106, %jit3A_107, %jit3A_104 : i32
          %rem3A_109 = arith.remsi %add3A_103, %select_n3A_108 : i32
          %ne3A_110 = arith.constant 0 : i32
          %ne3A_111 = arith.cmpi ne, %rem3A_109, %ne3A_110 : i32
          %lt3A_112 = arith.constant 0 : i32
          %lt3A_113 = arith.cmpi slt, %rem3A_109, %lt3A_112 : i32
          %lt3A_114 = arith.constant 0 : i32
          %lt3A_115 = arith.cmpi slt, %select_n3A_108, %lt3A_114 : i32
          %ne3A_116 = arith.xori %lt3A_113, %lt3A_115 : i1
          %and3A_117 = arith.andi %ne3A_116, %ne3A_111 : i1
          %add3A_118 = arith.addi %rem3A_109, %select_n3A_108 : i32
          %select_n3A_119 = arith.select %and3A_117, %add3A_118, %rem3A_109 : i32
          %eq3A_120 = arith.constant 0 : i32
          %eq3A_121 = arith.cmpi eq, %select_n3A_119, %eq3A_120 : i32
          %add3A_122 = arith.constant 1 : i32
          %add3A_123 = arith.addi %while3A_62, %add3A_122 : i32
          %lt3A_124 = arith.cmpi slt, %add3A_123, %select_n3A_24 : i32
          %and3A_125 = arith.andi %eq3A_121, %lt3A_124 : i1
          %jit3A_126 = arith.constant 8 : i32
          %eq3A_127 = arith.constant 0 : i32
          %eq3A_128 = arith.cmpi eq, %jit3A_126, %eq3A_127 : i32
          %jit3A_129 = arith.constant 1 : i32
          %select_n3A_130 = arith.select %eq3A_128, %jit3A_129, %jit3A_126 : i32
          %rem3A_131 = arith.remsi %while3A_62, %select_n3A_130 : i32
          %ne3A_132 = arith.constant 0 : i32
          %ne3A_133 = arith.cmpi ne, %rem3A_131, %ne3A_132 : i32
          %lt3A_134 = arith.constant 0 : i32
          %lt3A_135 = arith.cmpi slt, %rem3A_131, %lt3A_134 : i32
          %lt3A_136 = arith.constant 0 : i32
          %lt3A_137 = arith.cmpi slt, %select_n3A_130, %lt3A_136 : i32
          %ne3A_138 = arith.xori %lt3A_135, %lt3A_137 : i1
          %and3A_139 = arith.andi %ne3A_138, %ne3A_133 : i1
          %add3A_140 = arith.addi %rem3A_131, %select_n3A_130 : i32
          %select_n3A_141 = arith.select %and3A_139, %add3A_140, %rem3A_131 : i32
          %dma_wait3A = arith.constant 0 : i32
          %dma_wait3A_142 = tpu.memref_slice %arg8[%select_n3A_141, %dma_wait3A] : memref<8x128xi32, #tpu.memory_space<vmem>> -> memref<1x128xi32, #tpu.memory_space<vmem>>
          %dma_wait3A_143 = tpu.memref_squeeze %dma_wait3A_142 : memref<1x128xi32, #tpu.memory_space<vmem>> -> memref<128xi32, #tpu.memory_space<vmem>>
          %dma_wait3A_144 = arith.constant 0 : i32
          %dma_wait3A_145 = arith.constant 0 : i32
          %dma_wait3A_146 = tpu.memref_slice %arg3[%dma_wait3A_144, %dma_wait3A_145] : memref<10000x128xf32, #tpu.memory_space<hbm>> -> memref<10000x128xf32, #tpu.memory_space<hbm>>
          tpu.wait_indirect_dma semaphore(%arg15 : memref<!tpu.dma_semaphore, #tpu.memory_space<semaphore_mem>>) src(%dma_wait3A_146 : memref<10000x128xf32, #tpu.memory_space<hbm>>) dst(%arg11 : memref<128x128xf32, #tpu.memory_space<vmem>>)
          %convert_element_type3A_147 = arith.extui %and3A_125 : i1 to i32
          %cond3A_148 = arith.constant 0 : i32
          %cond3A_149 = arith.cmpi ne, %convert_element_type3A_147, %cond3A_148 : i32
          scf.if %cond3A_149 {
            %add3A_175 = arith.constant 1 : i32
            %add3A_176 = arith.addi %while3A_62, %add3A_175 : i32
            %jit3A_177 = arith.constant 8 : i32
            %div3A = arith.divsi %add3A_176, %jit3A_177 : i32
            %sign3A = arith.constant 0 : i32
            %sign3A_178 = arith.cmpi sgt, %add3A_176, %sign3A : i32
            %sign3A_179 = arith.extui %sign3A_178 : i1 to i32
            %sign3A_180 = arith.constant 0 : i32
            %sign3A_181 = arith.cmpi slt, %add3A_176, %sign3A_180 : i32
            %sign3A_182 = arith.extui %sign3A_181 : i1 to i32
            %sign3A_183 = arith.subi %sign3A_179, %sign3A_182 : i32
            %sign3A_184 = arith.constant 0 : i32
            %sign3A_185 = arith.cmpi sgt, %jit3A_177, %sign3A_184 : i32
            %sign3A_186 = arith.extui %sign3A_185 : i1 to i32
            %sign3A_187 = arith.constant 0 : i32
            %sign3A_188 = arith.cmpi slt, %jit3A_177, %sign3A_187 : i32
            %sign3A_189 = arith.extui %sign3A_188 : i1 to i32
            %sign3A_190 = arith.subi %sign3A_186, %sign3A_189 : i32
            %ne3A_191 = arith.cmpi ne, %sign3A_183, %sign3A_190 : i32
            %rem3A_192 = arith.remsi %add3A_176, %jit3A_177 : i32
            %ne3A_193 = arith.constant 0 : i32
            %ne3A_194 = arith.cmpi ne, %rem3A_192, %ne3A_193 : i32
            %and3A_195 = arith.andi %ne3A_191, %ne3A_194 : i1
            %sub3A = arith.constant 1 : i32
            %sub3A_196 = arith.subi %div3A, %sub3A : i32
            %select_n3A_197 = arith.select %and3A_195, %sub3A_196, %div3A : i32
            %mul3A_198 = arith.constant 8 : i32
            %mul3A_199 = arith.muli %select_n3A_197, %mul3A_198 : i32
            %add3A_200 = arith.addi %mul3A_19, %mul3A_199 : i32
            "tpu.region"() ({
              %run_scoped3A = tpu.sem_alloc : memref<!tpu.dma_semaphore, #tpu.memory_space<semaphore_mem>>
              %dma_start3A_201 = arith.constant 0 : i32
              %dma_start3A_202 = tpu.memref_slice %arg4[%add3A_200, %dma_start3A_201] : memref<1256x128xi32, #tpu.memory_space<hbm>> -> memref<8x128xi32, #tpu.memory_space<hbm>>
              %dma_start3A_203 = arith.constant 0 : i32
              %dma_start3A_204 = tpu.memref_slice %arg4[%add3A_200, %dma_start3A_203] : memref<1256x128xi32, #tpu.memory_space<hbm>> -> memref<8x128xi32, #tpu.memory_space<hbm>>
              tpu.enqueue_dma source(%dma_start3A_204 : memref<8x128xi32, #tpu.memory_space<hbm>>) target(%arg8 : memref<8x128xi32, #tpu.memory_space<vmem>>) target_semaphore(%run_scoped3A : memref<!tpu.dma_semaphore, #tpu.memory_space<semaphore_mem>>)
              %dma_wait3A_205 = arith.constant 0 : i32
              %dma_wait3A_206 = tpu.memref_slice %arg4[%add3A_200, %dma_wait3A_205] : memref<1256x128xi32, #tpu.memory_space<hbm>> -> memref<8x128xi32, #tpu.memory_space<hbm>>
              %dma_wait3A_207 = arith.constant 0 : i32
              %dma_wait3A_208 = tpu.memref_slice %arg4[%add3A_200, %dma_wait3A_207] : memref<1256x128xi32, #tpu.memory_space<hbm>> -> memref<8x128xi32, #tpu.memory_space<hbm>>
              tpu.wait_dma2 semaphore(%run_scoped3A : memref<!tpu.dma_semaphore, #tpu.memory_space<semaphore_mem>>) src(%dma_wait3A_208 : memref<8x128xi32, #tpu.memory_space<hbm>>) dst(%arg8 : memref<8x128xi32, #tpu.memory_space<vmem>>)
              tpu.yield
            }) : () -> ()
          } else {
          }
          %add3A_150 = arith.constant 1 : i32
          %add3A_151 = arith.addi %while3A_62, %add3A_150 : i32
          %lt3A_152 = arith.cmpi slt, %add3A_151, %select_n3A_24 : i32
          %convert_element_type3A_153 = arith.extui %lt3A_152 : i1 to i32
          %cond3A_154 = arith.constant 0 : i32
          %cond3A_155 = arith.cmpi ne, %convert_element_type3A_153, %cond3A_154 : i32
          scf.if %cond3A_155 {
            %add3A_175 = arith.constant 1 : i32
            %add3A_176 = arith.addi %while3A_62, %add3A_175 : i32
            %jit3A_177 = arith.constant 8 : i32
            %eq3A_178 = arith.constant 0 : i32
            %eq3A_179 = arith.cmpi eq, %jit3A_177, %eq3A_178 : i32
            %jit3A_180 = arith.constant 1 : i32
            %select_n3A_181 = arith.select %eq3A_179, %jit3A_180, %jit3A_177 : i32
            %rem3A_182 = arith.remsi %add3A_176, %select_n3A_181 : i32
            %ne3A_183 = arith.constant 0 : i32
            %ne3A_184 = arith.cmpi ne, %rem3A_182, %ne3A_183 : i32
            %lt3A_185 = arith.constant 0 : i32
            %lt3A_186 = arith.cmpi slt, %rem3A_182, %lt3A_185 : i32
            %lt3A_187 = arith.constant 0 : i32
            %lt3A_188 = arith.cmpi slt, %select_n3A_181, %lt3A_187 : i32
            %ne3A_189 = arith.xori %lt3A_186, %lt3A_188 : i1
            %and3A_190 = arith.andi %ne3A_189, %ne3A_184 : i1
            %add3A_191 = arith.addi %rem3A_182, %select_n3A_181 : i32
            %select_n3A_192 = arith.select %and3A_190, %add3A_191, %rem3A_182 : i32
            %dma_start3A_193 = arith.constant 0 : i32
            %dma_start3A_194 = tpu.memref_slice %arg8[%select_n3A_192, %dma_start3A_193] : memref<8x128xi32, #tpu.memory_space<vmem>> -> memref<1x128xi32, #tpu.memory_space<vmem>>
            %dma_start3A_195 = tpu.memref_squeeze %dma_start3A_194 : memref<1x128xi32, #tpu.memory_space<vmem>> -> memref<128xi32, #tpu.memory_space<vmem>>
            %dma_start3A_196 = arith.constant 0 : i32
            %dma_start3A_197 = arith.constant 0 : i32
            %dma_start3A_198 = tpu.memref_slice %arg3[%dma_start3A_196, %dma_start3A_197] : memref<10000x128xf32, #tpu.memory_space<hbm>> -> memref<10000x128xf32, #tpu.memory_space<hbm>>
            tpu.enqueue_indirect_dma source(%dma_start3A_198 : memref<10000x128xf32, #tpu.memory_space<hbm>>) target(%arg10 : memref<128x128xf32, #tpu.memory_space<vmem>>) offsets(%dma_start3A_195 : memref<128xi32, #tpu.memory_space<vmem>>) semaphore(%arg14 : memref<!tpu.dma_semaphore, #tpu.memory_space<semaphore_mem>>)
          } else {
          }
          %jit3A_156 = arith.constant 8 : i32
          %eq3A_157 = arith.constant 0 : i32
          %eq3A_158 = arith.cmpi eq, %jit3A_156, %eq3A_157 : i32
          %jit3A_159 = arith.constant 1 : i32
          %select_n3A_160 = arith.select %eq3A_158, %jit3A_159, %jit3A_156 : i32
          %rem3A_161 = arith.remsi %while3A_62, %select_n3A_160 : i32
          %ne3A_162 = arith.constant 0 : i32
          %ne3A_163 = arith.cmpi ne, %rem3A_161, %ne3A_162 : i32
          %lt3A_164 = arith.constant 0 : i32
          %lt3A_165 = arith.cmpi slt, %rem3A_161, %lt3A_164 : i32
          %lt3A_166 = arith.constant 0 : i32
          %lt3A_167 = arith.cmpi slt, %select_n3A_160, %lt3A_166 : i32
          %ne3A_168 = arith.xori %lt3A_165, %lt3A_167 : i1
          %and3A_169 = arith.andi %ne3A_168, %ne3A_163 : i1
          %add3A_170 = arith.addi %rem3A_161, %select_n3A_160 : i32
          %select_n3A_171 = arith.select %and3A_169, %add3A_170, %rem3A_161 : i32
          "tpu.region"() ({
            %run_scoped3A = tpu.sem_alloc : memref<!tpu.dma_semaphore, #tpu.memory_space<semaphore_mem>>
            %dma_start3A_175 = arith.constant 0 : i32
            %dma_start3A_176 = tpu.memref_slice %arg9[%select_n3A_171, %dma_start3A_175] : memref<8x128xi32, #tpu.memory_space<vmem>> -> memref<1x128xi32, #tpu.memory_space<vmem>>
            %dma_start3A_177 = tpu.memref_squeeze %dma_start3A_176 : memref<1x128xi32, #tpu.memory_space<vmem>> -> memref<128xi32, #tpu.memory_space<vmem>>
            %dma_start3A_178 = arith.constant 0 : i32
            %dma_start3A_179 = arith.constant 0 : i32
            %dma_start3A_180 = tpu.memref_slice %arg13[%dma_start3A_178, %dma_start3A_179] : memref<10008x128xf32, #tpu.memory_space<vmem_shared>> -> memref<10008x128xf32, #tpu.memory_space<vmem_shared>>
            tpu.enqueue_indirect_dma source(%arg11 : memref<128x128xf32, #tpu.memory_space<vmem>>) target(%dma_start3A_180 : memref<10008x128xf32, #tpu.memory_space<vmem_shared>>) offsets(%dma_start3A_177 : memref<128xi32, #tpu.memory_space<vmem>>) semaphore(%run_scoped3A : memref<!tpu.dma_semaphore, #tpu.memory_space<semaphore_mem>>) {add = true}
            %dma_wait3A_181 = arith.constant 0 : i32
            %dma_wait3A_182 = tpu.memref_slice %arg9[%select_n3A_171, %dma_wait3A_181] : memref<8x128xi32, #tpu.memory_space<vmem>> -> memref<1x128xi32, #tpu.memory_space<vmem>>
            %dma_wait3A_183 = tpu.memref_squeeze %dma_wait3A_182 : memref<1x128xi32, #tpu.memory_space<vmem>> -> memref<128xi32, #tpu.memory_space<vmem>>
            %dma_wait3A_184 = arith.constant 0 : i32
            %dma_wait3A_185 = arith.constant 0 : i32
            %dma_wait3A_186 = tpu.memref_slice %arg13[%dma_wait3A_184, %dma_wait3A_185] : memref<10008x128xf32, #tpu.memory_space<vmem_shared>> -> memref<10008x128xf32, #tpu.memory_space<vmem_shared>>
            tpu.wait_indirect_dma semaphore(%run_scoped3A : memref<!tpu.dma_semaphore, #tpu.memory_space<semaphore_mem>>) src(%arg11 : memref<128x128xf32, #tpu.memory_space<vmem>>) dst(%dma_wait3A_186 : memref<10008x128xf32, #tpu.memory_space<vmem_shared>>)
            tpu.yield
          }) : () -> ()
          %convert_element_type3A_172 = arith.extui %and3A_125 : i1 to i32
          %cond3A_173 = arith.constant 0 : i32
          %cond3A_174 = arith.cmpi ne, %convert_element_type3A_172, %cond3A_173 : i32
          scf.if %cond3A_174 {
            %add3A_175 = arith.constant 1 : i32
            %add3A_176 = arith.addi %while3A_62, %add3A_175 : i32
            %jit3A_177 = arith.constant 8 : i32
            %div3A = arith.divsi %add3A_176, %jit3A_177 : i32
            %sign3A = arith.constant 0 : i32
            %sign3A_178 = arith.cmpi sgt, %add3A_176, %sign3A : i32
            %sign3A_179 = arith.extui %sign3A_178 : i1 to i32
            %sign3A_180 = arith.constant 0 : i32
            %sign3A_181 = arith.cmpi slt, %add3A_176, %sign3A_180 : i32
            %sign3A_182 = arith.extui %sign3A_181 : i1 to i32
            %sign3A_183 = arith.subi %sign3A_179, %sign3A_182 : i32
            %sign3A_184 = arith.constant 0 : i32
            %sign3A_185 = arith.cmpi sgt, %jit3A_177, %sign3A_184 : i32
            %sign3A_186 = arith.extui %sign3A_185 : i1 to i32
            %sign3A_187 = arith.constant 0 : i32
            %sign3A_188 = arith.cmpi slt, %jit3A_177, %sign3A_187 : i32
            %sign3A_189 = arith.extui %sign3A_188 : i1 to i32
            %sign3A_190 = arith.subi %sign3A_186, %sign3A_189 : i32
            %ne3A_191 = arith.cmpi ne, %sign3A_183, %sign3A_190 : i32
            %rem3A_192 = arith.remsi %add3A_176, %jit3A_177 : i32
            %ne3A_193 = arith.constant 0 : i32
            %ne3A_194 = arith.cmpi ne, %rem3A_192, %ne3A_193 : i32
            %and3A_195 = arith.andi %ne3A_191, %ne3A_194 : i1
            %sub3A = arith.constant 1 : i32
            %sub3A_196 = arith.subi %div3A, %sub3A : i32
            %select_n3A_197 = arith.select %and3A_195, %sub3A_196, %div3A : i32
            %mul3A_198 = arith.constant 8 : i32
            %mul3A_199 = arith.muli %select_n3A_197, %mul3A_198 : i32
            %add3A_200 = arith.addi %mul3A_19, %mul3A_199 : i32
            "tpu.region"() ({
              %run_scoped3A = tpu.sem_alloc : memref<!tpu.dma_semaphore, #tpu.memory_space<semaphore_mem>>
              %dma_start3A_201 = arith.constant 0 : i32
              %dma_start3A_202 = tpu.memref_slice %arg5[%add3A_200, %dma_start3A_201] : memref<1256x128xi32, #tpu.memory_space<hbm>> -> memref<8x128xi32, #tpu.memory_space<hbm>>
              %dma_start3A_203 = arith.constant 0 : i32
              %dma_start3A_204 = tpu.memref_slice %arg5[%add3A_200, %dma_start3A_203] : memref<1256x128xi32, #tpu.memory_space<hbm>> -> memref<8x128xi32, #tpu.memory_space<hbm>>
              tpu.enqueue_dma source(%dma_start3A_204 : memref<8x128xi32, #tpu.memory_space<hbm>>) target(%arg9 : memref<8x128xi32, #tpu.memory_space<vmem>>) target_semaphore(%run_scoped3A : memref<!tpu.dma_semaphore, #tpu.memory_space<semaphore_mem>>)
              %dma_wait3A_205 = arith.constant 0 : i32
              %dma_wait3A_206 = tpu.memref_slice %arg5[%add3A_200, %dma_wait3A_205] : memref<1256x128xi32, #tpu.memory_space<hbm>> -> memref<8x128xi32, #tpu.memory_space<hbm>>
              %dma_wait3A_207 = arith.constant 0 : i32
              %dma_wait3A_208 = tpu.memref_slice %arg5[%add3A_200, %dma_wait3A_207] : memref<1256x128xi32, #tpu.memory_space<hbm>> -> memref<8x128xi32, #tpu.memory_space<hbm>>
              tpu.wait_dma2 semaphore(%run_scoped3A : memref<!tpu.dma_semaphore, #tpu.memory_space<semaphore_mem>>) src(%dma_wait3A_208 : memref<8x128xi32, #tpu.memory_space<hbm>>) dst(%arg9 : memref<8x128xi32, #tpu.memory_space<vmem>>)
              tpu.yield
            }) : () -> ()
          } else {
          }
        } else {
        }
        %while3A_101 = arith.constant 0 : i32
        scf.yield %while3A_101 : i32
      }
      %while3A_60 = arith.constant 1 : i32
      %while3A_61 = scf.for %while3A_62 = %while3A_57 to %while3A_53 step %while3A_60 iter_args(%while3A_63 = %while3A_59) -> (i32)  : i32 {
        %jit3A_64 = arith.constant 2 : i32
        %eq3A_65 = arith.constant 0 : i32
        %eq3A_66 = arith.cmpi eq, %jit3A_64, %eq3A_65 : i32
        %jit3A_67 = arith.constant 1 : i32
        %select_n3A_68 = arith.select %eq3A_66, %jit3A_67, %jit3A_64 : i32
        %rem3A = arith.remsi %while3A_62, %select_n3A_68 : i32
        %ne3A = arith.constant 0 : i32
        %ne3A_69 = arith.cmpi ne, %rem3A, %ne3A : i32
        %lt3A = arith.constant 0 : i32
        %lt3A_70 = arith.cmpi slt, %rem3A, %lt3A : i32
        %lt3A_71 = arith.constant 0 : i32
        %lt3A_72 = arith.cmpi slt, %select_n3A_68, %lt3A_71 : i32
        %ne3A_73 = arith.xori %lt3A_70, %lt3A_72 : i1
        %and3A = arith.andi %ne3A_73, %ne3A_69 : i1
        %add3A = arith.addi %rem3A, %select_n3A_68 : i32
        %select_n3A_74 = arith.select %and3A, %add3A, %rem3A : i32
        %eq3A_75 = arith.constant 0 : i32
        %eq3A_76 = arith.cmpi eq, %select_n3A_74, %eq3A_75 : i32
        %convert_element_type3A_77 = arith.extui %eq3A_76 : i1 to i32
        %cond3A_78 = arith.constant 0 : i32
        %cond3A_79 = arith.cmpi ne, %convert_element_type3A_77, %cond3A_78 : i32
        scf.if %cond3A_79 {
          %add3A_102 = arith.constant 1 : i32
          %add3A_103 = arith.addi %while3A_62, %add3A_102 : i32
          %jit3A_104 = arith.constant 8 : i32
          %eq3A_105 = arith.constant 0 : i32
          %eq3A_106 = arith.cmpi eq, %jit3A_104, %eq3A_105 : i32
          %jit3A_107 = arith.constant 1 : i32
          %select_n3A_108 = arith.select %eq3A_106, %jit3A_107, %jit3A_104 : i32
          %rem3A_109 = arith.remsi %add3A_103, %select_n3A_108 : i32
          %ne3A_110 = arith.constant 0 : i32
          %ne3A_111 = arith.cmpi ne, %rem3A_109, %ne3A_110 : i32
          %lt3A_112 = arith.constant 0 : i32
          %lt3A_113 = arith.cmpi slt, %rem3A_109, %lt3A_112 : i32
          %lt3A_114 = arith.constant 0 : i32
          %lt3A_115 = arith.cmpi slt, %select_n3A_108, %lt3A_114 : i32
          %ne3A_116 = arith.xori %lt3A_113, %lt3A_115 : i1
          %and3A_117 = arith.andi %ne3A_116, %ne3A_111 : i1
          %add3A_118 = arith.addi %rem3A_109, %select_n3A_108 : i32
          %select_n3A_119 = arith.select %and3A_117, %add3A_118, %rem3A_109 : i32
          %eq3A_120 = arith.constant 0 : i32
          %eq3A_121 = arith.cmpi eq, %select_n3A_119, %eq3A_120 : i32
          %add3A_122 = arith.constant 1 : i32
          %add3A_123 = arith.addi %while3A_62, %add3A_122 : i32
          %lt3A_124 = arith.cmpi slt, %add3A_123, %select_n3A_24 : i32
          %and3A_125 = arith.andi %eq3A_121, %lt3A_124 : i1
          %jit3A_126 = arith.constant 8 : i32
          %eq3A_127 = arith.constant 0 : i32
          %eq3A_128 = arith.cmpi eq, %jit3A_126, %eq3A_127 : i32
          %jit3A_129 = arith.constant 1 : i32
          %select_n3A_130 = arith.select %eq3A_128, %jit3A_129, %jit3A_126 : i32
          %rem3A_131 = arith.remsi %while3A_62, %select_n3A_130 : i32
          %ne3A_132 = arith.constant 0 : i32
          %ne3A_133 = arith.cmpi ne, %rem3A_131, %ne3A_132 : i32
          %lt3A_134 = arith.constant 0 : i32
          %lt3A_135 = arith.cmpi slt, %rem3A_131, %lt3A_134 : i32
          %lt3A_136 = arith.constant 0 : i32
          %lt3A_137 = arith.cmpi slt, %select_n3A_130, %lt3A_136 : i32
          %ne3A_138 = arith.xori %lt3A_135, %lt3A_137 : i1
          %and3A_139 = arith.andi %ne3A_138, %ne3A_133 : i1
          %add3A_140 = arith.addi %rem3A_131, %select_n3A_130 : i32
          %select_n3A_141 = arith.select %and3A_139, %add3A_140, %rem3A_131 : i32
          %dma_wait3A = arith.constant 0 : i32
          %dma_wait3A_142 = tpu.memref_slice %arg8[%select_n3A_141, %dma_wait3A] : memref<8x128xi32, #tpu.memory_space<vmem>> -> memref<1x128xi32, #tpu.memory_space<vmem>>
          %dma_wait3A_143 = tpu.memref_squeeze %dma_wait3A_142 : memref<1x128xi32, #tpu.memory_space<vmem>> -> memref<128xi32, #tpu.memory_space<vmem>>
          %dma_wait3A_144 = arith.constant 0 : i32
          %dma_wait3A_145 = arith.constant 0 : i32
          %dma_wait3A_146 = tpu.memref_slice %arg3[%dma_wait3A_144, %dma_wait3A_145] : memref<10000x128xf32, #tpu.memory_space<hbm>> -> memref<10000x128xf32, #tpu.memory_space<hbm>>
          tpu.wait_indirect_dma semaphore(%arg14 : memref<!tpu.dma_semaphore, #tpu.memory_space<semaphore_mem>>) src(%dma_wait3A_146 : memref<10000x128xf32, #tpu.memory_space<hbm>>) dst(%arg10 : memref<128x128xf32, #tpu.memory_space<vmem>>)
          %convert_element_type3A_147 = arith.extui %and3A_125 : i1 to i32
          %cond3A_148 = arith.constant 0 : i32
          %cond3A_149 = arith.cmpi ne, %convert_element_type3A_147, %cond3A_148 : i32
          scf.if %cond3A_149 {
            %add3A_175 = arith.constant 1 : i32
            %add3A_176 = arith.addi %while3A_62, %add3A_175 : i32
            %jit3A_177 = arith.constant 8 : i32
            %div3A = arith.divsi %add3A_176, %jit3A_177 : i32
            %sign3A = arith.constant 0 : i32
            %sign3A_178 = arith.cmpi sgt, %add3A_176, %sign3A : i32
            %sign3A_179 = arith.extui %sign3A_178 : i1 to i32
            %sign3A_180 = arith.constant 0 : i32
            %sign3A_181 = arith.cmpi slt, %add3A_176, %sign3A_180 : i32
            %sign3A_182 = arith.extui %sign3A_181 : i1 to i32
            %sign3A_183 = arith.subi %sign3A_179, %sign3A_182 : i32
            %sign3A_184 = arith.constant 0 : i32
            %sign3A_185 = arith.cmpi sgt, %jit3A_177, %sign3A_184 : i32
            %sign3A_186 = arith.extui %sign3A_185 : i1 to i32
            %sign3A_187 = arith.constant 0 : i32
            %sign3A_188 = arith.cmpi slt, %jit3A_177, %sign3A_187 : i32
            %sign3A_189 = arith.extui %sign3A_188 : i1 to i32
            %sign3A_190 = arith.subi %sign3A_186, %sign3A_189 : i32
            %ne3A_191 = arith.cmpi ne, %sign3A_183, %sign3A_190 : i32
            %rem3A_192 = arith.remsi %add3A_176, %jit3A_177 : i32
            %ne3A_193 = arith.constant 0 : i32
            %ne3A_194 = arith.cmpi ne, %rem3A_192, %ne3A_193 : i32
            %and3A_195 = arith.andi %ne3A_191, %ne3A_194 : i1
            %sub3A = arith.constant 1 : i32
            %sub3A_196 = arith.subi %div3A, %sub3A : i32
            %select_n3A_197 = arith.select %and3A_195, %sub3A_196, %div3A : i32
            %mul3A_198 = arith.constant 8 : i32
            %mul3A_199 = arith.muli %select_n3A_197, %mul3A_198 : i32
            %add3A_200 = arith.addi %mul3A_19, %mul3A_199 : i32
            "tpu.region"() ({
              %run_scoped3A = tpu.sem_alloc : memref<!tpu.dma_semaphore, #tpu.memory_space<semaphore_mem>>
              %dma_start3A_201 = arith.constant 0 : i32
              %dma_start3A_202 = tpu.memref_slice %arg4[%add3A_200, %dma_start3A_201] : memref<1256x128xi32, #tpu.memory_space<hbm>> -> memref<8x128xi32, #tpu.memory_space<hbm>>
              %dma_start3A_203 = arith.constant 0 : i32
              %dma_start3A_204 = tpu.memref_slice %arg4[%add3A_200, %dma_start3A_203] : memref<1256x128xi32, #tpu.memory_space<hbm>> -> memref<8x128xi32, #tpu.memory_space<hbm>>
              tpu.enqueue_dma source(%dma_start3A_204 : memref<8x128xi32, #tpu.memory_space<hbm>>) target(%arg8 : memref<8x128xi32, #tpu.memory_space<vmem>>) target_semaphore(%run_scoped3A : memref<!tpu.dma_semaphore, #tpu.memory_space<semaphore_mem>>)
              %dma_wait3A_205 = arith.constant 0 : i32
              %dma_wait3A_206 = tpu.memref_slice %arg4[%add3A_200, %dma_wait3A_205] : memref<1256x128xi32, #tpu.memory_space<hbm>> -> memref<8x128xi32, #tpu.memory_space<hbm>>
              %dma_wait3A_207 = arith.constant 0 : i32
              %dma_wait3A_208 = tpu.memref_slice %arg4[%add3A_200, %dma_wait3A_207] : memref<1256x128xi32, #tpu.memory_space<hbm>> -> memref<8x128xi32, #tpu.memory_space<hbm>>
              tpu.wait_dma2 semaphore(%run_scoped3A : memref<!tpu.dma_semaphore, #tpu.memory_space<semaphore_mem>>) src(%dma_wait3A_208 : memref<8x128xi32, #tpu.memory_space<hbm>>) dst(%arg8 : memref<8x128xi32, #tpu.memory_space<vmem>>)
              tpu.yield
            }) : () -> ()
          } else {
          }
          %add3A_150 = arith.constant 1 : i32
          %add3A_151 = arith.addi %while3A_62, %add3A_150 : i32
          %lt3A_152 = arith.cmpi slt, %add3A_151, %select_n3A_24 : i32
          %convert_element_type3A_153 = arith.extui %lt3A_152 : i1 to i32
          %cond3A_154 = arith.constant 0 : i32
          %cond3A_155 = arith.cmpi ne, %convert_element_type3A_153, %cond3A_154 : i32
          scf.if %cond3A_155 {
            %add3A_175 = arith.constant 1 : i32
            %add3A_176 = arith.addi %while3A_62, %add3A_175 : i32
            %jit3A_177 = arith.constant 8 : i32
            %eq3A_178 = arith.constant 0 : i32
            %eq3A_179 = arith.cmpi eq, %jit3A_177, %eq3A_178 : i32
            %jit3A_180 = arith.constant 1 : i32
            %select_n3A_181 = arith.select %eq3A_179, %jit3A_180, %jit3A_177 : i32
            %rem3A_182 = arith.remsi %add3A_176, %select_n3A_181 : i32
            %ne3A_183 = arith.constant 0 : i32
            %ne3A_184 = arith.cmpi ne, %rem3A_182, %ne3A_183 : i32
            %lt3A_185 = arith.constant 0 : i32
            %lt3A_186 = arith.cmpi slt, %rem3A_182, %lt3A_185 : i32
            %lt3A_187 = arith.constant 0 : i32
            %lt3A_188 = arith.cmpi slt, %select_n3A_181, %lt3A_187 : i32
            %ne3A_189 = arith.xori %lt3A_186, %lt3A_188 : i1
            %and3A_190 = arith.andi %ne3A_189, %ne3A_184 : i1
            %add3A_191 = arith.addi %rem3A_182, %select_n3A_181 : i32
            %select_n3A_192 = arith.select %and3A_190, %add3A_191, %rem3A_182 : i32
            %dma_start3A_193 = arith.constant 0 : i32
            %dma_start3A_194 = tpu.memref_slice %arg8[%select_n3A_192, %dma_start3A_193] : memref<8x128xi32, #tpu.memory_space<vmem>> -> memref<1x128xi32, #tpu.memory_space<vmem>>
            %dma_start3A_195 = tpu.memref_squeeze %dma_start3A_194 : memref<1x128xi32, #tpu.memory_space<vmem>> -> memref<128xi32, #tpu.memory_space<vmem>>
            %dma_start3A_196 = arith.constant 0 : i32
            %dma_start3A_197 = arith.constant 0 : i32
            %dma_start3A_198 = tpu.memref_slice %arg3[%dma_start3A_196, %dma_start3A_197] : memref<10000x128xf32, #tpu.memory_space<hbm>> -> memref<10000x128xf32, #tpu.memory_space<hbm>>
            tpu.enqueue_indirect_dma source(%dma_start3A_198 : memref<10000x128xf32, #tpu.memory_space<hbm>>) target(%arg11 : memref<128x128xf32, #tpu.memory_space<vmem>>) offsets(%dma_start3A_195 : memref<128xi32, #tpu.memory_space<vmem>>) semaphore(%arg15 : memref<!tpu.dma_semaphore, #tpu.memory_space<semaphore_mem>>)
          } else {
          }
          %jit3A_156 = arith.constant 8 : i32
          %eq3A_157 = arith.constant 0 : i32
          %eq3A_158 = arith.cmpi eq, %jit3A_156, %eq3A_157 : i32
          %jit3A_159 = arith.constant 1 : i32
          %select_n3A_160 = arith.select %eq3A_158, %jit3A_159, %jit3A_156 : i32
          %rem3A_161 = arith.remsi %while3A_62, %select_n3A_160 : i32
          %ne3A_162 = arith.constant 0 : i32
          %ne3A_163 = arith.cmpi ne, %rem3A_161, %ne3A_162 : i32
          %lt3A_164 = arith.constant 0 : i32
          %lt3A_165 = arith.cmpi slt, %rem3A_161, %lt3A_164 : i32
          %lt3A_166 = arith.constant 0 : i32
          %lt3A_167 = arith.cmpi slt, %select_n3A_160, %lt3A_166 : i32
          %ne3A_168 = arith.xori %lt3A_165, %lt3A_167 : i1
          %and3A_169 = arith.andi %ne3A_168, %ne3A_163 : i1
          %add3A_170 = arith.addi %rem3A_161, %select_n3A_160 : i32
          %select_n3A_171 = arith.select %and3A_169, %add3A_170, %rem3A_161 : i32
          "tpu.region"() ({
            %run_scoped3A = tpu.sem_alloc : memref<!tpu.dma_semaphore, #tpu.memory_space<semaphore_mem>>
            %dma_start3A_175 = arith.constant 0 : i32
            %dma_start3A_176 = tpu.memref_slice %arg9[%select_n3A_171, %dma_start3A_175] : memref<8x128xi32, #tpu.memory_space<vmem>> -> memref<1x128xi32, #tpu.memory_space<vmem>>
            %dma_start3A_177 = tpu.memref_squeeze %dma_start3A_176 : memref<1x128xi32, #tpu.memory_space<vmem>> -> memref<128xi32, #tpu.memory_space<vmem>>
            %dma_start3A_178 = arith.constant 0 : i32
            %dma_start3A_179 = arith.constant 0 : i32
            %dma_start3A_180 = tpu.memref_slice %arg13[%dma_start3A_178, %dma_start3A_179] : memref<10008x128xf32, #tpu.memory_space<vmem_shared>> -> memref<10008x128xf32, #tpu.memory_space<vmem_shared>>
            tpu.enqueue_indirect_dma source(%arg10 : memref<128x128xf32, #tpu.memory_space<vmem>>) target(%dma_start3A_180 : memref<10008x128xf32, #tpu.memory_space<vmem_shared>>) offsets(%dma_start3A_177 : memref<128xi32, #tpu.memory_space<vmem>>) semaphore(%run_scoped3A : memref<!tpu.dma_semaphore, #tpu.memory_space<semaphore_mem>>) {add = true}
            %dma_wait3A_181 = arith.constant 0 : i32
            %dma_wait3A_182 = tpu.memref_slice %arg9[%select_n3A_171, %dma_wait3A_181] : memref<8x128xi32, #tpu.memory_space<vmem>> -> memref<1x128xi32, #tpu.memory_space<vmem>>
            %dma_wait3A_183 = tpu.memref_squeeze %dma_wait3A_182 : memref<1x128xi32, #tpu.memory_space<vmem>> -> memref<128xi32, #tpu.memory_space<vmem>>
            %dma_wait3A_184 = arith.constant 0 : i32
            %dma_wait3A_185 = arith.constant 0 : i32
            %dma_wait3A_186 = tpu.memref_slice %arg13[%dma_wait3A_184, %dma_wait3A_185] : memref<10008x128xf32, #tpu.memory_space<vmem_shared>> -> memref<10008x128xf32, #tpu.memory_space<vmem_shared>>
            tpu.wait_indirect_dma semaphore(%run_scoped3A : memref<!tpu.dma_semaphore, #tpu.memory_space<semaphore_mem>>) src(%arg10 : memref<128x128xf32, #tpu.memory_space<vmem>>) dst(%dma_wait3A_186 : memref<10008x128xf32, #tpu.memory_space<vmem_shared>>)
            tpu.yield
          }) : () -> ()
          %convert_element_type3A_172 = arith.extui %and3A_125 : i1 to i32
          %cond3A_173 = arith.constant 0 : i32
          %cond3A_174 = arith.cmpi ne, %convert_element_type3A_172, %cond3A_173 : i32
          scf.if %cond3A_174 {
            %add3A_175 = arith.constant 1 : i32
            %add3A_176 = arith.addi %while3A_62, %add3A_175 : i32
            %jit3A_177 = arith.constant 8 : i32
            %div3A = arith.divsi %add3A_176, %jit3A_177 : i32
            %sign3A = arith.constant 0 : i32
            %sign3A_178 = arith.cmpi sgt, %add3A_176, %sign3A : i32
            %sign3A_179 = arith.extui %sign3A_178 : i1 to i32
            %sign3A_180 = arith.constant 0 : i32
            %sign3A_181 = arith.cmpi slt, %add3A_176, %sign3A_180 : i32
            %sign3A_182 = arith.extui %sign3A_181 : i1 to i32
            %sign3A_183 = arith.subi %sign3A_179, %sign3A_182 : i32
            %sign3A_184 = arith.constant 0 : i32
            %sign3A_185 = arith.cmpi sgt, %jit3A_177, %sign3A_184 : i32
            %sign3A_186 = arith.extui %sign3A_185 : i1 to i32
            %sign3A_187 = arith.constant 0 : i32
            %sign3A_188 = arith.cmpi slt, %jit3A_177, %sign3A_187 : i32
            %sign3A_189 = arith.extui %sign3A_188 : i1 to i32
            %sign3A_190 = arith.subi %sign3A_186, %sign3A_189 : i32
            %ne3A_191 = arith.cmpi ne, %sign3A_183, %sign3A_190 : i32
            %rem3A_192 = arith.remsi %add3A_176, %jit3A_177 : i32
            %ne3A_193 = arith.constant 0 : i32
            %ne3A_194 = arith.cmpi ne, %rem3A_192, %ne3A_193 : i32
            %and3A_195 = arith.andi %ne3A_191, %ne3A_194 : i1
            %sub3A = arith.constant 1 : i32
            %sub3A_196 = arith.subi %div3A, %sub3A : i32
            %select_n3A_197 = arith.select %and3A_195, %sub3A_196, %div3A : i32
            %mul3A_198 = arith.constant 8 : i32
            %mul3A_199 = arith.muli %select_n3A_197, %mul3A_198 : i32
            %add3A_200 = arith.addi %mul3A_19, %mul3A_199 : i32
            "tpu.region"() ({
              %run_scoped3A = tpu.sem_alloc : memref<!tpu.dma_semaphore, #tpu.memory_space<semaphore_mem>>
              %dma_start3A_201 = arith.constant 0 : i32
              %dma_start3A_202 = tpu.memref_slice %arg5[%add3A_200, %dma_start3A_201] : memref<1256x128xi32, #tpu.memory_space<hbm>> -> memref<8x128xi32, #tpu.memory_space<hbm>>
              %dma_start3A_203 = arith.constant 0 : i32
              %dma_start3A_204 = tpu.memref_slice %arg5[%add3A_200, %dma_start3A_203] : memref<1256x128xi32, #tpu.memory_space<hbm>> -> memref<8x128xi32, #tpu.memory_space<hbm>>
              tpu.enqueue_dma source(%dma_start3A_204 : memref<8x128xi32, #tpu.memory_space<hbm>>) target(%arg9 : memref<8x128xi32, #tpu.memory_space<vmem>>) target_semaphore(%run_scoped3A : memref<!tpu.dma_semaphore, #tpu.memory_space<semaphore_mem>>)
              %dma_wait3A_205 = arith.constant 0 : i32
              %dma_wait3A_206 = tpu.memref_slice %arg5[%add3A_200, %dma_wait3A_205] : memref<1256x128xi32, #tpu.memory_space<hbm>> -> memref<8x128xi32, #tpu.memory_space<hbm>>
              %dma_wait3A_207 = arith.constant 0 : i32
              %dma_wait3A_208 = tpu.memref_slice %arg5[%add3A_200, %dma_wait3A_207] : memref<1256x128xi32, #tpu.memory_space<hbm>> -> memref<8x128xi32, #tpu.memory_space<hbm>>
              tpu.wait_dma2 semaphore(%run_scoped3A : memref<!tpu.dma_semaphore, #tpu.memory_space<semaphore_mem>>) src(%dma_wait3A_208 : memref<8x128xi32, #tpu.memory_space<hbm>>) dst(%arg9 : memref<8x128xi32, #tpu.memory_space<vmem>>)
              tpu.yield
            }) : () -> ()
          } else {
          }
        } else {
        }
        %jit3A_80 = arith.constant 2 : i32
        %eq3A_81 = arith.constant 0 : i32
        %eq3A_82 = arith.cmpi eq, %jit3A_80, %eq3A_81 : i32
        %jit3A_83 = arith.constant 1 : i32
        %select_n3A_84 = arith.select %eq3A_82, %jit3A_83, %jit3A_80 : i32
        %rem3A_85 = arith.remsi %while3A_62, %select_n3A_84 : i32
        %ne3A_86 = arith.constant 0 : i32
        %ne3A_87 = arith.cmpi ne, %rem3A_85, %ne3A_86 : i32
        %lt3A_88 = arith.constant 0 : i32
        %lt3A_89 = arith.cmpi slt, %rem3A_85, %lt3A_88 : i32
        %lt3A_90 = arith.constant 0 : i32
        %lt3A_91 = arith.cmpi slt, %select_n3A_84, %lt3A_90 : i32
        %ne3A_92 = arith.xori %lt3A_89, %lt3A_91 : i1
        %and3A_93 = arith.andi %ne3A_92, %ne3A_87 : i1
        %add3A_94 = arith.addi %rem3A_85, %select_n3A_84 : i32
        %select_n3A_95 = arith.select %and3A_93, %add3A_94, %rem3A_85 : i32
        %eq3A_96 = arith.constant 1 : i32
        %eq3A_97 = arith.cmpi eq, %select_n3A_95, %eq3A_96 : i32
        %convert_element_type3A_98 = arith.extui %eq3A_97 : i1 to i32
        %cond3A_99 = arith.constant 0 : i32
        %cond3A_100 = arith.cmpi ne, %convert_element_type3A_98, %cond3A_99 : i32
        scf.if %cond3A_100 {
          %add3A_102 = arith.constant 1 : i32
          %add3A_103 = arith.addi %while3A_62, %add3A_102 : i32
          %jit3A_104 = arith.constant 8 : i32
          %eq3A_105 = arith.constant 0 : i32
          %eq3A_106 = arith.cmpi eq, %jit3A_104, %eq3A_105 : i32
          %jit3A_107 = arith.constant 1 : i32
          %select_n3A_108 = arith.select %eq3A_106, %jit3A_107, %jit3A_104 : i32
          %rem3A_109 = arith.remsi %add3A_103, %select_n3A_108 : i32
          %ne3A_110 = arith.constant 0 : i32
          %ne3A_111 = arith.cmpi ne, %rem3A_109, %ne3A_110 : i32
          %lt3A_112 = arith.constant 0 : i32
          %lt3A_113 = arith.cmpi slt, %rem3A_109, %lt3A_112 : i32
          %lt3A_114 = arith.constant 0 : i32
          %lt3A_115 = arith.cmpi slt, %select_n3A_108, %lt3A_114 : i32
          %ne3A_116 = arith.xori %lt3A_113, %lt3A_115 : i1
          %and3A_117 = arith.andi %ne3A_116, %ne3A_111 : i1
          %add3A_118 = arith.addi %rem3A_109, %select_n3A_108 : i32
          %select_n3A_119 = arith.select %and3A_117, %add3A_118, %rem3A_109 : i32
          %eq3A_120 = arith.constant 0 : i32
          %eq3A_121 = arith.cmpi eq, %select_n3A_119, %eq3A_120 : i32
          %add3A_122 = arith.constant 1 : i32
          %add3A_123 = arith.addi %while3A_62, %add3A_122 : i32
          %lt3A_124 = arith.cmpi slt, %add3A_123, %select_n3A_24 : i32
          %and3A_125 = arith.andi %eq3A_121, %lt3A_124 : i1
          %jit3A_126 = arith.constant 8 : i32
          %eq3A_127 = arith.constant 0 : i32
          %eq3A_128 = arith.cmpi eq, %jit3A_126, %eq3A_127 : i32
          %jit3A_129 = arith.constant 1 : i32
          %select_n3A_130 = arith.select %eq3A_128, %jit3A_129, %jit3A_126 : i32
          %rem3A_131 = arith.remsi %while3A_62, %select_n3A_130 : i32
          %ne3A_132 = arith.constant 0 : i32
          %ne3A_133 = arith.cmpi ne, %rem3A_131, %ne3A_132 : i32
          %lt3A_134 = arith.constant 0 : i32
          %lt3A_135 = arith.cmpi slt, %rem3A_131, %lt3A_134 : i32
          %lt3A_136 = arith.constant 0 : i32
          %lt3A_137 = arith.cmpi slt, %select_n3A_130, %lt3A_136 : i32
          %ne3A_138 = arith.xori %lt3A_135, %lt3A_137 : i1
          %and3A_139 = arith.andi %ne3A_138, %ne3A_133 : i1
          %add3A_140 = arith.addi %rem3A_131, %select_n3A_130 : i32
          %select_n3A_141 = arith.select %and3A_139, %add3A_140, %rem3A_131 : i32
          %dma_wait3A = arith.constant 0 : i32
          %dma_wait3A_142 = tpu.memref_slice %arg8[%select_n3A_141, %dma_wait3A] : memref<8x128xi32, #tpu.memory_space<vmem>> -> memref<1x128xi32, #tpu.memory_space<vmem>>
          %dma_wait3A_143 = tpu.memref_squeeze %dma_wait3A_142 : memref<1x128xi32, #tpu.memory_space<vmem>> -> memref<128xi32, #tpu.memory_space<vmem>>
          %dma_wait3A_144 = arith.constant 0 : i32
          %dma_wait3A_145 = arith.constant 0 : i32
          %dma_wait3A_146 = tpu.memref_slice %arg3[%dma_wait3A_144, %dma_wait3A_145] : memref<10000x128xf32, #tpu.memory_space<hbm>> -> memref<10000x128xf32, #tpu.memory_space<hbm>>
          tpu.wait_indirect_dma semaphore(%arg15 : memref<!tpu.dma_semaphore, #tpu.memory_space<semaphore_mem>>) src(%dma_wait3A_146 : memref<10000x128xf32, #tpu.memory_space<hbm>>) dst(%arg11 : memref<128x128xf32, #tpu.memory_space<vmem>>)
          %convert_element_type3A_147 = arith.extui %and3A_125 : i1 to i32
          %cond3A_148 = arith.constant 0 : i32
          %cond3A_149 = arith.cmpi ne, %convert_element_type3A_147, %cond3A_148 : i32
          scf.if %cond3A_149 {
            %add3A_175 = arith.constant 1 : i32
            %add3A_176 = arith.addi %while3A_62, %add3A_175 : i32
            %jit3A_177 = arith.constant 8 : i32
            %div3A = arith.divsi %add3A_176, %jit3A_177 : i32
            %sign3A = arith.constant 0 : i32
            %sign3A_178 = arith.cmpi sgt, %add3A_176, %sign3A : i32
            %sign3A_179 = arith.extui %sign3A_178 : i1 to i32
            %sign3A_180 = arith.constant 0 : i32
            %sign3A_181 = arith.cmpi slt, %add3A_176, %sign3A_180 : i32
            %sign3A_182 = arith.extui %sign3A_181 : i1 to i32
            %sign3A_183 = arith.subi %sign3A_179, %sign3A_182 : i32
            %sign3A_184 = arith.constant 0 : i32
            %sign3A_185 = arith.cmpi sgt, %jit3A_177, %sign3A_184 : i32
            %sign3A_186 = arith.extui %sign3A_185 : i1 to i32
            %sign3A_187 = arith.constant 0 : i32
            %sign3A_188 = arith.cmpi slt, %jit3A_177, %sign3A_187 : i32
            %sign3A_189 = arith.extui %sign3A_188 : i1 to i32
            %sign3A_190 = arith.subi %sign3A_186, %sign3A_189 : i32
            %ne3A_191 = arith.cmpi ne, %sign3A_183, %sign3A_190 : i32
            %rem3A_192 = arith.remsi %add3A_176, %jit3A_177 : i32
            %ne3A_193 = arith.constant 0 : i32
            %ne3A_194 = arith.cmpi ne, %rem3A_192, %ne3A_193 : i32
            %and3A_195 = arith.andi %ne3A_191, %ne3A_194 : i1
            %sub3A = arith.constant 1 : i32
            %sub3A_196 = arith.subi %div3A, %sub3A : i32
            %select_n3A_197 = arith.select %and3A_195, %sub3A_196, %div3A : i32
            %mul3A_198 = arith.constant 8 : i32
            %mul3A_199 = arith.muli %select_n3A_197, %mul3A_198 : i32
            %add3A_200 = arith.addi %mul3A_19, %mul3A_199 : i32
            "tpu.region"() ({
              %run_scoped3A = tpu.sem_alloc : memref<!tpu.dma_semaphore, #tpu.memory_space<semaphore_mem>>
              %dma_start3A_201 = arith.constant 0 : i32
              %dma_start3A_202 = tpu.memref_slice %arg4[%add3A_200, %dma_start3A_201] : memref<1256x128xi32, #tpu.memory_space<hbm>> -> memref<8x128xi32, #tpu.memory_space<hbm>>
              %dma_start3A_203 = arith.constant 0 : i32
              %dma_start3A_204 = tpu.memref_slice %arg4[%add3A_200, %dma_start3A_203] : memref<1256x128xi32, #tpu.memory_space<hbm>> -> memref<8x128xi32, #tpu.memory_space<hbm>>
              tpu.enqueue_dma source(%dma_start3A_204 : memref<8x128xi32, #tpu.memory_space<hbm>>) target(%arg8 : memref<8x128xi32, #tpu.memory_space<vmem>>) target_semaphore(%run_scoped3A : memref<!tpu.dma_semaphore, #tpu.memory_space<semaphore_mem>>)
              %dma_wait3A_205 = arith.constant 0 : i32
              %dma_wait3A_206 = tpu.memref_slice %arg4[%add3A_200, %dma_wait3A_205] : memref<1256x128xi32, #tpu.memory_space<hbm>> -> memref<8x128xi32, #tpu.memory_space<hbm>>
              %dma_wait3A_207 = arith.constant 0 : i32
              %dma_wait3A_208 = tpu.memref_slice %arg4[%add3A_200, %dma_wait3A_207] : memref<1256x128xi32, #tpu.memory_space<hbm>> -> memref<8x128xi32, #tpu.memory_space<hbm>>
              tpu.wait_dma2 semaphore(%run_scoped3A : memref<!tpu.dma_semaphore, #tpu.memory_space<semaphore_mem>>) src(%dma_wait3A_208 : memref<8x128xi32, #tpu.memory_space<hbm>>) dst(%arg8 : memref<8x128xi32, #tpu.memory_space<vmem>>)
              tpu.yield
            }) : () -> ()
          } else {
          }
          %add3A_150 = arith.constant 1 : i32
          %add3A_151 = arith.addi %while3A_62, %add3A_150 : i32
          %lt3A_152 = arith.cmpi slt, %add3A_151, %select_n3A_24 : i32
          %convert_element_type3A_153 = arith.extui %lt3A_152 : i1 to i32
          %cond3A_154 = arith.constant 0 : i32
          %cond3A_155 = arith.cmpi ne, %convert_element_type3A_153, %cond3A_154 : i32
          scf.if %cond3A_155 {
            %add3A_175 = arith.constant 1 : i32
            %add3A_176 = arith.addi %while3A_62, %add3A_175 : i32
            %jit3A_177 = arith.constant 8 : i32
            %eq3A_178 = arith.constant 0 : i32
            %eq3A_179 = arith.cmpi eq, %jit3A_177, %eq3A_178 : i32
            %jit3A_180 = arith.constant 1 : i32
            %select_n3A_181 = arith.select %eq3A_179, %jit3A_180, %jit3A_177 : i32
            %rem3A_182 = arith.remsi %add3A_176, %select_n3A_181 : i32
            %ne3A_183 = arith.constant 0 : i32
            %ne3A_184 = arith.cmpi ne, %rem3A_182, %ne3A_183 : i32
            %lt3A_185 = arith.constant 0 : i32
            %lt3A_186 = arith.cmpi slt, %rem3A_182, %lt3A_185 : i32
            %lt3A_187 = arith.constant 0 : i32
            %lt3A_188 = arith.cmpi slt, %select_n3A_181, %lt3A_187 : i32
            %ne3A_189 = arith.xori %lt3A_186, %lt3A_188 : i1
            %and3A_190 = arith.andi %ne3A_189, %ne3A_184 : i1
            %add3A_191 = arith.addi %rem3A_182, %select_n3A_181 : i32
            %select_n3A_192 = arith.select %and3A_190, %add3A_191, %rem3A_182 : i32
            %dma_start3A_193 = arith.constant 0 : i32
            %dma_start3A_194 = tpu.memref_slice %arg8[%select_n3A_192, %dma_start3A_193] : memref<8x128xi32, #tpu.memory_space<vmem>> -> memref<1x128xi32, #tpu.memory_space<vmem>>
            %dma_start3A_195 = tpu.memref_squeeze %dma_start3A_194 : memref<1x128xi32, #tpu.memory_space<vmem>> -> memref<128xi32, #tpu.memory_space<vmem>>
            %dma_start3A_196 = arith.constant 0 : i32
            %dma_start3A_197 = arith.constant 0 : i32
            %dma_start3A_198 = tpu.memref_slice %arg3[%dma_start3A_196, %dma_start3A_197] : memref<10000x128xf32, #tpu.memory_space<hbm>> -> memref<10000x128xf32, #tpu.memory_space<hbm>>
            tpu.enqueue_indirect_dma source(%dma_start3A_198 : memref<10000x128xf32, #tpu.memory_space<hbm>>) target(%arg10 : memref<128x128xf32, #tpu.memory_space<vmem>>) offsets(%dma_start3A_195 : memref<128xi32, #tpu.memory_space<vmem>>) semaphore(%arg14 : memref<!tpu.dma_semaphore, #tpu.memory_space<semaphore_mem>>)
          } else {
          }
          %jit3A_156 = arith.constant 8 : i32
          %eq3A_157 = arith.constant 0 : i32
          %eq3A_158 = arith.cmpi eq, %jit3A_156, %eq3A_157 : i32
          %jit3A_159 = arith.constant 1 : i32
          %select_n3A_160 = arith.select %eq3A_158, %jit3A_159, %jit3A_156 : i32
          %rem3A_161 = arith.remsi %while3A_62, %select_n3A_160 : i32
          %ne3A_162 = arith.constant 0 : i32
          %ne3A_163 = arith.cmpi ne, %rem3A_161, %ne3A_162 : i32
          %lt3A_164 = arith.constant 0 : i32
          %lt3A_165 = arith.cmpi slt, %rem3A_161, %lt3A_164 : i32
          %lt3A_166 = arith.constant 0 : i32
          %lt3A_167 = arith.cmpi slt, %select_n3A_160, %lt3A_166 : i32
          %ne3A_168 = arith.xori %lt3A_165, %lt3A_167 : i1
          %and3A_169 = arith.andi %ne3A_168, %ne3A_163 : i1
          %add3A_170 = arith.addi %rem3A_161, %select_n3A_160 : i32
          %select_n3A_171 = arith.select %and3A_169, %add3A_170, %rem3A_161 : i32
          "tpu.region"() ({
            %run_scoped3A = tpu.sem_alloc : memref<!tpu.dma_semaphore, #tpu.memory_space<semaphore_mem>>
            %dma_start3A_175 = arith.constant 0 : i32
            %dma_start3A_176 = tpu.memref_slice %arg9[%select_n3A_171, %dma_start3A_175] : memref<8x128xi32, #tpu.memory_space<vmem>> -> memref<1x128xi32, #tpu.memory_space<vmem>>
            %dma_start3A_177 = tpu.memref_squeeze %dma_start3A_176 : memref<1x128xi32, #tpu.memory_space<vmem>> -> memref<128xi32, #tpu.memory_space<vmem>>
            %dma_start3A_178 = arith.constant 0 : i32
            %dma_start3A_179 = arith.constant 0 : i32
            %dma_start3A_180 = tpu.memref_slice %arg13[%dma_start3A_178, %dma_start3A_179] : memref<10008x128xf32, #tpu.memory_space<vmem_shared>> -> memref<10008x128xf32, #tpu.memory_space<vmem_shared>>
            tpu.enqueue_indirect_dma source(%arg11 : memref<128x128xf32, #tpu.memory_space<vmem>>) target(%dma_start3A_180 : memref<10008x128xf32, #tpu.memory_space<vmem_shared>>) offsets(%dma_start3A_177 : memref<128xi32, #tpu.memory_space<vmem>>) semaphore(%run_scoped3A : memref<!tpu.dma_semaphore, #tpu.memory_space<semaphore_mem>>) {add = true}
            %dma_wait3A_181 = arith.constant 0 : i32
            %dma_wait3A_182 = tpu.memref_slice %arg9[%select_n3A_171, %dma_wait3A_181] : memref<8x128xi32, #tpu.memory_space<vmem>> -> memref<1x128xi32, #tpu.memory_space<vmem>>
            %dma_wait3A_183 = tpu.memref_squeeze %dma_wait3A_182 : memref<1x128xi32, #tpu.memory_space<vmem>> -> memref<128xi32, #tpu.memory_space<vmem>>
            %dma_wait3A_184 = arith.constant 0 : i32
            %dma_wait3A_185 = arith.constant 0 : i32
            %dma_wait3A_186 = tpu.memref_slice %arg13[%dma_wait3A_184, %dma_wait3A_185] : memref<10008x128xf32, #tpu.memory_space<vmem_shared>> -> memref<10008x128xf32, #tpu.memory_space<vmem_shared>>
            tpu.wait_indirect_dma semaphore(%run_scoped3A : memref<!tpu.dma_semaphore, #tpu.memory_space<semaphore_mem>>) src(%arg11 : memref<128x128xf32, #tpu.memory_space<vmem>>) dst(%dma_wait3A_186 : memref<10008x128xf32, #tpu.memory_space<vmem_shared>>)
            tpu.yield
          }) : () -> ()
          %convert_element_type3A_172 = arith.extui %and3A_125 : i1 to i32
          %cond3A_173 = arith.constant 0 : i32
          %cond3A_174 = arith.cmpi ne, %convert_element_type3A_172, %cond3A_173 : i32
          scf.if %cond3A_174 {
            %add3A_175 = arith.constant 1 : i32
            %add3A_176 = arith.addi %while3A_62, %add3A_175 : i32
            %jit3A_177 = arith.constant 8 : i32
            %div3A = arith.divsi %add3A_176, %jit3A_177 : i32
            %sign3A = arith.constant 0 : i32
            %sign3A_178 = arith.cmpi sgt, %add3A_176, %sign3A : i32
            %sign3A_179 = arith.extui %sign3A_178 : i1 to i32
            %sign3A_180 = arith.constant 0 : i32
            %sign3A_181 = arith.cmpi slt, %add3A_176, %sign3A_180 : i32
            %sign3A_182 = arith.extui %sign3A_181 : i1 to i32
            %sign3A_183 = arith.subi %sign3A_179, %sign3A_182 : i32
            %sign3A_184 = arith.constant 0 : i32
            %sign3A_185 = arith.cmpi sgt, %jit3A_177, %sign3A_184 : i32
            %sign3A_186 = arith.extui %sign3A_185 : i1 to i32
            %sign3A_187 = arith.constant 0 : i32
            %sign3A_188 = arith.cmpi slt, %jit3A_177, %sign3A_187 : i32
            %sign3A_189 = arith.extui %sign3A_188 : i1 to i32
            %sign3A_190 = arith.subi %sign3A_186, %sign3A_189 : i32
            %ne3A_191 = arith.cmpi ne, %sign3A_183, %sign3A_190 : i32
            %rem3A_192 = arith.remsi %add3A_176, %jit3A_177 : i32
            %ne3A_193 = arith.constant 0 : i32
            %ne3A_194 = arith.cmpi ne, %rem3A_192, %ne3A_193 : i32
            %and3A_195 = arith.andi %ne3A_191, %ne3A_194 : i1
            %sub3A = arith.constant 1 : i32
            %sub3A_196 = arith.subi %div3A, %sub3A : i32
            %select_n3A_197 = arith.select %and3A_195, %sub3A_196, %div3A : i32
            %mul3A_198 = arith.constant 8 : i32
            %mul3A_199 = arith.muli %select_n3A_197, %mul3A_198 : i32
            %add3A_200 = arith.addi %mul3A_19, %mul3A_199 : i32
            "tpu.region"() ({
              %run_scoped3A = tpu.sem_alloc : memref<!tpu.dma_semaphore, #tpu.memory_space<semaphore_mem>>
              %dma_start3A_201 = arith.constant 0 : i32
              %dma_start3A_202 = tpu.memref_slice %arg5[%add3A_200, %dma_start3A_201] : memref<1256x128xi32, #tpu.memory_space<hbm>> -> memref<8x128xi32, #tpu.memory_space<hbm>>
              %dma_start3A_203 = arith.constant 0 : i32
              %dma_start3A_204 = tpu.memref_slice %arg5[%add3A_200, %dma_start3A_203] : memref<1256x128xi32, #tpu.memory_space<hbm>> -> memref<8x128xi32, #tpu.memory_space<hbm>>
              tpu.enqueue_dma source(%dma_start3A_204 : memref<8x128xi32, #tpu.memory_space<hbm>>) target(%arg9 : memref<8x128xi32, #tpu.memory_space<vmem>>) target_semaphore(%run_scoped3A : memref<!tpu.dma_semaphore, #tpu.memory_space<semaphore_mem>>)
              %dma_wait3A_205 = arith.constant 0 : i32
              %dma_wait3A_206 = tpu.memref_slice %arg5[%add3A_200, %dma_wait3A_205] : memref<1256x128xi32, #tpu.memory_space<hbm>> -> memref<8x128xi32, #tpu.memory_space<hbm>>
              %dma_wait3A_207 = arith.constant 0 : i32
              %dma_wait3A_208 = tpu.memref_slice %arg5[%add3A_200, %dma_wait3A_207] : memref<1256x128xi32, #tpu.memory_space<hbm>> -> memref<8x128xi32, #tpu.memory_space<hbm>>
              tpu.wait_dma2 semaphore(%run_scoped3A : memref<!tpu.dma_semaphore, #tpu.memory_space<semaphore_mem>>) src(%dma_wait3A_208 : memref<8x128xi32, #tpu.memory_space<hbm>>) dst(%arg9 : memref<8x128xi32, #tpu.memory_space<vmem>>)
              tpu.yield
            }) : () -> ()
          } else {
          }
        } else {
        }
        %while3A_101 = arith.constant 0 : i32
        scf.yield %while3A_101 : i32
      }
    } else {
    }
    %barrier3A_33 = arith.constant 0 : index
    tpu.barrier barrier_id(%barrier3A_33)
    %eq3A_34 = arith.constant 0 : i32
    %eq3A_35 = arith.cmpi eq, %arg0, %eq3A_34 : i32
    %convert_element_type3A_36 = arith.extui %eq3A_35 : i1 to i32
    %cond3A_37 = arith.constant 0 : i32
    %cond3A_38 = arith.cmpi ne, %convert_element_type3A_36, %cond3A_37 : i32
    scf.if %cond3A_38 {
      %lt3A = arith.constant 15 : i32
      %lt3A_44 = arith.cmpi slt, %arg1, %lt3A : i32
      %convert_element_type3A_45 = arith.extui %lt3A_44 : i1 to i32
      %cond3A_46 = arith.constant 0 : i32
      %cond3A_47 = arith.cmpi ne, %convert_element_type3A_45, %cond3A_46 : i32
      scf.if %cond3A_47 {
        %mul3A_53 = arith.constant 624 : i32
        %mul3A_54 = arith.muli %arg1, %mul3A_53 : i32
        %mul3A_55 = arith.constant 624 : i32
        %mul3A_56 = arith.muli %arg1, %mul3A_55 : i32
        "tpu.region"() ({
          %run_scoped3A = tpu.sem_alloc : memref<!tpu.dma_semaphore, #tpu.memory_space<semaphore_mem>>
          %dma_start3A = arith.constant 0 : i32
          %dma_start3A_57 = tpu.memref_slice %arg6[%mul3A_56, %dma_start3A] : memref<10000x128xf32, #tpu.memory_space<hbm>> -> memref<624x128xf32, #tpu.memory_space<hbm>>
          %dma_start3A_58 = arith.constant 0 : i32
          %dma_start3A_59 = tpu.memref_slice %arg13[%mul3A_54, %dma_start3A_58] : memref<10008x128xf32, #tpu.memory_space<vmem_shared>> -> memref<624x128xf32, #tpu.memory_space<vmem_shared>>
          tpu.enqueue_dma source(%dma_start3A_59 : memref<624x128xf32, #tpu.memory_space<vmem_shared>>) target(%dma_start3A_57 : memref<624x128xf32, #tpu.memory_space<hbm>>) target_semaphore(%run_scoped3A : memref<!tpu.dma_semaphore, #tpu.memory_space<semaphore_mem>>)
          %dma_wait3A = arith.constant 0 : i32
          %dma_wait3A_60 = tpu.memref_slice %arg6[%mul3A_56, %dma_wait3A] : memref<10000x128xf32, #tpu.memory_space<hbm>> -> memref<624x128xf32, #tpu.memory_space<hbm>>
          %dma_wait3A_61 = arith.constant 0 : i32
          %dma_wait3A_62 = tpu.memref_slice %arg13[%mul3A_54, %dma_wait3A_61] : memref<10008x128xf32, #tpu.memory_space<vmem_shared>> -> memref<624x128xf32, #tpu.memory_space<vmem_shared>>
          tpu.wait_dma2 semaphore(%run_scoped3A : memref<!tpu.dma_semaphore, #tpu.memory_space<semaphore_mem>>) src(%dma_wait3A_62 : memref<624x128xf32, #tpu.memory_space<vmem_shared>>) dst(%dma_wait3A_60 : memref<624x128xf32, #tpu.memory_space<hbm>>)
          tpu.yield
        }) : () -> ()
      } else {
      }
      %eq3A_48 = arith.constant 15 : i32
      %eq3A_49 = arith.cmpi eq, %arg1, %eq3A_48 : i32
      %convert_element_type3A_50 = arith.extui %eq3A_49 : i1 to i32
      %cond3A_51 = arith.constant 0 : i32
      %cond3A_52 = arith.cmpi ne, %convert_element_type3A_50, %cond3A_51 : i32
      scf.if %cond3A_52 {
        "tpu.region"() ({
          %run_scoped3A = tpu.sem_alloc : memref<!tpu.dma_semaphore, #tpu.memory_space<semaphore_mem>>
          %dma_start3A = arith.constant 9360 : i32
          %dma_start3A_53 = arith.constant 0 : i32
          %dma_start3A_54 = tpu.memref_slice %arg6[%dma_start3A, %dma_start3A_53] : memref<10000x128xf32, #tpu.memory_space<hbm>> -> memref<640x128xf32, #tpu.memory_space<hbm>>
          %dma_start3A_55 = arith.constant 9360 : i32
          %dma_start3A_56 = arith.constant 0 : i32
          %dma_start3A_57 = tpu.memref_slice %arg13[%dma_start3A_55, %dma_start3A_56] : memref<10008x128xf32, #tpu.memory_space<vmem_shared>> -> memref<640x128xf32, #tpu.memory_space<vmem_shared>>
          tpu.enqueue_dma source(%dma_start3A_57 : memref<640x128xf32, #tpu.memory_space<vmem_shared>>) target(%dma_start3A_54 : memref<640x128xf32, #tpu.memory_space<hbm>>) target_semaphore(%run_scoped3A : memref<!tpu.dma_semaphore, #tpu.memory_space<semaphore_mem>>)
          %dma_wait3A = arith.constant 9360 : i32
          %dma_wait3A_58 = arith.constant 0 : i32
          %dma_wait3A_59 = tpu.memref_slice %arg6[%dma_wait3A, %dma_wait3A_58] : memref<10000x128xf32, #tpu.memory_space<hbm>> -> memref<640x128xf32, #tpu.memory_space<hbm>>
          %dma_wait3A_60 = arith.constant 9360 : i32
          %dma_wait3A_61 = arith.constant 0 : i32
          %dma_wait3A_62 = tpu.memref_slice %arg13[%dma_wait3A_60, %dma_wait3A_61] : memref<10008x128xf32, #tpu.memory_space<vmem_shared>> -> memref<640x128xf32, #tpu.memory_space<vmem_shared>>
          tpu.wait_dma2 semaphore(%run_scoped3A : memref<!tpu.dma_semaphore, #tpu.memory_space<semaphore_mem>>) src(%dma_wait3A_62 : memref<640x128xf32, #tpu.memory_space<vmem_shared>>) dst(%dma_wait3A_59 : memref<640x128xf32, #tpu.memory_space<hbm>>)
          tpu.yield
        }) : () -> ()
      } else {
      }
    } else {
    }
    %eq3A_39 = arith.constant 1 : i32
    %eq3A_40 = arith.cmpi eq, %arg0, %eq3A_39 : i32
    %convert_element_type3A_41 = arith.extui %eq3A_40 : i1 to i32
    %cond3A_42 = arith.constant 0 : i32
    %cond3A_43 = arith.cmpi ne, %convert_element_type3A_41, %cond3A_42 : i32
    scf.if %cond3A_43 {
      %lt3A = arith.constant 15 : i32
      %lt3A_44 = arith.cmpi slt, %arg1, %lt3A : i32
      %convert_element_type3A_45 = arith.extui %lt3A_44 : i1 to i32
      %cond3A_46 = arith.constant 0 : i32
      %cond3A_47 = arith.cmpi ne, %convert_element_type3A_45, %cond3A_46 : i32
      scf.if %cond3A_47 {
        %mul3A_53 = arith.constant 624 : i32
        %mul3A_54 = arith.muli %arg1, %mul3A_53 : i32
        %mul3A_55 = arith.constant 624 : i32
        %mul3A_56 = arith.muli %arg1, %mul3A_55 : i32
        "tpu.region"() ({
          %run_scoped3A = tpu.sem_alloc : memref<!tpu.dma_semaphore, #tpu.memory_space<semaphore_mem>>
          %dma_start3A = arith.constant 0 : i32
          %dma_start3A_57 = tpu.memref_slice %arg7[%mul3A_56, %dma_start3A] : memref<10000x128xf32, #tpu.memory_space<hbm>> -> memref<624x128xf32, #tpu.memory_space<hbm>>
          %dma_start3A_58 = arith.constant 0 : i32
          %dma_start3A_59 = tpu.memref_slice %arg13[%mul3A_54, %dma_start3A_58] : memref<10008x128xf32, #tpu.memory_space<vmem_shared>> -> memref<624x128xf32, #tpu.memory_space<vmem_shared>>
          tpu.enqueue_dma source(%dma_start3A_59 : memref<624x128xf32, #tpu.memory_space<vmem_shared>>) target(%dma_start3A_57 : memref<624x128xf32, #tpu.memory_space<hbm>>) target_semaphore(%run_scoped3A : memref<!tpu.dma_semaphore, #tpu.memory_space<semaphore_mem>>)
          %dma_wait3A = arith.constant 0 : i32
          %dma_wait3A_60 = tpu.memref_slice %arg7[%mul3A_56, %dma_wait3A] : memref<10000x128xf32, #tpu.memory_space<hbm>> -> memref<624x128xf32, #tpu.memory_space<hbm>>
          %dma_wait3A_61 = arith.constant 0 : i32
          %dma_wait3A_62 = tpu.memref_slice %arg13[%mul3A_54, %dma_wait3A_61] : memref<10008x128xf32, #tpu.memory_space<vmem_shared>> -> memref<624x128xf32, #tpu.memory_space<vmem_shared>>
          tpu.wait_dma2 semaphore(%run_scoped3A : memref<!tpu.dma_semaphore, #tpu.memory_space<semaphore_mem>>) src(%dma_wait3A_62 : memref<624x128xf32, #tpu.memory_space<vmem_shared>>) dst(%dma_wait3A_60 : memref<624x128xf32, #tpu.memory_space<hbm>>)
          tpu.yield
        }) : () -> ()
      } else {
      }
      %eq3A_48 = arith.constant 15 : i32
      %eq3A_49 = arith.cmpi eq, %arg1, %eq3A_48 : i32
      %convert_element_type3A_50 = arith.extui %eq3A_49 : i1 to i32
      %cond3A_51 = arith.constant 0 : i32
      %cond3A_52 = arith.cmpi ne, %convert_element_type3A_50, %cond3A_51 : i32
      scf.if %cond3A_52 {
        "tpu.region"() ({
          %run_scoped3A = tpu.sem_alloc : memref<!tpu.dma_semaphore, #tpu.memory_space<semaphore_mem>>
          %dma_start3A = arith.constant 9360 : i32
          %dma_start3A_53 = arith.constant 0 : i32
          %dma_start3A_54 = tpu.memref_slice %arg7[%dma_start3A, %dma_start3A_53] : memref<10000x128xf32, #tpu.memory_space<hbm>> -> memref<640x128xf32, #tpu.memory_space<hbm>>
          %dma_start3A_55 = arith.constant 9360 : i32
          %dma_start3A_56 = arith.constant 0 : i32
          %dma_start3A_57 = tpu.memref_slice %arg13[%dma_start3A_55, %dma_start3A_56] : memref<10008x128xf32, #tpu.memory_space<vmem_shared>> -> memref<640x128xf32, #tpu.memory_space<vmem_shared>>
          tpu.enqueue_dma source(%dma_start3A_57 : memref<640x128xf32, #tpu.memory_space<vmem_shared>>) target(%dma_start3A_54 : memref<640x128xf32, #tpu.memory_space<hbm>>) target_semaphore(%run_scoped3A : memref<!tpu.dma_semaphore, #tpu.memory_space<semaphore_mem>>)
          %dma_wait3A = arith.constant 9360 : i32
          %dma_wait3A_58 = arith.constant 0 : i32
          %dma_wait3A_59 = tpu.memref_slice %arg7[%dma_wait3A, %dma_wait3A_58] : memref<10000x128xf32, #tpu.memory_space<hbm>> -> memref<640x128xf32, #tpu.memory_space<hbm>>
          %dma_wait3A_60 = arith.constant 9360 : i32
          %dma_wait3A_61 = arith.constant 0 : i32
          %dma_wait3A_62 = tpu.memref_slice %arg13[%dma_wait3A_60, %dma_wait3A_61] : memref<10008x128xf32, #tpu.memory_space<vmem_shared>> -> memref<640x128xf32, #tpu.memory_space<vmem_shared>>
          tpu.wait_dma2 semaphore(%run_scoped3A : memref<!tpu.dma_semaphore, #tpu.memory_space<semaphore_mem>>) src(%dma_wait3A_62 : memref<640x128xf32, #tpu.memory_space<vmem_shared>>) dst(%dma_wait3A_59 : memref<640x128xf32, #tpu.memory_space<hbm>>)
          tpu.yield
        }) : () -> ()
      } else {
      }
    } else {
    }
    return
  }
}

module attributes {stable_mosaic.version = 14 : i64} {
  func.func @_mm1_body(%arg0: i32, %arg1: memref<1000x256xf32, #tpu.memory_space<vmem>>, %arg2: memref<256x256xf32, #tpu.memory_space<vmem>>, %arg3: memref<1000x128xf32, #tpu.memory_space<vmem>>, %arg4: memref<1000x128xf32, #tpu.memory_space<vmem>>, %arg5: memref<1000x128xf32, #tpu.memory_space<vmem>>, %arg6: memref<1000x128xf32, #tpu.memory_space<vmem>>, %arg7: memref<1000x16xf32, #tpu.memory_space<vmem>>) attributes {dimension_semantics = [#tpu.dimension_semantics<arbitrary>], iteration_bounds = array<i64: 10>, scalar_prefetch = 0 : i64, scratch_operands = 0 : i64, tpu.core_type = #tpu.core_type<tc>, window_params = [{transform_indices = @transform_0, window_bounds = array<i64: 1000, 256>}, {pipeline_mode = #tpu.pipeline_mode<synchronous>, transform_indices = @transform_1, window_bounds = array<i64: 256, 256>}, {transform_indices = @transform_2, window_bounds = array<i64: 1000, 128>}, {transform_indices = @transform_3, window_bounds = array<i64: 1000, 128>}, {transform_indices = @transform_4, window_bounds = array<i64: 1000, 128>}, {transform_indices = @transform_5, window_bounds = array<i64: 1000, 128>}, {transform_indices = @transform_6, window_bounds = array<i64: 1000, 16>}]} {
    %get3A = arith.constant 0 : index
    %get3A_0 = arith.constant 0 : index
    %get3A_1 = vector.load %arg3[%get3A, %get3A_0] : memref<1000x128xf32, #tpu.memory_space<vmem>>, vector<1000x1xf32>
    %get3A_2 = arith.constant 0 : index
    %get3A_3 = arith.constant 0 : index
    %get3A_4 = vector.load %arg4[%get3A_2, %get3A_3] : memref<1000x128xf32, #tpu.memory_space<vmem>>, vector<1000x1xf32>
    %add3A = arith.addf %get3A_1, %get3A_4 : vector<1000x1xf32>
    %add3A_5 = arith.constant 1.000000e+00 : f32
    %add3A_6 = vector.broadcast %add3A_5 : f32 to vector<1000x1xf32>
    %add3A_7 = arith.addf %add3A, %add3A_6 : vector<1000x1xf32>
    %rsqrt3A = math.rsqrt %add3A_7 : vector<1000x1xf32>
    %get3A_8 = arith.constant 0 : index
    %get3A_9 = arith.constant 0 : index
    %get3A_10 = vector.load %arg1[%get3A_8, %get3A_9] : memref<1000x256xf32, #tpu.memory_space<vmem>>, vector<1000x256xf32>
    %get3A_11 = arith.constant 0 : index
    %get3A_12 = arith.constant 0 : index
    %get3A_13 = vector.load %arg2[%get3A_11, %get3A_12] : memref<256x256xf32, #tpu.memory_space<vmem>>, vector<256x256xf32>
    %dot_general3A = arith.constant dense<0.000000e+00> : vector<1000x256xf32>
    %dot_general3A_14 = tpu.matmul %get3A_10, %get3A_13, %dot_general3A {dimension_numbers = #tpu.dot_dimension_numbers<[1], [0], [0], [1], [0, 0, 1, 1], [], []>, transpose_lhs_hint = false} : vector<1000x256xf32>, vector<256x256xf32>, vector<1000x256xf32> -> vector<1000x256xf32>
    %mul3A = vector.broadcast %rsqrt3A : vector<1000x1xf32> to vector<1000x256xf32>
    %mul3A_15 = arith.mulf %dot_general3A_14, %mul3A : vector<1000x256xf32>
    %slice3A = vector.extract_strided_slice %mul3A_15 {offsets = [0, 0], sizes = [1000, 128], strides = [1, 1]} : vector<1000x256xf32> to vector<1000x128xf32>
    %swap3A = arith.constant 0 : index
    %swap3A_16 = arith.constant 0 : index
    %swap3A_17 = vector.load %arg5[%swap3A, %swap3A_16] : memref<1000x128xf32, #tpu.memory_space<vmem>>, vector<1000x128xf32>
    tpu.vector_store %arg5[%swap3A, %swap3A_16], %slice3A {strides = array<i32>} : memref<1000x128xf32, #tpu.memory_space<vmem>>, vector<1000x128xf32>,
    %slice3A_18 = vector.extract_strided_slice %mul3A_15 {offsets = [0, 128], sizes = [1000, 128], strides = [1, 1]} : vector<1000x256xf32> to vector<1000x128xf32>
    %swap3A_19 = arith.constant 0 : index
    %swap3A_20 = arith.constant 0 : index
    %swap3A_21 = vector.load %arg6[%swap3A_19, %swap3A_20] : memref<1000x128xf32, #tpu.memory_space<vmem>>, vector<1000x128xf32>
    tpu.vector_store %arg6[%swap3A_19, %swap3A_20], %slice3A_18 {strides = array<i32>} : memref<1000x128xf32, #tpu.memory_space<vmem>>, vector<1000x128xf32>,
    %broadcast_in_dim3A = vector.shape_cast %rsqrt3A : vector<1000x1xf32> to vector<1000x1xf32>
    %broadcast_in_dim3A_22 = vector.broadcast %broadcast_in_dim3A : vector<1000x1xf32> to vector<1000x16xf32>
    %swap3A_23 = arith.constant 0 : index
    %swap3A_24 = arith.constant 0 : index
    %swap3A_25 = vector.load %arg7[%swap3A_23, %swap3A_24] : memref<1000x16xf32, #tpu.memory_space<vmem>>, vector<1000x16xf32>
    tpu.vector_store %arg7[%swap3A_23, %swap3A_24], %broadcast_in_dim3A_22 {strides = array<i32>} : memref<1000x16xf32, #tpu.memory_space<vmem>>, vector<1000x16xf32>,
    return
  }
  func.func @transform_0(%arg0: i32) -> (i32, i32) {
    %c0_i32 = arith.constant 0 : i32
    %c0_i32_0 = arith.constant 0 : i32
    return %arg0, %c0_i32 : i32, i32
  }
  func.func @transform_1(%arg0: i32) -> (i32, i32) {
    %c0_i32 = arith.constant 0 : i32
    %c0_i32_0 = arith.constant 0 : i32
    %c0_i32_1 = arith.constant 0 : i32
    return %c0_i32, %c0_i32_0 : i32, i32
  }
  func.func @transform_2(%arg0: i32) -> (i32, i32) {
    %c0_i32 = arith.constant 0 : i32
    %c0_i32_0 = arith.constant 0 : i32
    return %arg0, %c0_i32 : i32, i32
  }
  func.func @transform_3(%arg0: i32) -> (i32, i32) {
    %c0_i32 = arith.constant 0 : i32
    %c0_i32_0 = arith.constant 0 : i32
    return %arg0, %c0_i32 : i32, i32
  }
  func.func @transform_4(%arg0: i32) -> (i32, i32) {
    %c0_i32 = arith.constant 0 : i32
    %c0_i32_0 = arith.constant 0 : i32
    return %arg0, %c0_i32 : i32, i32
  }
  func.func @transform_5(%arg0: i32) -> (i32, i32) {
    %c0_i32 = arith.constant 0 : i32
    %c0_i32_0 = arith.constant 0 : i32
    return %arg0, %c0_i32 : i32, i32
  }
  func.func @transform_6(%arg0: i32) -> (i32, i32) {
    %c0_i32 = arith.constant 0 : i32
    %c0_i32_0 = arith.constant 0 : i32
    return %arg0, %c0_i32 : i32, i32
  }
}

module attributes {stable_mosaic.version = 14 : i64} {
  func.func @_cmb1_body(%arg0: i32, %arg1: memref<1000x256xf32, #tpu.memory_space<vmem>>, %arg2: memref<1000x128xf32, #tpu.memory_space<vmem>>, %arg3: memref<1000x128xf32, #tpu.memory_space<vmem>>, %arg4: memref<1000x128xf32, #tpu.memory_space<vmem>>, %arg5: memref<1000x128xf32, #tpu.memory_space<vmem>>, %arg6: memref<1000x16xf32, #tpu.memory_space<vmem>>, %arg7: memref<1x256xf32, #tpu.memory_space<vmem>>, %arg8: memref<256x256xf32, #tpu.memory_space<vmem>>, %arg9: memref<256x256xf32, #tpu.memory_space<vmem>>, %arg10: memref<1000x256xf32, #tpu.memory_space<vmem>>, %arg11: memref<1000x128xf32, #tpu.memory_space<vmem>>, %arg12: memref<1000x128xf32, #tpu.memory_space<vmem>>) attributes {dimension_semantics = [#tpu.dimension_semantics<arbitrary>], iteration_bounds = array<i64: 10>, scalar_prefetch = 0 : i64, scratch_operands = 0 : i64, tpu.core_type = #tpu.core_type<tc>, window_params = [{transform_indices = @transform_0, window_bounds = array<i64: 1000, 256>}, {transform_indices = @transform_1, window_bounds = array<i64: 1000, 128>}, {transform_indices = @transform_2, window_bounds = array<i64: 1000, 128>}, {transform_indices = @transform_3, window_bounds = array<i64: 1000, 128>}, {transform_indices = @transform_4, window_bounds = array<i64: 1000, 128>}, {transform_indices = @transform_5, window_bounds = array<i64: 1000, 16>}, {pipeline_mode = #tpu.pipeline_mode<synchronous>, transform_indices = @transform_6, window_bounds = array<i64: 1, 256>}, {pipeline_mode = #tpu.pipeline_mode<synchronous>, transform_indices = @transform_7, window_bounds = array<i64: 256, 256>}, {pipeline_mode = #tpu.pipeline_mode<synchronous>, transform_indices = @transform_8, window_bounds = array<i64: 256, 256>}, {transform_indices = @transform_9, window_bounds = array<i64: 1000, 256>}, {transform_indices = @transform_10, window_bounds = array<i64: 1000, 128>}, {transform_indices = @transform_11, window_bounds = array<i64: 1000, 128>}]} {
    %get3A = arith.constant 0 : index
    %get3A_0 = arith.constant 0 : index
    %get3A_1 = vector.load %arg6[%get3A, %get3A_0] : memref<1000x16xf32, #tpu.memory_space<vmem>>, vector<1000x1xf32>
    %get3A_2 = arith.constant 0 : index
    %get3A_3 = arith.constant 0 : index
    %get3A_4 = vector.load %arg2[%get3A_2, %get3A_3] : memref<1000x128xf32, #tpu.memory_space<vmem>>, vector<1000x128xf32>
    %get3A_5 = arith.constant 0 : index
    %get3A_6 = arith.constant 0 : index
    %get3A_7 = vector.load %arg4[%get3A_5, %get3A_6] : memref<1000x128xf32, #tpu.memory_space<vmem>>, vector<1000x128xf32>
    %add3A = arith.addf %get3A_4, %get3A_7 : vector<1000x128xf32>
    %get3A_8 = arith.constant 0 : index
    %get3A_9 = arith.constant 0 : index
    %get3A_10 = vector.load %arg3[%get3A_8, %get3A_9] : memref<1000x128xf32, #tpu.memory_space<vmem>>, vector<1000x128xf32>
    %get3A_11 = arith.constant 0 : index
    %get3A_12 = arith.constant 0 : index
    %get3A_13 = vector.load %arg5[%get3A_11, %get3A_12] : memref<1000x128xf32, #tpu.memory_space<vmem>>, vector<1000x128xf32>
    %add3A_14 = arith.addf %get3A_10, %get3A_13 : vector<1000x128xf32>
    %concatenate3A = tpu.concatenate %add3A, %add3A_14 in 1 : vector<1000x128xf32>, vector<1000x128xf32> -> vector<1000x256xf32>
    %mul3A = vector.broadcast %get3A_1 : vector<1000x1xf32> to vector<1000x256xf32>
    %mul3A_15 = arith.mulf %concatenate3A, %mul3A : vector<1000x256xf32>
    %get3A_16 = arith.constant 0 : index
    %get3A_17 = arith.constant 0 : index
    %get3A_18 = vector.load %arg1[%get3A_16, %get3A_17] : memref<1000x256xf32, #tpu.memory_space<vmem>>, vector<1000x256xf32>
    %get3A_19 = arith.constant 0 : index
    %get3A_20 = arith.constant 0 : index
    %get3A_21 = vector.load %arg8[%get3A_19, %get3A_20] : memref<256x256xf32, #tpu.memory_space<vmem>>, vector<256x256xf32>
    %dot_general3A = arith.constant dense<0.000000e+00> : vector<1000x256xf32>
    %dot_general3A_22 = tpu.matmul %get3A_18, %get3A_21, %dot_general3A {dimension_numbers = #tpu.dot_dimension_numbers<[1], [0], [0], [1], [0, 0, 1, 1], [], []>, transpose_lhs_hint = false} : vector<1000x256xf32>, vector<256x256xf32>, vector<1000x256xf32> -> vector<1000x256xf32>
    %add3A_23 = arith.addf %dot_general3A_22, %mul3A_15 : vector<1000x256xf32>
    %get3A_24 = arith.constant 0 : index
    %get3A_25 = arith.constant 0 : index
    %get3A_26 = vector.load %arg7[%get3A_24, %get3A_25] : memref<1x256xf32, #tpu.memory_space<vmem>>, vector<1x256xf32>
    %add3A_27 = vector.broadcast %get3A_26 : vector<1x256xf32> to vector<1000x256xf32>
    %add3A_28 = arith.addf %add3A_23, %add3A_27 : vector<1000x256xf32>
    %tanh3A = math.tanh %add3A_28 : vector<1000x256xf32>
    %get3A_29 = arith.constant 0 : index
    %get3A_30 = arith.constant 0 : index
    %get3A_31 = vector.load %arg1[%get3A_29, %get3A_30] : memref<1000x256xf32, #tpu.memory_space<vmem>>, vector<1000x256xf32>
    %mul3A_32 = arith.constant 1.000000e-01 : f32
    %mul3A_33 = vector.broadcast %mul3A_32 : f32 to vector<1000x256xf32>
    %mul3A_34 = arith.mulf %mul3A_33, %tanh3A : vector<1000x256xf32>
    %add3A_35 = arith.addf %get3A_31, %mul3A_34 : vector<1000x256xf32>
    %max3A = arith.constant 0.000000e+00 : f32
    %max3A_36 = vector.broadcast %max3A : f32 to vector<1000x256xf32>
    %max3A_37 = arith.maximumf %add3A_35, %max3A_36 : vector<1000x256xf32>
    %swap3A = arith.constant 0 : index
    %swap3A_38 = arith.constant 0 : index
    %swap3A_39 = vector.load %arg10[%swap3A, %swap3A_38] : memref<1000x256xf32, #tpu.memory_space<vmem>>, vector<1000x256xf32>
    tpu.vector_store %arg10[%swap3A, %swap3A_38], %max3A_37 {strides = array<i32>} : memref<1000x256xf32, #tpu.memory_space<vmem>>, vector<1000x256xf32>,
    %get3A_40 = arith.constant 0 : index
    %get3A_41 = arith.constant 0 : index
    %get3A_42 = vector.load %arg9[%get3A_40, %get3A_41] : memref<256x256xf32, #tpu.memory_space<vmem>>, vector<256x256xf32>
    %dot_general3A_43 = arith.constant dense<0.000000e+00> : vector<1000x256xf32>
    %dot_general3A_44 = tpu.matmul %max3A_37, %get3A_42, %dot_general3A_43 {dimension_numbers = #tpu.dot_dimension_numbers<[1], [0], [0], [1], [0, 0, 1, 1], [], []>, transpose_lhs_hint = false} : vector<1000x256xf32>, vector<256x256xf32>, vector<1000x256xf32> -> vector<1000x256xf32>
    %mul3A_45 = vector.broadcast %get3A_1 : vector<1000x1xf32> to vector<1000x256xf32>
    %mul3A_46 = arith.mulf %dot_general3A_44, %mul3A_45 : vector<1000x256xf32>
    %slice3A = vector.extract_strided_slice %mul3A_46 {offsets = [0, 0], sizes = [1000, 128], strides = [1, 1]} : vector<1000x256xf32> to vector<1000x128xf32>
    %swap3A_47 = arith.constant 0 : index
    %swap3A_48 = arith.constant 0 : index
    %swap3A_49 = vector.load %arg11[%swap3A_47, %swap3A_48] : memref<1000x128xf32, #tpu.memory_space<vmem>>, vector<1000x128xf32>
    tpu.vector_store %arg11[%swap3A_47, %swap3A_48], %slice3A {strides = array<i32>} : memref<1000x128xf32, #tpu.memory_space<vmem>>, vector<1000x128xf32>,
    %slice3A_50 = vector.extract_strided_slice %mul3A_46 {offsets = [0, 128], sizes = [1000, 128], strides = [1, 1]} : vector<1000x256xf32> to vector<1000x128xf32>
    %swap3A_51 = arith.constant 0 : index
    %swap3A_52 = arith.constant 0 : index
    %swap3A_53 = vector.load %arg12[%swap3A_51, %swap3A_52] : memref<1000x128xf32, #tpu.memory_space<vmem>>, vector<1000x128xf32>
    tpu.vector_store %arg12[%swap3A_51, %swap3A_52], %slice3A_50 {strides = array<i32>} : memref<1000x128xf32, #tpu.memory_space<vmem>>, vector<1000x128xf32>,
    return
  }
  func.func @transform_0(%arg0: i32) -> (i32, i32) {
    %c0_i32 = arith.constant 0 : i32
    %c0_i32_0 = arith.constant 0 : i32
    return %arg0, %c0_i32 : i32, i32
  }
  func.func @transform_1(%arg0: i32) -> (i32, i32) {
    %c0_i32 = arith.constant 0 : i32
    %c0_i32_0 = arith.constant 0 : i32
    return %arg0, %c0_i32 : i32, i32
  }
  func.func @transform_2(%arg0: i32) -> (i32, i32) {
    %c0_i32 = arith.constant 0 : i32
    %c0_i32_0 = arith.constant 0 : i32
    return %arg0, %c0_i32 : i32, i32
  }
  func.func @transform_3(%arg0: i32) -> (i32, i32) {
    %c0_i32 = arith.constant 0 : i32
    %c0_i32_0 = arith.constant 0 : i32
    return %arg0, %c0_i32 : i32, i32
  }
  func.func @transform_4(%arg0: i32) -> (i32, i32) {
    %c0_i32 = arith.constant 0 : i32
    %c0_i32_0 = arith.constant 0 : i32
    return %arg0, %c0_i32 : i32, i32
  }
  func.func @transform_5(%arg0: i32) -> (i32, i32) {
    %c0_i32 = arith.constant 0 : i32
    %c0_i32_0 = arith.constant 0 : i32
    return %arg0, %c0_i32 : i32, i32
  }
  func.func @transform_6(%arg0: i32) -> (i32, i32) {
    %c0_i32 = arith.constant 0 : i32
    %c0_i32_0 = arith.constant 0 : i32
    %c0_i32_1 = arith.constant 0 : i32
    return %c0_i32, %c0_i32_0 : i32, i32
  }
  func.func @transform_7(%arg0: i32) -> (i32, i32) {
    %c0_i32 = arith.constant 0 : i32
    %c0_i32_0 = arith.constant 0 : i32
    %c0_i32_1 = arith.constant 0 : i32
    return %c0_i32, %c0_i32_0 : i32, i32
  }
  func.func @transform_8(%arg0: i32) -> (i32, i32) {
    %c0_i32 = arith.constant 0 : i32
    %c0_i32_0 = arith.constant 0 : i32
    %c0_i32_1 = arith.constant 0 : i32
    return %c0_i32, %c0_i32_0 : i32, i32
  }
  func.func @transform_9(%arg0: i32) -> (i32, i32) {
    %c0_i32 = arith.constant 0 : i32
    %c0_i32_0 = arith.constant 0 : i32
    return %arg0, %c0_i32 : i32, i32
  }
  func.func @transform_10(%arg0: i32) -> (i32, i32) {
    %c0_i32 = arith.constant 0 : i32
    %c0_i32_0 = arith.constant 0 : i32
    return %arg0, %c0_i32 : i32, i32
  }
  func.func @transform_11(%arg0: i32) -> (i32, i32) {
    %c0_i32 = arith.constant 0 : i32
    %c0_i32_0 = arith.constant 0 : i32
    return %arg0, %c0_i32 : i32, i32
  }
}

module attributes {stable_mosaic.version = 14 : i64} {
  func.func @_cmb2_body(%arg0: i32, %arg1: memref<1000x256xf32, #tpu.memory_space<vmem>>, %arg2: memref<1000x128xf32, #tpu.memory_space<vmem>>, %arg3: memref<1000x128xf32, #tpu.memory_space<vmem>>, %arg4: memref<1000x128xf32, #tpu.memory_space<vmem>>, %arg5: memref<1000x128xf32, #tpu.memory_space<vmem>>, %arg6: memref<1000x16xf32, #tpu.memory_space<vmem>>, %arg7: memref<1x256xf32, #tpu.memory_space<vmem>>, %arg8: memref<256x256xf32, #tpu.memory_space<vmem>>, %arg9: memref<256x2xf32, #tpu.memory_space<vmem>>, %arg10: memref<256x2xf32, #tpu.memory_space<vmem>>, %arg11: memref<1x2xf32, #tpu.memory_space<vmem>>, %arg12: memref<1000x4xf32, #tpu.memory_space<vmem>>) attributes {dimension_semantics = [#tpu.dimension_semantics<arbitrary>], iteration_bounds = array<i64: 10>, scalar_prefetch = 0 : i64, scratch_operands = 0 : i64, tpu.core_type = #tpu.core_type<tc>, window_params = [{transform_indices = @transform_0, window_bounds = array<i64: 1000, 256>}, {transform_indices = @transform_1, window_bounds = array<i64: 1000, 128>}, {transform_indices = @transform_2, window_bounds = array<i64: 1000, 128>}, {transform_indices = @transform_3, window_bounds = array<i64: 1000, 128>}, {transform_indices = @transform_4, window_bounds = array<i64: 1000, 128>}, {transform_indices = @transform_5, window_bounds = array<i64: 1000, 16>}, {pipeline_mode = #tpu.pipeline_mode<synchronous>, transform_indices = @transform_6, window_bounds = array<i64: 1, 256>}, {pipeline_mode = #tpu.pipeline_mode<synchronous>, transform_indices = @transform_7, window_bounds = array<i64: 256, 256>}, {pipeline_mode = #tpu.pipeline_mode<synchronous>, transform_indices = @transform_8, window_bounds = array<i64: 256, 2>}, {pipeline_mode = #tpu.pipeline_mode<synchronous>, transform_indices = @transform_9, window_bounds = array<i64: 256, 2>}, {pipeline_mode = #tpu.pipeline_mode<synchronous>, transform_indices = @transform_10, window_bounds = array<i64: 1, 2>}, {transform_indices = @transform_11, window_bounds = array<i64: 1000, 4>}]} {
    %get3A = arith.constant 0 : index
    %get3A_0 = arith.constant 0 : index
    %get3A_1 = vector.load %arg6[%get3A, %get3A_0] : memref<1000x16xf32, #tpu.memory_space<vmem>>, vector<1000x1xf32>
    %get3A_2 = arith.constant 0 : index
    %get3A_3 = arith.constant 0 : index
    %get3A_4 = vector.load %arg2[%get3A_2, %get3A_3] : memref<1000x128xf32, #tpu.memory_space<vmem>>, vector<1000x128xf32>
    %get3A_5 = arith.constant 0 : index
    %get3A_6 = arith.constant 0 : index
    %get3A_7 = vector.load %arg4[%get3A_5, %get3A_6] : memref<1000x128xf32, #tpu.memory_space<vmem>>, vector<1000x128xf32>
    %add3A = arith.addf %get3A_4, %get3A_7 : vector<1000x128xf32>
    %get3A_8 = arith.constant 0 : index
    %get3A_9 = arith.constant 0 : index
    %get3A_10 = vector.load %arg3[%get3A_8, %get3A_9] : memref<1000x128xf32, #tpu.memory_space<vmem>>, vector<1000x128xf32>
    %get3A_11 = arith.constant 0 : index
    %get3A_12 = arith.constant 0 : index
    %get3A_13 = vector.load %arg5[%get3A_11, %get3A_12] : memref<1000x128xf32, #tpu.memory_space<vmem>>, vector<1000x128xf32>
    %add3A_14 = arith.addf %get3A_10, %get3A_13 : vector<1000x128xf32>
    %concatenate3A = tpu.concatenate %add3A, %add3A_14 in 1 : vector<1000x128xf32>, vector<1000x128xf32> -> vector<1000x256xf32>
    %mul3A = vector.broadcast %get3A_1 : vector<1000x1xf32> to vector<1000x256xf32>
    %mul3A_15 = arith.mulf %concatenate3A, %mul3A : vector<1000x256xf32>
    %get3A_16 = arith.constant 0 : index
    %get3A_17 = arith.constant 0 : index
    %get3A_18 = vector.load %arg1[%get3A_16, %get3A_17] : memref<1000x256xf32, #tpu.memory_space<vmem>>, vector<1000x256xf32>
    %get3A_19 = arith.constant 0 : index
    %get3A_20 = arith.constant 0 : index
    %get3A_21 = vector.load %arg8[%get3A_19, %get3A_20] : memref<256x256xf32, #tpu.memory_space<vmem>>, vector<256x256xf32>
    %dot_general3A = arith.constant dense<0.000000e+00> : vector<1000x256xf32>
    %dot_general3A_22 = tpu.matmul %get3A_18, %get3A_21, %dot_general3A {dimension_numbers = #tpu.dot_dimension_numbers<[1], [0], [0], [1], [0, 0, 1, 1], [], []>, transpose_lhs_hint = false} : vector<1000x256xf32>, vector<256x256xf32>, vector<1000x256xf32> -> vector<1000x256xf32>
    %get3A_23 = arith.constant 0 : index
    %get3A_24 = arith.constant 0 : index
    %get3A_25 = vector.load %arg1[%get3A_23, %get3A_24] : memref<1000x256xf32, #tpu.memory_space<vmem>>, vector<1000x256xf32>
    %add3A_26 = arith.addf %dot_general3A_22, %mul3A_15 : vector<1000x256xf32>
    %get3A_27 = arith.constant 0 : index
    %get3A_28 = arith.constant 0 : index
    %get3A_29 = vector.load %arg7[%get3A_27, %get3A_28] : memref<1x256xf32, #tpu.memory_space<vmem>>, vector<1x256xf32>
    %add3A_30 = vector.broadcast %get3A_29 : vector<1x256xf32> to vector<1000x256xf32>
    %add3A_31 = arith.addf %add3A_26, %add3A_30 : vector<1000x256xf32>
    %tanh3A = math.tanh %add3A_31 : vector<1000x256xf32>
    %mul3A_32 = arith.constant 1.000000e-01 : f32
    %mul3A_33 = vector.broadcast %mul3A_32 : f32 to vector<1000x256xf32>
    %mul3A_34 = arith.mulf %mul3A_33, %tanh3A : vector<1000x256xf32>
    %add3A_35 = arith.addf %get3A_25, %mul3A_34 : vector<1000x256xf32>
    %get3A_36 = arith.constant 0 : index
    %get3A_37 = arith.constant 0 : index
    %get3A_38 = vector.load %arg9[%get3A_36, %get3A_37] : memref<256x2xf32, #tpu.memory_space<vmem>>, vector<256x2xf32>
    %dot_general3A_39 = arith.constant dense<0.000000e+00> : vector<1000x2xf32>
    %dot_general3A_40 = tpu.matmul %add3A_35, %get3A_38, %dot_general3A_39 {dimension_numbers = #tpu.dot_dimension_numbers<[1], [0], [0], [1], [0, 0, 1, 1], [], []>, transpose_lhs_hint = false} : vector<1000x256xf32>, vector<256x2xf32>, vector<1000x2xf32> -> vector<1000x2xf32>
    %get3A_41 = arith.constant 0 : index
    %get3A_42 = arith.constant 0 : index
    %get3A_43 = vector.load %arg11[%get3A_41, %get3A_42] : memref<1x2xf32, #tpu.memory_space<vmem>>, vector<1x2xf32>
    %add3A_44 = vector.broadcast %get3A_43 : vector<1x2xf32> to vector<1000x2xf32>
    %add3A_45 = arith.addf %dot_general3A_40, %add3A_44 : vector<1000x2xf32>
    %get3A_46 = arith.constant 0 : index
    %get3A_47 = arith.constant 0 : index
    %get3A_48 = vector.load %arg10[%get3A_46, %get3A_47] : memref<256x2xf32, #tpu.memory_space<vmem>>, vector<256x2xf32>
    %dot_general3A_49 = arith.constant dense<0.000000e+00> : vector<1000x2xf32>
    %dot_general3A_50 = tpu.matmul %add3A_35, %get3A_48, %dot_general3A_49 {dimension_numbers = #tpu.dot_dimension_numbers<[1], [0], [0], [1], [0, 0, 1, 1], [], []>, transpose_lhs_hint = false} : vector<1000x256xf32>, vector<256x2xf32>, vector<1000x2xf32> -> vector<1000x2xf32>
    %concatenate3A_51 = tpu.concatenate %add3A_45, %dot_general3A_50 in 1 : vector<1000x2xf32>, vector<1000x2xf32> -> vector<1000x4xf32>
    %swap3A = arith.constant 0 : index
    %swap3A_52 = arith.constant 0 : index
    %swap3A_53 = vector.load %arg12[%swap3A, %swap3A_52] : memref<1000x4xf32, #tpu.memory_space<vmem>>, vector<1000x4xf32>
    tpu.vector_store %arg12[%swap3A, %swap3A_52], %concatenate3A_51 {strides = array<i32>} : memref<1000x4xf32, #tpu.memory_space<vmem>>, vector<1000x4xf32>,
    return
  }
  func.func @transform_0(%arg0: i32) -> (i32, i32) {
    %c0_i32 = arith.constant 0 : i32
    %c0_i32_0 = arith.constant 0 : i32
    return %arg0, %c0_i32 : i32, i32
  }
  func.func @transform_1(%arg0: i32) -> (i32, i32) {
    %c0_i32 = arith.constant 0 : i32
    %c0_i32_0 = arith.constant 0 : i32
    return %arg0, %c0_i32 : i32, i32
  }
  func.func @transform_2(%arg0: i32) -> (i32, i32) {
    %c0_i32 = arith.constant 0 : i32
    %c0_i32_0 = arith.constant 0 : i32
    return %arg0, %c0_i32 : i32, i32
  }
  func.func @transform_3(%arg0: i32) -> (i32, i32) {
    %c0_i32 = arith.constant 0 : i32
    %c0_i32_0 = arith.constant 0 : i32
    return %arg0, %c0_i32 : i32, i32
  }
  func.func @transform_4(%arg0: i32) -> (i32, i32) {
    %c0_i32 = arith.constant 0 : i32
    %c0_i32_0 = arith.constant 0 : i32
    return %arg0, %c0_i32 : i32, i32
  }
  func.func @transform_5(%arg0: i32) -> (i32, i32) {
    %c0_i32 = arith.constant 0 : i32
    %c0_i32_0 = arith.constant 0 : i32
    return %arg0, %c0_i32 : i32, i32
  }
  func.func @transform_6(%arg0: i32) -> (i32, i32) {
    %c0_i32 = arith.constant 0 : i32
    %c0_i32_0 = arith.constant 0 : i32
    %c0_i32_1 = arith.constant 0 : i32
    return %c0_i32, %c0_i32_0 : i32, i32
  }
  func.func @transform_7(%arg0: i32) -> (i32, i32) {
    %c0_i32 = arith.constant 0 : i32
    %c0_i32_0 = arith.constant 0 : i32
    %c0_i32_1 = arith.constant 0 : i32
    return %c0_i32, %c0_i32_0 : i32, i32
  }
  func.func @transform_8(%arg0: i32) -> (i32, i32) {
    %c0_i32 = arith.constant 0 : i32
    %c0_i32_0 = arith.constant 0 : i32
    %c0_i32_1 = arith.constant 0 : i32
    return %c0_i32, %c0_i32_0 : i32, i32
  }
  func.func @transform_9(%arg0: i32) -> (i32, i32) {
    %c0_i32 = arith.constant 0 : i32
    %c0_i32_0 = arith.constant 0 : i32
    %c0_i32_1 = arith.constant 0 : i32
    return %c0_i32, %c0_i32_0 : i32, i32
  }
  func.func @transform_10(%arg0: i32) -> (i32, i32) {
    %c0_i32 = arith.constant 0 : i32
    %c0_i32_0 = arith.constant 0 : i32
    %c0_i32_1 = arith.constant 0 : i32
    return %c0_i32, %c0_i32_0 : i32, i32
  }
  func.func @transform_11(%arg0: i32) -> (i32, i32) {
    %c0_i32 = arith.constant 0 : i32
    %c0_i32_0 = arith.constant 0 : i32
    return %arg0, %c0_i32 : i32, i32
  }
}

</mosaic_0001>

<sc_bundles>
// kernel: kernel.12.cloned.1.call-start
scs
__scs_entry_jumppad:
0x0: {  	(pc) =	sbr.rel $0x88, $3  }
0x1: {  	(tag) =	ssettag $0x0;
	lr =	simm.s32 $0x1  }
0x2: {  	[smem:$0x3F97] =	sst lr;
	_ =	strace $0xD0000000  }
0x3: {  	_ = 	snop  }
0x4: {  	_ = 	snop  }
0x5: {  	_ = 	snop  }
0x6: {  	_ = 	snop  }
0x7: {  	_ = 	snop  }
__scs_overlays_trampoline_lowered:
0x8: {  	[smem:$0x3FA6] =	sst s0  }
0x9: {  	[smem:$0x3FA7] =	sst s1  }
0xa: {  	[smem:$0x3FA8] =	sst s2  }
0xb: {  	[smem:$0x3FA9] =	sst s3  }
0xc: {  	[smem:$0x3FAA] =	sst s4  }
0xd: {  	[smem:$0x3FAB] =	sst s5  }
0xe: {  	[smem:$0x3FAC] =	sst s6  }
0xf: {  	[smem:$0x3FAD] =	sst s7  }
0x10: {  	[smem:$0x3FAE] =	sst s8  }
0x11: {  	[smem:$0x3FAF] =	sst s9;
	s0 =	simm.s32 @!p0 $0x0  }
0x12: {  	s1 =	sld [smem:$0x3F95];
	s0 =	simm.s32 @p0 $0x1  }
0x13: {  	[smem:$0x3FB0] =	sst s0;
	s0 =	simm.s32 @!p1 $0x0  }
0x14: {  	s2 =	sld [smem:$0x3F94];
	s0 =	simm.s32 @p1 $0x1  }
0x15: {  	[smem:$0x3FB1] =	sst s0;
	s0 =	simm.s32 @!p2 $0x0  }
0x16: {  	s3 =	sld [smem:$0x3FDB];
	s0 =	simm.s32 @p2 $0x1  }
0x17: {  	s4 =	simm.s32 $0x1BF5;
	[smem:$0x3FB3] =	sst s0  }
0x18: {  	s0 =	sld [smem:$0x3F96];
	_ =	swait.ge [sflag:s4], $0x0  }
0x19: {  	s7 =	sld [smem:$0x3F97]  }
0x1a: {  	s8 =	sadd.s32 $0xFFFFE003, lr  }
0x1b: {  	s9 =	sadd.s32 $0xFFFFFEF7, lr;
	s5 =	simm.s32 $0xFFFFFFFF;
	p2 =	slt.u32 s8, $0xFFFFF086  }
0x1c: {  	p1 =	slt.u32 s9, $0xF7A;
	s5 =	simm.s32 @!p2 $0x0  }
0x1d: {  	s5 =	simm.s32 @p1 $0x1;
	p0 =	seq.s32 s7, s2  }
0x1e: {  	s7 =	smul.u32 @!p0 $0xF7A, s2;
	p2 =	seq.s32 @!p0 s5, $0x0  }
0x1f: {  	s9 =	smul.u32 $0xF7A, s1;
	s8 =	simm.s32 @!p0 $0x1BF5;
	p2 =	por !p2, p0  }
0x20: {  	[sflag:s8] =	ssyncset.s32 @!p0 $0xFFFFF086;
	s6 =	sadd.s32 @!p0 s3, s7;
	s7 =	simm.s32 @!p0 $0x108  }
0x21: {  	s3 =	sadd.s32 s3, s9;
	s6 =	sadd.s32 @!p0 $0x88, s6;
	s7 =	simm.s32 @p2 $0x1082  }
0x22: {  	[simem:s7], [sflag:s8] =	dma.local @!p0 [hbm:s6], $0xF7A  }
0x23: {  	s9 =	sor.u32 $0xD0000000, s2;
	s6 =	simm.s32 $0x108;
	_ =	swait.ge @!p0 [sflag:s8], $0x0  }
0x24: {  	s3 =	sadd.s32 $0x88, s3;
	s6 =	simm.s32 @!p1 $0x1082;
	[sflag:s4] =	ssyncset.s32 $0xFFFFF086  }
0x25: {  	[simem:s6], [sflag:s4] =	dma.local [hbm:s3], $0xF7A  }
0x26: {  	[smem:$0x3F97] =	sst s1;
	(tag) =	ssettag s2;
	_ =	strace s9  }
0x27: {  	s1 =	sld [smem:$0x3FA7]  }
0x28: {  	s2 =	sld [smem:$0x3FA8]  }
0x29: {  	s4 =	sld [smem:$0x3FAA]  }
0x2a: {  	p0 =	seq.s32 s5, $0x0;
	s5 =	sld [smem:$0x3FAB]  }
0x2b: {  	s6 =	sld [smem:$0x3FAC]  }
0x2c: {  	s7 =	sld [smem:$0x3FAD]  }
0x2d: {  	s3 =	simm.s32 $0x108;
	s8 =	sld [smem:$0x3FAE]  }
0x2e: {  	s3 =	simm.s32 @!p0 $0x1082;
	s9 =	sld [smem:$0x3FAF]  }
0x2f: {  	lr =	sadd.s32 s0, s3;
	s0 =	sld [smem:$0x3FA6]  }
0x30: {  	s3 =	sld [smem:$0x3FA9]  }
0x31: {  	[smem:$0x3FB2] =	sst s10  }
0x32: {  	s10 =	sld [smem:$0x3FB0];
	_ =	sdelay $0x3  }
0x33: {  	p0 =	seq.s32 s10, $0x1;
	s10 =	sld [smem:$0x3FB2];
	_ =	sdelay $0x3  }
0x34: {  	[smem:$0x3FB2] =	sst s10  }
0x35: {  	s10 =	sld [smem:$0x3FB1];
	_ =	sdelay $0x3  }
0x36: {  	p1 =	seq.s32 s10, $0x1;
	s10 =	sld [smem:$0x3FB2];
	_ =	sdelay $0x3  }
0x37: {  	[smem:$0x3FB2] =	sst s10  }
0x38: {  	s10 =	sld [smem:$0x3FB3]  }
0x39: {  	_ = 	snop;
	(pc) =	sbr.ind lr, $3  }
0x3a: {  	_ = 	snop  }
0x3b: {  	_ = 	snop  }
0x3c: {  	p2 =	seq.s32 s10, $0x1;
	s10 =	sld [smem:$0x3FB2]  }
0x3d: {  	_ =	shalt  }
0x3e: {  	_ =	shalt  }
0x3f: {  	_ =	shalt  }
0x40: {  	_ =	shalt  }
0x41: {  	_ =	shalt  }
0x42: {  	_ =	shalt  }
0x43: {  	_ =	shalt  }
0x44: {  	_ =	shalt  }
0x45: {  	_ =	shalt  }
0x46: {  	_ =	shalt  }
0x47: {  	_ =	shalt  }
0x48: {  	_ =	shalt  }
0x49: {  	_ =	shalt  }
0x4a: {  	_ =	shalt  }
0x4b: {  	_ =	shalt  }
0x4c: {  	_ =	shalt  }
0x4d: {  	_ =	shalt  }
0x4e: {  	_ =	shalt  }
0x4f: {  	_ =	shalt  }
0x50: {  	_ =	shalt  }
0x51: {  	_ =	shalt  }
0x52: {  	_ =	shalt  }
0x53: {  	_ =	shalt  }
0x54: {  	_ =	shalt  }
0x55: {  	_ =	shalt  }
0x56: {  	_ =	shalt  }
0x57: {  	_ =	shalt  }
0x58: {  	_ =	shalt  }
0x59: {  	_ =	shalt  }
0x5a: {  	_ =	shalt  }
0x5b: {  	_ =	shalt  }
0x5c: {  	_ =	shalt  }
0x5d: {  	_ =	shalt  }
0x5e: {  	_ =	shalt  }
0x5f: {  	_ =	shalt  }
0x60: {  	_ =	shalt  }
0x61: {  	_ =	shalt  }
0x62: {  	_ =	shalt  }
0x63: {  	_ =	shalt  }
0x64: {  	_ =	shalt  }
0x65: {  	_ =	shalt  }
0x66: {  	_ =	shalt  }
0x67: {  	_ =	shalt  }
0x68: {  	_ =	shalt  }
0x69: {  	_ =	shalt  }
0x6a: {  	_ =	shalt  }
0x6b: {  	_ =	shalt  }
0x6c: {  	_ =	shalt  }
0x6d: {  	_ =	shalt  }
0x6e: {  	_ =	shalt  }
0x6f: {  	_ =	shalt  }
0x70: {  	_ =	shalt  }
0x71: {  	_ =	shalt  }
0x72: {  	_ =	shalt  }
0x73: {  	_ =	shalt  }
0x74: {  	_ =	shalt  }
0x75: {  	_ =	shalt  }
0x76: {  	_ =	shalt  }
0x77: {  	_ =	shalt  }
0x78: {  	_ =	shalt  }
0x79: {  	_ =	shalt  }
0x7a: {  	_ =	shalt  }
0x7b: {  	_ =	shalt  }
0x7c: {  	_ =	shalt  }
0x7d: {  	_ =	shalt  }
0x7e: {  	_ =	shalt  }
0x7f: {  	_ =	shalt  }
0x80: {  	_ =	shalt  }
0x81: {  	_ =	shalt  }
0x82: {  	_ =	shalt  }
0x83: {  	_ =	shalt  }
0x84: {  	_ =	shalt  }
0x85: {  	_ =	shalt  }
0x86: {  	_ =	shalt  }
0x87: {  	_ =	shalt  }
.Lfunc_end0:
.L_simem_size_0:
called_computation.1_lowered:
.L_overlay_start_0:
0x88: {  	s2 =	sld [smem:$0x3FD9]  }
0x89: {  	s3 =	sld [smem:$0x3FFE];
	_ =	sdelay $0x1  }
0x8a: {  	s1 =	srdreg.scid  }
0x8b: {  	s0 =	sand.u32 $0x1, s1  }
0x8c: {  	s17 =	sshll.u32 s0, $0xA;
	s2 =	sadd.s32 s3, s2  }
0x8d: {  	s2 =	sadd.s32 s2, s17  }
0x8e: {  	[smem:$0x3FBE] =	sst s2  }
0x8f: {  	_ = 	snop  }
0x90: {  	s2 =	sld [smem:$0x3FD0];
	(tm) =	ssettm $0x1  }
0x91: {  	s18 =	sld [smem:$0x3FFB];
	_ =	sdelay $0x3  }
0x92: {  	_ =	strace s18  }
0x93: {  	s3 =	sld [smem:$0x3FFC];
	_ =	sdelay $0x3  }
0x94: {  	_ =	strace s3  }
0x95: {  	s3 =	sld [smem:$0x3FFD];
	_ =	sdelay $0x3  }
0x96: {  	_ =	strace s3  }
0x97: {  	_ =	strace $0x8FFFFFFF  }
0x98: {  	s19 =	sld [smem:$0x3FDB];
	_ =	sdelay $0x1  }
0x99: {  	s4 =	simm.s32 $_scs_section_size  }
0x9a: {  	s5 =	simm.s32 $_size__tile_overlayer_lowered;
	s6 =	simm.s32 $_tile_overlayer_lowered  }
0x9b: {  	s22 =	simm.s32 $0x1BFF;
	s21 =	sshll.u32 s6, $0x1;
	s3 =	sadd.s32 s4, s19  }
0x9c: {  	s7 =	simm.s32 $0x0;
	s20 =	sshll.u32 s5, $0x1;
	s5 =	sadd.s32 s21, s3  }
0x9d: {  	[timem:s7], [sflag:s22] =	dma.local [hbm:s5], s20  }
0x9e: {  	_ =	swait.ge [sflag:s22], s20  }
0x9f: {  	s4 =	ssub.s32 $0x0, s20;
	[sflag:s22] =	ssyncset.done $0x0  }
0xa0: {  	[sflag:s22] =	ssyncadd.s32 s4;
	_ =	sdelay $0x1  }
0xa1: {  	s23 =	simm.s32 $0x1B8B  }
0xa2: {  	_ =	swait.ge [sflag:s23], $0x1  }
0xa3: {  	[sflag:s23] =	ssyncset.done $0x0  }
0xa4: {  	s25 =	simm.s32 $0x1B8E;
	s24 =	sld [smem:$0x3FFE];
	[sflag:s23] =	ssyncadd.s32 $0xFFFFFFFF  }
0xa5: {  	s26 =	simm.s32 $execute0_lowered;
	[smem:$0x3FD2] =	sst s25  }
0xa6: {  	s5 =	sshll.u32 s26, $0x1;
	_ =	strace $0x80000049;
	[dreg:$0x1] =	wrdreg $0xFFFFFFFF  }
0xa7: {  	s28 =	simm.s32 $_size_execute0_lowered;
	s3 =	sadd.s32 s3, s5;
	[dreg:$0x0] =	wrdreg $0x0  }
0xa8: {  	s5 =	sshll.u32 s28, $0x1;
	[dreg:$0x2] =	wrdreg s3  }
0xa9: {  	[dreg:$0x3] =	wrdreg s5  }
0xaa: {  	[dreg:$0x4] =	wrdreg $0xC0  }
0xab: {  	_ =	task [dreg:s7], $0x5FFFF  }
0xac: {  	[dreg:$0x1] =	wrdreg $0xFFFFFFFF  }
0xad: {  	[dreg:$0x0] =	wrdreg $0x60  }
0xae: {  	[dreg:$0x2] =	wrdreg s24  }
0xaf: {  	[dreg:$0x3] =	wrdreg s2  }
0xb0: {  	[dreg:$0x4] =	wrdreg $0x90000  }
0xb1: {  	[dreg:$0x5] =	wrdreg $0x9  }
0xb2: {  	_ =	task.clear_ibuf [dreg:s7], $0x6FFFF;
	_ =	strace $0x90000049  }
0xb3: {  	s29 =	simm.s32 $0x9;
	_ =	strace $0x8000004B  }
0xb4: {  	_ =	swait.ge [sflag:s29], $0x1  }
0xb5: {  	[sflag:s29] =	ssyncadd.s32 $0xFFFFFFFF  }
0xb6: {  	_ =	strace $0x9000004B  }
0xb7: {  	_ =	sfence  }
0xb8: {  	s30 =	sld [smem:$0x0];
	_ =	sdelay $0x2  }
0xb9: {  	s31 =	sshll.u32 s1, $0xD;
	s1 =	sshrl.u32 s1, $0x2  }
0xba: {  	s3 =	sand.u32 $0x4000, s31;
	s1 =	sadd.s32 s1, s30  }
0xbb: {  	s0 =	sor.u32 s3, s0;
	s1 =	sshll.u32 s1, $0x11  }
0xbc: {  	s0 =	sor.u32 s1, s0  }
0xbd: {  	s0 =	sadd.s32 $0x8F2B, s0  }
0xbe: {  	[sflag:s0] =	ssyncadd.remote.s32 $0x1  }
0xbf: {  	_ =	sfence.sel $0xFFFF  }
0xc0: {  	[dreg:$0x0] =	wrdreg $0xFFFFFFFF;
	(pc) =	sbr.abs _section_cstart, $3  }
0xc1: {  	[dreg:$0x1] =	wrdreg $0xFFFFFFFF  }
0xc2: {  	_ =	task.clear_ibuf [dreg:s7], $0x2FFFF;
	_ =	strace $0x9FFFFFFF  }
0xc3: {  	(tm) =	ssettm $0x7FFFFFFF  }
tec
execute0_lowered:
.L_overlay_start_1:
0x0: {  	(tag) =	ssettag $0x1  }
0x1: {  	s0 =	rddreg [dreg:$0x0]  }
0x2: {  	s1 =	rddreg [dreg:$0x1]  }
0x3: {  	s2 =	rddreg [dreg:$0x2];
	s4 =	simm.s32 $0x0  }
0x4: {  	s3 =	stileid.u32;
	s6 =	srdreg.scid;
	s21 =	simm.s32 $0x8800  }
0x5: {  	s22 =	simm.s32 $0x3;
	s30 =	simm.s32 $0x4;
	s31 =	simm.s32 $0x0  }
0x6: {  	[smem:$0x7FF] =	sst s4;
	s5 =	sadd.s32 $0xE400, s0;
	s8 =	smul.u32 $0x2700, s3  }
0x7: {  	s14 =	sand.u32 $0x1, s6;
	s6 =	sadd.s32 $0x35600, s0;
	s10 =	smul.u32 $0x4E000, s3  }
0x8: {  	s7 =	sadd.s32 $0x5C800, s0;
	p0 =	seq.s32 s3, $0xF;
	s12 =	smul.u32 $0x500, s3  }
0x9: {  	s13 =	smul.u32 $0xA, s3;
	s15 =	sadd.s32 $0x124800, s2;
	s28 =	sadd.s32 $0xD4500, s0  }
0xa: {  	_ =	strace $0x8000004A;
	s9 =	ssub.s32 $0x2, s14;
	[dreg:$0x5] =	wrdreg s28  }
0xb: {  	p1 =	sne.s32 s14, $0x0;
	s17 =	sadd.s32 s8, s0;
	s25 =	sshrl.u32 s9, $0x1  }
0xc: {  	s8 =	simm.s32 $0x28;
	s10 =	sshrl.u32 s10, $0x2;
	s11 =	sadd.s32 s7, s12  }
.Ltmp0:
0xd: {  	s12 =	sadd.s32 s1, s12;
	s0 =	sadd.s32 $0xAD300, s0;
	(pc) =	sbr.rel .LBB2_1-.Ltmp0, $4  }
0xe: {  	s19 =	ssub.s32 s9, s25;
	s9 =	simm.s32 $0x38;
	s8 =	simm.s32 @!p0 $0x27  }
0xf: {  	s10 =	sadd.s32 s10, s2;
	s26 =	sadd.s32 $0xAFC00, s17;
	[dreg:$0x7] =	wrdreg s0  }
0x10: {  	s29 =	sadd.s32 $0x88A00, s17;
	s9 =	simm.s32 @!p0 $0x50;
	[dreg:$0x4] =	wrdreg s26  }
0x11: {  	v0 =	vimm.f32 $0.0e+00;
	[dreg:$0x6] =	wrdreg s29;
	s19 =	smax.u32 s19, $0x1;
	s20 =	sadd.s32 $0xFFFFFFFF, s9  }
.LBB2_11:
0x12: {  	s3 =	sand.u32 $0x1, s23  }
0x13: {  	p3 =	seq.s32 s3, $0x0  }
0x14: {  	[sflag:s14] =	ssyncadd.s32 @!p2 $0xFFFFC000;
	s3 =	sor.u32 @p3 $0x1, s23;
	s14 =	simm.s32 @p3 $0x1  }
0x15: {  	_ =	swait.ge @p3 [sflag:s14], $0x4000;
	p2 =	sge.u32 @p3 s3, s9  }
0x16: {  	[sflag:s14] =	ssyncset.done @p3 $0x0;
	p2 =	por p2, !p3  }
0x17: {  	[sflag:s14] =	ssyncadd.s32 @p3 $0xFFFFC000;
	s3 =	sshll.u32 @!p2 s3, $0x7  }
0x18: {  	s14 =	simm.s32 @!p2 $0x80;
	s16 =	simm.s32 @!p2 $0x4800;
	s3 =	sand.u32 @!p2 $0x380, s3  }
0x19: {  	[tilespmem:s16], [sflag:$0x2] =	stream.indirect.gather @!p2 [hbm4b:s6+s14], $0x80, s3, s14, $0xb8;
	[tilespmem:$0x1C8C0] =	vst v63  }
0x1a: {  	s3 =	sshll.u32 @p3 s23, $0x7  }
0x1b: {  	s3 =	sand.u32 @p3 $0x300, s3  }
0x1c: {  	s14 =	simm.s32 @p3 $0x80;
	s16 =	simm.s32 @p3 $0x800;
	s3 =	sor.u32 @p3 $0x400, s3  }
0x1d: {  	[spmem:s2] =	stream.indirect.scatter.add.f32 @p3 [tilespmem:s16], [sflag:$0x4], $0x80, s3, s14, $0xb8;
	[tilespmem:$0x1C8C0] =	vst v63  }
0x1e: {  	s3 =	sadd.s32 @!p3 $0x1, s23  }
0x1f: {  	s14 =	sand.u32 @!p3 $0x6, s3  }
0x20: {  	p4 =	slt.u32 @!p3 s3, s9;
	p2 =	seq.s32 @!p3 s14, $0x0  }
0x21: {  	p2 =	por @!p3 !p4, !p2  }
0x22: {  	s16 =	simm.s32 @p3 $0x4;
	p2 =	por @!p3 !p2, !p2  }
0x23: {  	_ =	swait.ge @p3 [sflag:s16], $0x4000;
	p2 =	por !p2, p3  }
0x24: {  	[sflag:s16] =	ssyncset.done @p3 $0x0;
	s17 =	sshrl.u32 @!p2 s3, $0x3  }
0x25: {  	[sflag:s16] =	ssyncadd.s32 @p3 $0xFFFFC000;
	s16 =	simm.s32 @!p3 $0x2;
	s17 =	sadd.s32 @!p2 s13, s17  }
0x26: {  	_ =	swait.ge @!p3 [sflag:s16], $0x4000;
	s17 =	sshll.u32 @!p2 s17, $0x7  }
0x27: {  	[sflag:s16] =	ssyncset.done @!p3 $0x0;
	s17 =	sand.u32 @!p2 $0x1FFFFF80, s17  }
0x28: {  	[sflag:s16] =	ssyncadd.s32 @!p3 $0xFFFFC000;
	s18 =	simm.s32 @!p2 $0x0;
	s16 =	sadd.s32 @!p2 s7, s17  }
0x29: {  	[tilespmem:s18], [sflag:$0x4] =	stream.linear.gather @!p2 [hbm4b:s16+s18], $0x400, $0x38;
	[tilespmem:$0x1C8C0] =	vst v63  }
0x2a: {  	p4 =	sge.u32 @!p3 s3, s9;
	s16 =	simm.s32 @!p2 $0x4  }
0x2b: {  	p4 =	por p4, p3;
	_ =	swait.ge @!p2 [sflag:s16], $0x400  }
0x2c: {  	s3 =	sshll.u32 @!p4 s14, $0x7;
	[sflag:s16] =	ssyncset.done @!p2 $0x0  }
0x2d: {  	s14 =	simm.s32 @!p4 $0x80;
	[sflag:s16] =	ssyncadd.s32 @!p2 $0xFFFFFC00;
	s16 =	simm.s32 @!p4 $0x800  }
0x2e: {  	[tilespmem:s16], [sflag:$0x1] =	stream.indirect.gather @!p4 [hbm4b:s6+s14], $0x80, s3, s14, $0xb8;
	[tilespmem:$0x1C8C0] =	vst v63  }
0x2f: {  	s3 =	sshll.u32 @!p3 s23, $0x7  }
0x30: {  	s3 =	sand.u32 @!p3 $0x380, s3  }
0x31: {  	s14 =	simm.s32 @!p3 $0x80;
	s16 =	simm.s32 @!p3 $0x4800;
	s3 =	sor.u32 @!p3 $0x400, s3  }
0x32: {  	[spmem:s2] =	stream.indirect.scatter.add.f32 @!p3 [tilespmem:s16], [sflag:$0x4], $0x80, s3, s14, $0xb8;
	[tilespmem:$0x1C8C0] =	vst v63  }
0x33: {  	s3 =	simm.s32 @!p3 $0x4  }
0x34: {  	_ =	swait.ge @!p3 [sflag:s3], $0x4000  }
0x35: {  	[sflag:s3] =	ssyncset.done @!p3 $0x0  }
0x36: {  	s14 =	simm.s32 @!p2 $0x400;
	[sflag:s3] =	ssyncadd.s32 @!p3 $0xFFFFC000;
	s3 =	sadd.s32 @!p2 s1, s17  }
0x37: {  	[tilespmem:s14], [sflag:$0x3] =	stream.linear.gather @!p2 [hbm4b:s3+s18], $0x400, $0x38;
	[tilespmem:$0x1C8C0] =	vst v63  }
0x38: {  	s3 =	simm.s32 @!p2 $0x3  }
0x39: {  	_ =	swait.ge @!p2 [sflag:s3], $0x400  }
0x3a: {  	[sflag:s3] =	ssyncset.done @!p2 $0x0  }
0x3b: {  	[sflag:s3] =	ssyncadd.s32 @!p2 $0xFFFFFC00  }
0x3c: {  	[bflag:$0x0] =	sbarrier.arrive $0xFFFF  }
0x3d: {  	s3 =	simm.s32 @p0 $0x1FC3;
	s14 =	rddreg [dreg:$0x5]  }
0x3e: {  	[hbm:s14], [sflag:s3] =	dma.local @p0 [spmem:s29], $0x2800  }
0x3f: {  	s3 =	simm.s32 @p0 $0x3  }
0x40: {  	_ =	swait.ge @p0 [sflag:s3], $0x2800  }
0x41: {  	[sflag:s3] =	ssyncset.done @p0 $0x0  }
0x42: {  	[sflag:s3] =	ssyncadd.s32 @p0 $0xFFFFD800;
	s3 =	rddreg [dreg:$0x4]  }
0x43: {  	[hbm:s3], [sflag:s28] =	dma.local @!p0 [spmem:s0], $0x2700  }
0x44: {  	s0 =	simm.s32 @!p0 $0x3  }
0x45: {  	_ =	swait.ge @!p0 [sflag:s0], $0x2700  }
0x46: {  	[sflag:s0] =	ssyncset.done @!p0 $0x0  }
0x47: {  	[sflag:s0] =	ssyncadd.s32 @!p0 $0xFFFFD900  }
.LBB2_12:
0x48: {  	s31 =	sadd.s32 $0x1, s31  }
0x49: {  	p2 =	sne.s32 s31, s19  }
.Ltmp1:
0x4a: {  	_ = 	snop;
	(pc) =	sbr.rel @!p2 .LBB2_13-.Ltmp1, $1  }
0x4b: {  	_ =	sdelay $0x3  }
.LBB2_1:
0x4c: {  	s0 =	sand.u32 $0x1E00, s4  }
0x4d: {  	s14 =	sand.u32 $0x70, s4;
	s23 =	sshrl.u32 s0, $0x2  }
0x4e: {  	s0 =	simm.s32 $0x40;
	s23 =	sor.u32 s14, s23;
	s14 =	simm.s32 $0x0  }
.LBB2_2:
0x4f: {  	p2 =	sne.s32 s0, $0x1FC0  }
0x50: {  	[tilespmem:s23+$0x8800] =	vst v0;
	s14 =	sadd.s32 $0x10, s14;
	s23 =	smov.u32 s0;
	s0 =	sadd.s32 $0x40, s0  }
.Ltmp2:
0x51: {  	(pc) =	sbr.rel @p2 .LBB2_2-.Ltmp2, $4  }
0x52: {  	_ = 	snop  }
0x53: {  	s23 =	sand.u32 $0x1E00, s23  }
0x54: {  	s25 =	sand.u32 $0x70, s14;
	s23 =	sshrl.u32 s23, $0x2  }
0x55: {  	s23 =	sor.u32 s25, s23  }
0x56: {  	p2 =	sne.s32 s8, $0x1  }
.Ltmp3:
0x57: {  	_ = 	snop;
	(pc) =	sbr.rel @!p2 .LBB2_5-.Ltmp3, $4  }
0x58: {  	[tilespmem:s23+$0x8800] =	vst v0  }
0x59: {  	[spmem:s10] =	stream.linear.scatter [tilespmem:s21], [sflag:$0x3], $0x800, $0x38;
	[tilespmem:$0x1C8C0] =	vst v63  }
0x5a: {  	_ =	swait.ge [sflag:s22], $0x800  }
0x5b: {  	s0 =	sadd.s32 $0xFFFFFFFF, s8;
	s14 =	smov.u32 s10;
	[sflag:s22] =	ssyncset.done $0x0  }
.LBB2_4:
0x5c: {  	p2 =	sne.s32 s0, $0x1;
	[sflag:s22] =	ssyncadd.s32 $0xFFFFF800;
	s14 =	sadd.s32 $0x800, s14  }
.Ltmp4:
0x5d: {  	s0 =	sadd.s32 $0xFFFFFFFF, s0;
	(pc) =	sbr.rel @p2 .LBB2_4-.Ltmp4, $4  }
0x5e: {  	_ = 	snop  }
0x5f: {  	[spmem:s14] =	stream.linear.scatter [tilespmem:s21], [sflag:$0x3], $0x800, $0x38;
	[tilespmem:$0x1C8C0] =	vst v63  }
0x60: {  	_ =	swait.ge [sflag:s22], $0x800  }
0x61: {  	[sflag:s22] =	ssyncset.done $0x0  }
.LBB2_5:
0x62: {  	[sflag:s22] =	ssyncadd.s32 $0xFFFFF800  }
0x63: {  	[bflag:$0x0] =	sbarrier.arrive $0xFFFF  }
0x64: {  	[tilespmem:s4], [sflag:$0x3] =	stream.linear.gather [hbm4b:s11+s4], $0x400, $0x38;
	[tilespmem:$0x1C8C0] =	vst v63  }
0x65: {  	_ =	swait.ge [sflag:s22], $0x400  }
0x66: {  	[sflag:s22] =	ssyncset.done $0x0  }
.Ltmp5:
0x67: {  	s0 =	simm.s32 $0x400;
	[sflag:s22] =	ssyncadd.s32 $0xFFFFFC00;
	(pc) =	sbr.rel @p1 .LBB2_9-.Ltmp5, $4  }
0x68: {  	[tilespmem:s0], [sflag:$0x3] =	stream.linear.gather [hbm4b:s12+s4], $0x400, $0x38;
	[tilespmem:$0x1C8C0] =	vst v63  }
0x69: {  	s0 =	stileid.u32;
	_ =	swait.ge [sflag:s22], $0x400  }
0x6a: {  	s29 =	sshrl.u32 @p0 s15, $0x3;
	s14 =	sshll.u32 @!p0 s0, $0x6;
	[sflag:s22] =	ssyncset.done $0x0  }
0x6b: {  	s0 =	sshrl.u32 @!p0 s10, $0x3;
	s28 =	sor.u32 @!p0 $0x1C03, s14;
	[sflag:s22] =	ssyncadd.s32 $0xFFFFFC00  }
0x6c: {  	s14 =	simm.s32 $0x0;
	s3 =	simm.s32 $0x80;
	s16 =	simm.s32 $0x800  }
0x6d: {  	[tilespmem:s16], [sflag:$0x1] =	stream.indirect.gather [hbm4b:s5+s3], $0x80, s14, s3, $0xb8;
	[tilespmem:$0x1C8C0] =	vst v63  }
0x6e: {  	s23 =	sand.u32 $0x1, s14  }
0x6f: {  	p2 =	seq.s32 s23, $0x1  }
0x70: {  	s25 =	simm.s32 @p2 $0x1  }
0x71: {  	s23 =	sand.u32 @p2 $0x6, s25  }
0x72: {  	p3 =	sne.s32 @p2 s23, $0x0  }
0x73: {  	s16 =	simm.s32 @p2 $0x2;
	p3 =	por p3, !p2  }
0x74: {  	_ =	swait.ge @p2 [sflag:s16], $0x4000;
	s17 =	sadd.s32 @!p3 $0x0, s13  }
0x75: {  	[sflag:s16] =	ssyncset.done @p2 $0x0;
	s17 =	sshll.u32 @!p3 s17, $0x7  }
0x76: {  	[sflag:s16] =	ssyncadd.s32 @p2 $0xFFFFC000;
	s17 =	sand.u32 @!p3 $0x1FFFFF80, s17  }
0x77: {  	s18 =	simm.s32 @!p3 $0x4;
	s3 =	simm.s32 @!p3 $0x0;
	s16 =	sadd.s32 @!p3 s7, s17  }
0x78: {  	[tilespmem:s3], [sflag:$0x4] =	stream.linear.gather @!p3 [hbm4b:s16+s3], $0x400, $0x38;
	[tilespmem:$0x1C8C0] =	vst v63  }
0x79: {  	s24 =	simm.s32 @p2 $0x800;
	_ =	swait.ge @!p3 [sflag:s18], $0x400  }
0x7a: {  	s23 =	sshll.u32 @p2 s23, $0x7;
	s16 =	simm.s32 @p2 $0x0;
	[sflag:s18] =	ssyncset.done @!p3 $0x0  }
0x7b: {  	s16 =	sand.u32 @p2 $0x380, s16;
	[sflag:s18] =	ssyncadd.s32 @!p3 $0xFFFFFC00;
	s18 =	simm.s32 @p2 $0x80  }
0x7c: {  	[tilespmem:s24], [sflag:$0x1] =	stream.indirect.gather @p2 [hbm4b:s5+s18], $0x80, s23, s18, $0xb8;
	[tilespmem:$0x1C8C0] =	vst v63  }
0x7d: {  	s16 =	sor.u32 @p2 $0x400, s16;
	s23 =	simm.s32 @p2 $0x4800;
	s24 =	simm.s32 @p2 $0x4  }
0x7e: {  	[spmem:s2] =	stream.indirect.scatter.add.f32 @p2 [tilespmem:s23], [sflag:$0x4], $0x80, s16, s18, $0xb8;
	[tilespmem:$0x1C8C0] =	vst v63  }
0x7f: {  	_ =	swait.ge @p2 [sflag:s24], $0x4000  }
0x80: {  	s16 =	sadd.s32 @!p3 s1, s17;
	[sflag:s24] =	ssyncset.done @p2 $0x0  }
0x81: {  	s17 =	simm.s32 @!p3 $0x400;
	s18 =	simm.s32 @!p3 $0x3;
	[sflag:s24] =	ssyncadd.s32 @p2 $0xFFFFC000  }
0x82: {  	[tilespmem:s17], [sflag:$0x3] =	stream.linear.gather @!p3 [hbm4b:s16+s3], $0x400, $0x38;
	[tilespmem:$0x1C8C0] =	vst v63  }
0x83: {  	_ =	swait.ge @!p3 [sflag:s18], $0x400  }
0x84: {  	s23 =	sor.u32 @!p2 $0x1, s14;
	[sflag:s18] =	ssyncset.done @!p3 $0x0  }
0x85: {  	s3 =	simm.s32 @!p2 $0x0;
	s16 =	simm.s32 @!p2 $0x1;
	[sflag:s18] =	ssyncadd.s32 @!p3 $0xFFFFFC00  }
0x86: {  	s23 =	smov.u32 @p2 s25;
	s3 =	sand.u32 @!p2 $0x300, s3;
	_ =	swait.ge @!p2 [sflag:s16], $0x4000  }
0x87: {  	s17 =	simm.s32 @!p2 $0x4800;
	s14 =	sor.u32 @!p2 $0x80, s3;
	[sflag:s16] =	ssyncset.done @!p2 $0x0  }
0x88: {  	p3 =	sne.s32 s23, s20;
	[sflag:s16] =	ssyncadd.s32 @!p2 $0xFFFFC000;
	s16 =	simm.s32 @!p2 $0x80  }
0x89: {  	[tilespmem:s17], [sflag:$0x2] =	stream.indirect.gather @!p2 [hbm4b:s5+s16], $0x80, s14, s16, $0xb8;
	[tilespmem:$0x1C8C0] =	vst v63  }
.Ltmp6:
0x8a: {  	_ = 	snop;
	(pc) =	sbr.rel @!p3 .LBB2_8-.Ltmp6, $4  }
0x8b: {  	s3 =	sor.u32 @!p2 $0x400, s3;
	s17 =	simm.s32 @!p2 $0x800;
	s14 =	simm.s32 @!p2 $0x4  }
0x8c: {  	[spmem:s2] =	stream.indirect.scatter.add.f32 @!p2 [tilespmem:s17], [sflag:$0x4], $0x80, s3, s16, $0xb8;
	[tilespmem:$0x1C8C0] =	vst v63  }
0x8d: {  	_ =	swait.ge @!p2 [sflag:s14], $0x4000  }
0x8e: {  	[sflag:s14] =	ssyncset.done @!p2 $0x0  }
.LBB2_7:
0x8f: {  	[sflag:s14] =	ssyncadd.s32 @!p2 $0xFFFFC000  }
0x90: {  	s3 =	sand.u32 $0x1, s23  }
0x91: {  	p2 =	seq.s32 s3, $0x1  }
0x92: {  	s3 =	sadd.s32 @p2 $0x1, s23;
	s14 =	simm.s32 @p2 $0x2;
	s16 =	sshll.u32 @p2 s23, $0x7  }
0x93: {  	s18 =	sshll.u32 @!p2 s23, $0x7;
	s17 =	sand.u32 @p2 $0x6, s3;
	s16 =	sand.u32 @p2 $0x380, s16  }
0x94: {  	p3 =	sne.s32 @p2 s17, $0x0;
	s17 =	sshll.u32 @p2 s17, $0x7;
	s16 =	sor.u32 @p2 $0x400, s16  }
0x95: {  	s23 =	sor.u32 @!p2 $0x1, s23;
	s18 =	sand.u32 @!p2 $0x300, s18;
	p4 =	por p3, !p2  }
0x96: {  	s26 =	sor.u32 @!p2 $0x80, s18;
	s25 =	sor.u32 @!p2 $0x400, s18;
	s24 =	sshrl.u32 @!p4 s3, $0x3  }
0x97: {  	s23 =	smov.u32 @p2 s3;
	s18 =	sadd.s32 @!p4 s13, s24  }
0x98: {  	p3 =	sne.s32 s23, s20;
	s3 =	sshll.u32 @!p4 s18, $0x7;
	_ =	swait.ge @p2 [sflag:s14], $0x4000  }
0x99: {  	s18 =	simm.s32 @!p4 $0x4;
	s3 =	sand.u32 @!p4 $0x1FFFFF80, s3;
	[sflag:s14] =	ssyncset.done @p2 $0x0  }
0x9a: {  	s24 =	simm.s32 @!p4 $0x0;
	[sflag:s14] =	ssyncadd.s32 @p2 $0xFFFFC000;
	s14 =	sadd.s32 @!p4 s7, s3  }
0x9b: {  	[tilespmem:s24], [sflag:$0x4] =	stream.linear.gather @!p4 [hbm4b:s14+s24], $0x400, $0x38;
	[tilespmem:$0x1C8C0] =	vst v63  }
0x9c: {  	s3 =	sadd.s32 @!p4 s1, s3;
	_ =	swait.ge @!p4 [sflag:s18], $0x400  }
0x9d: {  	[sflag:s18] =	ssyncset.done @!p4 $0x0  }
0x9e: {  	s14 =	simm.s32 @p2 $0x80;
	[sflag:s18] =	ssyncadd.s32 @!p4 $0xFFFFFC00;
	s18 =	simm.s32 @p2 $0x800  }
0x9f: {  	[tilespmem:s18], [sflag:$0x1] =	stream.indirect.gather @p2 [hbm4b:s5+s14], $0x80, s17, s14, $0xb8;
	[tilespmem:$0x1C8C0] =	vst v63  }
0xa0: {  	s17 =	simm.s32 @p2 $0x4800;
	s18 =	simm.s32 @p2 $0x4  }
0xa1: {  	[spmem:s2] =	stream.indirect.scatter.add.f32 @p2 [tilespmem:s17], [sflag:$0x4], $0x80, s16, s14, $0xb8;
	[tilespmem:$0x1C8C0] =	vst v63  }
0xa2: {  	_ =	swait.ge @p2 [sflag:s18], $0x4000  }
0xa3: {  	[sflag:s18] =	ssyncset.done @p2 $0x0  }
0xa4: {  	s14 =	simm.s32 @!p4 $0x400;
	s16 =	simm.s32 @!p4 $0x3;
	[sflag:s18] =	ssyncadd.s32 @p2 $0xFFFFC000  }
0xa5: {  	[tilespmem:s14], [sflag:$0x3] =	stream.linear.gather @!p4 [hbm4b:s3+s24], $0x400, $0x38;
	[tilespmem:$0x1C8C0] =	vst v63  }
0xa6: {  	_ =	swait.ge @!p4 [sflag:s16], $0x400  }
0xa7: {  	[sflag:s16] =	ssyncset.done @!p4 $0x0  }
0xa8: {  	s3 =	simm.s32 @!p2 $0x1;
	[sflag:s16] =	ssyncadd.s32 @!p4 $0xFFFFFC00  }
0xa9: {  	_ =	swait.ge @!p2 [sflag:s3], $0x4000  }
0xaa: {  	[sflag:s3] =	ssyncset.done @!p2 $0x0  }
0xab: {  	s14 =	simm.s32 @!p2 $0x4800;
	[sflag:s3] =	ssyncadd.s32 @!p2 $0xFFFFC000;
	s3 =	simm.s32 @!p2 $0x80  }
0xac: {  	[tilespmem:s14], [sflag:$0x2] =	stream.indirect.gather @!p2 [hbm4b:s5+s3], $0x80, s26, s3, $0xb8;
	[tilespmem:$0x1C8C0] =	vst v63  }
.Ltmp7:
0xad: {  	_ = 	snop;
	(pc) =	sbr.rel @p3 .LBB2_7-.Ltmp7, $4  }
0xae: {  	s16 =	simm.s32 @!p2 $0x800;
	s14 =	simm.s32 @!p2 $0x4  }
0xaf: {  	[spmem:s2] =	stream.indirect.scatter.add.f32 @!p2 [tilespmem:s16], [sflag:$0x4], $0x80, s25, s3, $0xb8;
	[tilespmem:$0x1C8C0] =	vst v63  }
0xb0: {  	_ =	swait.ge @!p2 [sflag:s14], $0x4000  }
0xb1: {  	[sflag:s14] =	ssyncset.done @!p2 $0x0  }
.LBB2_8:
0xb2: {  	[sflag:s14] =	ssyncadd.s32 @!p2 $0xFFFFC000;
	s3 =	simm.s32 $0x2  }
0xb3: {  	_ =	swait.ge [sflag:s3], $0x4000  }
0xb4: {  	s25 =	simm.s32 $0x80;
	[sflag:s3] =	ssyncset.done $0x0  }
0xb5: {  	s26 =	simm.s32 $0x780;
	s16 =	simm.s32 $0x4800;
	[sflag:s3] =	ssyncadd.s32 $0xFFFFC000  }
0xb6: {  	[spmem:s2] =	stream.indirect.scatter.add.f32 [tilespmem:s16], [sflag:$0x4], $0x80, s26, s25, $0xb8;
	[tilespmem:$0x1C8C0] =	vst v63  }
0xb7: {  	_ =	swait.ge [sflag:s30], $0x4000  }
0xb8: {  	[sflag:s30] =	ssyncset.done $0x0  }
0xb9: {  	[sflag:s30] =	ssyncadd.s32 $0xFFFFC000  }
0xba: {  	[bflag:$0x0] =	sbarrier.arrive $0xFFFF  }
0xbb: {  	s3 =	simm.s32 @p0 $0x1FC3;
	s14 =	rddreg [dreg:$0x7]  }
0xbc: {  	[hbm:s14], [sflag:s3] =	dma.local @p0 [spmem:s29], $0x2800  }
0xbd: {  	s3 =	simm.s32 @p0 $0x3  }
0xbe: {  	_ =	swait.ge @p0 [sflag:s3], $0x2800  }
0xbf: {  	[sflag:s3] =	ssyncset.done @p0 $0x0  }
0xc0: {  	[sflag:s3] =	ssyncadd.s32 @p0 $0xFFFFD800;
	s3 =	rddreg [dreg:$0x6]  }
0xc1: {  	[hbm:s3], [sflag:s28] =	dma.local @!p0 [spmem:s0], $0x2700  }
.Ltmp8:
0xc2: {  	_ = 	snop;
	(pc) =	sbr.rel .LBB2_12-.Ltmp8, $4  }
0xc3: {  	s0 =	simm.s32 @!p0 $0x3  }
0xc4: {  	_ =	swait.ge @!p0 [sflag:s0], $0x2700  }
0xc5: {  	[sflag:s0] =	ssyncset.done @!p0 $0x0  }
0xc6: {  	[sflag:s0] =	ssyncadd.s32 @!p0 $0xFFFFD900  }
.LBB2_9:
0xc7: {  	s3 =	simm.s32 $0x0;
	s14 =	simm.s32 $0x80;
	s16 =	simm.s32 $0x800  }
0xc8: {  	[tilespmem:s16], [sflag:$0x1] =	stream.indirect.gather [hbm4b:s6+s14], $0x80, s3, s14, $0xb8;
	[tilespmem:$0x1C8C0] =	vst v63  }
0xc9: {  	s26 =	sand.u32 $0x1, s3  }
0xca: {  	p2 =	seq.s32 s26, $0x1  }
0xcb: {  	s14 =	simm.s32 @p2 $0x1  }
0xcc: {  	s16 =	sand.u32 @p2 $0x6, s14  }
0xcd: {  	p3 =	sne.s32 @p2 s16, $0x0  }
0xce: {  	s17 =	simm.s32 @p2 $0x2;
	p3 =	por p3, !p2  }
0xcf: {  	_ =	swait.ge @p2 [sflag:s17], $0x4000;
	s18 =	sadd.s32 @!p3 $0x0, s13  }
0xd0: {  	[sflag:s17] =	ssyncset.done @p2 $0x0;
	s18 =	sshll.u32 @!p3 s18, $0x7  }
0xd1: {  	[sflag:s17] =	ssyncadd.s32 @p2 $0xFFFFC000;
	s18 =	sand.u32 @!p3 $0x1FFFFF80, s18  }
0xd2: {  	s23 =	simm.s32 @!p3 $0x4;
	s24 =	simm.s32 @!p3 $0x0;
	s17 =	sadd.s32 @!p3 s7, s18  }
0xd3: {  	[tilespmem:s24], [sflag:$0x4] =	stream.linear.gather @!p3 [hbm4b:s17+s24], $0x400, $0x38;
	[tilespmem:$0x1C8C0] =	vst v63  }
0xd4: {  	s25 =	simm.s32 @p2 $0x800;
	_ =	swait.ge @!p3 [sflag:s23], $0x400  }
0xd5: {  	s16 =	sshll.u32 @p2 s16, $0x7;
	s17 =	simm.s32 @p2 $0x0;
	[sflag:s23] =	ssyncset.done @!p3 $0x0  }
0xd6: {  	s17 =	sand.u32 @p2 $0x380, s17;
	[sflag:s23] =	ssyncadd.s32 @!p3 $0xFFFFFC00;
	s23 =	simm.s32 @p2 $0x80  }
0xd7: {  	[tilespmem:s25], [sflag:$0x1] =	stream.indirect.gather @p2 [hbm4b:s6+s23], $0x80, s16, s23, $0xb8;
	[tilespmem:$0x1C8C0] =	vst v63  }
0xd8: {  	s16 =	sor.u32 @p2 $0x400, s17;
	s17 =	simm.s32 @p2 $0x4800;
	s25 =	simm.s32 @p2 $0x4  }
0xd9: {  	[spmem:s2] =	stream.indirect.scatter.add.f32 @p2 [tilespmem:s17], [sflag:$0x4], $0x80, s16, s23, $0xb8;
	[tilespmem:$0x1C8C0] =	vst v63  }
0xda: {  	_ =	swait.ge @p2 [sflag:s25], $0x4000  }
0xdb: {  	s16 =	sadd.s32 @!p3 s1, s18;
	[sflag:s25] =	ssyncset.done @p2 $0x0  }
0xdc: {  	s17 =	simm.s32 @!p3 $0x400;
	s18 =	simm.s32 @!p3 $0x3;
	[sflag:s25] =	ssyncadd.s32 @p2 $0xFFFFC000  }
0xdd: {  	[tilespmem:s17], [sflag:$0x3] =	stream.linear.gather @!p3 [hbm4b:s16+s24], $0x400, $0x38;
	[tilespmem:$0x1C8C0] =	vst v63  }
0xde: {  	_ =	swait.ge @!p3 [sflag:s18], $0x400  }
0xdf: {  	s23 =	sor.u32 @!p2 $0x1, s3;
	[sflag:s18] =	ssyncset.done @!p3 $0x0  }
0xe0: {  	s16 =	simm.s32 @!p2 $0x0;
	s17 =	simm.s32 @!p2 $0x1;
	[sflag:s18] =	ssyncadd.s32 @!p3 $0xFFFFFC00  }
0xe1: {  	s23 =	smov.u32 @p2 s14;
	s16 =	sand.u32 @!p2 $0x300, s16;
	_ =	swait.ge @!p2 [sflag:s17], $0x4000  }
0xe2: {  	s3 =	sor.u32 @!p2 $0x80, s16;
	s18 =	simm.s32 @!p2 $0x4800;
	[sflag:s17] =	ssyncset.done @!p2 $0x0  }
0xe3: {  	p3 =	sne.s32 s23, s20;
	[sflag:s17] =	ssyncadd.s32 @!p2 $0xFFFFC000;
	s17 =	simm.s32 @!p2 $0x80  }
0xe4: {  	[tilespmem:s18], [sflag:$0x2] =	stream.indirect.gather @!p2 [hbm4b:s6+s17], $0x80, s3, s17, $0xb8;
	[tilespmem:$0x1C8C0] =	vst v63  }
.Ltmp9:
0xe5: {  	_ = 	snop;
	(pc) =	sbr.rel @!p3 .LBB2_11-.Ltmp9, $4  }
0xe6: {  	s14 =	simm.s32 @!p2 $0x4;
	s16 =	sor.u32 @!p2 $0x400, s16;
	s3 =	simm.s32 @!p2 $0x800  }
0xe7: {  	[spmem:s2] =	stream.indirect.scatter.add.f32 @!p2 [tilespmem:s3], [sflag:$0x4], $0x80, s16, s17, $0xb8;
	[tilespmem:$0x1C8C0] =	vst v63  }
0xe8: {  	_ =	swait.ge @!p2 [sflag:s14], $0x4000  }
0xe9: {  	[sflag:s14] =	ssyncset.done @!p2 $0x0  }
.LBB2_10:
0xea: {  	[sflag:s14] =	ssyncadd.s32 @!p2 $0xFFFFC000  }
0xeb: {  	s3 =	sand.u32 $0x1, s23  }
0xec: {  	p2 =	seq.s32 s3, $0x1  }
0xed: {  	s3 =	sadd.s32 @p2 $0x1, s23;
	s14 =	simm.s32 @p2 $0x2;
	s16 =	sshll.u32 @p2 s23, $0x7  }
0xee: {  	s18 =	sshll.u32 @!p2 s23, $0x7;
	s17 =	sand.u32 @p2 $0x6, s3;
	s16 =	sand.u32 @p2 $0x380, s16  }
0xef: {  	p3 =	sne.s32 @p2 s17, $0x0;
	s17 =	sshll.u32 @p2 s17, $0x7;
	s16 =	sor.u32 @p2 $0x400, s16  }
0xf0: {  	s23 =	sor.u32 @!p2 $0x1, s23;
	s18 =	sand.u32 @!p2 $0x300, s18;
	p4 =	por p3, !p2  }
0xf1: {  	s26 =	sor.u32 @!p2 $0x80, s18;
	s25 =	sor.u32 @!p2 $0x400, s18;
	s24 =	sshrl.u32 @!p4 s3, $0x3  }
0xf2: {  	s23 =	smov.u32 @p2 s3;
	s18 =	sadd.s32 @!p4 s13, s24  }
0xf3: {  	p3 =	sne.s32 s23, s20;
	s3 =	sshll.u32 @!p4 s18, $0x7;
	_ =	swait.ge @p2 [sflag:s14], $0x4000  }
0xf4: {  	s18 =	simm.s32 @!p4 $0x4;
	s3 =	sand.u32 @!p4 $0x1FFFFF80, s3;
	[sflag:s14] =	ssyncset.done @p2 $0x0  }
0xf5: {  	s24 =	simm.s32 @!p4 $0x0;
	[sflag:s14] =	ssyncadd.s32 @p2 $0xFFFFC000;
	s14 =	sadd.s32 @!p4 s7, s3  }
0xf6: {  	[tilespmem:s24], [sflag:$0x4] =	stream.linear.gather @!p4 [hbm4b:s14+s24], $0x400, $0x38;
	[tilespmem:$0x1C8C0] =	vst v63  }
0xf7: {  	s3 =	sadd.s32 @!p4 s1, s3;
	_ =	swait.ge @!p4 [sflag:s18], $0x400  }
0xf8: {  	[sflag:s18] =	ssyncset.done @!p4 $0x0  }
0xf9: {  	s14 =	simm.s32 @p2 $0x80;
	[sflag:s18] =	ssyncadd.s32 @!p4 $0xFFFFFC00;
	s18 =	simm.s32 @p2 $0x800  }
0xfa: {  	[tilespmem:s18], [sflag:$0x1] =	stream.indirect.gather @p2 [hbm4b:s6+s14], $0x80, s17, s14, $0xb8;
	[tilespmem:$0x1C8C0] =	vst v63  }
0xfb: {  	s17 =	simm.s32 @p2 $0x4800;
	s18 =	simm.s32 @p2 $0x4  }
0xfc: {  	[spmem:s2] =	stream.indirect.scatter.add.f32 @p2 [tilespmem:s17], [sflag:$0x4], $0x80, s16, s14, $0xb8;
	[tilespmem:$0x1C8C0] =	vst v63  }
0xfd: {  	_ =	swait.ge @p2 [sflag:s18], $0x4000  }
0xfe: {  	[sflag:s18] =	ssyncset.done @p2 $0x0  }
0xff: {  	s14 =	simm.s32 @!p4 $0x400;
	s16 =	simm.s32 @!p4 $0x3;
	[sflag:s18] =	ssyncadd.s32 @p2 $0xFFFFC000  }
0x100: {  	[tilespmem:s14], [sflag:$0x3] =	stream.linear.gather @!p4 [hbm4b:s3+s24], $0x400, $0x38;
	[tilespmem:$0x1C8C0] =	vst v63  }
0x101: {  	_ =	swait.ge @!p4 [sflag:s16], $0x400  }
0x102: {  	[sflag:s16] =	ssyncset.done @!p4 $0x0  }
0x103: {  	s3 =	simm.s32 @!p2 $0x1;
	[sflag:s16] =	ssyncadd.s32 @!p4 $0xFFFFFC00  }
0x104: {  	_ =	swait.ge @!p2 [sflag:s3], $0x4000  }
0x105: {  	[sflag:s3] =	ssyncset.done @!p2 $0x0  }
0x106: {  	s14 =	simm.s32 @!p2 $0x4800;
	[sflag:s3] =	ssyncadd.s32 @!p2 $0xFFFFC000;
	s3 =	simm.s32 @!p2 $0x80  }
0x107: {  	[tilespmem:s14], [sflag:$0x2] =	stream.indirect.gather @!p2 [hbm4b:s6+s3], $0x80, s26, s3, $0xb8;
	[tilespmem:$0x1C8C0] =	vst v63  }
.Ltmp10:
0x108: {  	_ = 	snop;
	(pc) =	sbr.rel @p3 .LBB2_10-.Ltmp10, $4  }
0x109: {  	s16 =	simm.s32 @!p2 $0x800;
	s14 =	simm.s32 @!p2 $0x4  }
0x10a: {  	[spmem:s2] =	stream.indirect.scatter.add.f32 @!p2 [tilespmem:s16], [sflag:$0x4], $0x80, s25, s3, $0xb8;
	[tilespmem:$0x1C8C0] =	vst v63  }
0x10b: {  	_ =	swait.ge @!p2 [sflag:s14], $0x4000  }
0x10c: {  	[sflag:s14] =	ssyncset.done @!p2 $0x0  }
.Ltmp11:
0x10d: {  	_ = 	snop;
	(pc) =	sbr.rel .LBB2_11-.Ltmp11, $1  }
0x10e: {  	_ =	sdelay $0x3  }
.LBB2_13:
0x10f: {  	_ =	sfence.sel $0x180000  }
0x110: {  	[bflag:$0x0] =	sbarrier.arrive $0xFFFF  }
0x111: {  	_ =	strace $0x9000004A  }
0x112: {  	s0 =	stileid.u32;
	[bflag:$0x2] =	sbarrier.arrive $0xFFFF  }
0x113: {  	p0 =	sne.s32 s0, $0x0;
	s0 =	rddreg [dreg:$0x3]  }
0x114: {  	s0 =	sadd.s32 @!p0 $0x100000, s0  }
0x115: {  	[sflag:s0] =	ssyncadd.tile.s32 @!p0 $0x1;
	_ =	shalt  }
.Lfunc_end2:
_tile_overlayer_lowered:
.L_overlay_start_2:
0x116: {  	(tag) =	ssettag $0x2  }
0x117: {  	s0 =	rddreg [dreg:$0x0];
	s2 =	stileid.u32  }
0x118: {  	s1 =	rddreg [dreg:$0x1];
	p0 =	sne.s32 s2, $0x0  }
0x119: {  	s3 =	rddreg [dreg:$0x2];
	[bflag:$0x3] =	sbarrier.arrive $0xFFFF;
	s2 =	simm.s32 @!p0 $0x1C03  }
0x11a: {  	[timem:s3], [sflag:s2] =	dma.local @!p0 [hbm:s0], s1  }
0x11b: {  	s0 =	simm.s32 @!p0 $0x3  }
0x11c: {  	_ =	swait.ge @!p0 [sflag:s0], s1  }
0x11d: {  	s1 =	ssub.s32 @!p0 $0x0, s1;
	[sflag:s0] =	ssyncset.done @!p0 $0x0  }
0x11e: {  	[sflag:s0] =	ssyncadd.s32 @!p0 s1  }
0x11f: {  	[bflag:$0x3] =	sbarrier.arrive $0xFFFF  }
0x120: {  	_ =	shalt  }

// kernel: kernel.15.cloned.1.call-start
scs
__scs_entry_jumppad:
0x0: {  	(pc) =	sbr.rel $0x88, $3  }
0x1: {  	(tag) =	ssettag $0x0;
	lr =	simm.s32 $0x1  }
0x2: {  	[smem:$0x3F97] =	sst lr;
	_ =	strace $0xD0000000  }
0x3: {  	_ = 	snop  }
0x4: {  	_ = 	snop  }
0x5: {  	_ = 	snop  }
0x6: {  	_ = 	snop  }
0x7: {  	_ = 	snop  }
__scs_overlays_trampoline_lowered:
0x8: {  	[smem:$0x3FA6] =	sst s0  }
0x9: {  	[smem:$0x3FA7] =	sst s1  }
0xa: {  	[smem:$0x3FA8] =	sst s2  }
0xb: {  	[smem:$0x3FA9] =	sst s3  }
0xc: {  	[smem:$0x3FAA] =	sst s4  }
0xd: {  	[smem:$0x3FAB] =	sst s5  }
0xe: {  	[smem:$0x3FAC] =	sst s6  }
0xf: {  	[smem:$0x3FAD] =	sst s7  }
0x10: {  	[smem:$0x3FAE] =	sst s8  }
0x11: {  	[smem:$0x3FAF] =	sst s9;
	s0 =	simm.s32 @!p0 $0x0  }
0x12: {  	s1 =	sld [smem:$0x3F95];
	s0 =	simm.s32 @p0 $0x1  }
0x13: {  	[smem:$0x3FB0] =	sst s0;
	s0 =	simm.s32 @!p1 $0x0  }
0x14: {  	s2 =	sld [smem:$0x3F94];
	s0 =	simm.s32 @p1 $0x1  }
0x15: {  	[smem:$0x3FB1] =	sst s0;
	s0 =	simm.s32 @!p2 $0x0  }
0x16: {  	s3 =	sld [smem:$0x3FDB];
	s0 =	simm.s32 @p2 $0x1  }
0x17: {  	s4 =	simm.s32 $0x1BF5;
	[smem:$0x3FB3] =	sst s0  }
0x18: {  	s0 =	sld [smem:$0x3F96];
	_ =	swait.ge [sflag:s4], $0x0  }
0x19: {  	s7 =	sld [smem:$0x3F97]  }
0x1a: {  	s8 =	sadd.s32 $0xFFFFE003, lr  }
0x1b: {  	s9 =	sadd.s32 $0xFFFFFEF7, lr;
	s5 =	simm.s32 $0xFFFFFFFF;
	p2 =	slt.u32 s8, $0xFFFFF086  }
0x1c: {  	p1 =	slt.u32 s9, $0xF7A;
	s5 =	simm.s32 @!p2 $0x0  }
0x1d: {  	s5 =	simm.s32 @p1 $0x1;
	p0 =	seq.s32 s7, s2  }
0x1e: {  	s7 =	smul.u32 @!p0 $0xF7A, s2;
	p2 =	seq.s32 @!p0 s5, $0x0  }
0x1f: {  	s9 =	smul.u32 $0xF7A, s1;
	s8 =	simm.s32 @!p0 $0x1BF5;
	p2 =	por !p2, p0  }
0x20: {  	[sflag:s8] =	ssyncset.s32 @!p0 $0xFFFFF086;
	s6 =	sadd.s32 @!p0 s3, s7;
	s7 =	simm.s32 @!p0 $0x108  }
0x21: {  	s3 =	sadd.s32 s3, s9;
	s6 =	sadd.s32 @!p0 $0x88, s6;
	s7 =	simm.s32 @p2 $0x1082  }
0x22: {  	[simem:s7], [sflag:s8] =	dma.local @!p0 [hbm:s6], $0xF7A  }
0x23: {  	s9 =	sor.u32 $0xD0000000, s2;
	s6 =	simm.s32 $0x108;
	_ =	swait.ge @!p0 [sflag:s8], $0x0  }
0x24: {  	s3 =	sadd.s32 $0x88, s3;
	s6 =	simm.s32 @!p1 $0x1082;
	[sflag:s4] =	ssyncset.s32 $0xFFFFF086  }
0x25: {  	[simem:s6], [sflag:s4] =	dma.local [hbm:s3], $0xF7A  }
0x26: {  	[smem:$0x3F97] =	sst s1;
	(tag) =	ssettag s2;
	_ =	strace s9  }
0x27: {  	s1 =	sld [smem:$0x3FA7]  }
0x28: {  	s2 =	sld [smem:$0x3FA8]  }
0x29: {  	s4 =	sld [smem:$0x3FAA]  }
0x2a: {  	p0 =	seq.s32 s5, $0x0;
	s5 =	sld [smem:$0x3FAB]  }
0x2b: {  	s6 =	sld [smem:$0x3FAC]  }
0x2c: {  	s7 =	sld [smem:$0x3FAD]  }
0x2d: {  	s3 =	simm.s32 $0x108;
	s8 =	sld [smem:$0x3FAE]  }
0x2e: {  	s3 =	simm.s32 @!p0 $0x1082;
	s9 =	sld [smem:$0x3FAF]  }
0x2f: {  	lr =	sadd.s32 s0, s3;
	s0 =	sld [smem:$0x3FA6]  }
0x30: {  	s3 =	sld [smem:$0x3FA9]  }
0x31: {  	[smem:$0x3FB2] =	sst s10  }
0x32: {  	s10 =	sld [smem:$0x3FB0];
	_ =	sdelay $0x3  }
0x33: {  	p0 =	seq.s32 s10, $0x1;
	s10 =	sld [smem:$0x3FB2];
	_ =	sdelay $0x3  }
0x34: {  	[smem:$0x3FB2] =	sst s10  }
0x35: {  	s10 =	sld [smem:$0x3FB1];
	_ =	sdelay $0x3  }
0x36: {  	p1 =	seq.s32 s10, $0x1;
	s10 =	sld [smem:$0x3FB2];
	_ =	sdelay $0x3  }
0x37: {  	[smem:$0x3FB2] =	sst s10  }
0x38: {  	s10 =	sld [smem:$0x3FB3]  }
0x39: {  	_ = 	snop;
	(pc) =	sbr.ind lr, $3  }
0x3a: {  	_ = 	snop  }
0x3b: {  	_ = 	snop  }
0x3c: {  	p2 =	seq.s32 s10, $0x1;
	s10 =	sld [smem:$0x3FB2]  }
0x3d: {  	_ =	shalt  }
0x3e: {  	_ =	shalt  }
0x3f: {  	_ =	shalt  }
0x40: {  	_ =	shalt  }
0x41: {  	_ =	shalt  }
0x42: {  	_ =	shalt  }
0x43: {  	_ =	shalt  }
0x44: {  	_ =	shalt  }
0x45: {  	_ =	shalt  }
0x46: {  	_ =	shalt  }
0x47: {  	_ =	shalt  }
0x48: {  	_ =	shalt  }
0x49: {  	_ =	shalt  }
0x4a: {  	_ =	shalt  }
0x4b: {  	_ =	shalt  }
0x4c: {  	_ =	shalt  }
0x4d: {  	_ =	shalt  }
0x4e: {  	_ =	shalt  }
0x4f: {  	_ =	shalt  }
0x50: {  	_ =	shalt  }
0x51: {  	_ =	shalt  }
0x52: {  	_ =	shalt  }
0x53: {  	_ =	shalt  }
0x54: {  	_ =	shalt  }
0x55: {  	_ =	shalt  }
0x56: {  	_ =	shalt  }
0x57: {  	_ =	shalt  }
0x58: {  	_ =	shalt  }
0x59: {  	_ =	shalt  }
0x5a: {  	_ =	shalt  }
0x5b: {  	_ =	shalt  }
0x5c: {  	_ =	shalt  }
0x5d: {  	_ =	shalt  }
0x5e: {  	_ =	shalt  }
0x5f: {  	_ =	shalt  }
0x60: {  	_ =	shalt  }
0x61: {  	_ =	shalt  }
0x62: {  	_ =	shalt  }
0x63: {  	_ =	shalt  }
0x64: {  	_ =	shalt  }
0x65: {  	_ =	shalt  }
0x66: {  	_ =	shalt  }
0x67: {  	_ =	shalt  }
0x68: {  	_ =	shalt  }
0x69: {  	_ =	shalt  }
0x6a: {  	_ =	shalt  }
0x6b: {  	_ =	shalt  }
0x6c: {  	_ =	shalt  }
0x6d: {  	_ =	shalt  }
0x6e: {  	_ =	shalt  }
0x6f: {  	_ =	shalt  }
0x70: {  	_ =	shalt  }
0x71: {  	_ =	shalt  }
0x72: {  	_ =	shalt  }
0x73: {  	_ =	shalt  }
0x74: {  	_ =	shalt  }
0x75: {  	_ =	shalt  }
0x76: {  	_ =	shalt  }
0x77: {  	_ =	shalt  }
0x78: {  	_ =	shalt  }
0x79: {  	_ =	shalt  }
0x7a: {  	_ =	shalt  }
0x7b: {  	_ =	shalt  }
0x7c: {  	_ =	shalt  }
0x7d: {  	_ =	shalt  }
0x7e: {  	_ =	shalt  }
0x7f: {  	_ =	shalt  }
0x80: {  	_ =	shalt  }
0x81: {  	_ =	shalt  }
0x82: {  	_ =	shalt  }
0x83: {  	_ =	shalt  }
0x84: {  	_ =	shalt  }
0x85: {  	_ =	shalt  }
0x86: {  	_ =	shalt  }
0x87: {  	_ =	shalt  }
.Lfunc_end0:
.L_simem_size_0:
called_computation.2_lowered:
.L_overlay_start_0:
0x88: {  	s2 =	sld [smem:$0x3FD9]  }
0x89: {  	s3 =	sld [smem:$0x3FFE];
	_ =	sdelay $0x1  }
0x8a: {  	s1 =	srdreg.scid  }
0x8b: {  	s0 =	sand.u32 $0x1, s1  }
0x8c: {  	s17 =	sshll.u32 s0, $0xA;
	s2 =	sadd.s32 s3, s2  }
0x8d: {  	s2 =	sadd.s32 s2, s17  }
0x8e: {  	[smem:$0x3FBE] =	sst s2  }
0x8f: {  	_ = 	snop  }
0x90: {  	s2 =	sld [smem:$0x3FD0];
	(tm) =	ssettm $0x1  }
0x91: {  	s18 =	sld [smem:$0x3FFB];
	_ =	sdelay $0x3  }
0x92: {  	_ =	strace s18  }
0x93: {  	s3 =	sld [smem:$0x3FFC];
	_ =	sdelay $0x3  }
0x94: {  	_ =	strace s3  }
0x95: {  	s3 =	sld [smem:$0x3FFD];
	_ =	sdelay $0x3  }
0x96: {  	_ =	strace s3  }
0x97: {  	_ =	strace $0x8FFFFFFF  }
0x98: {  	s19 =	sld [smem:$0x3FDB];
	_ =	sdelay $0x1  }
0x99: {  	s4 =	simm.s32 $_scs_section_size  }
0x9a: {  	s5 =	simm.s32 $_size__tile_overlayer_lowered;
	s6 =	simm.s32 $_tile_overlayer_lowered  }
0x9b: {  	s22 =	simm.s32 $0x1BFF;
	s21 =	sshll.u32 s6, $0x1;
	s3 =	sadd.s32 s4, s19  }
0x9c: {  	s7 =	simm.s32 $0x0;
	s20 =	sshll.u32 s5, $0x1;
	s5 =	sadd.s32 s21, s3  }
0x9d: {  	[timem:s7], [sflag:s22] =	dma.local [hbm:s5], s20  }
0x9e: {  	_ =	swait.ge [sflag:s22], s20  }
0x9f: {  	s4 =	ssub.s32 $0x0, s20;
	[sflag:s22] =	ssyncset.done $0x0  }
0xa0: {  	[sflag:s22] =	ssyncadd.s32 s4;
	_ =	sdelay $0x1  }
0xa1: {  	s23 =	simm.s32 $0x1B8B  }
0xa2: {  	_ =	swait.ge [sflag:s23], $0x1  }
0xa3: {  	[sflag:s23] =	ssyncset.done $0x0  }
0xa4: {  	s25 =	simm.s32 $0x1B8E;
	s24 =	sld [smem:$0x3FFE];
	[sflag:s23] =	ssyncadd.s32 $0xFFFFFFFF  }
0xa5: {  	s26 =	simm.s32 $execute0_lowered;
	[smem:$0x3FD2] =	sst s25  }
0xa6: {  	s5 =	sshll.u32 s26, $0x1;
	_ =	strace $0x8000004C;
	[dreg:$0x1] =	wrdreg $0xFFFFFFFF  }
0xa7: {  	s28 =	simm.s32 $_size_execute0_lowered;
	s3 =	sadd.s32 s3, s5;
	[dreg:$0x0] =	wrdreg $0x0  }
0xa8: {  	s5 =	sshll.u32 s28, $0x1;
	[dreg:$0x2] =	wrdreg s3  }
0xa9: {  	[dreg:$0x3] =	wrdreg s5  }
0xaa: {  	[dreg:$0x4] =	wrdreg $0xC0  }
0xab: {  	_ =	task [dreg:s7], $0x5FFFF  }
0xac: {  	[dreg:$0x1] =	wrdreg $0xFFFFFFFF  }
0xad: {  	[dreg:$0x0] =	wrdreg $0x60  }
0xae: {  	[dreg:$0x2] =	wrdreg s24  }
0xaf: {  	[dreg:$0x3] =	wrdreg s2  }
0xb0: {  	[dreg:$0x4] =	wrdreg $0x90000  }
0xb1: {  	[dreg:$0x5] =	wrdreg $0x9  }
0xb2: {  	_ =	task.clear_ibuf [dreg:s7], $0x6FFFF;
	_ =	strace $0x9000004C  }
0xb3: {  	s29 =	simm.s32 $0x9;
	_ =	strace $0x8000004E  }
0xb4: {  	_ =	swait.ge [sflag:s29], $0x1  }
0xb5: {  	[sflag:s29] =	ssyncadd.s32 $0xFFFFFFFF  }
0xb6: {  	_ =	strace $0x9000004E  }
0xb7: {  	_ =	sfence  }
0xb8: {  	s30 =	sld [smem:$0x0];
	_ =	sdelay $0x2  }
0xb9: {  	s31 =	sshll.u32 s1, $0xD;
	s1 =	sshrl.u32 s1, $0x2  }
0xba: {  	s3 =	sand.u32 $0x4000, s31;
	s1 =	sadd.s32 s1, s30  }
0xbb: {  	s0 =	sor.u32 s3, s0;
	s1 =	sshll.u32 s1, $0x11  }
0xbc: {  	s0 =	sor.u32 s1, s0  }
0xbd: {  	s0 =	sadd.s32 $0x8F2B, s0  }
0xbe: {  	[sflag:s0] =	ssyncadd.remote.s32 $0x1  }
0xbf: {  	_ =	sfence.sel $0xFFFF  }
0xc0: {  	[dreg:$0x0] =	wrdreg $0xFFFFFFFF;
	(pc) =	sbr.abs _section_cstart, $3  }
0xc1: {  	[dreg:$0x1] =	wrdreg $0xFFFFFFFF  }
0xc2: {  	_ =	task.clear_ibuf [dreg:s7], $0x2FFFF;
	_ =	strace $0x9FFFFFFF  }
0xc3: {  	(tm) =	ssettm $0x7FFFFFFF  }
tec
execute0_lowered:
.L_overlay_start_1:
0x0: {  	(tag) =	ssettag $0x1  }
0x1: {  	s0 =	rddreg [dreg:$0x0]  }
0x2: {  	s1 =	rddreg [dreg:$0x1]  }
0x3: {  	s2 =	rddreg [dreg:$0x2];
	s4 =	simm.s32 $0x0  }
0x4: {  	s3 =	stileid.u32;
	s6 =	srdreg.scid;
	s21 =	simm.s32 $0x8800  }
0x5: {  	s22 =	simm.s32 $0x3;
	s30 =	simm.s32 $0x4;
	s31 =	simm.s32 $0x0  }
0x6: {  	[smem:$0x7FF] =	sst s4;
	s5 =	sadd.s32 $0xE400, s0;
	s10 =	smul.u32 $0x4E000, s3  }
0x7: {  	s13 =	sand.u32 $0x1, s6;
	s6 =	sadd.s32 $0x35600, s0;
	s14 =	smul.u32 $0x500, s3  }
0x8: {  	s7 =	sadd.s32 $0x5C800, s0;
	p0 =	seq.s32 s3, $0xF;
	s12 =	smul.u32 $0xA, s3  }
0x9: {  	s8 =	smul.u32 $0x2700, s3;
	s15 =	sadd.s32 $0x124800, s2;
	s28 =	sadd.s32 $0x122700, s0  }
0xa: {  	_ =	strace $0x8000004D;
	s9 =	ssub.s32 $0x2, s13;
	[dreg:$0x5] =	wrdreg s28  }
0xb: {  	p1 =	sne.s32 s13, $0x0;
	s17 =	sadd.s32 s8, s0;
	s25 =	sshrl.u32 s9, $0x1  }
0xc: {  	s8 =	simm.s32 $0x28;
	s10 =	sshrl.u32 s10, $0x2;
	s11 =	sadd.s32 s7, s14  }
.Ltmp0:
0xd: {  	s14 =	sadd.s32 s1, s14;
	s0 =	sadd.s32 $0xFB500, s0;
	(pc) =	sbr.rel .LBB2_1-.Ltmp0, $4  }
0xe: {  	s19 =	ssub.s32 s9, s25;
	s9 =	simm.s32 $0x38;
	s8 =	simm.s32 @!p0 $0x27  }
0xf: {  	s10 =	sadd.s32 s10, s2;
	s26 =	sadd.s32 $0xFDE00, s17;
	[dreg:$0x7] =	wrdreg s0  }
0x10: {  	s29 =	sadd.s32 $0xD6C00, s17;
	s9 =	simm.s32 @!p0 $0x50;
	[dreg:$0x4] =	wrdreg s26  }
0x11: {  	v0 =	vimm.f32 $0.0e+00;
	[dreg:$0x6] =	wrdreg s29;
	s19 =	smax.u32 s19, $0x1;
	s20 =	sadd.s32 $0xFFFFFFFF, s9  }
.LBB2_11:
0x12: {  	s3 =	sand.u32 $0x1, s23  }
0x13: {  	p3 =	seq.s32 s3, $0x0  }
0x14: {  	[sflag:s13] =	ssyncadd.s32 @!p2 $0xFFFFC000;
	s3 =	sor.u32 @p3 $0x1, s23;
	s13 =	simm.s32 @p3 $0x1  }
0x15: {  	_ =	swait.ge @p3 [sflag:s13], $0x4000;
	p2 =	sge.u32 @p3 s3, s9  }
0x16: {  	[sflag:s13] =	ssyncset.done @p3 $0x0;
	p2 =	por p2, !p3  }
0x17: {  	[sflag:s13] =	ssyncadd.s32 @p3 $0xFFFFC000;
	s3 =	sshll.u32 @!p2 s3, $0x7  }
0x18: {  	s13 =	simm.s32 @!p2 $0x80;
	s16 =	simm.s32 @!p2 $0x4800;
	s3 =	sand.u32 @!p2 $0x380, s3  }
0x19: {  	[tilespmem:s16], [sflag:$0x2] =	stream.indirect.gather @!p2 [hbm4b:s6+s13], $0x80, s3, s13, $0xb8;
	[tilespmem:$0x1C8C0] =	vst v63  }
0x1a: {  	s3 =	sshll.u32 @p3 s23, $0x7  }
0x1b: {  	s3 =	sand.u32 @p3 $0x300, s3  }
0x1c: {  	s13 =	simm.s32 @p3 $0x80;
	s16 =	simm.s32 @p3 $0x800;
	s3 =	sor.u32 @p3 $0x400, s3  }
0x1d: {  	[spmem:s2] =	stream.indirect.scatter.add.f32 @p3 [tilespmem:s16], [sflag:$0x4], $0x80, s3, s13, $0xb8;
	[tilespmem:$0x1C8C0] =	vst v63  }
0x1e: {  	s3 =	sadd.s32 @!p3 $0x1, s23  }
0x1f: {  	s13 =	sand.u32 @!p3 $0x6, s3  }
0x20: {  	p4 =	slt.u32 @!p3 s3, s9;
	p2 =	seq.s32 @!p3 s13, $0x0  }
0x21: {  	p2 =	por @!p3 !p4, !p2  }
0x22: {  	s16 =	simm.s32 @p3 $0x4;
	p2 =	por @!p3 !p2, !p2  }
0x23: {  	_ =	swait.ge @p3 [sflag:s16], $0x4000;
	p2 =	por !p2, p3  }
0x24: {  	[sflag:s16] =	ssyncset.done @p3 $0x0;
	s17 =	sshrl.u32 @!p2 s3, $0x3  }
0x25: {  	[sflag:s16] =	ssyncadd.s32 @p3 $0xFFFFC000;
	s16 =	simm.s32 @!p3 $0x2;
	s17 =	sadd.s32 @!p2 s12, s17  }
0x26: {  	_ =	swait.ge @!p3 [sflag:s16], $0x4000;
	s17 =	sshll.u32 @!p2 s17, $0x7  }
0x27: {  	[sflag:s16] =	ssyncset.done @!p3 $0x0;
	s17 =	sand.u32 @!p2 $0x1FFFFF80, s17  }
0x28: {  	[sflag:s16] =	ssyncadd.s32 @!p3 $0xFFFFC000;
	s18 =	simm.s32 @!p2 $0x0;
	s16 =	sadd.s32 @!p2 s7, s17  }
0x29: {  	[tilespmem:s18], [sflag:$0x4] =	stream.linear.gather @!p2 [hbm4b:s16+s18], $0x400, $0x38;
	[tilespmem:$0x1C8C0] =	vst v63  }
0x2a: {  	p4 =	sge.u32 @!p3 s3, s9;
	s16 =	simm.s32 @!p2 $0x4  }
0x2b: {  	p4 =	por p4, p3;
	_ =	swait.ge @!p2 [sflag:s16], $0x400  }
0x2c: {  	s3 =	sshll.u32 @!p4 s13, $0x7;
	[sflag:s16] =	ssyncset.done @!p2 $0x0  }
0x2d: {  	s13 =	simm.s32 @!p4 $0x80;
	[sflag:s16] =	ssyncadd.s32 @!p2 $0xFFFFFC00;
	s16 =	simm.s32 @!p4 $0x800  }
0x2e: {  	[tilespmem:s16], [sflag:$0x1] =	stream.indirect.gather @!p4 [hbm4b:s6+s13], $0x80, s3, s13, $0xb8;
	[tilespmem:$0x1C8C0] =	vst v63  }
0x2f: {  	s3 =	sshll.u32 @!p3 s23, $0x7  }
0x30: {  	s3 =	sand.u32 @!p3 $0x380, s3  }
0x31: {  	s13 =	simm.s32 @!p3 $0x80;
	s16 =	simm.s32 @!p3 $0x4800;
	s3 =	sor.u32 @!p3 $0x400, s3  }
0x32: {  	[spmem:s2] =	stream.indirect.scatter.add.f32 @!p3 [tilespmem:s16], [sflag:$0x4], $0x80, s3, s13, $0xb8;
	[tilespmem:$0x1C8C0] =	vst v63  }
0x33: {  	s3 =	simm.s32 @!p3 $0x4  }
0x34: {  	_ =	swait.ge @!p3 [sflag:s3], $0x4000  }
0x35: {  	[sflag:s3] =	ssyncset.done @!p3 $0x0  }
0x36: {  	s13 =	simm.s32 @!p2 $0x400;
	[sflag:s3] =	ssyncadd.s32 @!p3 $0xFFFFC000;
	s3 =	sadd.s32 @!p2 s1, s17  }
0x37: {  	[tilespmem:s13], [sflag:$0x3] =	stream.linear.gather @!p2 [hbm4b:s3+s18], $0x400, $0x38;
	[tilespmem:$0x1C8C0] =	vst v63  }
0x38: {  	s3 =	simm.s32 @!p2 $0x3  }
0x39: {  	_ =	swait.ge @!p2 [sflag:s3], $0x400  }
0x3a: {  	[sflag:s3] =	ssyncset.done @!p2 $0x0  }
0x3b: {  	[sflag:s3] =	ssyncadd.s32 @!p2 $0xFFFFFC00  }
0x3c: {  	[bflag:$0x0] =	sbarrier.arrive $0xFFFF  }
0x3d: {  	s3 =	simm.s32 @p0 $0x1FC3;
	s13 =	rddreg [dreg:$0x5]  }
0x3e: {  	[hbm:s13], [sflag:s3] =	dma.local @p0 [spmem:s29], $0x2800  }
0x3f: {  	s3 =	simm.s32 @p0 $0x3  }
0x40: {  	_ =	swait.ge @p0 [sflag:s3], $0x2800  }
0x41: {  	[sflag:s3] =	ssyncset.done @p0 $0x0  }
0x42: {  	[sflag:s3] =	ssyncadd.s32 @p0 $0xFFFFD800;
	s3 =	rddreg [dreg:$0x4]  }
0x43: {  	[hbm:s3], [sflag:s28] =	dma.local @!p0 [spmem:s0], $0x2700  }
0x44: {  	s0 =	simm.s32 @!p0 $0x3  }
0x45: {  	_ =	swait.ge @!p0 [sflag:s0], $0x2700  }
0x46: {  	[sflag:s0] =	ssyncset.done @!p0 $0x0  }
0x47: {  	[sflag:s0] =	ssyncadd.s32 @!p0 $0xFFFFD900  }
.LBB2_12:
0x48: {  	s31 =	sadd.s32 $0x1, s31  }
0x49: {  	p2 =	sne.s32 s31, s19  }
.Ltmp1:
0x4a: {  	_ = 	snop;
	(pc) =	sbr.rel @!p2 .LBB2_13-.Ltmp1, $1  }
0x4b: {  	_ =	sdelay $0x3  }
.LBB2_1:
0x4c: {  	s0 =	sand.u32 $0x1E00, s4  }
0x4d: {  	s13 =	sand.u32 $0x70, s4;
	s23 =	sshrl.u32 s0, $0x2  }
0x4e: {  	s0 =	simm.s32 $0x40;
	s23 =	sor.u32 s13, s23;
	s13 =	simm.s32 $0x0  }
.LBB2_2:
0x4f: {  	p2 =	sne.s32 s0, $0x1FC0  }
0x50: {  	[tilespmem:s23+$0x8800] =	vst v0;
	s13 =	sadd.s32 $0x10, s13;
	s23 =	smov.u32 s0;
	s0 =	sadd.s32 $0x40, s0  }
.Ltmp2:
0x51: {  	(pc) =	sbr.rel @p2 .LBB2_2-.Ltmp2, $4  }
0x52: {  	_ = 	snop  }
0x53: {  	s23 =	sand.u32 $0x1E00, s23  }
0x54: {  	s25 =	sand.u32 $0x70, s13;
	s23 =	sshrl.u32 s23, $0x2  }
0x55: {  	s23 =	sor.u32 s25, s23  }
0x56: {  	p2 =	sne.s32 s8, $0x1  }
.Ltmp3:
0x57: {  	_ = 	snop;
	(pc) =	sbr.rel @!p2 .LBB2_5-.Ltmp3, $4  }
0x58: {  	[tilespmem:s23+$0x8800] =	vst v0  }
0x59: {  	[spmem:s10] =	stream.linear.scatter [tilespmem:s21], [sflag:$0x3], $0x800, $0x38;
	[tilespmem:$0x1C8C0] =	vst v63  }
0x5a: {  	_ =	swait.ge [sflag:s22], $0x800  }
0x5b: {  	s0 =	sadd.s32 $0xFFFFFFFF, s8;
	s13 =	smov.u32 s10;
	[sflag:s22] =	ssyncset.done $0x0  }
.LBB2_4:
0x5c: {  	p2 =	sne.s32 s0, $0x1;
	[sflag:s22] =	ssyncadd.s32 $0xFFFFF800;
	s13 =	sadd.s32 $0x800, s13  }
.Ltmp4:
0x5d: {  	s0 =	sadd.s32 $0xFFFFFFFF, s0;
	(pc) =	sbr.rel @p2 .LBB2_4-.Ltmp4, $4  }
0x5e: {  	_ = 	snop  }
0x5f: {  	[spmem:s13] =	stream.linear.scatter [tilespmem:s21], [sflag:$0x3], $0x800, $0x38;
	[tilespmem:$0x1C8C0] =	vst v63  }
0x60: {  	_ =	swait.ge [sflag:s22], $0x800  }
0x61: {  	[sflag:s22] =	ssyncset.done $0x0  }
.LBB2_5:
0x62: {  	[sflag:s22] =	ssyncadd.s32 $0xFFFFF800  }
0x63: {  	[bflag:$0x0] =	sbarrier.arrive $0xFFFF  }
0x64: {  	[tilespmem:s4], [sflag:$0x3] =	stream.linear.gather [hbm4b:s11+s4], $0x400, $0x38;
	[tilespmem:$0x1C8C0] =	vst v63  }
0x65: {  	_ =	swait.ge [sflag:s22], $0x400  }
0x66: {  	[sflag:s22] =	ssyncset.done $0x0  }
.Ltmp5:
0x67: {  	s0 =	simm.s32 $0x400;
	[sflag:s22] =	ssyncadd.s32 $0xFFFFFC00;
	(pc) =	sbr.rel @p1 .LBB2_9-.Ltmp5, $4  }
0x68: {  	[tilespmem:s0], [sflag:$0x3] =	stream.linear.gather [hbm4b:s14+s4], $0x400, $0x38;
	[tilespmem:$0x1C8C0] =	vst v63  }
0x69: {  	s0 =	stileid.u32;
	_ =	swait.ge [sflag:s22], $0x400  }
0x6a: {  	s29 =	sshrl.u32 @p0 s15, $0x3;
	s13 =	sshll.u32 @!p0 s0, $0x6;
	[sflag:s22] =	ssyncset.done $0x0  }
0x6b: {  	s0 =	sshrl.u32 @!p0 s10, $0x3;
	s28 =	sor.u32 @!p0 $0x1C03, s13;
	[sflag:s22] =	ssyncadd.s32 $0xFFFFFC00  }
0x6c: {  	s13 =	simm.s32 $0x0;
	s3 =	simm.s32 $0x80;
	s16 =	simm.s32 $0x800  }
0x6d: {  	[tilespmem:s16], [sflag:$0x1] =	stream.indirect.gather [hbm4b:s5+s3], $0x80, s13, s3, $0xb8;
	[tilespmem:$0x1C8C0] =	vst v63  }
0x6e: {  	s23 =	sand.u32 $0x1, s13  }
0x6f: {  	p2 =	seq.s32 s23, $0x1  }
0x70: {  	s25 =	simm.s32 @p2 $0x1  }
0x71: {  	s23 =	sand.u32 @p2 $0x6, s25  }
0x72: {  	p3 =	sne.s32 @p2 s23, $0x0  }
0x73: {  	s16 =	simm.s32 @p2 $0x2;
	p3 =	por p3, !p2  }
0x74: {  	_ =	swait.ge @p2 [sflag:s16], $0x4000;
	s17 =	sadd.s32 @!p3 $0x0, s12  }
0x75: {  	[sflag:s16] =	ssyncset.done @p2 $0x0;
	s17 =	sshll.u32 @!p3 s17, $0x7  }
0x76: {  	[sflag:s16] =	ssyncadd.s32 @p2 $0xFFFFC000;
	s17 =	sand.u32 @!p3 $0x1FFFFF80, s17  }
0x77: {  	s18 =	simm.s32 @!p3 $0x4;
	s3 =	simm.s32 @!p3 $0x0;
	s16 =	sadd.s32 @!p3 s7, s17  }
0x78: {  	[tilespmem:s3], [sflag:$0x4] =	stream.linear.gather @!p3 [hbm4b:s16+s3], $0x400, $0x38;
	[tilespmem:$0x1C8C0] =	vst v63  }
0x79: {  	s24 =	simm.s32 @p2 $0x800;
	_ =	swait.ge @!p3 [sflag:s18], $0x400  }
0x7a: {  	s23 =	sshll.u32 @p2 s23, $0x7;
	s16 =	simm.s32 @p2 $0x0;
	[sflag:s18] =	ssyncset.done @!p3 $0x0  }
0x7b: {  	s16 =	sand.u32 @p2 $0x380, s16;
	[sflag:s18] =	ssyncadd.s32 @!p3 $0xFFFFFC00;
	s18 =	simm.s32 @p2 $0x80  }
0x7c: {  	[tilespmem:s24], [sflag:$0x1] =	stream.indirect.gather @p2 [hbm4b:s5+s18], $0x80, s23, s18, $0xb8;
	[tilespmem:$0x1C8C0] =	vst v63  }
0x7d: {  	s16 =	sor.u32 @p2 $0x400, s16;
	s23 =	simm.s32 @p2 $0x4800;
	s24 =	simm.s32 @p2 $0x4  }
0x7e: {  	[spmem:s2] =	stream.indirect.scatter.add.f32 @p2 [tilespmem:s23], [sflag:$0x4], $0x80, s16, s18, $0xb8;
	[tilespmem:$0x1C8C0] =	vst v63  }
0x7f: {  	_ =	swait.ge @p2 [sflag:s24], $0x4000  }
0x80: {  	s16 =	sadd.s32 @!p3 s1, s17;
	[sflag:s24] =	ssyncset.done @p2 $0x0  }
0x81: {  	s17 =	simm.s32 @!p3 $0x400;
	s18 =	simm.s32 @!p3 $0x3;
	[sflag:s24] =	ssyncadd.s32 @p2 $0xFFFFC000  }
0x82: {  	[tilespmem:s17], [sflag:$0x3] =	stream.linear.gather @!p3 [hbm4b:s16+s3], $0x400, $0x38;
	[tilespmem:$0x1C8C0] =	vst v63  }
0x83: {  	_ =	swait.ge @!p3 [sflag:s18], $0x400  }
0x84: {  	s23 =	sor.u32 @!p2 $0x1, s13;
	[sflag:s18] =	ssyncset.done @!p3 $0x0  }
0x85: {  	s3 =	simm.s32 @!p2 $0x0;
	s16 =	simm.s32 @!p2 $0x1;
	[sflag:s18] =	ssyncadd.s32 @!p3 $0xFFFFFC00  }
0x86: {  	s23 =	smov.u32 @p2 s25;
	s3 =	sand.u32 @!p2 $0x300, s3;
	_ =	swait.ge @!p2 [sflag:s16], $0x4000  }
0x87: {  	s17 =	simm.s32 @!p2 $0x4800;
	s13 =	sor.u32 @!p2 $0x80, s3;
	[sflag:s16] =	ssyncset.done @!p2 $0x0  }
0x88: {  	p3 =	sne.s32 s23, s20;
	[sflag:s16] =	ssyncadd.s32 @!p2 $0xFFFFC000;
	s16 =	simm.s32 @!p2 $0x80  }
0x89: {  	[tilespmem:s17], [sflag:$0x2] =	stream.indirect.gather @!p2 [hbm4b:s5+s16], $0x80, s13, s16, $0xb8;
	[tilespmem:$0x1C8C0] =	vst v63  }
.Ltmp6:
0x8a: {  	_ = 	snop;
	(pc) =	sbr.rel @!p3 .LBB2_8-.Ltmp6, $4  }
0x8b: {  	s3 =	sor.u32 @!p2 $0x400, s3;
	s17 =	simm.s32 @!p2 $0x800;
	s13 =	simm.s32 @!p2 $0x4  }
0x8c: {  	[spmem:s2] =	stream.indirect.scatter.add.f32 @!p2 [tilespmem:s17], [sflag:$0x4], $0x80, s3, s16, $0xb8;
	[tilespmem:$0x1C8C0] =	vst v63  }
0x8d: {  	_ =	swait.ge @!p2 [sflag:s13], $0x4000  }
0x8e: {  	[sflag:s13] =	ssyncset.done @!p2 $0x0  }
.LBB2_7:
0x8f: {  	[sflag:s13] =	ssyncadd.s32 @!p2 $0xFFFFC000  }
0x90: {  	s3 =	sand.u32 $0x1, s23  }
0x91: {  	p2 =	seq.s32 s3, $0x1  }
0x92: {  	s3 =	sadd.s32 @p2 $0x1, s23;
	s13 =	simm.s32 @p2 $0x2;
	s16 =	sshll.u32 @p2 s23, $0x7  }
0x93: {  	s18 =	sshll.u32 @!p2 s23, $0x7;
	s17 =	sand.u32 @p2 $0x6, s3;
	s16 =	sand.u32 @p2 $0x380, s16  }
0x94: {  	p3 =	sne.s32 @p2 s17, $0x0;
	s17 =	sshll.u32 @p2 s17, $0x7;
	s16 =	sor.u32 @p2 $0x400, s16  }
0x95: {  	s23 =	sor.u32 @!p2 $0x1, s23;
	s18 =	sand.u32 @!p2 $0x300, s18;
	p4 =	por p3, !p2  }
0x96: {  	s26 =	sor.u32 @!p2 $0x80, s18;
	s25 =	sor.u32 @!p2 $0x400, s18;
	s24 =	sshrl.u32 @!p4 s3, $0x3  }
0x97: {  	s23 =	smov.u32 @p2 s3;
	s18 =	sadd.s32 @!p4 s12, s24  }
0x98: {  	p3 =	sne.s32 s23, s20;
	s3 =	sshll.u32 @!p4 s18, $0x7;
	_ =	swait.ge @p2 [sflag:s13], $0x4000  }
0x99: {  	s18 =	simm.s32 @!p4 $0x4;
	s3 =	sand.u32 @!p4 $0x1FFFFF80, s3;
	[sflag:s13] =	ssyncset.done @p2 $0x0  }
0x9a: {  	s24 =	simm.s32 @!p4 $0x0;
	[sflag:s13] =	ssyncadd.s32 @p2 $0xFFFFC000;
	s13 =	sadd.s32 @!p4 s7, s3  }
0x9b: {  	[tilespmem:s24], [sflag:$0x4] =	stream.linear.gather @!p4 [hbm4b:s13+s24], $0x400, $0x38;
	[tilespmem:$0x1C8C0] =	vst v63  }
0x9c: {  	s3 =	sadd.s32 @!p4 s1, s3;
	_ =	swait.ge @!p4 [sflag:s18], $0x400  }
0x9d: {  	[sflag:s18] =	ssyncset.done @!p4 $0x0  }
0x9e: {  	s13 =	simm.s32 @p2 $0x80;
	[sflag:s18] =	ssyncadd.s32 @!p4 $0xFFFFFC00;
	s18 =	simm.s32 @p2 $0x800  }
0x9f: {  	[tilespmem:s18], [sflag:$0x1] =	stream.indirect.gather @p2 [hbm4b:s5+s13], $0x80, s17, s13, $0xb8;
	[tilespmem:$0x1C8C0] =	vst v63  }
0xa0: {  	s17 =	simm.s32 @p2 $0x4800;
	s18 =	simm.s32 @p2 $0x4  }
0xa1: {  	[spmem:s2] =	stream.indirect.scatter.add.f32 @p2 [tilespmem:s17], [sflag:$0x4], $0x80, s16, s13, $0xb8;
	[tilespmem:$0x1C8C0] =	vst v63  }
0xa2: {  	_ =	swait.ge @p2 [sflag:s18], $0x4000  }
0xa3: {  	[sflag:s18] =	ssyncset.done @p2 $0x0  }
0xa4: {  	s13 =	simm.s32 @!p4 $0x400;
	s16 =	simm.s32 @!p4 $0x3;
	[sflag:s18] =	ssyncadd.s32 @p2 $0xFFFFC000  }
0xa5: {  	[tilespmem:s13], [sflag:$0x3] =	stream.linear.gather @!p4 [hbm4b:s3+s24], $0x400, $0x38;
	[tilespmem:$0x1C8C0] =	vst v63  }
0xa6: {  	_ =	swait.ge @!p4 [sflag:s16], $0x400  }
0xa7: {  	[sflag:s16] =	ssyncset.done @!p4 $0x0  }
0xa8: {  	s3 =	simm.s32 @!p2 $0x1;
	[sflag:s16] =	ssyncadd.s32 @!p4 $0xFFFFFC00  }
0xa9: {  	_ =	swait.ge @!p2 [sflag:s3], $0x4000  }
0xaa: {  	[sflag:s3] =	ssyncset.done @!p2 $0x0  }
0xab: {  	s13 =	simm.s32 @!p2 $0x4800;
	[sflag:s3] =	ssyncadd.s32 @!p2 $0xFFFFC000;
	s3 =	simm.s32 @!p2 $0x80  }
0xac: {  	[tilespmem:s13], [sflag:$0x2] =	stream.indirect.gather @!p2 [hbm4b:s5+s3], $0x80, s26, s3, $0xb8;
	[tilespmem:$0x1C8C0] =	vst v63  }
.Ltmp7:
0xad: {  	_ = 	snop;
	(pc) =	sbr.rel @p3 .LBB2_7-.Ltmp7, $4  }
0xae: {  	s16 =	simm.s32 @!p2 $0x800;
	s13 =	simm.s32 @!p2 $0x4  }
0xaf: {  	[spmem:s2] =	stream.indirect.scatter.add.f32 @!p2 [tilespmem:s16], [sflag:$0x4], $0x80, s25, s3, $0xb8;
	[tilespmem:$0x1C8C0] =	vst v63  }
0xb0: {  	_ =	swait.ge @!p2 [sflag:s13], $0x4000  }
0xb1: {  	[sflag:s13] =	ssyncset.done @!p2 $0x0  }
.LBB2_8:
0xb2: {  	[sflag:s13] =	ssyncadd.s32 @!p2 $0xFFFFC000;
	s3 =	simm.s32 $0x2  }
0xb3: {  	_ =	swait.ge [sflag:s3], $0x4000  }
0xb4: {  	s25 =	simm.s32 $0x80;
	[sflag:s3] =	ssyncset.done $0x0  }
0xb5: {  	s26 =	simm.s32 $0x780;
	s16 =	simm.s32 $0x4800;
	[sflag:s3] =	ssyncadd.s32 $0xFFFFC000  }
0xb6: {  	[spmem:s2] =	stream.indirect.scatter.add.f32 [tilespmem:s16], [sflag:$0x4], $0x80, s26, s25, $0xb8;
	[tilespmem:$0x1C8C0] =	vst v63  }
0xb7: {  	_ =	swait.ge [sflag:s30], $0x4000  }
0xb8: {  	[sflag:s30] =	ssyncset.done $0x0  }
0xb9: {  	[sflag:s30] =	ssyncadd.s32 $0xFFFFC000  }
0xba: {  	[bflag:$0x0] =	sbarrier.arrive $0xFFFF  }
0xbb: {  	s3 =	simm.s32 @p0 $0x1FC3;
	s13 =	rddreg [dreg:$0x7]  }
0xbc: {  	[hbm:s13], [sflag:s3] =	dma.local @p0 [spmem:s29], $0x2800  }
0xbd: {  	s3 =	simm.s32 @p0 $0x3  }
0xbe: {  	_ =	swait.ge @p0 [sflag:s3], $0x2800  }
0xbf: {  	[sflag:s3] =	ssyncset.done @p0 $0x0  }
0xc0: {  	[sflag:s3] =	ssyncadd.s32 @p0 $0xFFFFD800;
	s3 =	rddreg [dreg:$0x6]  }
0xc1: {  	[hbm:s3], [sflag:s28] =	dma.local @!p0 [spmem:s0], $0x2700  }
.Ltmp8:
0xc2: {  	_ = 	snop;
	(pc) =	sbr.rel .LBB2_12-.Ltmp8, $4  }
0xc3: {  	s0 =	simm.s32 @!p0 $0x3  }
0xc4: {  	_ =	swait.ge @!p0 [sflag:s0], $0x2700  }
0xc5: {  	[sflag:s0] =	ssyncset.done @!p0 $0x0  }
0xc6: {  	[sflag:s0] =	ssyncadd.s32 @!p0 $0xFFFFD900  }
.LBB2_9:
0xc7: {  	s3 =	simm.s32 $0x0;
	s13 =	simm.s32 $0x80;
	s16 =	simm.s32 $0x800  }
0xc8: {  	[tilespmem:s16], [sflag:$0x1] =	stream.indirect.gather [hbm4b:s6+s13], $0x80, s3, s13, $0xb8;
	[tilespmem:$0x1C8C0] =	vst v63  }
0xc9: {  	s26 =	sand.u32 $0x1, s3  }
0xca: {  	p2 =	seq.s32 s26, $0x1  }
0xcb: {  	s13 =	simm.s32 @p2 $0x1  }
0xcc: {  	s16 =	sand.u32 @p2 $0x6, s13  }
0xcd: {  	p3 =	sne.s32 @p2 s16, $0x0  }
0xce: {  	s17 =	simm.s32 @p2 $0x2;
	p3 =	por p3, !p2  }
0xcf: {  	_ =	swait.ge @p2 [sflag:s17], $0x4000;
	s18 =	sadd.s32 @!p3 $0x0, s12  }
0xd0: {  	[sflag:s17] =	ssyncset.done @p2 $0x0;
	s18 =	sshll.u32 @!p3 s18, $0x7  }
0xd1: {  	[sflag:s17] =	ssyncadd.s32 @p2 $0xFFFFC000;
	s18 =	sand.u32 @!p3 $0x1FFFFF80, s18  }
0xd2: {  	s23 =	simm.s32 @!p3 $0x4;
	s24 =	simm.s32 @!p3 $0x0;
	s17 =	sadd.s32 @!p3 s7, s18  }
0xd3: {  	[tilespmem:s24], [sflag:$0x4] =	stream.linear.gather @!p3 [hbm4b:s17+s24], $0x400, $0x38;
	[tilespmem:$0x1C8C0] =	vst v63  }
0xd4: {  	s25 =	simm.s32 @p2 $0x800;
	_ =	swait.ge @!p3 [sflag:s23], $0x400  }
0xd5: {  	s16 =	sshll.u32 @p2 s16, $0x7;
	s17 =	simm.s32 @p2 $0x0;
	[sflag:s23] =	ssyncset.done @!p3 $0x0  }
0xd6: {  	s17 =	sand.u32 @p2 $0x380, s17;
	[sflag:s23] =	ssyncadd.s32 @!p3 $0xFFFFFC00;
	s23 =	simm.s32 @p2 $0x80  }
0xd7: {  	[tilespmem:s25], [sflag:$0x1] =	stream.indirect.gather @p2 [hbm4b:s6+s23], $0x80, s16, s23, $0xb8;
	[tilespmem:$0x1C8C0] =	vst v63  }
0xd8: {  	s16 =	sor.u32 @p2 $0x400, s17;
	s17 =	simm.s32 @p2 $0x4800;
	s25 =	simm.s32 @p2 $0x4  }
0xd9: {  	[spmem:s2] =	stream.indirect.scatter.add.f32 @p2 [tilespmem:s17], [sflag:$0x4], $0x80, s16, s23, $0xb8;
	[tilespmem:$0x1C8C0] =	vst v63  }
0xda: {  	_ =	swait.ge @p2 [sflag:s25], $0x4000  }
0xdb: {  	s16 =	sadd.s32 @!p3 s1, s18;
	[sflag:s25] =	ssyncset.done @p2 $0x0  }
0xdc: {  	s17 =	simm.s32 @!p3 $0x400;
	s18 =	simm.s32 @!p3 $0x3;
	[sflag:s25] =	ssyncadd.s32 @p2 $0xFFFFC000  }
0xdd: {  	[tilespmem:s17], [sflag:$0x3] =	stream.linear.gather @!p3 [hbm4b:s16+s24], $0x400, $0x38;
	[tilespmem:$0x1C8C0] =	vst v63  }
0xde: {  	_ =	swait.ge @!p3 [sflag:s18], $0x400  }
0xdf: {  	s23 =	sor.u32 @!p2 $0x1, s3;
	[sflag:s18] =	ssyncset.done @!p3 $0x0  }
0xe0: {  	s16 =	simm.s32 @!p2 $0x0;
	s17 =	simm.s32 @!p2 $0x1;
	[sflag:s18] =	ssyncadd.s32 @!p3 $0xFFFFFC00  }
0xe1: {  	s23 =	smov.u32 @p2 s13;
	s16 =	sand.u32 @!p2 $0x300, s16;
	_ =	swait.ge @!p2 [sflag:s17], $0x4000  }
0xe2: {  	s3 =	sor.u32 @!p2 $0x80, s16;
	s18 =	simm.s32 @!p2 $0x4800;
	[sflag:s17] =	ssyncset.done @!p2 $0x0  }
0xe3: {  	p3 =	sne.s32 s23, s20;
	[sflag:s17] =	ssyncadd.s32 @!p2 $0xFFFFC000;
	s17 =	simm.s32 @!p2 $0x80  }
0xe4: {  	[tilespmem:s18], [sflag:$0x2] =	stream.indirect.gather @!p2 [hbm4b:s6+s17], $0x80, s3, s17, $0xb8;
	[tilespmem:$0x1C8C0] =	vst v63  }
.Ltmp9:
0xe5: {  	_ = 	snop;
	(pc) =	sbr.rel @!p3 .LBB2_11-.Ltmp9, $4  }
0xe6: {  	s13 =	simm.s32 @!p2 $0x4;
	s16 =	sor.u32 @!p2 $0x400, s16;
	s3 =	simm.s32 @!p2 $0x800  }
0xe7: {  	[spmem:s2] =	stream.indirect.scatter.add.f32 @!p2 [tilespmem:s3], [sflag:$0x4], $0x80, s16, s17, $0xb8;
	[tilespmem:$0x1C8C0] =	vst v63  }
0xe8: {  	_ =	swait.ge @!p2 [sflag:s13], $0x4000  }
0xe9: {  	[sflag:s13] =	ssyncset.done @!p2 $0x0  }
.LBB2_10:
0xea: {  	[sflag:s13] =	ssyncadd.s32 @!p2 $0xFFFFC000  }
0xeb: {  	s3 =	sand.u32 $0x1, s23  }
0xec: {  	p2 =	seq.s32 s3, $0x1  }
0xed: {  	s3 =	sadd.s32 @p2 $0x1, s23;
	s13 =	simm.s32 @p2 $0x2;
	s16 =	sshll.u32 @p2 s23, $0x7  }
0xee: {  	s18 =	sshll.u32 @!p2 s23, $0x7;
	s17 =	sand.u32 @p2 $0x6, s3;
	s16 =	sand.u32 @p2 $0x380, s16  }
0xef: {  	p3 =	sne.s32 @p2 s17, $0x0;
	s17 =	sshll.u32 @p2 s17, $0x7;
	s16 =	sor.u32 @p2 $0x400, s16  }
0xf0: {  	s23 =	sor.u32 @!p2 $0x1, s23;
	s18 =	sand.u32 @!p2 $0x300, s18;
	p4 =	por p3, !p2  }
0xf1: {  	s26 =	sor.u32 @!p2 $0x80, s18;
	s25 =	sor.u32 @!p2 $0x400, s18;
	s24 =	sshrl.u32 @!p4 s3, $0x3  }
0xf2: {  	s23 =	smov.u32 @p2 s3;
	s18 =	sadd.s32 @!p4 s12, s24  }
0xf3: {  	p3 =	sne.s32 s23, s20;
	s3 =	sshll.u32 @!p4 s18, $0x7;
	_ =	swait.ge @p2 [sflag:s13], $0x4000  }
0xf4: {  	s18 =	simm.s32 @!p4 $0x4;
	s3 =	sand.u32 @!p4 $0x1FFFFF80, s3;
	[sflag:s13] =	ssyncset.done @p2 $0x0  }
0xf5: {  	s24 =	simm.s32 @!p4 $0x0;
	[sflag:s13] =	ssyncadd.s32 @p2 $0xFFFFC000;
	s13 =	sadd.s32 @!p4 s7, s3  }
0xf6: {  	[tilespmem:s24], [sflag:$0x4] =	stream.linear.gather @!p4 [hbm4b:s13+s24], $0x400, $0x38;
	[tilespmem:$0x1C8C0] =	vst v63  }
0xf7: {  	s3 =	sadd.s32 @!p4 s1, s3;
	_ =	swait.ge @!p4 [sflag:s18], $0x400  }
0xf8: {  	[sflag:s18] =	ssyncset.done @!p4 $0x0  }
0xf9: {  	s13 =	simm.s32 @p2 $0x80;
	[sflag:s18] =	ssyncadd.s32 @!p4 $0xFFFFFC00;
	s18 =	simm.s32 @p2 $0x800  }
0xfa: {  	[tilespmem:s18], [sflag:$0x1] =	stream.indirect.gather @p2 [hbm4b:s6+s13], $0x80, s17, s13, $0xb8;
	[tilespmem:$0x1C8C0] =	vst v63  }
0xfb: {  	s17 =	simm.s32 @p2 $0x4800;
	s18 =	simm.s32 @p2 $0x4  }
0xfc: {  	[spmem:s2] =	stream.indirect.scatter.add.f32 @p2 [tilespmem:s17], [sflag:$0x4], $0x80, s16, s13, $0xb8;
	[tilespmem:$0x1C8C0] =	vst v63  }
0xfd: {  	_ =	swait.ge @p2 [sflag:s18], $0x4000  }
0xfe: {  	[sflag:s18] =	ssyncset.done @p2 $0x0  }
0xff: {  	s13 =	simm.s32 @!p4 $0x400;
	s16 =	simm.s32 @!p4 $0x3;
	[sflag:s18] =	ssyncadd.s32 @p2 $0xFFFFC000  }
0x100: {  	[tilespmem:s13], [sflag:$0x3] =	stream.linear.gather @!p4 [hbm4b:s3+s24], $0x400, $0x38;
	[tilespmem:$0x1C8C0] =	vst v63  }
0x101: {  	_ =	swait.ge @!p4 [sflag:s16], $0x400  }
0x102: {  	[sflag:s16] =	ssyncset.done @!p4 $0x0  }
0x103: {  	s3 =	simm.s32 @!p2 $0x1;
	[sflag:s16] =	ssyncadd.s32 @!p4 $0xFFFFFC00  }
0x104: {  	_ =	swait.ge @!p2 [sflag:s3], $0x4000  }
0x105: {  	[sflag:s3] =	ssyncset.done @!p2 $0x0  }
0x106: {  	s13 =	simm.s32 @!p2 $0x4800;
	[sflag:s3] =	ssyncadd.s32 @!p2 $0xFFFFC000;
	s3 =	simm.s32 @!p2 $0x80  }
0x107: {  	[tilespmem:s13], [sflag:$0x2] =	stream.indirect.gather @!p2 [hbm4b:s6+s3], $0x80, s26, s3, $0xb8;
	[tilespmem:$0x1C8C0] =	vst v63  }
.Ltmp10:
0x108: {  	_ = 	snop;
	(pc) =	sbr.rel @p3 .LBB2_10-.Ltmp10, $4  }
0x109: {  	s16 =	simm.s32 @!p2 $0x800;
	s13 =	simm.s32 @!p2 $0x4  }
0x10a: {  	[spmem:s2] =	stream.indirect.scatter.add.f32 @!p2 [tilespmem:s16], [sflag:$0x4], $0x80, s25, s3, $0xb8;
	[tilespmem:$0x1C8C0] =	vst v63  }
0x10b: {  	_ =	swait.ge @!p2 [sflag:s13], $0x4000  }
0x10c: {  	[sflag:s13] =	ssyncset.done @!p2 $0x0  }
.Ltmp11:
0x10d: {  	_ = 	snop;
	(pc) =	sbr.rel .LBB2_11-.Ltmp11, $1  }
0x10e: {  	_ =	sdelay $0x3  }
.LBB2_13:
0x10f: {  	_ =	sfence.sel $0x180000  }
0x110: {  	[bflag:$0x0] =	sbarrier.arrive $0xFFFF  }
0x111: {  	_ =	strace $0x9000004D  }
0x112: {  	s0 =	stileid.u32;
	[bflag:$0x2] =	sbarrier.arrive $0xFFFF  }
0x113: {  	p0 =	sne.s32 s0, $0x0;
	s0 =	rddreg [dreg:$0x3]  }
0x114: {  	s0 =	sadd.s32 @!p0 $0x100000, s0  }
0x115: {  	[sflag:s0] =	ssyncadd.tile.s32 @!p0 $0x1;
	_ =	shalt  }
.Lfunc_end2:
_tile_overlayer_lowered:
.L_overlay_start_2:
0x116: {  	(tag) =	ssettag $0x2  }
0x117: {  	s0 =	rddreg [dreg:$0x0];
	s2 =	stileid.u32  }
0x118: {  	s1 =	rddreg [dreg:$0x1];
	p0 =	sne.s32 s2, $0x0  }
0x119: {  	s3 =	rddreg [dreg:$0x2];
	[bflag:$0x3] =	sbarrier.arrive $0xFFFF;
	s2 =	simm.s32 @!p0 $0x1C03  }
0x11a: {  	[timem:s3], [sflag:s2] =	dma.local @!p0 [hbm:s0], s1  }
0x11b: {  	s0 =	simm.s32 @!p0 $0x3  }
0x11c: {  	_ =	swait.ge @!p0 [sflag:s0], s1  }
0x11d: {  	s1 =	ssub.s32 @!p0 $0x0, s1;
	[sflag:s0] =	ssyncset.done @!p0 $0x0  }
0x11e: {  	[sflag:s0] =	ssyncadd.s32 @!p0 s1  }
0x11f: {  	[bflag:$0x3] =	sbarrier.arrive $0xFFFF  }
0x120: {  	_ =	shalt  }

// kernel: kernel.18.cloned.1.call-start
scs
__scs_entry_jumppad:
0x0: {  	(pc) =	sbr.rel $0x88, $3  }
0x1: {  	(tag) =	ssettag $0x0;
	lr =	simm.s32 $0x1  }
0x2: {  	[smem:$0x3F97] =	sst lr;
	_ =	strace $0xD0000000  }
0x3: {  	_ = 	snop  }
0x4: {  	_ = 	snop  }
0x5: {  	_ = 	snop  }
0x6: {  	_ = 	snop  }
0x7: {  	_ = 	snop  }
__scs_overlays_trampoline_lowered:
0x8: {  	[smem:$0x3FA6] =	sst s0  }
0x9: {  	[smem:$0x3FA7] =	sst s1  }
0xa: {  	[smem:$0x3FA8] =	sst s2  }
0xb: {  	[smem:$0x3FA9] =	sst s3  }
0xc: {  	[smem:$0x3FAA] =	sst s4  }
0xd: {  	[smem:$0x3FAB] =	sst s5  }
0xe: {  	[smem:$0x3FAC] =	sst s6  }
0xf: {  	[smem:$0x3FAD] =	sst s7  }
0x10: {  	[smem:$0x3FAE] =	sst s8  }
0x11: {  	[smem:$0x3FAF] =	sst s9;
	s0 =	simm.s32 @!p0 $0x0  }
0x12: {  	s1 =	sld [smem:$0x3F95];
	s0 =	simm.s32 @p0 $0x1  }
0x13: {  	[smem:$0x3FB0] =	sst s0;
	s0 =	simm.s32 @!p1 $0x0  }
0x14: {  	s2 =	sld [smem:$0x3F94];
	s0 =	simm.s32 @p1 $0x1  }
0x15: {  	[smem:$0x3FB1] =	sst s0;
	s0 =	simm.s32 @!p2 $0x0  }
0x16: {  	s3 =	sld [smem:$0x3FDB];
	s0 =	simm.s32 @p2 $0x1  }
0x17: {  	s4 =	simm.s32 $0x1BF5;
	[smem:$0x3FB3] =	sst s0  }
0x18: {  	s0 =	sld [smem:$0x3F96];
	_ =	swait.ge [sflag:s4], $0x0  }
0x19: {  	s7 =	sld [smem:$0x3F97]  }
0x1a: {  	s8 =	sadd.s32 $0xFFFFE003, lr  }
0x1b: {  	s9 =	sadd.s32 $0xFFFFFEF7, lr;
	s5 =	simm.s32 $0xFFFFFFFF;
	p2 =	slt.u32 s8, $0xFFFFF086  }
0x1c: {  	p1 =	slt.u32 s9, $0xF7A;
	s5 =	simm.s32 @!p2 $0x0  }
0x1d: {  	s5 =	simm.s32 @p1 $0x1;
	p0 =	seq.s32 s7, s2  }
0x1e: {  	s7 =	smul.u32 @!p0 $0xF7A, s2;
	p2 =	seq.s32 @!p0 s5, $0x0  }
0x1f: {  	s9 =	smul.u32 $0xF7A, s1;
	s8 =	simm.s32 @!p0 $0x1BF5;
	p2 =	por !p2, p0  }
0x20: {  	[sflag:s8] =	ssyncset.s32 @!p0 $0xFFFFF086;
	s6 =	sadd.s32 @!p0 s3, s7;
	s7 =	simm.s32 @!p0 $0x108  }
0x21: {  	s3 =	sadd.s32 s3, s9;
	s6 =	sadd.s32 @!p0 $0x88, s6;
	s7 =	simm.s32 @p2 $0x1082  }
0x22: {  	[simem:s7], [sflag:s8] =	dma.local @!p0 [hbm:s6], $0xF7A  }
0x23: {  	s9 =	sor.u32 $0xD0000000, s2;
	s6 =	simm.s32 $0x108;
	_ =	swait.ge @!p0 [sflag:s8], $0x0  }
0x24: {  	s3 =	sadd.s32 $0x88, s3;
	s6 =	simm.s32 @!p1 $0x1082;
	[sflag:s4] =	ssyncset.s32 $0xFFFFF086  }
0x25: {  	[simem:s6], [sflag:s4] =	dma.local [hbm:s3], $0xF7A  }
0x26: {  	[smem:$0x3F97] =	sst s1;
	(tag) =	ssettag s2;
	_ =	strace s9  }
0x27: {  	s1 =	sld [smem:$0x3FA7]  }
0x28: {  	s2 =	sld [smem:$0x3FA8]  }
0x29: {  	s4 =	sld [smem:$0x3FAA]  }
0x2a: {  	p0 =	seq.s32 s5, $0x0;
	s5 =	sld [smem:$0x3FAB]  }
0x2b: {  	s6 =	sld [smem:$0x3FAC]  }
0x2c: {  	s7 =	sld [smem:$0x3FAD]  }
0x2d: {  	s3 =	simm.s32 $0x108;
	s8 =	sld [smem:$0x3FAE]  }
0x2e: {  	s3 =	simm.s32 @!p0 $0x1082;
	s9 =	sld [smem:$0x3FAF]  }
0x2f: {  	lr =	sadd.s32 s0, s3;
	s0 =	sld [smem:$0x3FA6]  }
0x30: {  	s3 =	sld [smem:$0x3FA9]  }
0x31: {  	[smem:$0x3FB2] =	sst s10  }
0x32: {  	s10 =	sld [smem:$0x3FB0];
	_ =	sdelay $0x3  }
0x33: {  	p0 =	seq.s32 s10, $0x1;
	s10 =	sld [smem:$0x3FB2];
	_ =	sdelay $0x3  }
0x34: {  	[smem:$0x3FB2] =	sst s10  }
0x35: {  	s10 =	sld [smem:$0x3FB1];
	_ =	sdelay $0x3  }
0x36: {  	p1 =	seq.s32 s10, $0x1;
	s10 =	sld [smem:$0x3FB2];
	_ =	sdelay $0x3  }
0x37: {  	[smem:$0x3FB2] =	sst s10  }
0x38: {  	s10 =	sld [smem:$0x3FB3]  }
0x39: {  	_ = 	snop;
	(pc) =	sbr.ind lr, $3  }
0x3a: {  	_ = 	snop  }
0x3b: {  	_ = 	snop  }
0x3c: {  	p2 =	seq.s32 s10, $0x1;
	s10 =	sld [smem:$0x3FB2]  }
0x3d: {  	_ =	shalt  }
0x3e: {  	_ =	shalt  }
0x3f: {  	_ =	shalt  }
0x40: {  	_ =	shalt  }
0x41: {  	_ =	shalt  }
0x42: {  	_ =	shalt  }
0x43: {  	_ =	shalt  }
0x44: {  	_ =	shalt  }
0x45: {  	_ =	shalt  }
0x46: {  	_ =	shalt  }
0x47: {  	_ =	shalt  }
0x48: {  	_ =	shalt  }
0x49: {  	_ =	shalt  }
0x4a: {  	_ =	shalt  }
0x4b: {  	_ =	shalt  }
0x4c: {  	_ =	shalt  }
0x4d: {  	_ =	shalt  }
0x4e: {  	_ =	shalt  }
0x4f: {  	_ =	shalt  }
0x50: {  	_ =	shalt  }
0x51: {  	_ =	shalt  }
0x52: {  	_ =	shalt  }
0x53: {  	_ =	shalt  }
0x54: {  	_ =	shalt  }
0x55: {  	_ =	shalt  }
0x56: {  	_ =	shalt  }
0x57: {  	_ =	shalt  }
0x58: {  	_ =	shalt  }
0x59: {  	_ =	shalt  }
0x5a: {  	_ =	shalt  }
0x5b: {  	_ =	shalt  }
0x5c: {  	_ =	shalt  }
0x5d: {  	_ =	shalt  }
0x5e: {  	_ =	shalt  }
0x5f: {  	_ =	shalt  }
0x60: {  	_ =	shalt  }
0x61: {  	_ =	shalt  }
0x62: {  	_ =	shalt  }
0x63: {  	_ =	shalt  }
0x64: {  	_ =	shalt  }
0x65: {  	_ =	shalt  }
0x66: {  	_ =	shalt  }
0x67: {  	_ =	shalt  }
0x68: {  	_ =	shalt  }
0x69: {  	_ =	shalt  }
0x6a: {  	_ =	shalt  }
0x6b: {  	_ =	shalt  }
0x6c: {  	_ =	shalt  }
0x6d: {  	_ =	shalt  }
0x6e: {  	_ =	shalt  }
0x6f: {  	_ =	shalt  }
0x70: {  	_ =	shalt  }
0x71: {  	_ =	shalt  }
0x72: {  	_ =	shalt  }
0x73: {  	_ =	shalt  }
0x74: {  	_ =	shalt  }
0x75: {  	_ =	shalt  }
0x76: {  	_ =	shalt  }
0x77: {  	_ =	shalt  }
0x78: {  	_ =	shalt  }
0x79: {  	_ =	shalt  }
0x7a: {  	_ =	shalt  }
0x7b: {  	_ =	shalt  }
0x7c: {  	_ =	shalt  }
0x7d: {  	_ =	shalt  }
0x7e: {  	_ =	shalt  }
0x7f: {  	_ =	shalt  }
0x80: {  	_ =	shalt  }
0x81: {  	_ =	shalt  }
0x82: {  	_ =	shalt  }
0x83: {  	_ =	shalt  }
0x84: {  	_ =	shalt  }
0x85: {  	_ =	shalt  }
0x86: {  	_ =	shalt  }
0x87: {  	_ =	shalt  }
.Lfunc_end0:
.L_simem_size_0:
called_computation.3_lowered:
.L_overlay_start_0:
0x88: {  	s2 =	sld [smem:$0x3FD9]  }
0x89: {  	s3 =	sld [smem:$0x3FFE];
	_ =	sdelay $0x1  }
0x8a: {  	s1 =	srdreg.scid  }
0x8b: {  	s0 =	sand.u32 $0x1, s1  }
0x8c: {  	s17 =	sshll.u32 s0, $0xA;
	s2 =	sadd.s32 s3, s2  }
0x8d: {  	s2 =	sadd.s32 s2, s17  }
0x8e: {  	[smem:$0x3FBE] =	sst s2  }
0x8f: {  	_ = 	snop  }
0x90: {  	s2 =	sld [smem:$0x3FD0];
	(tm) =	ssettm $0x1  }
0x91: {  	s18 =	sld [smem:$0x3FFB];
	_ =	sdelay $0x3  }
0x92: {  	_ =	strace s18  }
0x93: {  	s3 =	sld [smem:$0x3FFC];
	_ =	sdelay $0x3  }
0x94: {  	_ =	strace s3  }
0x95: {  	s3 =	sld [smem:$0x3FFD];
	_ =	sdelay $0x3  }
0x96: {  	_ =	strace s3  }
0x97: {  	_ =	strace $0x8FFFFFFF  }
0x98: {  	s19 =	sld [smem:$0x3FDB];
	_ =	sdelay $0x1  }
0x99: {  	s4 =	simm.s32 $_scs_section_size  }
0x9a: {  	s5 =	simm.s32 $_size__tile_overlayer_lowered;
	s6 =	simm.s32 $_tile_overlayer_lowered  }
0x9b: {  	s22 =	simm.s32 $0x1BFF;
	s21 =	sshll.u32 s6, $0x1;
	s3 =	sadd.s32 s4, s19  }
0x9c: {  	s7 =	simm.s32 $0x0;
	s20 =	sshll.u32 s5, $0x1;
	s5 =	sadd.s32 s21, s3  }
0x9d: {  	[timem:s7], [sflag:s22] =	dma.local [hbm:s5], s20  }
0x9e: {  	_ =	swait.ge [sflag:s22], s20  }
0x9f: {  	s4 =	ssub.s32 $0x0, s20;
	[sflag:s22] =	ssyncset.done $0x0  }
0xa0: {  	[sflag:s22] =	ssyncadd.s32 s4;
	_ =	sdelay $0x1  }
0xa1: {  	s23 =	simm.s32 $0x1B8B  }
0xa2: {  	_ =	swait.ge [sflag:s23], $0x1  }
0xa3: {  	[sflag:s23] =	ssyncset.done $0x0  }
0xa4: {  	s25 =	simm.s32 $0x1B8E;
	s24 =	sld [smem:$0x3FFE];
	[sflag:s23] =	ssyncadd.s32 $0xFFFFFFFF  }
0xa5: {  	s26 =	simm.s32 $execute0_lowered;
	[smem:$0x3FD2] =	sst s25  }
0xa6: {  	s5 =	sshll.u32 s26, $0x1;
	_ =	strace $0x8000004F;
	[dreg:$0x1] =	wrdreg $0xFFFFFFFF  }
0xa7: {  	s28 =	simm.s32 $_size_execute0_lowered;
	s3 =	sadd.s32 s3, s5;
	[dreg:$0x0] =	wrdreg $0x0  }
0xa8: {  	s5 =	sshll.u32 s28, $0x1;
	[dreg:$0x2] =	wrdreg s3  }
0xa9: {  	[dreg:$0x3] =	wrdreg s5  }
0xaa: {  	[dreg:$0x4] =	wrdreg $0xC0  }
0xab: {  	_ =	task [dreg:s7], $0x5FFFF  }
0xac: {  	[dreg:$0x1] =	wrdreg $0xFFFFFFFF  }
0xad: {  	[dreg:$0x0] =	wrdreg $0x60  }
0xae: {  	[dreg:$0x2] =	wrdreg s2  }
0xaf: {  	[dreg:$0x3] =	wrdreg s24  }
0xb0: {  	[dreg:$0x4] =	wrdreg $0x9  }
0xb1: {  	_ =	task.clear_ibuf [dreg:s7], $0x5FFFF;
	_ =	strace $0x9000004F  }
0xb2: {  	s29 =	simm.s32 $0x9;
	_ =	strace $0x80000051  }
0xb3: {  	_ =	swait.ge [sflag:s29], $0x1  }
0xb4: {  	[sflag:s29] =	ssyncadd.s32 $0xFFFFFFFF  }
0xb5: {  	_ =	strace $0x90000051  }
0xb6: {  	_ =	sfence  }
0xb7: {  	s30 =	sld [smem:$0x0];
	_ =	sdelay $0x2  }
0xb8: {  	s31 =	sshll.u32 s1, $0xD;
	s1 =	sshrl.u32 s1, $0x2  }
0xb9: {  	s3 =	sand.u32 $0x4000, s31;
	s1 =	sadd.s32 s1, s30  }
0xba: {  	s0 =	sor.u32 s3, s0;
	s1 =	sshll.u32 s1, $0x11  }
0xbb: {  	s0 =	sor.u32 s1, s0  }
0xbc: {  	s0 =	sadd.s32 $0x8F2B, s0  }
0xbd: {  	[sflag:s0] =	ssyncadd.remote.s32 $0x1  }
0xbe: {  	_ =	sfence.sel $0xFFFF  }
0xbf: {  	[dreg:$0x0] =	wrdreg $0xFFFFFFFF;
	(pc) =	sbr.abs _section_cstart, $3  }
0xc0: {  	[dreg:$0x1] =	wrdreg $0xFFFFFFFF  }
0xc1: {  	_ =	task.clear_ibuf [dreg:s7], $0x2FFFF;
	_ =	strace $0x9FFFFFFF  }
0xc2: {  	(tm) =	ssettm $0x7FFFFFFF  }
0xc3: {  	_ =	shalt  }
tec
execute0_lowered:
.L_overlay_start_1:
0x0: {  	(tag) =	ssettag $0x1  }
0x1: {  	s1 =	srdreg.scid  }
0x2: {  	s0 =	stileid.u32;
	s2 =	rddreg [dreg:$0x0]  }
0x3: {  	s9 =	rddreg [dreg:$0x1];
	s4 =	sand.u32 $0x1, s1;
	s31 =	sshll.u32 s0, $0x1  }
0x4: {  	s3 =	simm.s32 $0x0;
	s12 =	simm.s32 $0xC480;
	s11 =	sor.u32 s4, s31  }
0x5: {  	s13 =	simm.s32 $0x0;
	s1 =	rddreg [dreg:$0x2];
	s5 =	smul.u32 $0x272, s11  }
0x6: {  	[smem:$0x7FF] =	sst s3;
	s8 =	sadd.s32 $0xDFCE, s9;
	s6 =	smul.u32 $0x4E4, s11  }
.Ltmp0:
0x7: {  	_ =	strace $0x80000050;
	s4 =	ssub.s32 $0x2, s4;
	(pc) =	sbr.rel .LBB2_1-.Ltmp0, $4  }
0x8: {  	s7 =	sshrl.u32 s4, $0x1;
	p0 =	seq.s32 s11, $0x1F;
	s11 =	simm.s32 $0x1  }
0x9: {  	s10 =	ssub.s32 s4, s7;
	s7 =	sadd.s32 $0x8FCE, s9;
	s5 =	sadd.s32 s5, s9  }
0xa: {  	v0 =	vlaneseq.u32;
	s6 =	sadd.s32 s6, s9;
	s9 =	sadd.s32 $0x17B9C, s9;
	s10 =	smax.u32 s10, $0x1  }
0xb: {  	v0 =	vmul.u32 $0x2, v0;
	s4 =	sadd.s32 $0x4400, s5;
	s5 =	sadd.s32 $0x9400, s5;
	s6 =	sadd.s32 $0xE400, s6  }
.LBB2_7:
0xc: {  	_ =	sdelay $0x2  }
0xd: {  	v1 =	vadd.f32 v1, v2  }
0xe: {  	[tilespmem:v4+s12+$0x0] =	vst.idx.msk $0xffff, v5  }
0xf: {  	[tilespmem:v3+s12+$0x0] =	vst.idx.msk $0xffff, v1  }
0x10: {  	[hbm4b:s9+s3] =	stream.linear.scatter [tilespmem:s12], [sflag:$0x1], $0x2520, $0x38;
	[tilespmem:$0xEC00] =	vst v63  }
0x11: {  	_ =	swait.ge [sflag:s11], $0x2520  }
0x12: {  	[sflag:s11] =	ssyncset.done $0x0  }
0x13: {  	[sflag:s11] =	ssyncadd.s32 $0xFFFFDAE0  }
.LBB2_8:
0x14: {  	s13 =	sadd.s32 $0x1, s13  }
0x15: {  	p1 =	sne.s32 s13, s10  }
.Ltmp1:
0x16: {  	_ = 	snop;
	(pc) =	sbr.rel @!p1 .LBB2_9-.Ltmp1, $1  }
0x17: {  	_ =	sdelay $0x3  }
.LBB2_1:
.Ltmp2:
0x18: {  	(pc) =	sbr.rel @!p0 .LBB2_2-.Ltmp2, $4  }
0x19: {  	[tilespmem:s3], [sflag:$0x1] =	stream.linear.gather [hbm4b:s2+s3], $0x9C80, $0x38;
	[tilespmem:$0xEC00] =	vst v63  }
0x1a: {  	_ =	swait.ge [sflag:s11], $0x9C80  }
0x1b: {  	[sflag:s11] =	ssyncset.done $0x0  }
0x1c: {  	s16 =	simm.s32 $0x0;
	s14 =	simm.s32 $0x9C80;
	[sflag:s11] =	ssyncadd.s32 $0xFFFF6380  }
0x1d: {  	[tilespmem:s14], [sflag:$0x1] =	stream.linear.gather [hbm4b:s7+s16], $0x1290, $0x38;
	[tilespmem:$0xEC00] =	vst v63  }
0x1e: {  	_ =	swait.ge [sflag:s11], $0x1290  }
0x1f: {  	[sflag:s11] =	ssyncset.done $0x0  }
0x20: {  	s15 =	simm.s32 $0xB080;
	[sflag:s11] =	ssyncadd.s32 $0xFFFFED70  }
0x21: {  	[tilespmem:s15], [sflag:$0x1] =	stream.linear.gather [hbm4b:s8+s16], $0x1290, $0x38;
	[tilespmem:$0xEC00] =	vst v63  }
0x22: {  	_ =	swait.ge [sflag:s11], $0x1290  }
0x23: {  	[sflag:s11] =	ssyncset.done $0x0  }
0x24: {  	[sflag:s11] =	ssyncadd.s32 $0xFFFFED70  }
0x25: {  	v1 =	vld [tilespmem:s14+$0x0]  }
0x26: {  	v2 =	vld [tilespmem:s15+$0x0];
	_ =	sdelay $0x4  }
0x27: {  	v1 =	vshll.u32 v1, $0x2;
	v2 =	vshll.u32 v2, $0x2  }
0x28: {  	v3 =	vor.u32 $0x2, v2  }
0x29: {  	v2 =	vor.u32 $0x3, v2  }
0x2a: {  	v6 =	vor.u32 $0x1, v1;
	_ =	sdelay $0x1  }
0x2b: {  	v5 =	vld.idx.msk [tilespmem:v1+s3+$0x0], $0xffff  }
0x2c: {  	v1 =	vmov s16;
	v7 =	vld.idx.msk [tilespmem:v3+s3+$0x0], $0xffff  }
0x2d: {  	v3 =	vshll.u32 v1, $0x1;
	v1 =	vld.idx.msk [tilespmem:v2+s3+$0x0], $0xffff  }
0x2e: {  	v2 =	vld.idx.msk [tilespmem:v6+s3+$0x0], $0xffff;
	v4 =	vor.u32 v0, v3;
	_ =	sdelay $0x1  }
0x2f: {  	v3 =	vor.u32 $0x1, v4  }
0x30: {  	s16 =	simm.s32 $0x10;
	v5 =	vadd.f32 v7, v5  }
.LBB2_6:
0x31: {  	p1 =	sne.s32 s16, $0x1280;
	s14 =	sadd.s32 $0x10, s14;
	s15 =	sadd.s32 $0x10, s15  }
0x32: {  	v1 =	vadd.f32 v1, v2;
	s17 =	smov.u32 s16;
	s16 =	sadd.s32 $0x10, s16;
	[tilespmem:v4+s12+$0x0] =	vst.idx.msk $0xffff, v5;
	_ =	sdelay $0x1  }
0x33: {  	[tilespmem:v3+s12+$0x0] =	vst.idx.msk $0xffff, v1  }
0x34: {  	v1 =	vld [tilespmem:s14+$0x0]  }
0x35: {  	v2 =	vld [tilespmem:s15+$0x0];
	_ =	sdelay $0x3  }
0x36: {  	v1 =	vshll.u32 v1, $0x2  }
0x37: {  	v2 =	vshll.u32 v2, $0x2;
	v3 =	vor.u32 $0x1, v1  }
0x38: {  	v4 =	vor.u32 $0x2, v2;
	v2 =	vor.u32 $0x3, v2;
	_ =	sdelay $0x3  }
0x39: {  	v5 =	vld.idx.msk [tilespmem:v1+s3+$0x0], $0xffff  }
0x3a: {  	v6 =	vld.idx.msk [tilespmem:v4+s3+$0x0], $0xffff  }
0x3b: {  	v4 =	vmov s17;
	v1 =	vld.idx.msk [tilespmem:v2+s3+$0x0], $0xffff  }
.Ltmp3:
0x3c: {  	v2 =	vld.idx.msk [tilespmem:v3+s3+$0x0], $0xffff;
	v3 =	vshll.u32 v4, $0x1;
	(pc) =	sbr.rel @p1 .LBB2_6-.Ltmp3, $3  }
0x3d: {  	v4 =	vor.u32 v0, v3;
	_ =	sdelay $0x1  }
0x3e: {  	v3 =	vor.u32 $0x1, v4  }
0x3f: {  	v5 =	vadd.f32 v6, v5  }
.Ltmp4:
0x40: {  	_ = 	snop;
	(pc) =	sbr.rel .LBB2_7-.Ltmp4, $1  }
0x41: {  	_ =	sdelay $0x3  }
.LBB2_2:
0x42: {  	[tilespmem:s14], [sflag:$0x1] =	stream.linear.gather [hbm4b:s4+s16], $0x1390, $0x38;
	[tilespmem:$0xEC00] =	vst v63  }
0x43: {  	_ =	swait.ge [sflag:s11], $0x1390  }
0x44: {  	[sflag:s11] =	ssyncset.done $0x0  }
0x45: {  	s15 =	simm.s32 $0xB080;
	[sflag:s11] =	ssyncadd.s32 $0xFFFFEC70  }
0x46: {  	[tilespmem:s15], [sflag:$0x1] =	stream.linear.gather [hbm4b:s5+s16], $0x1390, $0x38;
	[tilespmem:$0xEC00] =	vst v63  }
0x47: {  	_ =	swait.ge [sflag:s11], $0x1390  }
0x48: {  	[sflag:s11] =	ssyncset.done $0x0  }
0x49: {  	[sflag:s11] =	ssyncadd.s32 $0xFFFFEC70  }
0x4a: {  	v1 =	vld [tilespmem:s14+$0x0]  }
0x4b: {  	v2 =	vld [tilespmem:s15+$0x0];
	_ =	sdelay $0x4  }
0x4c: {  	v1 =	vshll.u32 v1, $0x2;
	v2 =	vshll.u32 v2, $0x2  }
0x4d: {  	v3 =	vor.u32 $0x2, v2  }
0x4e: {  	v2 =	vor.u32 $0x3, v2  }
0x4f: {  	v6 =	vor.u32 $0x1, v1;
	_ =	sdelay $0x1  }
0x50: {  	v5 =	vld.idx.msk [tilespmem:v1+s3+$0x0], $0xffff  }
0x51: {  	v1 =	vmov s16;
	v7 =	vld.idx.msk [tilespmem:v3+s3+$0x0], $0xffff  }
0x52: {  	v3 =	vshll.u32 v1, $0x1;
	v1 =	vld.idx.msk [tilespmem:v2+s3+$0x0], $0xffff  }
0x53: {  	v2 =	vld.idx.msk [tilespmem:v6+s3+$0x0], $0xffff;
	v4 =	vor.u32 v0, v3;
	_ =	sdelay $0x1  }
0x54: {  	v3 =	vor.u32 $0x1, v4  }
0x55: {  	s16 =	simm.s32 $0x10;
	v5 =	vadd.f32 v7, v5  }
.LBB2_3:
0x56: {  	p1 =	sne.s32 s16, $0x1380;
	s14 =	sadd.s32 $0x10, s14;
	s15 =	sadd.s32 $0x10, s15  }
0x57: {  	v1 =	vadd.f32 v1, v2;
	s17 =	smov.u32 s16;
	s16 =	sadd.s32 $0x10, s16;
	[tilespmem:v4+s12+$0x0] =	vst.idx.msk $0xffff, v5;
	_ =	sdelay $0x1  }
0x58: {  	[tilespmem:v3+s12+$0x0] =	vst.idx.msk $0xffff, v1  }
0x59: {  	v1 =	vld [tilespmem:s14+$0x0]  }
0x5a: {  	v2 =	vld [tilespmem:s15+$0x0];
	_ =	sdelay $0x3  }
0x5b: {  	v1 =	vshll.u32 v1, $0x2  }
0x5c: {  	v2 =	vshll.u32 v2, $0x2;
	v3 =	vor.u32 $0x1, v1  }
0x5d: {  	v4 =	vor.u32 $0x2, v2;
	v2 =	vor.u32 $0x3, v2;
	_ =	sdelay $0x3  }
0x5e: {  	v5 =	vld.idx.msk [tilespmem:v1+s3+$0x0], $0xffff  }
0x5f: {  	v6 =	vld.idx.msk [tilespmem:v4+s3+$0x0], $0xffff  }
0x60: {  	v4 =	vmov s17;
	v1 =	vld.idx.msk [tilespmem:v2+s3+$0x0], $0xffff  }
.Ltmp5:
0x61: {  	v2 =	vld.idx.msk [tilespmem:v3+s3+$0x0], $0xffff;
	v3 =	vshll.u32 v4, $0x1;
	(pc) =	sbr.rel @p1 .LBB2_3-.Ltmp5, $3  }
0x62: {  	v4 =	vor.u32 v0, v3;
	_ =	sdelay $0x1  }
0x63: {  	v3 =	vor.u32 $0x1, v4  }
0x64: {  	v5 =	vadd.f32 v6, v5  }
0x65: {  	_ =	sdelay $0x2  }
0x66: {  	v1 =	vadd.f32 v1, v2  }
0x67: {  	[tilespmem:v4+s12+$0x0] =	vst.idx.msk $0xffff, v5  }
.Ltmp6:
0x68: {  	[tilespmem:v3+s12+$0x0] =	vst.idx.msk $0xffff, v1;
	(pc) =	sbr.rel .LBB2_8-.Ltmp6, $4  }
0x69: {  	[hbm4b:s6+s3] =	stream.linear.scatter [tilespmem:s12], [sflag:$0x1], $0x2720, $0x38;
	[tilespmem:$0xEC00] =	vst v63  }
0x6a: {  	_ =	swait.ge [sflag:s11], $0x2720  }
0x6b: {  	[sflag:s11] =	ssyncset.done $0x0  }
0x6c: {  	[sflag:s11] =	ssyncadd.s32 $0xFFFFD8E0  }
.LBB2_9:
0x6d: {  	_ =	sfence.sel $0x180000  }
0x6e: {  	[bflag:$0x0] =	sbarrier.arrive $0xFFFF  }
0x6f: {  	p0 =	sne.s32 s0, $0x0;
	_ =	strace $0x90000050  }
0x70: {  	s0 =	sadd.s32 @!p0 $0x100000, s1;
	[bflag:$0x2] =	sbarrier.arrive $0xFFFF  }
0x71: {  	[sflag:s0] =	ssyncadd.tile.s32 @!p0 $0x1;
	_ =	shalt  }
.Lfunc_end2:
_tile_overlayer_lowered:
.L_overlay_start_2:
0x72: {  	(tag) =	ssettag $0x2  }
0x73: {  	s0 =	rddreg [dreg:$0x0];
	s2 =	stileid.u32  }
0x74: {  	s1 =	rddreg [dreg:$0x1];
	p0 =	sne.s32 s2, $0x0  }
0x75: {  	s3 =	rddreg [dreg:$0x2];
	[bflag:$0x3] =	sbarrier.arrive $0xFFFF;
	s2 =	simm.s32 @!p0 $0x1C01  }
0x76: {  	[timem:s3], [sflag:s2] =	dma.local @!p0 [hbm:s0], s1  }
0x77: {  	s0 =	simm.s32 @!p0 $0x1  }
0x78: {  	_ =	swait.ge @!p0 [sflag:s0], s1  }
0x79: {  	s1 =	ssub.s32 @!p0 $0x0, s1;
	[sflag:s0] =	ssyncset.done @!p0 $0x0  }
0x7a: {  	[sflag:s0] =	ssyncadd.s32 @!p0 s1  }
0x7b: {  	[bflag:$0x3] =	sbarrier.arrive $0xFFFF  }
0x7c: {  	_ =	shalt  }

// kernel: kernel.9.cloned.1.call-start
scs
__scs_entry_jumppad:
0x0: {  	(pc) =	sbr.rel $0x88, $3  }
0x1: {  	(tag) =	ssettag $0x0;
	lr =	simm.s32 $0x1  }
0x2: {  	[smem:$0x3F97] =	sst lr;
	_ =	strace $0xD0000000  }
0x3: {  	_ = 	snop  }
0x4: {  	_ = 	snop  }
0x5: {  	_ = 	snop  }
0x6: {  	_ = 	snop  }
0x7: {  	_ = 	snop  }
__scs_overlays_trampoline_lowered:
0x8: {  	[smem:$0x3FA6] =	sst s0  }
0x9: {  	[smem:$0x3FA7] =	sst s1  }
0xa: {  	[smem:$0x3FA8] =	sst s2  }
0xb: {  	[smem:$0x3FA9] =	sst s3  }
0xc: {  	[smem:$0x3FAA] =	sst s4  }
0xd: {  	[smem:$0x3FAB] =	sst s5  }
0xe: {  	[smem:$0x3FAC] =	sst s6  }
0xf: {  	[smem:$0x3FAD] =	sst s7  }
0x10: {  	[smem:$0x3FAE] =	sst s8  }
0x11: {  	[smem:$0x3FAF] =	sst s9;
	s0 =	simm.s32 @!p0 $0x0  }
0x12: {  	s1 =	sld [smem:$0x3F95];
	s0 =	simm.s32 @p0 $0x1  }
0x13: {  	[smem:$0x3FB0] =	sst s0;
	s0 =	simm.s32 @!p1 $0x0  }
0x14: {  	s2 =	sld [smem:$0x3F94];
	s0 =	simm.s32 @p1 $0x1  }
0x15: {  	[smem:$0x3FB1] =	sst s0;
	s0 =	simm.s32 @!p2 $0x0  }
0x16: {  	s3 =	sld [smem:$0x3FDB];
	s0 =	simm.s32 @p2 $0x1  }
0x17: {  	s4 =	simm.s32 $0x1BF5;
	[smem:$0x3FB3] =	sst s0  }
0x18: {  	s0 =	sld [smem:$0x3F96];
	_ =	swait.ge [sflag:s4], $0x0  }
0x19: {  	s7 =	sld [smem:$0x3F97]  }
0x1a: {  	s8 =	sadd.s32 $0xFFFFE003, lr  }
0x1b: {  	s9 =	sadd.s32 $0xFFFFFEF7, lr;
	s5 =	simm.s32 $0xFFFFFFFF;
	p2 =	slt.u32 s8, $0xFFFFF086  }
0x1c: {  	p1 =	slt.u32 s9, $0xF7A;
	s5 =	simm.s32 @!p2 $0x0  }
0x1d: {  	s5 =	simm.s32 @p1 $0x1;
	p0 =	seq.s32 s7, s2  }
0x1e: {  	s7 =	smul.u32 @!p0 $0xF7A, s2;
	p2 =	seq.s32 @!p0 s5, $0x0  }
0x1f: {  	s9 =	smul.u32 $0xF7A, s1;
	s8 =	simm.s32 @!p0 $0x1BF5;
	p2 =	por !p2, p0  }
0x20: {  	[sflag:s8] =	ssyncset.s32 @!p0 $0xFFFFF086;
	s6 =	sadd.s32 @!p0 s3, s7;
	s7 =	simm.s32 @!p0 $0x108  }
0x21: {  	s3 =	sadd.s32 s3, s9;
	s6 =	sadd.s32 @!p0 $0x88, s6;
	s7 =	simm.s32 @p2 $0x1082  }
0x22: {  	[simem:s7], [sflag:s8] =	dma.local @!p0 [hbm:s6], $0xF7A  }
0x23: {  	s9 =	sor.u32 $0xD0000000, s2;
	s6 =	simm.s32 $0x108;
	_ =	swait.ge @!p0 [sflag:s8], $0x0  }
0x24: {  	s3 =	sadd.s32 $0x88, s3;
	s6 =	simm.s32 @!p1 $0x1082;
	[sflag:s4] =	ssyncset.s32 $0xFFFFF086  }
0x25: {  	[simem:s6], [sflag:s4] =	dma.local [hbm:s3], $0xF7A  }
0x26: {  	[smem:$0x3F97] =	sst s1;
	(tag) =	ssettag s2;
	_ =	strace s9  }
0x27: {  	s1 =	sld [smem:$0x3FA7]  }
0x28: {  	s2 =	sld [smem:$0x3FA8]  }
0x29: {  	s4 =	sld [smem:$0x3FAA]  }
0x2a: {  	p0 =	seq.s32 s5, $0x0;
	s5 =	sld [smem:$0x3FAB]  }
0x2b: {  	s6 =	sld [smem:$0x3FAC]  }
0x2c: {  	s7 =	sld [smem:$0x3FAD]  }
0x2d: {  	s3 =	simm.s32 $0x108;
	s8 =	sld [smem:$0x3FAE]  }
0x2e: {  	s3 =	simm.s32 @!p0 $0x1082;
	s9 =	sld [smem:$0x3FAF]  }
0x2f: {  	lr =	sadd.s32 s0, s3;
	s0 =	sld [smem:$0x3FA6]  }
0x30: {  	s3 =	sld [smem:$0x3FA9]  }
0x31: {  	[smem:$0x3FB2] =	sst s10  }
0x32: {  	s10 =	sld [smem:$0x3FB0];
	_ =	sdelay $0x3  }
0x33: {  	p0 =	seq.s32 s10, $0x1;
	s10 =	sld [smem:$0x3FB2];
	_ =	sdelay $0x3  }
0x34: {  	[smem:$0x3FB2] =	sst s10  }
0x35: {  	s10 =	sld [smem:$0x3FB1];
	_ =	sdelay $0x3  }
0x36: {  	p1 =	seq.s32 s10, $0x1;
	s10 =	sld [smem:$0x3FB2];
	_ =	sdelay $0x3  }
0x37: {  	[smem:$0x3FB2] =	sst s10  }
0x38: {  	s10 =	sld [smem:$0x3FB3]  }
0x39: {  	_ = 	snop;
	(pc) =	sbr.ind lr, $3  }
0x3a: {  	_ = 	snop  }
0x3b: {  	_ = 	snop  }
0x3c: {  	p2 =	seq.s32 s10, $0x1;
	s10 =	sld [smem:$0x3FB2]  }
0x3d: {  	_ =	shalt  }
0x3e: {  	_ =	shalt  }
0x3f: {  	_ =	shalt  }
0x40: {  	_ =	shalt  }
0x41: {  	_ =	shalt  }
0x42: {  	_ =	shalt  }
0x43: {  	_ =	shalt  }
0x44: {  	_ =	shalt  }
0x45: {  	_ =	shalt  }
0x46: {  	_ =	shalt  }
0x47: {  	_ =	shalt  }
0x48: {  	_ =	shalt  }
0x49: {  	_ =	shalt  }
0x4a: {  	_ =	shalt  }
0x4b: {  	_ =	shalt  }
0x4c: {  	_ =	shalt  }
0x4d: {  	_ =	shalt  }
0x4e: {  	_ =	shalt  }
0x4f: {  	_ =	shalt  }
0x50: {  	_ =	shalt  }
0x51: {  	_ =	shalt  }
0x52: {  	_ =	shalt  }
0x53: {  	_ =	shalt  }
0x54: {  	_ =	shalt  }
0x55: {  	_ =	shalt  }
0x56: {  	_ =	shalt  }
0x57: {  	_ =	shalt  }
0x58: {  	_ =	shalt  }
0x59: {  	_ =	shalt  }
0x5a: {  	_ =	shalt  }
0x5b: {  	_ =	shalt  }
0x5c: {  	_ =	shalt  }
0x5d: {  	_ =	shalt  }
0x5e: {  	_ =	shalt  }
0x5f: {  	_ =	shalt  }
0x60: {  	_ =	shalt  }
0x61: {  	_ =	shalt  }
0x62: {  	_ =	shalt  }
0x63: {  	_ =	shalt  }
0x64: {  	_ =	shalt  }
0x65: {  	_ =	shalt  }
0x66: {  	_ =	shalt  }
0x67: {  	_ =	shalt  }
0x68: {  	_ =	shalt  }
0x69: {  	_ =	shalt  }
0x6a: {  	_ =	shalt  }
0x6b: {  	_ =	shalt  }
0x6c: {  	_ =	shalt  }
0x6d: {  	_ =	shalt  }
0x6e: {  	_ =	shalt  }
0x6f: {  	_ =	shalt  }
0x70: {  	_ =	shalt  }
0x71: {  	_ =	shalt  }
0x72: {  	_ =	shalt  }
0x73: {  	_ =	shalt  }
0x74: {  	_ =	shalt  }
0x75: {  	_ =	shalt  }
0x76: {  	_ =	shalt  }
0x77: {  	_ =	shalt  }
0x78: {  	_ =	shalt  }
0x79: {  	_ =	shalt  }
0x7a: {  	_ =	shalt  }
0x7b: {  	_ =	shalt  }
0x7c: {  	_ =	shalt  }
0x7d: {  	_ =	shalt  }
0x7e: {  	_ =	shalt  }
0x7f: {  	_ =	shalt  }
0x80: {  	_ =	shalt  }
0x81: {  	_ =	shalt  }
0x82: {  	_ =	shalt  }
0x83: {  	_ =	shalt  }
0x84: {  	_ =	shalt  }
0x85: {  	_ =	shalt  }
0x86: {  	_ =	shalt  }
0x87: {  	_ =	shalt  }
.Lfunc_end0:
.L_simem_size_0:
called_computation_lowered:
.L_overlay_start_0:
0x88: {  	s2 =	sld [smem:$0x3FD9]  }
0x89: {  	s3 =	sld [smem:$0x3FFE];
	_ =	sdelay $0x1  }
0x8a: {  	s1 =	srdreg.scid  }
0x8b: {  	s0 =	sand.u32 $0x1, s1  }
0x8c: {  	s17 =	sshll.u32 s0, $0xA;
	s2 =	sadd.s32 s3, s2  }
0x8d: {  	s2 =	sadd.s32 s2, s17  }
0x8e: {  	[smem:$0x3FBE] =	sst s2  }
0x8f: {  	_ = 	snop  }
0x90: {  	s2 =	sld [smem:$0x3FD0];
	(tm) =	ssettm $0x1  }
0x91: {  	s18 =	sld [smem:$0x3FFB];
	_ =	sdelay $0x3  }
0x92: {  	_ =	strace s18  }
0x93: {  	s3 =	sld [smem:$0x3FFC];
	_ =	sdelay $0x3  }
0x94: {  	_ =	strace s3  }
0x95: {  	s3 =	sld [smem:$0x3FFD];
	_ =	sdelay $0x3  }
0x96: {  	_ =	strace s3  }
0x97: {  	_ =	strace $0x8FFFFFFF  }
0x98: {  	s19 =	sld [smem:$0x3FDB];
	_ =	sdelay $0x1  }
0x99: {  	s4 =	simm.s32 $_scs_section_size  }
0x9a: {  	s5 =	simm.s32 $_size__tile_overlayer_lowered;
	s6 =	simm.s32 $_tile_overlayer_lowered  }
0x9b: {  	s22 =	simm.s32 $0x1BFF;
	s21 =	sshll.u32 s6, $0x1;
	s3 =	sadd.s32 s4, s19  }
0x9c: {  	s7 =	simm.s32 $0x0;
	s20 =	sshll.u32 s5, $0x1;
	s5 =	sadd.s32 s21, s3  }
0x9d: {  	[timem:s7], [sflag:s22] =	dma.local [hbm:s5], s20  }
0x9e: {  	_ =	swait.ge [sflag:s22], s20  }
0x9f: {  	s4 =	ssub.s32 $0x0, s20;
	[sflag:s22] =	ssyncset.done $0x0  }
0xa0: {  	[sflag:s22] =	ssyncadd.s32 s4;
	_ =	sdelay $0x1  }
0xa1: {  	s23 =	simm.s32 $0x1B8B  }
0xa2: {  	_ =	swait.ge [sflag:s23], $0x1  }
0xa3: {  	[sflag:s23] =	ssyncset.done $0x0  }
0xa4: {  	s25 =	simm.s32 $0x1B8E;
	s24 =	sld [smem:$0x3FFE];
	[sflag:s23] =	ssyncadd.s32 $0xFFFFFFFF  }
0xa5: {  	s26 =	simm.s32 $execute0_lowered;
	[smem:$0x3FD2] =	sst s25  }
0xa6: {  	s5 =	sshll.u32 s26, $0x1;
	_ =	strace $0x80000046;
	[dreg:$0x1] =	wrdreg $0xFFFFFFFF  }
0xa7: {  	s28 =	simm.s32 $_size_execute0_lowered;
	s3 =	sadd.s32 s3, s5;
	[dreg:$0x0] =	wrdreg $0x0  }
0xa8: {  	s5 =	sshll.u32 s28, $0x1;
	[dreg:$0x2] =	wrdreg s3  }
0xa9: {  	[dreg:$0x3] =	wrdreg s5  }
0xaa: {  	[dreg:$0x4] =	wrdreg $0xC0  }
0xab: {  	_ =	task [dreg:s7], $0x5FFFF  }
0xac: {  	[dreg:$0x1] =	wrdreg $0xFFFFFFFF  }
0xad: {  	[dreg:$0x0] =	wrdreg $0x60  }
0xae: {  	[dreg:$0x2] =	wrdreg s2  }
0xaf: {  	[dreg:$0x3] =	wrdreg s24  }
0xb0: {  	[dreg:$0x4] =	wrdreg $0x5C000  }
0xb1: {  	[dreg:$0x5] =	wrdreg $0x9  }
0xb2: {  	_ =	task.clear_ibuf [dreg:s7], $0x6FFFF;
	_ =	strace $0x90000046  }
0xb3: {  	s29 =	simm.s32 $0x9;
	_ =	strace $0x80000048  }
0xb4: {  	_ =	swait.ge [sflag:s29], $0x1  }
0xb5: {  	[sflag:s29] =	ssyncadd.s32 $0xFFFFFFFF  }
0xb6: {  	_ =	strace $0x90000048  }
0xb7: {  	_ =	sfence  }
0xb8: {  	s30 =	sld [smem:$0x0];
	_ =	sdelay $0x2  }
0xb9: {  	s31 =	sshll.u32 s1, $0xD;
	s1 =	sshrl.u32 s1, $0x2  }
0xba: {  	s3 =	sand.u32 $0x4000, s31;
	s1 =	sadd.s32 s1, s30  }
0xbb: {  	s0 =	sor.u32 s3, s0;
	s1 =	sshll.u32 s1, $0x11  }
0xbc: {  	s0 =	sor.u32 s1, s0  }
0xbd: {  	s0 =	sadd.s32 $0x8F2B, s0  }
0xbe: {  	[sflag:s0] =	ssyncadd.remote.s32 $0x1  }
0xbf: {  	_ =	sfence.sel $0xFFFF  }
0xc0: {  	[dreg:$0x0] =	wrdreg $0xFFFFFFFF;
	(pc) =	sbr.abs _section_cstart, $3  }
0xc1: {  	[dreg:$0x1] =	wrdreg $0xFFFFFFFF  }
0xc2: {  	_ =	task.clear_ibuf [dreg:s7], $0x2FFFF;
	_ =	strace $0x9FFFFFFF  }
0xc3: {  	(tm) =	ssettm $0x7FFFFFFF  }
tec
execute0_lowered:
.L_overlay_start_1:
0x0: {  	(tag) =	ssettag $0x1  }
0x1: {  	s8 =	rddreg [dreg:$0x0]  }
0x2: {  	s13 =	rddreg [dreg:$0x1]  }
0x3: {  	s2 =	rddreg [dreg:$0x2]  }
0x4: {  	s0 =	rddreg [dreg:$0x3]  }
0x5: {  	s3 =	simm.s32 $0x0;
	s1 =	stileid.u32;
	s4 =	srdreg.scid  }
0x6: {  	s15 =	simm.s32 $0x5400;
	s16 =	simm.s32 $0x1;
	s17 =	simm.s32 $0x80  }
0x7: {  	s18 =	simm.s32 $0x1400;
	[smem:$0x7FF] =	sst s3;
	s5 =	smul.u32 $0x2700, s1  }
0x8: {  	s9 =	sand.u32 $0x1, s4;
	s29 =	sshll.u32 s1, $0x1;
	p0 =	seq.s32 s1, $0xF  }
0x9: {  	s4 =	simm.s32 $0x28;
	s10 =	smul.u32 $0x4E000, s1;
	_ =	strace $0x80000047  }
0xa: {  	s6 =	ssub.s32 $0x2, s9;
	s7 =	sor.u32 s9, s29;
	s4 =	simm.s32 @!p0 $0x27  }
0xb: {  	p4 =	seq.s32 s9, $0x1;
	s12 =	sadd.s32 s5, s13;
	s30 =	sshrl.u32 s6, $0x1  }
0xc: {  	s11 =	smul.u32 $0x280, s7;
	s31 =	sshrl.u32 s10, $0x2;
	p0 =	seq.s32 s7, $0x1F  }
0xd: {  	s5 =	simm.s32 $0x10;
	s10 =	sadd.s32 $0x124800, s2;
	p2 =	seq.s32 @p4 s1, $0xF  }
0xe: {  	p5 =	seq.s32 @!p4 s1, $0xF;
	s14 =	ssub.s32 s6, s30;
	s6 =	sadd.s32 s31, s2  }
0xf: {  	s5 =	simm.s32 @!p0 $0x28;
	s9 =	sadd.s32 $0xE400, s12;
	s12 =	sadd.s32 $0x35600, s12  }
0x10: {  	p1 =	por !p2, !p4;
	p2 =	por p2, !p4;
	p3 =	por !p5, p4  }
0x11: {  	p4 =	por p5, p4;
	s7 =	sadd.s32 s8, s11;
	s8 =	sadd.s32 $0x4D80, s8  }
0x12: {  	v0 =	vimm.f32 $1.000000000e+00;
	v1 =	vimm.f32 $0.0e+00;
	s11 =	sadd.s32 $0x32D00, s13;
	s13 =	sadd.s32 $0x59F00, s13;
	s14 =	smax.u32 s14, $0x1  }
.LBB2_1:
0x13: {  	s19 =	simm.s32 $0x0;
	s20 =	simm.s32 $0x0  }
.LBB2_2:
0x14: {  	p5 =	sne.s32 s20, $0xFFC0  }
.Ltmp0:
0x15: {  	_ = 	snop;
	(pc) =	sbr.rel @p5 .LBB2_2-.Ltmp0, $4  }
0x16: {  	s21 =	sand.u32 $0xFE00, s20  }
0x17: {  	s22 =	sand.u32 $0x70, s19;
	s21 =	sshrl.u32 s21, $0x2  }
0x18: {  	s21 =	sor.u32 s22, s21  }
0x19: {  	s19 =	sadd.s32 $0x10, s19;
	s20 =	sadd.s32 $0x40, s20;
	[tilespmem:s21+$0x1400] =	vst v0  }
0x1a: {  	s19 =	simm.s32 $0x0  }
0x1b: {  	s20 =	sand.u32 $0x1E00, s19  }
0x1c: {  	s21 =	sand.u32 $0x70, s19;
	s22 =	sshrl.u32 s20, $0x2  }
0x1d: {  	s20 =	simm.s32 $0x40;
	s21 =	sor.u32 s21, s22  }
.LBB2_4:
0x1e: {  	p5 =	sne.s32 s20, $0x1FC0  }
0x1f: {  	[tilespmem:s21+$0x5400] =	vst v1;
	s19 =	sadd.s32 $0x10, s19;
	s21 =	smov.u32 s20;
	s20 =	sadd.s32 $0x40, s20  }
.Ltmp1:
0x20: {  	(pc) =	sbr.rel @p5 .LBB2_4-.Ltmp1, $4  }
0x21: {  	_ = 	snop  }
0x22: {  	s21 =	sand.u32 $0x1E00, s21  }
0x23: {  	s22 =	sand.u32 $0x70, s19;
	s21 =	sshrl.u32 s21, $0x2  }
0x24: {  	s21 =	sor.u32 s22, s21  }
0x25: {  	p5 =	sne.s32 s4, $0x1  }
.Ltmp2:
0x26: {  	_ = 	snop;
	(pc) =	sbr.rel @!p5 .LBB2_7-.Ltmp2, $4  }
0x27: {  	[tilespmem:s21+$0x5400] =	vst v1  }
0x28: {  	[spmem:s6] =	stream.linear.scatter [tilespmem:s15], [sflag:$0x1], $0x800, $0x38;
	[tilespmem:$0x194C0] =	vst v63  }
0x29: {  	_ =	swait.ge [sflag:s16], $0x800  }
0x2a: {  	s19 =	sadd.s32 $0xFFFFFFFF, s4;
	s20 =	smov.u32 s6;
	[sflag:s16] =	ssyncset.done $0x0  }
.LBB2_6:
0x2b: {  	p5 =	sne.s32 s19, $0x1;
	[sflag:s16] =	ssyncadd.s32 $0xFFFFF800;
	s20 =	sadd.s32 $0x800, s20  }
.Ltmp3:
0x2c: {  	s19 =	sadd.s32 $0xFFFFFFFF, s19;
	(pc) =	sbr.rel @p5 .LBB2_6-.Ltmp3, $4  }
0x2d: {  	_ = 	snop  }
0x2e: {  	[spmem:s20] =	stream.linear.scatter [tilespmem:s15], [sflag:$0x1], $0x800, $0x38;
	[tilespmem:$0x194C0] =	vst v63  }
0x2f: {  	_ =	swait.ge [sflag:s16], $0x800  }
0x30: {  	[sflag:s16] =	ssyncset.done $0x0  }
.LBB2_7:
0x31: {  	[sflag:s16] =	ssyncadd.s32 $0xFFFFF800;
	s19 =	simm.s32 @p0 $0x0  }
0x32: {  	[tilespmem:s19], [sflag:$0x1] =	stream.linear.gather @p0 [hbm4b:s8+s19], $0x800, $0x38;
	[tilespmem:$0x194C0] =	vst v63  }
0x33: {  	s19 =	simm.s32 @p0 $0x1  }
0x34: {  	_ =	swait.ge @p0 [sflag:s19], $0x800  }
0x35: {  	[sflag:s19] =	ssyncset.done @p0 $0x0  }
0x36: {  	[sflag:s19] =	ssyncadd.s32 @p0 $0xFFFFF800;
	s19 =	simm.s32 @!p0 $0x0  }
0x37: {  	[tilespmem:s19], [sflag:$0x1] =	stream.linear.gather @!p0 [hbm4b:s7+s19], $0x1400, $0x38;
	[tilespmem:$0x194C0] =	vst v63  }
0x38: {  	s19 =	simm.s32 @!p0 $0x1  }
0x39: {  	_ =	swait.ge @!p0 [sflag:s19], $0x1400  }
0x3a: {  	p5 =	sne.s32 s5, $0x1;
	[sflag:s19] =	ssyncset.done @!p0 $0x0  }
.Ltmp4:
0x3b: {  	[sflag:s19] =	ssyncadd.s32 @!p0 $0xFFFFEC00;
	(pc) =	sbr.rel @!p5 .LBB2_9-.Ltmp4, $4  }
0x3c: {  	s19 =	simm.s32 $0x0;
	[bflag:$0x0] =	sbarrier.arrive $0xFFFF  }
0x3d: {  	[spmem:s2] =	stream.indirect.scatter.add.f32 [tilespmem:s18], [sflag:$0x1], $0x80, s19, s17, $0xb8;
	[tilespmem:$0x194C0] =	vst v63  }
0x3e: {  	_ =	swait.ge [sflag:s16], $0x4000  }
0x3f: {  	s20 =	sadd.s32 $0xFFFFFFFF, s5;
	[sflag:s16] =	ssyncset.done $0x0  }
.LBB2_8:
0x40: {  	p5 =	sne.s32 s20, $0x1;
	[sflag:s16] =	ssyncadd.s32 $0xFFFFC000;
	s19 =	sadd.s32 $0x80, s19  }
.Ltmp5:
0x41: {  	s20 =	sadd.s32 $0xFFFFFFFF, s20;
	(pc) =	sbr.rel @p5 .LBB2_8-.Ltmp5, $4  }
0x42: {  	_ = 	snop  }
0x43: {  	[spmem:s2] =	stream.indirect.scatter.add.f32 [tilespmem:s18], [sflag:$0x1], $0x80, s19, s17, $0xb8;
	[tilespmem:$0x194C0] =	vst v63  }
0x44: {  	_ =	swait.ge [sflag:s16], $0x4000  }
0x45: {  	[sflag:s16] =	ssyncset.done $0x0  }
.LBB2_9:
0x46: {  	[sflag:s16] =	ssyncadd.s32 $0xFFFFC000  }
0x47: {  	s19 =	sshrl.u32 @!p1 s10, $0x3;
	s20 =	simm.s32 @!p1 $0x1FC1;
	[bflag:$0x0] =	sbarrier.arrive $0xFFFF  }
0x48: {  	[hbm:s13], [sflag:s20] =	dma.local @!p1 [spmem:s19], $0x2800  }
0x49: {  	s19 =	simm.s32 @!p1 $0x1  }
0x4a: {  	_ =	swait.ge @!p1 [sflag:s19], $0x2800  }
0x4b: {  	s20 =	sshll.u32 @!p2 s1, $0x6;
	[sflag:s19] =	ssyncset.done @!p1 $0x0  }
0x4c: {  	[sflag:s19] =	ssyncadd.s32 @!p1 $0xFFFFD800;
	s19 =	sor.u32 @!p2 $0x1C01, s20;
	s20 =	sshrl.u32 @!p2 s6, $0x3  }
0x4d: {  	[hbm:s12], [sflag:s19] =	dma.local @!p2 [spmem:s20], $0x2700  }
0x4e: {  	s19 =	simm.s32 @!p2 $0x1  }
0x4f: {  	_ =	swait.ge @!p2 [sflag:s19], $0x2700  }
0x50: {  	[sflag:s19] =	ssyncset.done @!p2 $0x0  }
0x51: {  	s20 =	simm.s32 @!p3 $0x1FC1;
	[sflag:s19] =	ssyncadd.s32 @!p2 $0xFFFFD900;
	s19 =	sshrl.u32 @!p3 s10, $0x3  }
0x52: {  	[hbm:s11], [sflag:s20] =	dma.local @!p3 [spmem:s19], $0x2800  }
0x53: {  	s19 =	simm.s32 @!p3 $0x1  }
0x54: {  	s3 =	sadd.s32 $0x1, s3;
	_ =	swait.ge @!p3 [sflag:s19], $0x2800  }
0x55: {  	p5 =	sne.s32 s3, s14;
	s20 =	sshll.u32 @!p4 s1, $0x6;
	[sflag:s19] =	ssyncset.done @!p3 $0x0  }
0x56: {  	[sflag:s19] =	ssyncadd.s32 @!p3 $0xFFFFD800;
	s19 =	sor.u32 @!p4 $0x1C01, s20;
	s20 =	sshrl.u32 @!p4 s6, $0x3  }
0x57: {  	[hbm:s9], [sflag:s19] =	dma.local @!p4 [spmem:s20], $0x2700  }
.Ltmp6:
0x58: {  	_ = 	snop;
	(pc) =	sbr.rel @p5 .LBB2_1-.Ltmp6, $4  }
0x59: {  	s19 =	simm.s32 @!p4 $0x1  }
0x5a: {  	_ =	swait.ge @!p4 [sflag:s19], $0x2700  }
0x5b: {  	[sflag:s19] =	ssyncset.done @!p4 $0x0  }
0x5c: {  	[sflag:s19] =	ssyncadd.s32 @!p4 $0xFFFFD900  }
0x5d: {  	_ =	sfence.sel $0x180000  }
0x5e: {  	[bflag:$0x0] =	sbarrier.arrive $0xFFFF  }
0x5f: {  	p0 =	sne.s32 s1, $0x0;
	_ =	strace $0x90000047  }
0x60: {  	s0 =	sadd.s32 @!p0 $0x100000, s0;
	[bflag:$0x2] =	sbarrier.arrive $0xFFFF  }
0x61: {  	[sflag:s0] =	ssyncadd.tile.s32 @!p0 $0x1;
	_ =	shalt  }
.Lfunc_end2:
_tile_overlayer_lowered:
.L_overlay_start_2:
0x62: {  	(tag) =	ssettag $0x2  }
0x63: {  	s0 =	rddreg [dreg:$0x0];
	s2 =	stileid.u32  }
0x64: {  	s1 =	rddreg [dreg:$0x1];
	p0 =	sne.s32 s2, $0x0  }
0x65: {  	s3 =	rddreg [dreg:$0x2];
	[bflag:$0x3] =	sbarrier.arrive $0xFFFF;
	s2 =	simm.s32 @!p0 $0x1C01  }
0x66: {  	[timem:s3], [sflag:s2] =	dma.local @!p0 [hbm:s0], s1  }
0x67: {  	s0 =	simm.s32 @!p0 $0x1  }
0x68: {  	_ =	swait.ge @!p0 [sflag:s0], s1  }
0x69: {  	s1 =	ssub.s32 @!p0 $0x0, s1;
	[sflag:s0] =	ssyncset.done @!p0 $0x0  }
0x6a: {  	[sflag:s0] =	ssyncadd.s32 @!p0 s1  }
0x6b: {  	[bflag:$0x3] =	sbarrier.arrive $0xFFFF  }
0x6c: {  	_ =	shalt  }

</sc_bundles>
